<compile_context>
chip_gen: v7x
topology: tpu7x:2x2x1
jax: 0.10.2.dev20260603
libtpu: 0.0.44.dev20260713+nightly
codegen_flags: <defaults>
</compile_context>

<pallas_src>
import functools

import jax
import jax.numpy as jnp
from jax import lax
from jax.experimental import pallas as pl
from jax.experimental.pallas import tpu as pltpu
from jax.experimental.pallas import tpu_sc as plsc

_K = 100
_B = 4
_HW = 384
_N = _HW * _HW
_ROWS = _N // 128
_TROWS = _ROWS // 16
_NVPT = _TROWS * 8
_HB = 8192
_SHIFT = 19
_CCAP = 512
_PCAP = 128
_MCAP = 2080
_SELP = 112
_OPAD = 512
_BIG = 2**30


def _maps_kernel(w_ref, b_ref, x_ref, r0_ref, r1_ref, cf_ref, sc_ref):
    bh = x_ref.shape[2]
    bw = x_ref.shape[3]
    xb = x_ref[0].reshape(x_ref.shape[1], bh * bw)
    y = jnp.dot(w_ref[...], xb, preferred_element_type=jnp.float32)
    y = y + b_ref[...]
    reg0 = y[0]
    reg1 = y[1]
    conf = jax.nn.sigmoid(y[2])
    score = jnp.sqrt(reg0 * reg0 + reg1 * reg1) * conf
    r0_ref[0] = reg0.reshape(bh, bw)
    r1_ref[0] = reg1.reshape(bh, bw)
    cf_ref[0] = conf.reshape(bh, bw)
    sc_ref[0] = score.reshape(bh, bw)


def _compute_maps(x, W_reg, b_reg, W_conf, b_conf, bh=96, bw=128):
    B, C, H, W = x.shape
    w = jnp.zeros((8, C), jnp.float32).at[0:2].set(W_reg).at[2].set(W_conf[0])
    b = jnp.zeros((8, 1), jnp.float32).at[0:2, 0].set(b_reg).at[2, 0].set(b_conf[0])
    plane = jax.ShapeDtypeStruct((B, H, W), jnp.float32)
    out_spec = pl.BlockSpec((1, bh, bw), lambda b_, i, j: (b_, i, j))
    planes = pl.pallas_call(
        _maps_kernel,
        grid=(B, H // bh, W // bw),
        in_specs=[
            pl.BlockSpec((8, C), lambda b_, i, j: (0, 0)),
            pl.BlockSpec((8, 1), lambda b_, i, j: (0, 0)),
            pl.BlockSpec((1, C, bh, bw), lambda b_, i, j: (b_, 0, i, j)),
        ],
        out_specs=[out_spec, out_spec, out_spec, out_spec],
        out_shape=[plane, plane, plane, plane],
        compiler_params=pltpu.CompilerParams(
            dimension_semantics=("parallel", "arbitrary", "arbitrary"),
        ),
    )(w, b, x)
    return tuple(p.reshape(B * H * W // 128, 128) for p in planes)


def _sel_body(r0_hbm, r1_hbm, cf_hbm, sc_hbm, out_hbm,
              chunk, hist, zidx, cands_s, cands_i, cntv,
              mbuf_s, mbuf_i, mcnt, merged_s, merged_i,
              sel_n, sel_r, g0, g1, g2, outbuf,
              sh_hist, sh_cs, sh_ci, sh_cnt, sem):
    cid = lax.axis_index("c")
    sid = lax.axis_index("s")
    iota = lax.iota(jnp.int32, 16)
    zeros16i = jnp.zeros((16,), jnp.int32)
    ones16i = jnp.ones((16,), jnp.int32)

    zidx[...] = zeros16i

    for t in range(2):
        b = cid * 2 + t

        def zh(i, c):
            hist[0, pl.ds(i * 16, 16)] = zeros16i
            return c
        lax.fori_loop(0, _HB // 16, zh, 0)

        @pl.when(sid == 0)
        def _():
            pltpu.sync_copy(hist, sh_hist)

        row0 = b * _ROWS + sid * _TROWS
        pltpu.sync_copy(sc_hbm.at[pl.ds(row0, _TROWS), :], chunk)
        plsc.subcore_barrier()

        def hacc(i, c):
            r = i // 8
            c4 = (i % 8) * 16
            v = chunk[r, pl.ds(c4, 16)]
            bits = plsc.bitcast(v, jnp.int32)
            bkt = lax.shift_right_logical(bits, _SHIFT)
            plsc.addupdate_scatter(hist, [zeros16i, bkt], ones16i)
            return c
        lax.fori_loop(0, _NVPT, hacc, 0)

        pltpu.sync_copy(hist, sh_hist.at[zidx.at[pl.ds(0, 1)]], add=True)
        plsc.subcore_barrier()

        pltpu.sync_copy(sh_hist, hist)

        def scan_body(i, carry):
            acc, bstar = carry
            j = _HB // 16 - 1 - i
            v = hist[0, pl.ds(j * 16, 16)]
            rv = lax.rev(v, (0,))
            cs = jnp.cumsum(rv)
            suf = lax.rev(cs, (0,)) + acc
            bidx = j * 16 + iota
            cand = jnp.where(suf >= _K, bidx, -1)
            bstar = jnp.maximum(bstar, jnp.max(cand))
            return (acc + cs[15], bstar)

        _, bstar = lax.fori_loop(0, _HB // 16, scan_body,
                                 (jnp.int32(0), jnp.int32(-1)))
        thresh_bits = bstar << _SHIFT

        base_n = sid * (_N // 16)

        def comp(i, off):
            r = i // 8
            c4 = (i % 8) * 16
            v = chunk[r, pl.ds(c4, 16)]
            bits = plsc.bitcast(v, jnp.int32)
            msk = bits >= thresh_bits
            plsc.store_compressed(cands_s.at[pl.ds(off, 16)], v, mask=msk)
            gidx = base_n + i * 16 + iota
            plsc.store_compressed(cands_i.at[pl.ds(off, 16)], gidx, mask=msk)
            pc = plsc.all_reduce_population_count(msk)
            return jnp.minimum(off + pc[0], _CCAP - 16)
        off = lax.fori_loop(0, _NVPT, comp, jnp.int32(0))

        cnt = jnp.minimum(off, _PCAP)
        cntv[...] = jnp.where(iota == 0, cnt, 0)
        pltpu.sync_copy(cands_s.at[pl.ds(0, _PCAP)], sh_cs.at[sid])
        pltpu.sync_copy(cands_i.at[pl.ds(0, _PCAP)], sh_ci.at[sid])
        pltpu.sync_copy(cntv, sh_cnt.at[sid, pl.ds(0, 16)])
        plsc.subcore_barrier()

        @pl.when(sid == 0)
        def _():
            pltpu.sync_copy(sh_cs, mbuf_s)
            pltpu.sync_copy(sh_ci, mbuf_i)
            pltpu.sync_copy(sh_cnt, mcnt)

            def mrow(s, moff):
                cnt_s = mcnt[s, pl.ds(0, 16)][0]

                def mv(k, mo):
                    v = mbuf_s[s, pl.ds(k * 16, 16)]
                    ii = mbuf_i[s, pl.ds(k * 16, 16)]
                    valid = (k * 16 + iota) < cnt_s
                    plsc.store_compressed(merged_s.at[pl.ds(mo, 16)], v, mask=valid)
                    plsc.store_compressed(merged_i.at[pl.ds(mo, 16)], ii, mask=valid)
                    pc = plsc.all_reduce_population_count(valid)
                    return mo + pc[0]
                return lax.fori_loop(0, _PCAP // 16, mv, moff)
            total = lax.fori_loop(0, 16, mrow, jnp.int32(0))

            merged_s[pl.ds(total, 16)] = jnp.full((16,), -1.0, jnp.float32)
            nv = (total + 15) // 16

            def zsel(k, c):
                sel_n[pl.ds(k * 16, 16)] = zeros16i
                return c
            lax.fori_loop(0, _SELP // 16, zsel, 0)

            def round_(r, c):
                def p1(v, macc):
                    return jnp.maximum(macc, merged_s[pl.ds(v * 16, 16)])
                macc = lax.fori_loop(0, nv, p1,
                                     jnp.full((16,), -2.0, jnp.float32))
                m = jnp.max(macc)

                def p2(v, iacc):
                    sv = merged_s[pl.ds(v * 16, 16)]
                    iv = merged_i[pl.ds(v * 16, 16)]
                    return jnp.minimum(iacc, jnp.where(sv == m, iv, _BIG))
                iacc = lax.fori_loop(0, nv, p2, jnp.full((16,), _BIG, jnp.int32))
                w = jnp.min(iacc)

                def p3(v, cc):
                    sv = merged_s[pl.ds(v * 16, 16)]
                    iv = merged_i[pl.ds(v * 16, 16)]
                    merged_s[pl.ds(v * 16, 16)] = jnp.where(
                        (sv == m) & (iv == w), -1.0, sv)
                    return cc
                lax.fori_loop(0, nv, p3, 0)
                plsc.store_scatter(sel_n, [zeros16i + r], zeros16i + w,
                                   mask=(iota == 0))
                return c
            lax.fori_loop(0, _K, round_, 0)

            for k in range(_SELP // 16):
                nv16 = sel_n[pl.ds(k * 16, 16)]
                sel_r[pl.ds(k * 16, 16)] = (
                    b * _ROWS + jnp.minimum(
                        lax.shift_right_logical(nv16, 7), _ROWS - 1))
            pltpu.async_copy(r0_hbm.at[sel_r], g0, sem).wait()
            pltpu.async_copy(r1_hbm.at[sel_r], g1, sem).wait()
            pltpu.async_copy(cf_hbm.at[sel_r], g2, sem).wait()

            for k in range(_SELP // 16):
                p = k * 16 + iota
                nv16 = sel_n[pl.ds(k * 16, 16)]
                col = nv16 & 127
                r0v = plsc.load_gather(g0, [p, col])
                r1v = plsc.load_gather(g1, [p, col])
                cfv = plsc.load_gather(g2, [p, col])
                gx = (nv16 // _HW).astype(jnp.float32)
                gy = (nv16 % _HW).astype(jnp.float32)
                plsc.store_scatter(outbuf, [3 * p + 0], gx + r0v)
                plsc.store_scatter(outbuf, [3 * p + 1], gy + r1v)
                plsc.store_scatter(outbuf, [3 * p + 2], cfv)
            pltpu.sync_copy(outbuf, out_hbm.at[b])
        plsc.subcore_barrier()


def _select(r0p, r1p, cfp, scp):
    mesh = plsc.VectorSubcoreMesh(core_axis_name="c", subcore_axis_name="s")
    f32, i32 = jnp.float32, jnp.int32
    fn = functools.partial(
        pl.kernel,
        mesh=mesh,
        out_type=jax.ShapeDtypeStruct((_B, _OPAD), f32),
        scratch_types=[
            pltpu.VMEM((_TROWS, 128), f32),
            pltpu.VMEM((1, _HB), i32),
            pltpu.VMEM((16,), i32),
            pltpu.VMEM((_CCAP,), f32),
            pltpu.VMEM((_CCAP,), i32),
            pltpu.VMEM((16,), i32),
            pltpu.VMEM((16, _PCAP), f32),
            pltpu.VMEM((16, _PCAP), i32),
            pltpu.VMEM((16, 128), i32),
            pltpu.VMEM((_MCAP,), f32),
            pltpu.VMEM((_MCAP,), i32),
            pltpu.VMEM((_SELP,), i32),
            pltpu.VMEM((_SELP,), i32),
            pltpu.VMEM((_SELP, 128), f32),
            pltpu.VMEM((_SELP, 128), f32),
            pltpu.VMEM((_SELP, 128), f32),
            pltpu.VMEM((_OPAD,), f32),
            pltpu.VMEM_SHARED((1, _HB), i32),
            pltpu.VMEM_SHARED((16, _PCAP), f32),
            pltpu.VMEM_SHARED((16, _PCAP), i32),
            pltpu.VMEM_SHARED((16, 128), i32),
            pltpu.SemaphoreType.DMA,
        ],
        compiler_params=pltpu.CompilerParams(needs_layout_passes=False),
    )(_sel_body)
    return fn(r0p, r1p, cfp, scp)


def kernel(x, W_reg, b_reg, W_conf, b_conf):
    B, C, H, W = x.shape
    r0p, r1p, cfp, scp = _compute_maps(x, W_reg, b_reg, W_conf, b_conf)
    padded = _select(r0p, r1p, cfp, scp)
    return padded[:, :3 * _K].reshape(B, _K, 3)

# --- scband reference (transcript-rebuilt; emitter-appended) ---
"""Pipeline reference for scband-center-head-74105365725359 (READ-ONLY COPY).

The authoritative reference and input builder live on the scoring server;
editing this copy changes nothing except your own understanding.
"""

import jax, jax.numpy as jnp
import numpy as np


def setup_inputs(seed: int = 0) -> dict:
    key = jax.random.key(seed)
    k1, k2, k3 = jax.random.split(key, 3)
    x = jax.random.normal(k1, (4, 96, 384, 384), dtype=jnp.float32)
    # Conv2d(in_channels, 2, kernel_size=1) -> weight (2, 96), bias (2,)
    W_reg = jax.random.normal(k2, (2, 96), dtype=jnp.float32) * 0.05
    b_reg = jnp.zeros((2,), dtype=jnp.float32)
    # Conv2d(in_channels, 1, kernel_size=1) -> weight (1, 96), bias (1,)
    W_conf = jax.random.normal(k3, (1, 96), dtype=jnp.float32) * 0.05
    b_conf = jnp.zeros((1,), dtype=jnp.float32)
    return {"x": x, "W_reg": W_reg, "b_reg": b_reg, "W_conf": W_conf, "b_conf": b_conf}


def reference(x, W_reg, b_reg, W_conf, b_conf):
    num_anchors = 100
    B, C, H, W = x.shape
    # 1x1 convolutions as channel contractions
    reg_map = jnp.einsum('bchw,oc->bohw', x, W_reg) + b_reg[None, :, None, None]
    conf_map = jax.nn.sigmoid(jnp.einsum('bchw,oc->bohw', x, W_conf) + b_conf[None, :, None, None])
    reg = jnp.transpose(reg_map, (0, 2, 3, 1)).reshape(B, -1, 2)
    conf = conf_map.reshape(B, -1)
    scores = jnp.linalg.norm(reg, axis=-1) * conf
    _, topk_idx = jax.lax.top_k(scores, num_anchors)  # (B, num_anchors)
    sel_centers = jnp.take_along_axis(reg, topk_idx[..., None], axis=1)  # (B, k, 2)
    sel_confs = jnp.take_along_axis(conf, topk_idx, axis=1)[..., None]   # (B, k, 1)
    grid_y, grid_x = jnp.meshgrid(jnp.arange(H), jnp.arange(W), indexing='xy')
    grid = jnp.stack([grid_x, grid_y], axis=-1).astype(jnp.float32).reshape(-1, 2)
    sel_grids = grid[topk_idx]  # (B, k, 2)
    centers_abs = sel_grids + sel_centers
    anchors_with_conf = jnp.concatenate([centers_abs, sel_confs], axis=-1)  # (B, k, 3)
    return anchors_with_conf

if __name__ == "__main__":
    import jax
    _d = setup_inputs()
    print(jax.jit(kernel)(*tuple(_d.values())))

</pallas_src>

<mosaic_0001>
#map = affine_map<(d0, d1) -> (0, 0)>
module attributes {stable_mosaic.version = 14 : i64} {
  func.func @_sel_body(%arg0: i32, %arg1: i32, %arg2: memref<4608x128xf32, #tpu.memory_space<hbm>>, %arg3: memref<4608x128xf32, #tpu.memory_space<hbm>>, %arg4: memref<4608x128xf32, #tpu.memory_space<hbm>>, %arg5: memref<4608x128xf32, #tpu.memory_space<hbm>>, %arg6: memref<4x512xf32, #tpu.memory_space<hbm>>, %arg7: memref<72x128xf32, #tpu.memory_space<vmem>>, %arg8: memref<1x8192xi32, #tpu.memory_space<vmem>>, %arg9: memref<16xi32, #tpu.memory_space<vmem>>, %arg10: memref<512xf32, #tpu.memory_space<vmem>>, %arg11: memref<512xi32, #tpu.memory_space<vmem>>, %arg12: memref<16xi32, #tpu.memory_space<vmem>>, %arg13: memref<16x128xf32, #tpu.memory_space<vmem>>, %arg14: memref<16x128xi32, #tpu.memory_space<vmem>>, %arg15: memref<16x128xi32, #tpu.memory_space<vmem>>, %arg16: memref<2080xf32, #tpu.memory_space<vmem>>, %arg17: memref<2080xi32, #tpu.memory_space<vmem>>, %arg18: memref<112xi32, #tpu.memory_space<vmem>>, %arg19: memref<112xi32, #tpu.memory_space<vmem>>, %arg20: memref<112x128xf32, #tpu.memory_space<vmem>>, %arg21: memref<112x128xf32, #tpu.memory_space<vmem>>, %arg22: memref<112x128xf32, #tpu.memory_space<vmem>>, %arg23: memref<512xf32, #tpu.memory_space<vmem>>, %arg24: memref<1x8192xi32, #tpu.memory_space<vmem_shared>>, %arg25: memref<16x128xf32, #tpu.memory_space<vmem_shared>>, %arg26: memref<16x128xi32, #tpu.memory_space<vmem_shared>>, %arg27: memref<16x128xi32, #tpu.memory_space<vmem_shared>>, %arg28: memref<!tpu.dma_semaphore, #tpu.memory_space<semaphore_mem>>) attributes {dimension_semantics = [#tpu.dimension_semantics<core_parallel>, #tpu.dimension_semantics<subcore_parallel>], iteration_bounds = array<i64: 2, 16>, scalar_prefetch = 0 : i64, scratch_operands = 22 : i64, tpu.core_type = #tpu.core_type<sc_vector_subcore>, window_params = [{transform_indices = #map}, {transform_indices = #map}, {transform_indices = #map}, {transform_indices = #map}, {transform_indices = #map}]} {
    %iota3A = tpu.iota {dimensions = array<i32: 0>} : vector<16xi32>
    %broadcast_in_dim3A = arith.constant 0 : i32
    %broadcast_in_dim3A_0 = vector.broadcast %broadcast_in_dim3A : i32 to vector<16xi32>
    %broadcast_in_dim3A_1 = arith.constant 1 : i32
    %broadcast_in_dim3A_2 = vector.broadcast %broadcast_in_dim3A_1 : i32 to vector<16xi32>
    %swap3A = arith.constant 0 : index
    %swap3A_3 = tpu.vector_load %arg9[%swap3A] {strides = array<i32>} : memref<16xi32, #tpu.memory_space<vmem>>, vector<16xi32>,
    tpu.vector_store %arg9[%swap3A], %broadcast_in_dim3A_0 {strides = array<i32>} : memref<16xi32, #tpu.memory_space<vmem>>, vector<16xi32>,
    %mul3A = arith.constant 2 : i32
    %mul3A_4 = arith.muli %arg0, %mul3A : i32
    %add3A = arith.constant 0 : i32
    %add3A_5 = arith.addi %mul3A_4, %add3A : i32
    %scan3A = arith.constant 0 : i32
    %scan3A_6 = arith.constant 0 : i32
    %scan3A_7 = arith.constant 512 : i32
    %scan3A_8 = arith.addi %scan3A_6, %scan3A_7 : i32
    %scan3A_9 = arith.constant 1 : i32
    scf.for %scan3A_123 = %scan3A_6 to %scan3A_8 step %scan3A_9  : i32 {
      %mul3A_124 = arith.constant 16 : i32
      %mul3A_125 = arith.muli %scan3A_123, %mul3A_124 : i32
      %swap3A_126 = arith.constant 0 : i32
      %swap3A_127 = arith.index_cast %swap3A_126 : i32 to index
      %swap3A_128 = arith.index_cast %mul3A_125 : i32 to index
      %swap3A_129 = tpu.vector_load %arg8[%swap3A_127, %swap3A_128] {strides = array<i32>} : memref<1x8192xi32, #tpu.memory_space<vmem>>, vector<16xi32>,
      tpu.vector_store %arg8[%swap3A_127, %swap3A_128], %broadcast_in_dim3A_0 {strides = array<i32>} : memref<1x8192xi32, #tpu.memory_space<vmem>>, vector<16xi32>,
    }
    %scan3A_10 = arith.constant 512 : i32
    %eq3A = arith.constant 0 : i32
    %eq3A_11 = arith.cmpi eq, %arg1, %eq3A : i32
    %convert_element_type3A = arith.extui %eq3A_11 : i1 to i32
    %cond3A = arith.constant 0 : i32
    %cond3A_12 = arith.cmpi ne, %convert_element_type3A, %cond3A : i32
    scf.if %cond3A_12 {
      "tpu.region"() ({
        %run_scoped3A = tpu.sem_alloc : memref<!tpu.dma_semaphore, #tpu.memory_space<semaphore_mem>>
        tpu.enqueue_dma source(%arg8 : memref<1x8192xi32, #tpu.memory_space<vmem>>) target(%arg24 : memref<1x8192xi32, #tpu.memory_space<vmem_shared>>) target_semaphore(%run_scoped3A : memref<!tpu.dma_semaphore, #tpu.memory_space<semaphore_mem>>)
        tpu.wait_dma2 semaphore(%run_scoped3A : memref<!tpu.dma_semaphore, #tpu.memory_space<semaphore_mem>>) src(%arg8 : memref<1x8192xi32, #tpu.memory_space<vmem>>) dst(%arg24 : memref<1x8192xi32, #tpu.memory_space<vmem_shared>>)
        tpu.yield
      }) : () -> ()
    } else {
    }
    %mul3A_13 = arith.constant 1152 : i32
    %mul3A_14 = arith.muli %add3A_5, %mul3A_13 : i32
    %mul3A_15 = arith.constant 72 : i32
    %mul3A_16 = arith.muli %arg1, %mul3A_15 : i32
    %add3A_17 = arith.addi %mul3A_14, %mul3A_16 : i32
    "tpu.region"() ({
      %run_scoped3A = tpu.sem_alloc : memref<!tpu.dma_semaphore, #tpu.memory_space<semaphore_mem>>
      %dma_start3A = arith.constant 0 : i32
      %dma_start3A_123 = tpu.memref_slice %arg5[%add3A_17, %dma_start3A] : memref<4608x128xf32, #tpu.memory_space<hbm>> -> memref<72x128xf32, #tpu.memory_space<hbm>>
      %dma_start3A_124 = arith.constant 0 : i32
      %dma_start3A_125 = tpu.memref_slice %arg5[%add3A_17, %dma_start3A_124] : memref<4608x128xf32, #tpu.memory_space<hbm>> -> memref<72x128xf32, #tpu.memory_space<hbm>>
      tpu.enqueue_dma source(%dma_start3A_125 : memref<72x128xf32, #tpu.memory_space<hbm>>) target(%arg7 : memref<72x128xf32, #tpu.memory_space<vmem>>) target_semaphore(%run_scoped3A : memref<!tpu.dma_semaphore, #tpu.memory_space<semaphore_mem>>)
      %dma_wait3A = arith.constant 0 : i32
      %dma_wait3A_126 = tpu.memref_slice %arg5[%add3A_17, %dma_wait3A] : memref<4608x128xf32, #tpu.memory_space<hbm>> -> memref<72x128xf32, #tpu.memory_space<hbm>>
      %dma_wait3A_127 = arith.constant 0 : i32
      %dma_wait3A_128 = tpu.memref_slice %arg5[%add3A_17, %dma_wait3A_127] : memref<4608x128xf32, #tpu.memory_space<hbm>> -> memref<72x128xf32, #tpu.memory_space<hbm>>
      tpu.wait_dma2 semaphore(%run_scoped3A : memref<!tpu.dma_semaphore, #tpu.memory_space<semaphore_mem>>) src(%dma_wait3A_128 : memref<72x128xf32, #tpu.memory_space<hbm>>) dst(%arg7 : memref<72x128xf32, #tpu.memory_space<vmem>>)
      tpu.yield
    }) : () -> ()
    %barrier3A = arith.constant 0 : index
    tpu.barrier barrier_id(%barrier3A)
    %scan3A_18 = arith.constant 0 : i32
    %scan3A_19 = arith.constant 0 : i32
    %scan3A_20 = arith.constant 576 : i32
    %scan3A_21 = arith.addi %scan3A_19, %scan3A_20 : i32
    %scan3A_22 = arith.constant 1 : i32
    scf.for %scan3A_123 = %scan3A_19 to %scan3A_21 step %scan3A_22  : i32 {
      %jit3A_124 = arith.constant 8 : i32
      %div3A = arith.divsi %scan3A_123, %jit3A_124 : i32
      %sign3A = arith.constant 0 : i32
      %sign3A_125 = arith.cmpi sgt, %scan3A_123, %sign3A : i32
      %sign3A_126 = arith.extui %sign3A_125 : i1 to i32
      %sign3A_127 = arith.constant 0 : i32
      %sign3A_128 = arith.cmpi slt, %scan3A_123, %sign3A_127 : i32
      %sign3A_129 = arith.extui %sign3A_128 : i1 to i32
      %sign3A_130 = arith.subi %sign3A_126, %sign3A_129 : i32
      %sign3A_131 = arith.constant 0 : i32
      %sign3A_132 = arith.cmpi sgt, %jit3A_124, %sign3A_131 : i32
      %sign3A_133 = arith.extui %sign3A_132 : i1 to i32
      %sign3A_134 = arith.constant 0 : i32
      %sign3A_135 = arith.cmpi slt, %jit3A_124, %sign3A_134 : i32
      %sign3A_136 = arith.extui %sign3A_135 : i1 to i32
      %sign3A_137 = arith.subi %sign3A_133, %sign3A_136 : i32
      %ne3A = arith.cmpi ne, %sign3A_130, %sign3A_137 : i32
      %rem3A = arith.remsi %scan3A_123, %jit3A_124 : i32
      %ne3A_138 = arith.constant 0 : i32
      %ne3A_139 = arith.cmpi ne, %rem3A, %ne3A_138 : i32
      %and3A = arith.andi %ne3A, %ne3A_139 : i1
      %sub3A = arith.constant 1 : i32
      %sub3A_140 = arith.subi %div3A, %sub3A : i32
      %select_n3A_141 = arith.select %and3A, %sub3A_140, %div3A : i32
      %jit3A_142 = arith.constant 8 : i32
      %eq3A_143 = arith.constant 0 : i32
      %eq3A_144 = arith.cmpi eq, %jit3A_142, %eq3A_143 : i32
      %jit3A_145 = arith.constant 1 : i32
      %select_n3A_146 = arith.select %eq3A_144, %jit3A_145, %jit3A_142 : i32
      %rem3A_147 = arith.remsi %scan3A_123, %select_n3A_146 : i32
      %ne3A_148 = arith.constant 0 : i32
      %ne3A_149 = arith.cmpi ne, %rem3A_147, %ne3A_148 : i32
      %lt3A = arith.constant 0 : i32
      %lt3A_150 = arith.cmpi slt, %rem3A_147, %lt3A : i32
      %lt3A_151 = arith.constant 0 : i32
      %lt3A_152 = arith.cmpi slt, %select_n3A_146, %lt3A_151 : i32
      %ne3A_153 = arith.xori %lt3A_150, %lt3A_152 : i1
      %and3A_154 = arith.andi %ne3A_153, %ne3A_149 : i1
      %add3A_155 = arith.addi %rem3A_147, %select_n3A_146 : i32
      %select_n3A_156 = arith.select %and3A_154, %add3A_155, %rem3A_147 : i32
      %mul3A_157 = arith.constant 16 : i32
      %mul3A_158 = arith.muli %select_n3A_156, %mul3A_157 : i32
      %get3A = arith.index_cast %select_n3A_141 : i32 to index
      %get3A_159 = arith.index_cast %mul3A_158 : i32 to index
      %get3A_160 = tpu.vector_load %arg7[%get3A, %get3A_159] {strides = array<i32>} : memref<72x128xf32, #tpu.memory_space<vmem>>, vector<16xf32>,
      %bitcast3A = vector.bitcast %get3A_160 : vector<16xf32> to vector<16xi32>
      %shift_right_logical3A = arith.constant 19 : i32
      %shift_right_logical3A_161 = vector.broadcast %shift_right_logical3A : i32 to vector<16xi32>
      %shift_right_logical3A_162 = arith.shrui %bitcast3A, %shift_right_logical3A_161 : vector<16xi32>
      tpu.vector_store_idx %arg8[%broadcast_in_dim3A_0, %shift_right_logical3A_162], %broadcast_in_dim3A_2 {add = true} : memref<1x8192xi32, #tpu.memory_space<vmem>>[vector<16xi32>, vector<16xi32>], vector<16xi32>,
    }
    %scan3A_23 = arith.constant 576 : i32
    "tpu.region"() ({
      %run_scoped3A = tpu.sem_alloc : memref<!tpu.dma_semaphore, #tpu.memory_space<semaphore_mem>>
      %dma_start3A = arith.constant 0 : i32
      %dma_start3A_123 = tpu.memref_slice %arg9[%dma_start3A] : memref<16xi32, #tpu.memory_space<vmem>> -> memref<1xi32, #tpu.memory_space<vmem>>
      %dma_start3A_124 = arith.constant 0 : i32
      %dma_start3A_125 = arith.constant 0 : i32
      %dma_start3A_126 = tpu.memref_slice %arg24[%dma_start3A_124, %dma_start3A_125] : memref<1x8192xi32, #tpu.memory_space<vmem_shared>> -> memref<1x8192xi32, #tpu.memory_space<vmem_shared>>
      tpu.enqueue_indirect_dma source(%arg8 : memref<1x8192xi32, #tpu.memory_space<vmem>>) target(%dma_start3A_126 : memref<1x8192xi32, #tpu.memory_space<vmem_shared>>) offsets(%dma_start3A_123 : memref<1xi32, #tpu.memory_space<vmem>>) semaphore(%run_scoped3A : memref<!tpu.dma_semaphore, #tpu.memory_space<semaphore_mem>>) {add = true}
      %dma_wait3A = arith.constant 0 : i32
      %dma_wait3A_127 = tpu.memref_slice %arg9[%dma_wait3A] : memref<16xi32, #tpu.memory_space<vmem>> -> memref<1xi32, #tpu.memory_space<vmem>>
      %dma_wait3A_128 = arith.constant 0 : i32
      %dma_wait3A_129 = arith.constant 0 : i32
      %dma_wait3A_130 = tpu.memref_slice %arg24[%dma_wait3A_128, %dma_wait3A_129] : memref<1x8192xi32, #tpu.memory_space<vmem_shared>> -> memref<1x8192xi32, #tpu.memory_space<vmem_shared>>
      tpu.wait_indirect_dma semaphore(%run_scoped3A : memref<!tpu.dma_semaphore, #tpu.memory_space<semaphore_mem>>) src(%arg8 : memref<1x8192xi32, #tpu.memory_space<vmem>>) dst(%dma_wait3A_130 : memref<1x8192xi32, #tpu.memory_space<vmem_shared>>)
      tpu.yield
    }) : () -> ()
    %barrier3A_24 = arith.constant 0 : index
    tpu.barrier barrier_id(%barrier3A_24)
    "tpu.region"() ({
      %run_scoped3A = tpu.sem_alloc : memref<!tpu.dma_semaphore, #tpu.memory_space<semaphore_mem>>
      tpu.enqueue_dma source(%arg24 : memref<1x8192xi32, #tpu.memory_space<vmem_shared>>) target(%arg8 : memref<1x8192xi32, #tpu.memory_space<vmem>>) target_semaphore(%run_scoped3A : memref<!tpu.dma_semaphore, #tpu.memory_space<semaphore_mem>>)
      tpu.wait_dma2 semaphore(%run_scoped3A : memref<!tpu.dma_semaphore, #tpu.memory_space<semaphore_mem>>) src(%arg24 : memref<1x8192xi32, #tpu.memory_space<vmem_shared>>) dst(%arg8 : memref<1x8192xi32, #tpu.memory_space<vmem>>)
      tpu.yield
    }) : () -> ()
    %scan3A_25 = arith.constant 0 : i32
    %scan3A_26 = arith.constant -1 : i32
    %scan3A_27 = arith.constant 0 : i32
    %scan3A_28 = arith.constant 512 : i32
    %scan3A_29 = arith.addi %scan3A_27, %scan3A_28 : i32
    %scan3A_30 = arith.constant 1 : i32
    %scan3A_31:2 = scf.for %scan3A_123 = %scan3A_27 to %scan3A_29 step %scan3A_30 iter_args(%scan3A_124 = %scan3A_25, %scan3A_125 = %scan3A_26) -> (i32, i32)  : i32 {
      %sub3A = arith.constant 511 : i32
      %sub3A_126 = arith.subi %sub3A, %scan3A_123 : i32
      %mul3A_127 = arith.constant 16 : i32
      %mul3A_128 = arith.muli %sub3A_126, %mul3A_127 : i32
      %get3A = arith.constant 0 : i32
      %get3A_129 = arith.index_cast %get3A : i32 to index
      %get3A_130 = arith.index_cast %mul3A_128 : i32 to index
      %get3A_131 = tpu.vector_load %arg8[%get3A_129, %get3A_130] {strides = array<i32>} : memref<1x8192xi32, #tpu.memory_space<vmem>>, vector<16xi32>,
      %rev3A = arith.constant 15 : i32
      %rev3A_132 = vector.broadcast %rev3A : i32 to vector<16xi32>
      %rev3A_133 = tpu.iota {dimensions = array<i32: 0>} : vector<16xi32>
      %rev3A_134 = arith.subi %rev3A_132, %rev3A_133 : vector<16xi32>
      %rev3A_135 = tpu.dynamic_gather %get3A_131[%rev3A_134] in [0] : vector<16xi32>, vector<16xi32> -> vector<16xi32>
      %cumsum3A = arith.constant true
      %cumsum3A_136 = vector.broadcast %cumsum3A : i1 to vector<16xi1>
      %cumsum3A_137 = tpu.scan <sum>, %rev3A_135 masked %cumsum3A_136 : vector<16xi32>, vector<16xi1> -> vector<16xi32>
      %rev3A_138 = arith.constant 15 : i32
      %rev3A_139 = vector.broadcast %rev3A_138 : i32 to vector<16xi32>
      %rev3A_140 = tpu.iota {dimensions = array<i32: 0>} : vector<16xi32>
      %rev3A_141 = arith.subi %rev3A_139, %rev3A_140 : vector<16xi32>
      %rev3A_142 = tpu.dynamic_gather %cumsum3A_137[%rev3A_141] in [0] : vector<16xi32>, vector<16xi32> -> vector<16xi32>
      %add3A_143 = vector.broadcast %scan3A_124 : i32 to vector<16xi32>
      %add3A_144 = arith.addi %rev3A_142, %add3A_143 : vector<16xi32>
      %mul3A_145 = arith.constant 16 : i32
      %mul3A_146 = arith.muli %sub3A_126, %mul3A_145 : i32
      %add3A_147 = vector.broadcast %mul3A_146 : i32 to vector<16xi32>
      %add3A_148 = arith.addi %add3A_147, %iota3A : vector<16xi32>
      %ge3A = arith.constant 100 : i32
      %ge3A_149 = vector.broadcast %ge3A : i32 to vector<16xi32>
      %ge3A_150 = arith.cmpi sge, %add3A_144, %ge3A_149 : vector<16xi32>
      %jit3A_151 = arith.constant -1 : i32
      %broadcast_in_dim3A_152 = vector.broadcast %jit3A_151 : i32 to vector<16xi32>
      %select_n3A_153 = arith.select %ge3A_150, %add3A_148, %broadcast_in_dim3A_152 : vector<16xi1>, vector<16xi32>
      %reduce_max3A = arith.constant true
      %reduce_max3A_154 = vector.broadcast %reduce_max3A : i1 to vector<16xi1>
      %reduce_max3A_155 = arith.constant -2147483648 : i32
      %reduce_max3A_156 = vector.broadcast %reduce_max3A_155 : i32 to vector<16xi32>
      %reduce_max3A_157 = arith.xori %select_n3A_153, %reduce_max3A_156 : vector<16xi32>
      %reduce_max3A_158 = tpu.scan <max>, %reduce_max3A_157 masked %reduce_max3A_154 : vector<16xi32>, vector<16xi1> -> vector<16xi32>
      %reduce_max3A_159 = arith.xori %reduce_max3A_158, %reduce_max3A_156 : vector<16xi32>
      %reduce_max3A_160 = vector.extract %reduce_max3A_159[15] : i32 from vector<16xi32>
      %max3A = arith.maxsi %scan3A_125, %reduce_max3A_160 : i32
      %slice3A = vector.extract_strided_slice %cumsum3A_137 {offsets = [15], sizes = [1], strides = [1]} : vector<16xi32> to vector<1xi32>
      %squeeze3A = vector.extract %slice3A[0] : i32 from vector<1xi32>
      %add3A_161 = arith.addi %scan3A_124, %squeeze3A : i32
      scf.yield %add3A_161, %max3A : i32, i32
    }
    %scan3A_32 = arith.constant 512 : i32
    %shift_left3A = arith.constant 19 : i32
    %shift_left3A_33 = arith.shli %scan3A_31#1, %shift_left3A : i32
    %mul3A_34 = arith.constant 9216 : i32
    %mul3A_35 = arith.muli %arg1, %mul3A_34 : i32
    %scan3A_36 = arith.constant 0 : i32
    %scan3A_37 = arith.constant 0 : i32
    %scan3A_38 = arith.constant 576 : i32
    %scan3A_39 = arith.addi %scan3A_37, %scan3A_38 : i32
    %scan3A_40 = arith.constant 1 : i32
    %scan3A_41 = scf.for %scan3A_123 = %scan3A_37 to %scan3A_39 step %scan3A_40 iter_args(%scan3A_124 = %scan3A_36) -> (i32)  : i32 {
      %jit3A_125 = arith.constant 8 : i32
      %div3A = arith.divsi %scan3A_123, %jit3A_125 : i32
      %sign3A = arith.constant 0 : i32
      %sign3A_126 = arith.cmpi sgt, %scan3A_123, %sign3A : i32
      %sign3A_127 = arith.extui %sign3A_126 : i1 to i32
      %sign3A_128 = arith.constant 0 : i32
      %sign3A_129 = arith.cmpi slt, %scan3A_123, %sign3A_128 : i32
      %sign3A_130 = arith.extui %sign3A_129 : i1 to i32
      %sign3A_131 = arith.subi %sign3A_127, %sign3A_130 : i32
      %sign3A_132 = arith.constant 0 : i32
      %sign3A_133 = arith.cmpi sgt, %jit3A_125, %sign3A_132 : i32
      %sign3A_134 = arith.extui %sign3A_133 : i1 to i32
      %sign3A_135 = arith.constant 0 : i32
      %sign3A_136 = arith.cmpi slt, %jit3A_125, %sign3A_135 : i32
      %sign3A_137 = arith.extui %sign3A_136 : i1 to i32
      %sign3A_138 = arith.subi %sign3A_134, %sign3A_137 : i32
      %ne3A = arith.cmpi ne, %sign3A_131, %sign3A_138 : i32
      %rem3A = arith.remsi %scan3A_123, %jit3A_125 : i32
      %ne3A_139 = arith.constant 0 : i32
      %ne3A_140 = arith.cmpi ne, %rem3A, %ne3A_139 : i32
      %and3A = arith.andi %ne3A, %ne3A_140 : i1
      %sub3A = arith.constant 1 : i32
      %sub3A_141 = arith.subi %div3A, %sub3A : i32
      %select_n3A_142 = arith.select %and3A, %sub3A_141, %div3A : i32
      %jit3A_143 = arith.constant 8 : i32
      %eq3A_144 = arith.constant 0 : i32
      %eq3A_145 = arith.cmpi eq, %jit3A_143, %eq3A_144 : i32
      %jit3A_146 = arith.constant 1 : i32
      %select_n3A_147 = arith.select %eq3A_145, %jit3A_146, %jit3A_143 : i32
      %rem3A_148 = arith.remsi %scan3A_123, %select_n3A_147 : i32
      %ne3A_149 = arith.constant 0 : i32
      %ne3A_150 = arith.cmpi ne, %rem3A_148, %ne3A_149 : i32
      %lt3A = arith.constant 0 : i32
      %lt3A_151 = arith.cmpi slt, %rem3A_148, %lt3A : i32
      %lt3A_152 = arith.constant 0 : i32
      %lt3A_153 = arith.cmpi slt, %select_n3A_147, %lt3A_152 : i32
      %ne3A_154 = arith.xori %lt3A_151, %lt3A_153 : i1
      %and3A_155 = arith.andi %ne3A_154, %ne3A_150 : i1
      %add3A_156 = arith.addi %rem3A_148, %select_n3A_147 : i32
      %select_n3A_157 = arith.select %and3A_155, %add3A_156, %rem3A_148 : i32
      %mul3A_158 = arith.constant 16 : i32
      %mul3A_159 = arith.muli %select_n3A_157, %mul3A_158 : i32
      %get3A = arith.index_cast %select_n3A_142 : i32 to index
      %get3A_160 = arith.index_cast %mul3A_159 : i32 to index
      %get3A_161 = tpu.vector_load %arg7[%get3A, %get3A_160] {strides = array<i32>} : memref<72x128xf32, #tpu.memory_space<vmem>>, vector<16xf32>,
      %bitcast3A = vector.bitcast %get3A_161 : vector<16xf32> to vector<16xi32>
      %ge3A = vector.broadcast %shift_left3A_33 : i32 to vector<16xi32>
      %ge3A_162 = arith.cmpi sge, %bitcast3A, %ge3A : vector<16xi32>
      %swap3A_163 = arith.index_cast %scan3A_124 : i32 to index
      %swap3A_164 = tpu.vector_load %arg10[%swap3A_163] masked %ge3A_162 {strides = array<i32>} : memref<512xf32, #tpu.memory_space<vmem>>, vector<16xf32>, vector<16xi1>
      tpu.vector_store %arg10[%swap3A_163], %get3A_161 masked %ge3A_162 {strides = array<i32>} : memref<512xf32, #tpu.memory_space<vmem>>, vector<16xf32>, vector<16xi1>
      %mul3A_165 = arith.constant 16 : i32
      %mul3A_166 = arith.muli %scan3A_123, %mul3A_165 : i32
      %add3A_167 = arith.addi %mul3A_35, %mul3A_166 : i32
      %add3A_168 = vector.broadcast %add3A_167 : i32 to vector<16xi32>
      %add3A_169 = arith.addi %add3A_168, %iota3A : vector<16xi32>
      %swap3A_170 = arith.index_cast %scan3A_124 : i32 to index
      %swap3A_171 = tpu.vector_load %arg11[%swap3A_170] masked %ge3A_162 {strides = array<i32>} : memref<512xi32, #tpu.memory_space<vmem>>, vector<16xi32>, vector<16xi1>
      tpu.vector_store %arg11[%swap3A_170], %add3A_169 masked %ge3A_162 {strides = array<i32>} : memref<512xi32, #tpu.memory_space<vmem>>, vector<16xi32>, vector<16xi1>
      %all_reduce_population_count3A = tpu.all_reduce %ge3A_162 {dim = 0 : i64, kind = #tpu.reduction_kind<sum>} : vector<16xi1> -> vector<16xi32>
      %slice3A = vector.extract_strided_slice %all_reduce_population_count3A {offsets = [0], sizes = [1], strides = [1]} : vector<16xi32> to vector<1xi32>
      %squeeze3A = vector.extract %slice3A[0] : i32 from vector<1xi32>
      %add3A_172 = arith.addi %scan3A_124, %squeeze3A : i32
      %min3A_173 = arith.constant 496 : i32
      %min3A_174 = arith.minsi %add3A_172, %min3A_173 : i32
      scf.yield %min3A_174 : i32
    }
    %scan3A_42 = arith.constant 576 : i32
    %min3A = arith.constant 128 : i32
    %min3A_43 = arith.minsi %scan3A_41, %min3A : i32
    %eq3A_44 = arith.constant 0 : i32
    %eq3A_45 = vector.broadcast %eq3A_44 : i32 to vector<16xi32>
    %eq3A_46 = arith.cmpi eq, %iota3A, %eq3A_45 : vector<16xi32>
    %jit3A = arith.constant 0 : i32
    %broadcast_in_dim3A_47 = vector.broadcast %min3A_43 : i32 to vector<16xi32>
    %broadcast_in_dim3A_48 = vector.broadcast %jit3A : i32 to vector<16xi32>
    %select_n3A = arith.select %eq3A_46, %broadcast_in_dim3A_47, %broadcast_in_dim3A_48 : vector<16xi1>, vector<16xi32>
    %swap3A_49 = arith.constant 0 : index
    %swap3A_50 = tpu.vector_load %arg12[%swap3A_49] {strides = array<i32>} : memref<16xi32, #tpu.memory_space<vmem>>, vector<16xi32>,
    tpu.vector_store %arg12[%swap3A_49], %select_n3A {strides = array<i32>} : memref<16xi32, #tpu.memory_space<vmem>>, vector<16xi32>,
    "tpu.region"() ({
      %run_scoped3A = tpu.sem_alloc : memref<!tpu.dma_semaphore, #tpu.memory_space<semaphore_mem>>
      %dma_start3A = arith.constant 0 : i32
      %dma_start3A_123 = tpu.memref_slice %arg10[%dma_start3A] : memref<512xf32, #tpu.memory_space<vmem>> -> memref<128xf32, #tpu.memory_space<vmem>>
      %dma_start3A_124 = arith.constant 0 : i32
      %dma_start3A_125 = tpu.memref_slice %arg25[%arg1, %dma_start3A_124] : memref<16x128xf32, #tpu.memory_space<vmem_shared>> -> memref<1x128xf32, #tpu.memory_space<vmem_shared>>
      %dma_start3A_126 = tpu.memref_squeeze %dma_start3A_125 : memref<1x128xf32, #tpu.memory_space<vmem_shared>> -> memref<128xf32, #tpu.memory_space<vmem_shared>>
      %dma_start3A_127 = arith.constant 0 : i32
      %dma_start3A_128 = tpu.memref_slice %arg25[%arg1, %dma_start3A_127] : memref<16x128xf32, #tpu.memory_space<vmem_shared>> -> memref<1x128xf32, #tpu.memory_space<vmem_shared>>
      %dma_start3A_129 = tpu.memref_squeeze %dma_start3A_128 : memref<1x128xf32, #tpu.memory_space<vmem_shared>> -> memref<128xf32, #tpu.memory_space<vmem_shared>>
      %dma_start3A_130 = arith.constant 0 : i32
      %dma_start3A_131 = tpu.memref_slice %arg10[%dma_start3A_130] : memref<512xf32, #tpu.memory_space<vmem>> -> memref<128xf32, #tpu.memory_space<vmem>>
      tpu.enqueue_dma source(%dma_start3A_131 : memref<128xf32, #tpu.memory_space<vmem>>) target(%dma_start3A_129 : memref<128xf32, #tpu.memory_space<vmem_shared>>) target_semaphore(%run_scoped3A : memref<!tpu.dma_semaphore, #tpu.memory_space<semaphore_mem>>)
      %dma_wait3A = arith.constant 0 : i32
      %dma_wait3A_132 = tpu.memref_slice %arg10[%dma_wait3A] : memref<512xf32, #tpu.memory_space<vmem>> -> memref<128xf32, #tpu.memory_space<vmem>>
      %dma_wait3A_133 = arith.constant 0 : i32
      %dma_wait3A_134 = tpu.memref_slice %arg25[%arg1, %dma_wait3A_133] : memref<16x128xf32, #tpu.memory_space<vmem_shared>> -> memref<1x128xf32, #tpu.memory_space<vmem_shared>>
      %dma_wait3A_135 = tpu.memref_squeeze %dma_wait3A_134 : memref<1x128xf32, #tpu.memory_space<vmem_shared>> -> memref<128xf32, #tpu.memory_space<vmem_shared>>
      %dma_wait3A_136 = arith.constant 0 : i32
      %dma_wait3A_137 = tpu.memref_slice %arg25[%arg1, %dma_wait3A_136] : memref<16x128xf32, #tpu.memory_space<vmem_shared>> -> memref<1x128xf32, #tpu.memory_space<vmem_shared>>
      %dma_wait3A_138 = tpu.memref_squeeze %dma_wait3A_137 : memref<1x128xf32, #tpu.memory_space<vmem_shared>> -> memref<128xf32, #tpu.memory_space<vmem_shared>>
      %dma_wait3A_139 = arith.constant 0 : i32
      %dma_wait3A_140 = tpu.memref_slice %arg10[%dma_wait3A_139] : memref<512xf32, #tpu.memory_space<vmem>> -> memref<128xf32, #tpu.memory_space<vmem>>
      tpu.wait_dma2 semaphore(%run_scoped3A : memref<!tpu.dma_semaphore, #tpu.memory_space<semaphore_mem>>) src(%dma_wait3A_140 : memref<128xf32, #tpu.memory_space<vmem>>) dst(%dma_wait3A_138 : memref<128xf32, #tpu.memory_space<vmem_shared>>)
      tpu.yield
    }) : () -> ()
    "tpu.region"() ({
      %run_scoped3A = tpu.sem_alloc : memref<!tpu.dma_semaphore, #tpu.memory_space<semaphore_mem>>
      %dma_start3A = arith.constant 0 : i32
      %dma_start3A_123 = tpu.memref_slice %arg11[%dma_start3A] : memref<512xi32, #tpu.memory_space<vmem>> -> memref<128xi32, #tpu.memory_space<vmem>>
      %dma_start3A_124 = arith.constant 0 : i32
      %dma_start3A_125 = tpu.memref_slice %arg26[%arg1, %dma_start3A_124] : memref<16x128xi32, #tpu.memory_space<vmem_shared>> -> memref<1x128xi32, #tpu.memory_space<vmem_shared>>
      %dma_start3A_126 = tpu.memref_squeeze %dma_start3A_125 : memref<1x128xi32, #tpu.memory_space<vmem_shared>> -> memref<128xi32, #tpu.memory_space<vmem_shared>>
      %dma_start3A_127 = arith.constant 0 : i32
      %dma_start3A_128 = tpu.memref_slice %arg26[%arg1, %dma_start3A_127] : memref<16x128xi32, #tpu.memory_space<vmem_shared>> -> memref<1x128xi32, #tpu.memory_space<vmem_shared>>
      %dma_start3A_129 = tpu.memref_squeeze %dma_start3A_128 : memref<1x128xi32, #tpu.memory_space<vmem_shared>> -> memref<128xi32, #tpu.memory_space<vmem_shared>>
      %dma_start3A_130 = arith.constant 0 : i32
      %dma_start3A_131 = tpu.memref_slice %arg11[%dma_start3A_130] : memref<512xi32, #tpu.memory_space<vmem>> -> memref<128xi32, #tpu.memory_space<vmem>>
      tpu.enqueue_dma source(%dma_start3A_131 : memref<128xi32, #tpu.memory_space<vmem>>) target(%dma_start3A_129 : memref<128xi32, #tpu.memory_space<vmem_shared>>) target_semaphore(%run_scoped3A : memref<!tpu.dma_semaphore, #tpu.memory_space<semaphore_mem>>)
      %dma_wait3A = arith.constant 0 : i32
      %dma_wait3A_132 = tpu.memref_slice %arg11[%dma_wait3A] : memref<512xi32, #tpu.memory_space<vmem>> -> memref<128xi32, #tpu.memory_space<vmem>>
      %dma_wait3A_133 = arith.constant 0 : i32
      %dma_wait3A_134 = tpu.memref_slice %arg26[%arg1, %dma_wait3A_133] : memref<16x128xi32, #tpu.memory_space<vmem_shared>> -> memref<1x128xi32, #tpu.memory_space<vmem_shared>>
      %dma_wait3A_135 = tpu.memref_squeeze %dma_wait3A_134 : memref<1x128xi32, #tpu.memory_space<vmem_shared>> -> memref<128xi32, #tpu.memory_space<vmem_shared>>
      %dma_wait3A_136 = arith.constant 0 : i32
      %dma_wait3A_137 = tpu.memref_slice %arg26[%arg1, %dma_wait3A_136] : memref<16x128xi32, #tpu.memory_space<vmem_shared>> -> memref<1x128xi32, #tpu.memory_space<vmem_shared>>
      %dma_wait3A_138 = tpu.memref_squeeze %dma_wait3A_137 : memref<1x128xi32, #tpu.memory_space<vmem_shared>> -> memref<128xi32, #tpu.memory_space<vmem_shared>>
      %dma_wait3A_139 = arith.constant 0 : i32
      %dma_wait3A_140 = tpu.memref_slice %arg11[%dma_wait3A_139] : memref<512xi32, #tpu.memory_space<vmem>> -> memref<128xi32, #tpu.memory_space<vmem>>
      tpu.wait_dma2 semaphore(%run_scoped3A : memref<!tpu.dma_semaphore, #tpu.memory_space<semaphore_mem>>) src(%dma_wait3A_140 : memref<128xi32, #tpu.memory_space<vmem>>) dst(%dma_wait3A_138 : memref<128xi32, #tpu.memory_space<vmem_shared>>)
      tpu.yield
    }) : () -> ()
    "tpu.region"() ({
      %run_scoped3A = tpu.sem_alloc : memref<!tpu.dma_semaphore, #tpu.memory_space<semaphore_mem>>
      %dma_start3A = arith.constant 0 : i32
      %dma_start3A_123 = tpu.memref_slice %arg27[%arg1, %dma_start3A] : memref<16x128xi32, #tpu.memory_space<vmem_shared>> -> memref<1x16xi32, #tpu.memory_space<vmem_shared>>
      %dma_start3A_124 = tpu.memref_squeeze %dma_start3A_123 : memref<1x16xi32, #tpu.memory_space<vmem_shared>> -> memref<16xi32, #tpu.memory_space<vmem_shared>>
      %dma_start3A_125 = arith.constant 0 : i32
      %dma_start3A_126 = tpu.memref_slice %arg27[%arg1, %dma_start3A_125] : memref<16x128xi32, #tpu.memory_space<vmem_shared>> -> memref<1x16xi32, #tpu.memory_space<vmem_shared>>
      %dma_start3A_127 = tpu.memref_squeeze %dma_start3A_126 : memref<1x16xi32, #tpu.memory_space<vmem_shared>> -> memref<16xi32, #tpu.memory_space<vmem_shared>>
      tpu.enqueue_dma source(%arg12 : memref<16xi32, #tpu.memory_space<vmem>>) target(%dma_start3A_127 : memref<16xi32, #tpu.memory_space<vmem_shared>>) target_semaphore(%run_scoped3A : memref<!tpu.dma_semaphore, #tpu.memory_space<semaphore_mem>>)
      %dma_wait3A = arith.constant 0 : i32
      %dma_wait3A_128 = tpu.memref_slice %arg27[%arg1, %dma_wait3A] : memref<16x128xi32, #tpu.memory_space<vmem_shared>> -> memref<1x16xi32, #tpu.memory_space<vmem_shared>>
      %dma_wait3A_129 = tpu.memref_squeeze %dma_wait3A_128 : memref<1x16xi32, #tpu.memory_space<vmem_shared>> -> memref<16xi32, #tpu.memory_space<vmem_shared>>
      %dma_wait3A_130 = arith.constant 0 : i32
      %dma_wait3A_131 = tpu.memref_slice %arg27[%arg1, %dma_wait3A_130] : memref<16x128xi32, #tpu.memory_space<vmem_shared>> -> memref<1x16xi32, #tpu.memory_space<vmem_shared>>
      %dma_wait3A_132 = tpu.memref_squeeze %dma_wait3A_131 : memref<1x16xi32, #tpu.memory_space<vmem_shared>> -> memref<16xi32, #tpu.memory_space<vmem_shared>>
      tpu.wait_dma2 semaphore(%run_scoped3A : memref<!tpu.dma_semaphore, #tpu.memory_space<semaphore_mem>>) src(%arg12 : memref<16xi32, #tpu.memory_space<vmem>>) dst(%dma_wait3A_132 : memref<16xi32, #tpu.memory_space<vmem_shared>>)
      tpu.yield
    }) : () -> ()
    %barrier3A_51 = arith.constant 0 : index
    tpu.barrier barrier_id(%barrier3A_51)
    %eq3A_52 = arith.constant 0 : i32
    %eq3A_53 = arith.cmpi eq, %arg1, %eq3A_52 : i32
    %convert_element_type3A_54 = arith.extui %eq3A_53 : i1 to i32
    %cond3A_55 = arith.constant 0 : i32
    %cond3A_56 = arith.cmpi ne, %convert_element_type3A_54, %cond3A_55 : i32
    scf.if %cond3A_56 {
      "tpu.region"() ({
        %run_scoped3A = tpu.sem_alloc : memref<!tpu.dma_semaphore, #tpu.memory_space<semaphore_mem>>
        tpu.enqueue_dma source(%arg25 : memref<16x128xf32, #tpu.memory_space<vmem_shared>>) target(%arg13 : memref<16x128xf32, #tpu.memory_space<vmem>>) target_semaphore(%run_scoped3A : memref<!tpu.dma_semaphore, #tpu.memory_space<semaphore_mem>>)
        tpu.wait_dma2 semaphore(%run_scoped3A : memref<!tpu.dma_semaphore, #tpu.memory_space<semaphore_mem>>) src(%arg25 : memref<16x128xf32, #tpu.memory_space<vmem_shared>>) dst(%arg13 : memref<16x128xf32, #tpu.memory_space<vmem>>)
        tpu.yield
      }) : () -> ()
      "tpu.region"() ({
        %run_scoped3A = tpu.sem_alloc : memref<!tpu.dma_semaphore, #tpu.memory_space<semaphore_mem>>
        tpu.enqueue_dma source(%arg26 : memref<16x128xi32, #tpu.memory_space<vmem_shared>>) target(%arg14 : memref<16x128xi32, #tpu.memory_space<vmem>>) target_semaphore(%run_scoped3A : memref<!tpu.dma_semaphore, #tpu.memory_space<semaphore_mem>>)
        tpu.wait_dma2 semaphore(%run_scoped3A : memref<!tpu.dma_semaphore, #tpu.memory_space<semaphore_mem>>) src(%arg26 : memref<16x128xi32, #tpu.memory_space<vmem_shared>>) dst(%arg14 : memref<16x128xi32, #tpu.memory_space<vmem>>)
        tpu.yield
      }) : () -> ()
      "tpu.region"() ({
        %run_scoped3A = tpu.sem_alloc : memref<!tpu.dma_semaphore, #tpu.memory_space<semaphore_mem>>
        tpu.enqueue_dma source(%arg27 : memref<16x128xi32, #tpu.memory_space<vmem_shared>>) target(%arg15 : memref<16x128xi32, #tpu.memory_space<vmem>>) target_semaphore(%run_scoped3A : memref<!tpu.dma_semaphore, #tpu.memory_space<semaphore_mem>>)
        tpu.wait_dma2 semaphore(%run_scoped3A : memref<!tpu.dma_semaphore, #tpu.memory_space<semaphore_mem>>) src(%arg27 : memref<16x128xi32, #tpu.memory_space<vmem_shared>>) dst(%arg15 : memref<16x128xi32, #tpu.memory_space<vmem>>)
        tpu.yield
      }) : () -> ()
      %scan3A_123 = arith.constant 0 : i32
      %scan3A_124 = arith.constant 0 : i32
      %scan3A_125 = arith.constant 16 : i32
      %scan3A_126 = arith.addi %scan3A_124, %scan3A_125 : i32
      %scan3A_127 = arith.constant 1 : i32
      %scan3A_128 = scf.for %scan3A_878 = %scan3A_124 to %scan3A_126 step %scan3A_127 iter_args(%scan3A_879 = %scan3A_123) -> (i32)  : i32 {
        %get3A_880 = arith.index_cast %scan3A_878 : i32 to index
        %get3A_881 = arith.constant 0 : index
        %get3A_882 = tpu.vector_load %arg15[%get3A_880, %get3A_881] {strides = array<i32>} : memref<16x128xi32, #tpu.memory_space<vmem>>, vector<16xi32>,
        %slice3A = vector.extract_strided_slice %get3A_882 {offsets = [0], sizes = [1], strides = [1]} : vector<16xi32> to vector<1xi32>
        %squeeze3A = vector.extract %slice3A[0] : i32 from vector<1xi32>
        %scan3A_883 = arith.constant 0 : i32
        %scan3A_884 = arith.constant 8 : i32
        %scan3A_885 = arith.addi %scan3A_883, %scan3A_884 : i32
        %scan3A_886 = arith.constant 1 : i32
        %scan3A_887 = scf.for %scan3A_889 = %scan3A_883 to %scan3A_885 step %scan3A_886 iter_args(%scan3A_890 = %scan3A_879) -> (i32)  : i32 {
          %mul3A_891 = arith.constant 16 : i32
          %mul3A_892 = arith.muli %scan3A_889, %mul3A_891 : i32
          %get3A_893 = arith.index_cast %scan3A_878 : i32 to index
          %get3A_894 = arith.index_cast %mul3A_892 : i32 to index
          %get3A_895 = tpu.vector_load %arg13[%get3A_893, %get3A_894] {strides = array<i32>} : memref<16x128xf32, #tpu.memory_space<vmem>>, vector<16xf32>,
          %mul3A_896 = arith.constant 16 : i32
          %mul3A_897 = arith.muli %scan3A_889, %mul3A_896 : i32
          %get3A_898 = arith.index_cast %scan3A_878 : i32 to index
          %get3A_899 = arith.index_cast %mul3A_897 : i32 to index
          %get3A_900 = tpu.vector_load %arg14[%get3A_898, %get3A_899] {strides = array<i32>} : memref<16x128xi32, #tpu.memory_space<vmem>>, vector<16xi32>,
          %mul3A_901 = arith.constant 16 : i32
          %mul3A_902 = arith.muli %scan3A_889, %mul3A_901 : i32
          %add3A_903 = vector.broadcast %mul3A_902 : i32 to vector<16xi32>
          %add3A_904 = arith.addi %add3A_903, %iota3A : vector<16xi32>
          %lt3A_905 = vector.broadcast %squeeze3A : i32 to vector<16xi32>
          %lt3A_906 = arith.cmpi slt, %add3A_904, %lt3A_905 : vector<16xi32>
          %swap3A_907 = arith.index_cast %scan3A_890 : i32 to index
          %swap3A_908 = tpu.vector_load %arg16[%swap3A_907] masked %lt3A_906 {strides = array<i32>} : memref<2080xf32, #tpu.memory_space<vmem>>, vector<16xf32>, vector<16xi1>
          tpu.vector_store %arg16[%swap3A_907], %get3A_895 masked %lt3A_906 {strides = array<i32>} : memref<2080xf32, #tpu.memory_space<vmem>>, vector<16xf32>, vector<16xi1>
          %swap3A_909 = arith.index_cast %scan3A_890 : i32 to index
          %swap3A_910 = tpu.vector_load %arg17[%swap3A_909] masked %lt3A_906 {strides = array<i32>} : memref<2080xi32, #tpu.memory_space<vmem>>, vector<16xi32>, vector<16xi1>
          tpu.vector_store %arg17[%swap3A_909], %get3A_900 masked %lt3A_906 {strides = array<i32>} : memref<2080xi32, #tpu.memory_space<vmem>>, vector<16xi32>, vector<16xi1>
          %all_reduce_population_count3A = tpu.all_reduce %lt3A_906 {dim = 0 : i64, kind = #tpu.reduction_kind<sum>} : vector<16xi1> -> vector<16xi32>
          %slice3A_911 = vector.extract_strided_slice %all_reduce_population_count3A {offsets = [0], sizes = [1], strides = [1]} : vector<16xi32> to vector<1xi32>
          %squeeze3A_912 = vector.extract %slice3A_911[0] : i32 from vector<1xi32>
          %add3A_913 = arith.addi %scan3A_890, %squeeze3A_912 : i32
          scf.yield %add3A_913 : i32
        }
        %scan3A_888 = arith.constant 8 : i32
        scf.yield %scan3A_887 : i32
      }
      %scan3A_129 = arith.constant 16 : i32
      %broadcast_in_dim3A_130 = arith.constant -1.000000e+00 : f32
      %broadcast_in_dim3A_131 = vector.broadcast %broadcast_in_dim3A_130 : f32 to vector<16xf32>
      %swap3A_132 = arith.index_cast %scan3A_128 : i32 to index
      %swap3A_133 = tpu.vector_load %arg16[%swap3A_132] {strides = array<i32>} : memref<2080xf32, #tpu.memory_space<vmem>>, vector<16xf32>,
      tpu.vector_store %arg16[%swap3A_132], %broadcast_in_dim3A_131 {strides = array<i32>} : memref<2080xf32, #tpu.memory_space<vmem>>, vector<16xf32>,
      %add3A_134 = arith.constant 15 : i32
      %add3A_135 = arith.addi %scan3A_128, %add3A_134 : i32
      %jit3A_136 = arith.constant 16 : i32
      %div3A = arith.divsi %add3A_135, %jit3A_136 : i32
      %sign3A = arith.constant 0 : i32
      %sign3A_137 = arith.cmpi sgt, %add3A_135, %sign3A : i32
      %sign3A_138 = arith.extui %sign3A_137 : i1 to i32
      %sign3A_139 = arith.constant 0 : i32
      %sign3A_140 = arith.cmpi slt, %add3A_135, %sign3A_139 : i32
      %sign3A_141 = arith.extui %sign3A_140 : i1 to i32
      %sign3A_142 = arith.subi %sign3A_138, %sign3A_141 : i32
      %sign3A_143 = arith.constant 0 : i32
      %sign3A_144 = arith.cmpi sgt, %jit3A_136, %sign3A_143 : i32
      %sign3A_145 = arith.extui %sign3A_144 : i1 to i32
      %sign3A_146 = arith.constant 0 : i32
      %sign3A_147 = arith.cmpi slt, %jit3A_136, %sign3A_146 : i32
      %sign3A_148 = arith.extui %sign3A_147 : i1 to i32
      %sign3A_149 = arith.subi %sign3A_145, %sign3A_148 : i32
      %ne3A = arith.cmpi ne, %sign3A_142, %sign3A_149 : i32
      %rem3A = arith.remsi %add3A_135, %jit3A_136 : i32
      %ne3A_150 = arith.constant 0 : i32
      %ne3A_151 = arith.cmpi ne, %rem3A, %ne3A_150 : i32
      %and3A = arith.andi %ne3A, %ne3A_151 : i1
      %sub3A = arith.constant 1 : i32
      %sub3A_152 = arith.subi %div3A, %sub3A : i32
      %select_n3A_153 = arith.select %and3A, %sub3A_152, %div3A : i32
      %scan3A_154 = arith.constant 0 : i32
      %scan3A_155 = arith.constant 0 : i32
      %scan3A_156 = arith.constant 7 : i32
      %scan3A_157 = arith.addi %scan3A_155, %scan3A_156 : i32
      %scan3A_158 = arith.constant 1 : i32
      scf.for %scan3A_878 = %scan3A_155 to %scan3A_157 step %scan3A_158  : i32 {
        %mul3A_879 = arith.constant 16 : i32
        %mul3A_880 = arith.muli %scan3A_878, %mul3A_879 : i32
        %swap3A_881 = arith.index_cast %mul3A_880 : i32 to index
        %swap3A_882 = tpu.vector_load %arg18[%swap3A_881] {strides = array<i32>} : memref<112xi32, #tpu.memory_space<vmem>>, vector<16xi32>,
        tpu.vector_store %arg18[%swap3A_881], %broadcast_in_dim3A_0 {strides = array<i32>} : memref<112xi32, #tpu.memory_space<vmem>>, vector<16xi32>,
      }
      %scan3A_159 = arith.constant 7 : i32
      %scan3A_160 = arith.constant 0 : i32
      %scan3A_161 = arith.constant 0 : i32
      %scan3A_162 = arith.constant 100 : i32
      %scan3A_163 = arith.addi %scan3A_161, %scan3A_162 : i32
      %scan3A_164 = arith.constant 1 : i32
      scf.for %scan3A_878 = %scan3A_161 to %scan3A_163 step %scan3A_164  : i32 {
        %broadcast_in_dim3A_879 = arith.constant -2.000000e+00 : f32
        %broadcast_in_dim3A_880 = vector.broadcast %broadcast_in_dim3A_879 : f32 to vector<16xf32>
        %while3A = arith.constant 0 : i32
        %while3A_881 = arith.subi %select_n3A_153, %while3A : i32
        %while3A_882 = arith.addi %while3A, %while3A_881 : i32
        %while3A_883 = arith.constant 1 : i32
        %while3A_884 = arith.divsi %while3A_881, %while3A_883 : i32
        %while3A_885 = arith.muli %while3A_884, %while3A_883 : i32
        %while3A_886 = arith.addi %while3A, %while3A_885 : i32
        %while3A_887 = arith.constant 1 : i32
        %while3A_888 = scf.for %while3A_931 = %while3A to %while3A_886 step %while3A_887 iter_args(%while3A_932 = %broadcast_in_dim3A_880) -> (vector<16xf32>)  : i32 {
          %mul3A_933 = arith.constant 16 : i32
          %mul3A_934 = arith.muli %while3A_931, %mul3A_933 : i32
          %get3A_935 = arith.index_cast %mul3A_934 : i32 to index
          %get3A_936 = tpu.vector_load %arg16[%get3A_935] {strides = array<i32>} : memref<2080xf32, #tpu.memory_space<vmem>>, vector<16xf32>,
          %max3A = arith.maximumf %while3A_932, %get3A_936 : vector<16xf32>
          scf.yield %max3A : vector<16xf32>
        }
        %while3A_889 = arith.constant 1 : i32
        %while3A_890 = scf.for %while3A_931 = %while3A_886 to %while3A_882 step %while3A_889 iter_args(%while3A_932 = %while3A_888) -> (vector<16xf32>)  : i32 {
          %mul3A_933 = arith.constant 16 : i32
          %mul3A_934 = arith.muli %while3A_931, %mul3A_933 : i32
          %get3A_935 = arith.index_cast %mul3A_934 : i32 to index
          %get3A_936 = tpu.vector_load %arg16[%get3A_935] {strides = array<i32>} : memref<2080xf32, #tpu.memory_space<vmem>>, vector<16xf32>,
          %max3A = arith.maximumf %while3A_932, %get3A_936 : vector<16xf32>
          scf.yield %max3A : vector<16xf32>
        }
        %reduce_max3A = arith.constant true
        %reduce_max3A_891 = vector.broadcast %reduce_max3A : i1 to vector<16xi1>
        %reduce_max3A_892 = tpu.scan <max>, %while3A_890 masked %reduce_max3A_891 : vector<16xf32>, vector<16xi1> -> vector<16xf32>
        %reduce_max3A_893 = vector.extract %reduce_max3A_892[15] : f32 from vector<16xf32>
        %broadcast_in_dim3A_894 = arith.constant 1073741824 : i32
        %broadcast_in_dim3A_895 = vector.broadcast %broadcast_in_dim3A_894 : i32 to vector<16xi32>
        %while3A_896 = arith.constant 0 : i32
        %while3A_897 = arith.subi %select_n3A_153, %while3A_896 : i32
        %while3A_898 = arith.addi %while3A_896, %while3A_897 : i32
        %while3A_899 = arith.constant 1 : i32
        %while3A_900 = arith.divsi %while3A_897, %while3A_899 : i32
        %while3A_901 = arith.muli %while3A_900, %while3A_899 : i32
        %while3A_902 = arith.addi %while3A_896, %while3A_901 : i32
        %while3A_903 = arith.constant 1 : i32
        %while3A_904 = scf.for %while3A_931 = %while3A_896 to %while3A_902 step %while3A_903 iter_args(%while3A_932 = %broadcast_in_dim3A_895) -> (vector<16xi32>)  : i32 {
          %mul3A_933 = arith.constant 16 : i32
          %mul3A_934 = arith.muli %while3A_931, %mul3A_933 : i32
          %get3A_935 = arith.index_cast %mul3A_934 : i32 to index
          %get3A_936 = tpu.vector_load %arg16[%get3A_935] {strides = array<i32>} : memref<2080xf32, #tpu.memory_space<vmem>>, vector<16xf32>,
          %mul3A_937 = arith.constant 16 : i32
          %mul3A_938 = arith.muli %while3A_931, %mul3A_937 : i32
          %get3A_939 = arith.index_cast %mul3A_938 : i32 to index
          %get3A_940 = tpu.vector_load %arg17[%get3A_939] {strides = array<i32>} : memref<2080xi32, #tpu.memory_space<vmem>>, vector<16xi32>,
          %eq3A_941 = vector.broadcast %reduce_max3A_893 : f32 to vector<16xf32>
          %eq3A_942 = arith.cmpf oeq, %get3A_936, %eq3A_941 : vector<16xf32>
          %jit3A_943 = arith.constant 1073741824 : i32
          %broadcast_in_dim3A_944 = vector.broadcast %jit3A_943 : i32 to vector<16xi32>
          %select_n3A_945 = arith.select %eq3A_942, %get3A_940, %broadcast_in_dim3A_944 : vector<16xi1>, vector<16xi32>
          %min3A_946 = arith.minsi %while3A_932, %select_n3A_945 : vector<16xi32>
          scf.yield %min3A_946 : vector<16xi32>
        }
        %while3A_905 = arith.constant 1 : i32
        %while3A_906 = scf.for %while3A_931 = %while3A_902 to %while3A_898 step %while3A_905 iter_args(%while3A_932 = %while3A_904) -> (vector<16xi32>)  : i32 {
          %mul3A_933 = arith.constant 16 : i32
          %mul3A_934 = arith.muli %while3A_931, %mul3A_933 : i32
          %get3A_935 = arith.index_cast %mul3A_934 : i32 to index
          %get3A_936 = tpu.vector_load %arg16[%get3A_935] {strides = array<i32>} : memref<2080xf32, #tpu.memory_space<vmem>>, vector<16xf32>,
          %mul3A_937 = arith.constant 16 : i32
          %mul3A_938 = arith.muli %while3A_931, %mul3A_937 : i32
          %get3A_939 = arith.index_cast %mul3A_938 : i32 to index
          %get3A_940 = tpu.vector_load %arg17[%get3A_939] {strides = array<i32>} : memref<2080xi32, #tpu.memory_space<vmem>>, vector<16xi32>,
          %eq3A_941 = vector.broadcast %reduce_max3A_893 : f32 to vector<16xf32>
          %eq3A_942 = arith.cmpf oeq, %get3A_936, %eq3A_941 : vector<16xf32>
          %jit3A_943 = arith.constant 1073741824 : i32
          %broadcast_in_dim3A_944 = vector.broadcast %jit3A_943 : i32 to vector<16xi32>
          %select_n3A_945 = arith.select %eq3A_942, %get3A_940, %broadcast_in_dim3A_944 : vector<16xi1>, vector<16xi32>
          %min3A_946 = arith.minsi %while3A_932, %select_n3A_945 : vector<16xi32>
          scf.yield %min3A_946 : vector<16xi32>
        }
        %reduce_min3A = arith.constant true
        %reduce_min3A_907 = vector.broadcast %reduce_min3A : i1 to vector<16xi1>
        %reduce_min3A_908 = arith.constant -2147483648 : i32
        %reduce_min3A_909 = vector.broadcast %reduce_min3A_908 : i32 to vector<16xi32>
        %reduce_min3A_910 = arith.xori %while3A_906, %reduce_min3A_909 : vector<16xi32>
        %reduce_min3A_911 = tpu.scan <min>, %reduce_min3A_910 masked %reduce_min3A_907 : vector<16xi32>, vector<16xi1> -> vector<16xi32>
        %reduce_min3A_912 = arith.xori %reduce_min3A_911, %reduce_min3A_909 : vector<16xi32>
        %reduce_min3A_913 = vector.extract %reduce_min3A_912[15] : i32 from vector<16xi32>
        %while3A_914 = arith.constant 0 : i32
        %while3A_915 = arith.constant 0 : i32
        %while3A_916 = arith.subi %select_n3A_153, %while3A_915 : i32
        %while3A_917 = arith.addi %while3A_915, %while3A_916 : i32
        %while3A_918 = arith.constant 1 : i32
        %while3A_919 = arith.divsi %while3A_916, %while3A_918 : i32
        %while3A_920 = arith.muli %while3A_919, %while3A_918 : i32
        %while3A_921 = arith.addi %while3A_915, %while3A_920 : i32
        %while3A_922 = arith.constant 1 : i32
        scf.for %while3A_931 = %while3A_915 to %while3A_921 step %while3A_922  : i32 {
          %mul3A_932 = arith.constant 16 : i32
          %mul3A_933 = arith.muli %while3A_931, %mul3A_932 : i32
          %get3A_934 = arith.index_cast %mul3A_933 : i32 to index
          %get3A_935 = tpu.vector_load %arg16[%get3A_934] {strides = array<i32>} : memref<2080xf32, #tpu.memory_space<vmem>>, vector<16xf32>,
          %mul3A_936 = arith.constant 16 : i32
          %mul3A_937 = arith.muli %while3A_931, %mul3A_936 : i32
          %get3A_938 = arith.index_cast %mul3A_937 : i32 to index
          %get3A_939 = tpu.vector_load %arg17[%get3A_938] {strides = array<i32>} : memref<2080xi32, #tpu.memory_space<vmem>>, vector<16xi32>,
          %eq3A_940 = vector.broadcast %reduce_max3A_893 : f32 to vector<16xf32>
          %eq3A_941 = arith.cmpf oeq, %get3A_935, %eq3A_940 : vector<16xf32>
          %eq3A_942 = vector.broadcast %reduce_min3A_913 : i32 to vector<16xi32>
          %eq3A_943 = arith.cmpi eq, %get3A_939, %eq3A_942 : vector<16xi32>
          %and3A_944 = arith.andi %eq3A_941, %eq3A_943 : vector<16xi1>
          %jit3A_945 = arith.constant -1.000000e+00 : f32
          %broadcast_in_dim3A_946 = vector.broadcast %jit3A_945 : f32 to vector<16xf32>
          %select_n3A_947 = arith.select %and3A_944, %broadcast_in_dim3A_946, %get3A_935 : vector<16xi1>, vector<16xf32>
          %mul3A_948 = arith.constant 16 : i32
          %mul3A_949 = arith.muli %while3A_931, %mul3A_948 : i32
          %swap3A_950 = arith.index_cast %mul3A_949 : i32 to index
          %swap3A_951 = tpu.vector_load %arg16[%swap3A_950] {strides = array<i32>} : memref<2080xf32, #tpu.memory_space<vmem>>, vector<16xf32>,
          tpu.vector_store %arg16[%swap3A_950], %select_n3A_947 {strides = array<i32>} : memref<2080xf32, #tpu.memory_space<vmem>>, vector<16xf32>,
        }
        %while3A_923 = arith.constant 1 : i32
        scf.for %while3A_931 = %while3A_921 to %while3A_917 step %while3A_923  : i32 {
          %mul3A_932 = arith.constant 16 : i32
          %mul3A_933 = arith.muli %while3A_931, %mul3A_932 : i32
          %get3A_934 = arith.index_cast %mul3A_933 : i32 to index
          %get3A_935 = tpu.vector_load %arg16[%get3A_934] {strides = array<i32>} : memref<2080xf32, #tpu.memory_space<vmem>>, vector<16xf32>,
          %mul3A_936 = arith.constant 16 : i32
          %mul3A_937 = arith.muli %while3A_931, %mul3A_936 : i32
          %get3A_938 = arith.index_cast %mul3A_937 : i32 to index
          %get3A_939 = tpu.vector_load %arg17[%get3A_938] {strides = array<i32>} : memref<2080xi32, #tpu.memory_space<vmem>>, vector<16xi32>,
          %eq3A_940 = vector.broadcast %reduce_max3A_893 : f32 to vector<16xf32>
          %eq3A_941 = arith.cmpf oeq, %get3A_935, %eq3A_940 : vector<16xf32>
          %eq3A_942 = vector.broadcast %reduce_min3A_913 : i32 to vector<16xi32>
          %eq3A_943 = arith.cmpi eq, %get3A_939, %eq3A_942 : vector<16xi32>
          %and3A_944 = arith.andi %eq3A_941, %eq3A_943 : vector<16xi1>
          %jit3A_945 = arith.constant -1.000000e+00 : f32
          %broadcast_in_dim3A_946 = vector.broadcast %jit3A_945 : f32 to vector<16xf32>
          %select_n3A_947 = arith.select %and3A_944, %broadcast_in_dim3A_946, %get3A_935 : vector<16xi1>, vector<16xf32>
          %mul3A_948 = arith.constant 16 : i32
          %mul3A_949 = arith.muli %while3A_931, %mul3A_948 : i32
          %swap3A_950 = arith.index_cast %mul3A_949 : i32 to index
          %swap3A_951 = tpu.vector_load %arg16[%swap3A_950] {strides = array<i32>} : memref<2080xf32, #tpu.memory_space<vmem>>, vector<16xf32>,
          tpu.vector_store %arg16[%swap3A_950], %select_n3A_947 {strides = array<i32>} : memref<2080xf32, #tpu.memory_space<vmem>>, vector<16xf32>,
        }
        %add3A_924 = vector.broadcast %scan3A_878 : i32 to vector<16xi32>
        %add3A_925 = arith.addi %broadcast_in_dim3A_0, %add3A_924 : vector<16xi32>
        %add3A_926 = vector.broadcast %reduce_min3A_913 : i32 to vector<16xi32>
        %add3A_927 = arith.addi %broadcast_in_dim3A_0, %add3A_926 : vector<16xi32>
        %eq3A_928 = arith.constant 0 : i32
        %eq3A_929 = vector.broadcast %eq3A_928 : i32 to vector<16xi32>
        %eq3A_930 = arith.cmpi eq, %iota3A, %eq3A_929 : vector<16xi32>
        tpu.vector_store_idx %arg18[%add3A_925], %add3A_927 masked %eq3A_930 : memref<112xi32, #tpu.memory_space<vmem>>[vector<16xi32>], vector<16xi32>, vector<16xi1>
      }
      %scan3A_165 = arith.constant 100 : i32
      %get3A = arith.constant 0 : index
      %get3A_166 = tpu.vector_load %arg18[%get3A] {strides = array<i32>} : memref<112xi32, #tpu.memory_space<vmem>>, vector<16xi32>,
      %mul3A_167 = arith.constant 1152 : i32
      %mul3A_168 = arith.muli %add3A_5, %mul3A_167 : i32
      %shift_right_logical3A = arith.constant 7 : i32
      %shift_right_logical3A_169 = vector.broadcast %shift_right_logical3A : i32 to vector<16xi32>
      %shift_right_logical3A_170 = arith.shrui %get3A_166, %shift_right_logical3A_169 : vector<16xi32>
      %min3A_171 = arith.constant 1151 : i32
      %min3A_172 = vector.broadcast %min3A_171 : i32 to vector<16xi32>
      %min3A_173 = arith.minsi %shift_right_logical3A_170, %min3A_172 : vector<16xi32>
      %add3A_174 = vector.broadcast %mul3A_168 : i32 to vector<16xi32>
      %add3A_175 = arith.addi %add3A_174, %min3A_173 : vector<16xi32>
      %swap3A_176 = arith.constant 0 : index
      %swap3A_177 = tpu.vector_load %arg19[%swap3A_176] {strides = array<i32>} : memref<112xi32, #tpu.memory_space<vmem>>, vector<16xi32>,
      tpu.vector_store %arg19[%swap3A_176], %add3A_175 {strides = array<i32>} : memref<112xi32, #tpu.memory_space<vmem>>, vector<16xi32>,
      %get3A_178 = arith.constant 16 : index
      %get3A_179 = tpu.vector_load %arg18[%get3A_178] {strides = array<i32>} : memref<112xi32, #tpu.memory_space<vmem>>, vector<16xi32>,
      %mul3A_180 = arith.constant 1152 : i32
      %mul3A_181 = arith.muli %add3A_5, %mul3A_180 : i32
      %shift_right_logical3A_182 = arith.constant 7 : i32
      %shift_right_logical3A_183 = vector.broadcast %shift_right_logical3A_182 : i32 to vector<16xi32>
      %shift_right_logical3A_184 = arith.shrui %get3A_179, %shift_right_logical3A_183 : vector<16xi32>
      %min3A_185 = arith.constant 1151 : i32
      %min3A_186 = vector.broadcast %min3A_185 : i32 to vector<16xi32>
      %min3A_187 = arith.minsi %shift_right_logical3A_184, %min3A_186 : vector<16xi32>
      %add3A_188 = vector.broadcast %mul3A_181 : i32 to vector<16xi32>
      %add3A_189 = arith.addi %add3A_188, %min3A_187 : vector<16xi32>
      %swap3A_190 = arith.constant 16 : index
      %swap3A_191 = tpu.vector_load %arg19[%swap3A_190] {strides = array<i32>} : memref<112xi32, #tpu.memory_space<vmem>>, vector<16xi32>,
      tpu.vector_store %arg19[%swap3A_190], %add3A_189 {strides = array<i32>} : memref<112xi32, #tpu.memory_space<vmem>>, vector<16xi32>,
      %get3A_192 = arith.constant 32 : index
      %get3A_193 = tpu.vector_load %arg18[%get3A_192] {strides = array<i32>} : memref<112xi32, #tpu.memory_space<vmem>>, vector<16xi32>,
      %mul3A_194 = arith.constant 1152 : i32
      %mul3A_195 = arith.muli %add3A_5, %mul3A_194 : i32
      %shift_right_logical3A_196 = arith.constant 7 : i32
      %shift_right_logical3A_197 = vector.broadcast %shift_right_logical3A_196 : i32 to vector<16xi32>
      %shift_right_logical3A_198 = arith.shrui %get3A_193, %shift_right_logical3A_197 : vector<16xi32>
      %min3A_199 = arith.constant 1151 : i32
      %min3A_200 = vector.broadcast %min3A_199 : i32 to vector<16xi32>
      %min3A_201 = arith.minsi %shift_right_logical3A_198, %min3A_200 : vector<16xi32>
      %add3A_202 = vector.broadcast %mul3A_195 : i32 to vector<16xi32>
      %add3A_203 = arith.addi %add3A_202, %min3A_201 : vector<16xi32>
      %swap3A_204 = arith.constant 32 : index
      %swap3A_205 = tpu.vector_load %arg19[%swap3A_204] {strides = array<i32>} : memref<112xi32, #tpu.memory_space<vmem>>, vector<16xi32>,
      tpu.vector_store %arg19[%swap3A_204], %add3A_203 {strides = array<i32>} : memref<112xi32, #tpu.memory_space<vmem>>, vector<16xi32>,
      %get3A_206 = arith.constant 48 : index
      %get3A_207 = tpu.vector_load %arg18[%get3A_206] {strides = array<i32>} : memref<112xi32, #tpu.memory_space<vmem>>, vector<16xi32>,
      %mul3A_208 = arith.constant 1152 : i32
      %mul3A_209 = arith.muli %add3A_5, %mul3A_208 : i32
      %shift_right_logical3A_210 = arith.constant 7 : i32
      %shift_right_logical3A_211 = vector.broadcast %shift_right_logical3A_210 : i32 to vector<16xi32>
      %shift_right_logical3A_212 = arith.shrui %get3A_207, %shift_right_logical3A_211 : vector<16xi32>
      %min3A_213 = arith.constant 1151 : i32
      %min3A_214 = vector.broadcast %min3A_213 : i32 to vector<16xi32>
      %min3A_215 = arith.minsi %shift_right_logical3A_212, %min3A_214 : vector<16xi32>
      %add3A_216 = vector.broadcast %mul3A_209 : i32 to vector<16xi32>
      %add3A_217 = arith.addi %add3A_216, %min3A_215 : vector<16xi32>
      %swap3A_218 = arith.constant 48 : index
      %swap3A_219 = tpu.vector_load %arg19[%swap3A_218] {strides = array<i32>} : memref<112xi32, #tpu.memory_space<vmem>>, vector<16xi32>,
      tpu.vector_store %arg19[%swap3A_218], %add3A_217 {strides = array<i32>} : memref<112xi32, #tpu.memory_space<vmem>>, vector<16xi32>,
      %get3A_220 = arith.constant 64 : index
      %get3A_221 = tpu.vector_load %arg18[%get3A_220] {strides = array<i32>} : memref<112xi32, #tpu.memory_space<vmem>>, vector<16xi32>,
      %mul3A_222 = arith.constant 1152 : i32
      %mul3A_223 = arith.muli %add3A_5, %mul3A_222 : i32
      %shift_right_logical3A_224 = arith.constant 7 : i32
      %shift_right_logical3A_225 = vector.broadcast %shift_right_logical3A_224 : i32 to vector<16xi32>
      %shift_right_logical3A_226 = arith.shrui %get3A_221, %shift_right_logical3A_225 : vector<16xi32>
      %min3A_227 = arith.constant 1151 : i32
      %min3A_228 = vector.broadcast %min3A_227 : i32 to vector<16xi32>
      %min3A_229 = arith.minsi %shift_right_logical3A_226, %min3A_228 : vector<16xi32>
      %add3A_230 = vector.broadcast %mul3A_223 : i32 to vector<16xi32>
      %add3A_231 = arith.addi %add3A_230, %min3A_229 : vector<16xi32>
      %swap3A_232 = arith.constant 64 : index
      %swap3A_233 = tpu.vector_load %arg19[%swap3A_232] {strides = array<i32>} : memref<112xi32, #tpu.memory_space<vmem>>, vector<16xi32>,
      tpu.vector_store %arg19[%swap3A_232], %add3A_231 {strides = array<i32>} : memref<112xi32, #tpu.memory_space<vmem>>, vector<16xi32>,
      %get3A_234 = arith.constant 80 : index
      %get3A_235 = tpu.vector_load %arg18[%get3A_234] {strides = array<i32>} : memref<112xi32, #tpu.memory_space<vmem>>, vector<16xi32>,
      %mul3A_236 = arith.constant 1152 : i32
      %mul3A_237 = arith.muli %add3A_5, %mul3A_236 : i32
      %shift_right_logical3A_238 = arith.constant 7 : i32
      %shift_right_logical3A_239 = vector.broadcast %shift_right_logical3A_238 : i32 to vector<16xi32>
      %shift_right_logical3A_240 = arith.shrui %get3A_235, %shift_right_logical3A_239 : vector<16xi32>
      %min3A_241 = arith.constant 1151 : i32
      %min3A_242 = vector.broadcast %min3A_241 : i32 to vector<16xi32>
      %min3A_243 = arith.minsi %shift_right_logical3A_240, %min3A_242 : vector<16xi32>
      %add3A_244 = vector.broadcast %mul3A_237 : i32 to vector<16xi32>
      %add3A_245 = arith.addi %add3A_244, %min3A_243 : vector<16xi32>
      %swap3A_246 = arith.constant 80 : index
      %swap3A_247 = tpu.vector_load %arg19[%swap3A_246] {strides = array<i32>} : memref<112xi32, #tpu.memory_space<vmem>>, vector<16xi32>,
      tpu.vector_store %arg19[%swap3A_246], %add3A_245 {strides = array<i32>} : memref<112xi32, #tpu.memory_space<vmem>>, vector<16xi32>,
      %get3A_248 = arith.constant 96 : index
      %get3A_249 = tpu.vector_load %arg18[%get3A_248] {strides = array<i32>} : memref<112xi32, #tpu.memory_space<vmem>>, vector<16xi32>,
      %mul3A_250 = arith.constant 1152 : i32
      %mul3A_251 = arith.muli %add3A_5, %mul3A_250 : i32
      %shift_right_logical3A_252 = arith.constant 7 : i32
      %shift_right_logical3A_253 = vector.broadcast %shift_right_logical3A_252 : i32 to vector<16xi32>
      %shift_right_logical3A_254 = arith.shrui %get3A_249, %shift_right_logical3A_253 : vector<16xi32>
      %min3A_255 = arith.constant 1151 : i32
      %min3A_256 = vector.broadcast %min3A_255 : i32 to vector<16xi32>
      %min3A_257 = arith.minsi %shift_right_logical3A_254, %min3A_256 : vector<16xi32>
      %add3A_258 = vector.broadcast %mul3A_251 : i32 to vector<16xi32>
      %add3A_259 = arith.addi %add3A_258, %min3A_257 : vector<16xi32>
      %swap3A_260 = arith.constant 96 : index
      %swap3A_261 = tpu.vector_load %arg19[%swap3A_260] {strides = array<i32>} : memref<112xi32, #tpu.memory_space<vmem>>, vector<16xi32>,
      tpu.vector_store %arg19[%swap3A_260], %add3A_259 {strides = array<i32>} : memref<112xi32, #tpu.memory_space<vmem>>, vector<16xi32>,
      %dma_start3A = arith.constant 0 : i32
      %dma_start3A_262 = arith.constant 0 : i32
      %dma_start3A_263 = tpu.memref_slice %arg2[%dma_start3A, %dma_start3A_262] : memref<4608x128xf32, #tpu.memory_space<hbm>> -> memref<4608x128xf32, #tpu.memory_space<hbm>>
      tpu.enqueue_indirect_dma source(%dma_start3A_263 : memref<4608x128xf32, #tpu.memory_space<hbm>>) target(%arg20 : memref<112x128xf32, #tpu.memory_space<vmem>>) offsets(%arg19 : memref<112xi32, #tpu.memory_space<vmem>>) semaphore(%arg28 : memref<!tpu.dma_semaphore, #tpu.memory_space<semaphore_mem>>)
      %dma_wait3A = arith.constant 0 : i32
      %dma_wait3A_264 = arith.constant 0 : i32
      %dma_wait3A_265 = tpu.memref_slice %arg2[%dma_wait3A, %dma_wait3A_264] : memref<4608x128xf32, #tpu.memory_space<hbm>> -> memref<4608x128xf32, #tpu.memory_space<hbm>>
      tpu.wait_indirect_dma semaphore(%arg28 : memref<!tpu.dma_semaphore, #tpu.memory_space<semaphore_mem>>) src(%dma_wait3A_265 : memref<4608x128xf32, #tpu.memory_space<hbm>>) dst(%arg20 : memref<112x128xf32, #tpu.memory_space<vmem>>)
      %dma_start3A_266 = arith.constant 0 : i32
      %dma_start3A_267 = arith.constant 0 : i32
      %dma_start3A_268 = tpu.memref_slice %arg3[%dma_start3A_266, %dma_start3A_267] : memref<4608x128xf32, #tpu.memory_space<hbm>> -> memref<4608x128xf32, #tpu.memory_space<hbm>>
      tpu.enqueue_indirect_dma source(%dma_start3A_268 : memref<4608x128xf32, #tpu.memory_space<hbm>>) target(%arg21 : memref<112x128xf32, #tpu.memory_space<vmem>>) offsets(%arg19 : memref<112xi32, #tpu.memory_space<vmem>>) semaphore(%arg28 : memref<!tpu.dma_semaphore, #tpu.memory_space<semaphore_mem>>)
      %dma_wait3A_269 = arith.constant 0 : i32
      %dma_wait3A_270 = arith.constant 0 : i32
      %dma_wait3A_271 = tpu.memref_slice %arg3[%dma_wait3A_269, %dma_wait3A_270] : memref<4608x128xf32, #tpu.memory_space<hbm>> -> memref<4608x128xf32, #tpu.memory_space<hbm>>
      tpu.wait_indirect_dma semaphore(%arg28 : memref<!tpu.dma_semaphore, #tpu.memory_space<semaphore_mem>>) src(%dma_wait3A_271 : memref<4608x128xf32, #tpu.memory_space<hbm>>) dst(%arg21 : memref<112x128xf32, #tpu.memory_space<vmem>>)
      %dma_start3A_272 = arith.constant 0 : i32
      %dma_start3A_273 = arith.constant 0 : i32
      %dma_start3A_274 = tpu.memref_slice %arg4[%dma_start3A_272, %dma_start3A_273] : memref<4608x128xf32, #tpu.memory_space<hbm>> -> memref<4608x128xf32, #tpu.memory_space<hbm>>
      tpu.enqueue_indirect_dma source(%dma_start3A_274 : memref<4608x128xf32, #tpu.memory_space<hbm>>) target(%arg22 : memref<112x128xf32, #tpu.memory_space<vmem>>) offsets(%arg19 : memref<112xi32, #tpu.memory_space<vmem>>) semaphore(%arg28 : memref<!tpu.dma_semaphore, #tpu.memory_space<semaphore_mem>>)
      %dma_wait3A_275 = arith.constant 0 : i32
      %dma_wait3A_276 = arith.constant 0 : i32
      %dma_wait3A_277 = tpu.memref_slice %arg4[%dma_wait3A_275, %dma_wait3A_276] : memref<4608x128xf32, #tpu.memory_space<hbm>> -> memref<4608x128xf32, #tpu.memory_space<hbm>>
      tpu.wait_indirect_dma semaphore(%arg28 : memref<!tpu.dma_semaphore, #tpu.memory_space<semaphore_mem>>) src(%dma_wait3A_277 : memref<4608x128xf32, #tpu.memory_space<hbm>>) dst(%arg22 : memref<112x128xf32, #tpu.memory_space<vmem>>)
      %add3A_278 = arith.constant 0 : i32
      %add3A_279 = vector.broadcast %add3A_278 : i32 to vector<16xi32>
      %add3A_280 = arith.addi %add3A_279, %iota3A : vector<16xi32>
      %get3A_281 = arith.constant 0 : index
      %get3A_282 = tpu.vector_load %arg18[%get3A_281] {strides = array<i32>} : memref<112xi32, #tpu.memory_space<vmem>>, vector<16xi32>,
      %and3A_283 = arith.constant 127 : i32
      %and3A_284 = vector.broadcast %and3A_283 : i32 to vector<16xi32>
      %and3A_285 = arith.andi %get3A_282, %and3A_284 : vector<16xi32>
      %gather3A = tpu.vector_load_idx %arg20[%add3A_280, %and3A_285] : memref<112x128xf32, #tpu.memory_space<vmem>>[vector<16xi32>, vector<16xi32>], vector<16xf32>,
      %gather3A_286 = tpu.vector_load_idx %arg21[%add3A_280, %and3A_285] : memref<112x128xf32, #tpu.memory_space<vmem>>[vector<16xi32>, vector<16xi32>], vector<16xf32>,
      %gather3A_287 = tpu.vector_load_idx %arg22[%add3A_280, %and3A_285] : memref<112x128xf32, #tpu.memory_space<vmem>>[vector<16xi32>, vector<16xi32>], vector<16xf32>,
      %jit3A_288 = arith.constant 384 : i32
      %div3A_289 = vector.broadcast %jit3A_288 : i32 to vector<16xi32>
      %div3A_290 = arith.divsi %get3A_282, %div3A_289 : vector<16xi32>
      %sign3A_291 = arith.constant 0 : i32
      %sign3A_292 = vector.broadcast %sign3A_291 : i32 to vector<16xi32>
      %sign3A_293 = arith.cmpi sgt, %get3A_282, %sign3A_292 : vector<16xi32>
      %sign3A_294 = arith.extui %sign3A_293 : vector<16xi1> to vector<16xi32>
      %sign3A_295 = arith.constant 0 : i32
      %sign3A_296 = vector.broadcast %sign3A_295 : i32 to vector<16xi32>
      %sign3A_297 = arith.cmpi slt, %get3A_282, %sign3A_296 : vector<16xi32>
      %sign3A_298 = arith.extui %sign3A_297 : vector<16xi1> to vector<16xi32>
      %sign3A_299 = arith.subi %sign3A_294, %sign3A_298 : vector<16xi32>
      %sign3A_300 = arith.constant 0 : i32
      %sign3A_301 = arith.cmpi sgt, %jit3A_288, %sign3A_300 : i32
      %sign3A_302 = arith.extui %sign3A_301 : i1 to i32
      %sign3A_303 = arith.constant 0 : i32
      %sign3A_304 = arith.cmpi slt, %jit3A_288, %sign3A_303 : i32
      %sign3A_305 = arith.extui %sign3A_304 : i1 to i32
      %sign3A_306 = arith.subi %sign3A_302, %sign3A_305 : i32
      %ne3A_307 = vector.broadcast %sign3A_306 : i32 to vector<16xi32>
      %ne3A_308 = arith.cmpi ne, %sign3A_299, %ne3A_307 : vector<16xi32>
      %rem3A_309 = vector.broadcast %jit3A_288 : i32 to vector<16xi32>
      %rem3A_310 = arith.remsi %get3A_282, %rem3A_309 : vector<16xi32>
      %ne3A_311 = arith.constant 0 : i32
      %ne3A_312 = vector.broadcast %ne3A_311 : i32 to vector<16xi32>
      %ne3A_313 = arith.cmpi ne, %rem3A_310, %ne3A_312 : vector<16xi32>
      %and3A_314 = arith.andi %ne3A_308, %ne3A_313 : vector<16xi1>
      %sub3A_315 = arith.constant 1 : i32
      %sub3A_316 = vector.broadcast %sub3A_315 : i32 to vector<16xi32>
      %sub3A_317 = arith.subi %div3A_290, %sub3A_316 : vector<16xi32>
      %select_n3A_318 = arith.select %and3A_314, %sub3A_317, %div3A_290 : vector<16xi1>, vector<16xi32>
      %convert_element_type3A_319 = arith.sitofp %select_n3A_318 : vector<16xi32> to vector<16xf32>
      %jit3A_320 = arith.constant 384 : i32
      %eq3A_321 = arith.constant 0 : i32
      %eq3A_322 = arith.cmpi eq, %jit3A_320, %eq3A_321 : i32
      %jit3A_323 = arith.constant 1 : i32
      %select_n3A_324 = arith.select %eq3A_322, %jit3A_323, %jit3A_320 : i32
      %rem3A_325 = vector.broadcast %select_n3A_324 : i32 to vector<16xi32>
      %rem3A_326 = arith.remsi %get3A_282, %rem3A_325 : vector<16xi32>
      %ne3A_327 = arith.constant 0 : i32
      %ne3A_328 = vector.broadcast %ne3A_327 : i32 to vector<16xi32>
      %ne3A_329 = arith.cmpi ne, %rem3A_326, %ne3A_328 : vector<16xi32>
      %lt3A = arith.constant 0 : i32
      %lt3A_330 = vector.broadcast %lt3A : i32 to vector<16xi32>
      %lt3A_331 = arith.cmpi slt, %rem3A_326, %lt3A_330 : vector<16xi32>
      %lt3A_332 = arith.constant 0 : i32
      %lt3A_333 = arith.cmpi slt, %select_n3A_324, %lt3A_332 : i32
      %ne3A_334 = vector.broadcast %lt3A_333 : i1 to vector<16xi1>
      %ne3A_335 = vector.broadcast %ne3A_334 : vector<16xi1> to vector<16xi1>
      %ne3A_336 = arith.xori %lt3A_331, %ne3A_335 : vector<16xi1>
      %and3A_337 = arith.andi %ne3A_336, %ne3A_329 : vector<16xi1>
      %add3A_338 = vector.broadcast %select_n3A_324 : i32 to vector<16xi32>
      %add3A_339 = arith.addi %rem3A_326, %add3A_338 : vector<16xi32>
      %select_n3A_340 = arith.select %and3A_337, %add3A_339, %rem3A_326 : vector<16xi1>, vector<16xi32>
      %convert_element_type3A_341 = arith.sitofp %select_n3A_340 : vector<16xi32> to vector<16xf32>
      %mul3A_342 = arith.constant 3 : i32
      %mul3A_343 = vector.broadcast %mul3A_342 : i32 to vector<16xi32>
      %mul3A_344 = arith.muli %mul3A_343, %add3A_280 : vector<16xi32>
      %add3A_345 = arith.constant 0 : i32
      %add3A_346 = vector.broadcast %add3A_345 : i32 to vector<16xi32>
      %add3A_347 = arith.addi %mul3A_344, %add3A_346 : vector<16xi32>
      %add3A_348 = arith.addf %convert_element_type3A_319, %gather3A : vector<16xf32>
      tpu.vector_store_idx %arg23[%add3A_347], %add3A_348 : memref<512xf32, #tpu.memory_space<vmem>>[vector<16xi32>], vector<16xf32>,
      %mul3A_349 = arith.constant 3 : i32
      %mul3A_350 = vector.broadcast %mul3A_349 : i32 to vector<16xi32>
      %mul3A_351 = arith.muli %mul3A_350, %add3A_280 : vector<16xi32>
      %add3A_352 = arith.constant 1 : i32
      %add3A_353 = vector.broadcast %add3A_352 : i32 to vector<16xi32>
      %add3A_354 = arith.addi %mul3A_351, %add3A_353 : vector<16xi32>
      %add3A_355 = arith.addf %convert_element_type3A_341, %gather3A_286 : vector<16xf32>
      tpu.vector_store_idx %arg23[%add3A_354], %add3A_355 : memref<512xf32, #tpu.memory_space<vmem>>[vector<16xi32>], vector<16xf32>,
      %mul3A_356 = arith.constant 3 : i32
      %mul3A_357 = vector.broadcast %mul3A_356 : i32 to vector<16xi32>
      %mul3A_358 = arith.muli %mul3A_357, %add3A_280 : vector<16xi32>
      %add3A_359 = arith.constant 2 : i32
      %add3A_360 = vector.broadcast %add3A_359 : i32 to vector<16xi32>
      %add3A_361 = arith.addi %mul3A_358, %add3A_360 : vector<16xi32>
      tpu.vector_store_idx %arg23[%add3A_361], %gather3A_287 : memref<512xf32, #tpu.memory_space<vmem>>[vector<16xi32>], vector<16xf32>,
      %add3A_362 = arith.constant 16 : i32
      %add3A_363 = vector.broadcast %add3A_362 : i32 to vector<16xi32>
      %add3A_364 = arith.addi %add3A_363, %iota3A : vector<16xi32>
      %get3A_365 = arith.constant 16 : index
      %get3A_366 = tpu.vector_load %arg18[%get3A_365] {strides = array<i32>} : memref<112xi32, #tpu.memory_space<vmem>>, vector<16xi32>,
      %and3A_367 = arith.constant 127 : i32
      %and3A_368 = vector.broadcast %and3A_367 : i32 to vector<16xi32>
      %and3A_369 = arith.andi %get3A_366, %and3A_368 : vector<16xi32>
      %gather3A_370 = tpu.vector_load_idx %arg20[%add3A_364, %and3A_369] : memref<112x128xf32, #tpu.memory_space<vmem>>[vector<16xi32>, vector<16xi32>], vector<16xf32>,
      %gather3A_371 = tpu.vector_load_idx %arg21[%add3A_364, %and3A_369] : memref<112x128xf32, #tpu.memory_space<vmem>>[vector<16xi32>, vector<16xi32>], vector<16xf32>,
      %gather3A_372 = tpu.vector_load_idx %arg22[%add3A_364, %and3A_369] : memref<112x128xf32, #tpu.memory_space<vmem>>[vector<16xi32>, vector<16xi32>], vector<16xf32>,
      %jit3A_373 = arith.constant 384 : i32
      %div3A_374 = vector.broadcast %jit3A_373 : i32 to vector<16xi32>
      %div3A_375 = arith.divsi %get3A_366, %div3A_374 : vector<16xi32>
      %sign3A_376 = arith.constant 0 : i32
      %sign3A_377 = vector.broadcast %sign3A_376 : i32 to vector<16xi32>
      %sign3A_378 = arith.cmpi sgt, %get3A_366, %sign3A_377 : vector<16xi32>
      %sign3A_379 = arith.extui %sign3A_378 : vector<16xi1> to vector<16xi32>
      %sign3A_380 = arith.constant 0 : i32
      %sign3A_381 = vector.broadcast %sign3A_380 : i32 to vector<16xi32>
      %sign3A_382 = arith.cmpi slt, %get3A_366, %sign3A_381 : vector<16xi32>
      %sign3A_383 = arith.extui %sign3A_382 : vector<16xi1> to vector<16xi32>
      %sign3A_384 = arith.subi %sign3A_379, %sign3A_383 : vector<16xi32>
      %sign3A_385 = arith.constant 0 : i32
      %sign3A_386 = arith.cmpi sgt, %jit3A_373, %sign3A_385 : i32
      %sign3A_387 = arith.extui %sign3A_386 : i1 to i32
      %sign3A_388 = arith.constant 0 : i32
      %sign3A_389 = arith.cmpi slt, %jit3A_373, %sign3A_388 : i32
      %sign3A_390 = arith.extui %sign3A_389 : i1 to i32
      %sign3A_391 = arith.subi %sign3A_387, %sign3A_390 : i32
      %ne3A_392 = vector.broadcast %sign3A_391 : i32 to vector<16xi32>
      %ne3A_393 = arith.cmpi ne, %sign3A_384, %ne3A_392 : vector<16xi32>
      %rem3A_394 = vector.broadcast %jit3A_373 : i32 to vector<16xi32>
      %rem3A_395 = arith.remsi %get3A_366, %rem3A_394 : vector<16xi32>
      %ne3A_396 = arith.constant 0 : i32
      %ne3A_397 = vector.broadcast %ne3A_396 : i32 to vector<16xi32>
      %ne3A_398 = arith.cmpi ne, %rem3A_395, %ne3A_397 : vector<16xi32>
      %and3A_399 = arith.andi %ne3A_393, %ne3A_398 : vector<16xi1>
      %sub3A_400 = arith.constant 1 : i32
      %sub3A_401 = vector.broadcast %sub3A_400 : i32 to vector<16xi32>
      %sub3A_402 = arith.subi %div3A_375, %sub3A_401 : vector<16xi32>
      %select_n3A_403 = arith.select %and3A_399, %sub3A_402, %div3A_375 : vector<16xi1>, vector<16xi32>
      %convert_element_type3A_404 = arith.sitofp %select_n3A_403 : vector<16xi32> to vector<16xf32>
      %jit3A_405 = arith.constant 384 : i32
      %eq3A_406 = arith.constant 0 : i32
      %eq3A_407 = arith.cmpi eq, %jit3A_405, %eq3A_406 : i32
      %jit3A_408 = arith.constant 1 : i32
      %select_n3A_409 = arith.select %eq3A_407, %jit3A_408, %jit3A_405 : i32
      %rem3A_410 = vector.broadcast %select_n3A_409 : i32 to vector<16xi32>
      %rem3A_411 = arith.remsi %get3A_366, %rem3A_410 : vector<16xi32>
      %ne3A_412 = arith.constant 0 : i32
      %ne3A_413 = vector.broadcast %ne3A_412 : i32 to vector<16xi32>
      %ne3A_414 = arith.cmpi ne, %rem3A_411, %ne3A_413 : vector<16xi32>
      %lt3A_415 = arith.constant 0 : i32
      %lt3A_416 = vector.broadcast %lt3A_415 : i32 to vector<16xi32>
      %lt3A_417 = arith.cmpi slt, %rem3A_411, %lt3A_416 : vector<16xi32>
      %lt3A_418 = arith.constant 0 : i32
      %lt3A_419 = arith.cmpi slt, %select_n3A_409, %lt3A_418 : i32
      %ne3A_420 = vector.broadcast %lt3A_419 : i1 to vector<16xi1>
      %ne3A_421 = vector.broadcast %ne3A_420 : vector<16xi1> to vector<16xi1>
      %ne3A_422 = arith.xori %lt3A_417, %ne3A_421 : vector<16xi1>
      %and3A_423 = arith.andi %ne3A_422, %ne3A_414 : vector<16xi1>
      %add3A_424 = vector.broadcast %select_n3A_409 : i32 to vector<16xi32>
      %add3A_425 = arith.addi %rem3A_411, %add3A_424 : vector<16xi32>
      %select_n3A_426 = arith.select %and3A_423, %add3A_425, %rem3A_411 : vector<16xi1>, vector<16xi32>
      %convert_element_type3A_427 = arith.sitofp %select_n3A_426 : vector<16xi32> to vector<16xf32>
      %mul3A_428 = arith.constant 3 : i32
      %mul3A_429 = vector.broadcast %mul3A_428 : i32 to vector<16xi32>
      %mul3A_430 = arith.muli %mul3A_429, %add3A_364 : vector<16xi32>
      %add3A_431 = arith.constant 0 : i32
      %add3A_432 = vector.broadcast %add3A_431 : i32 to vector<16xi32>
      %add3A_433 = arith.addi %mul3A_430, %add3A_432 : vector<16xi32>
      %add3A_434 = arith.addf %convert_element_type3A_404, %gather3A_370 : vector<16xf32>
      tpu.vector_store_idx %arg23[%add3A_433], %add3A_434 : memref<512xf32, #tpu.memory_space<vmem>>[vector<16xi32>], vector<16xf32>,
      %mul3A_435 = arith.constant 3 : i32
      %mul3A_436 = vector.broadcast %mul3A_435 : i32 to vector<16xi32>
      %mul3A_437 = arith.muli %mul3A_436, %add3A_364 : vector<16xi32>
      %add3A_438 = arith.constant 1 : i32
      %add3A_439 = vector.broadcast %add3A_438 : i32 to vector<16xi32>
      %add3A_440 = arith.addi %mul3A_437, %add3A_439 : vector<16xi32>
      %add3A_441 = arith.addf %convert_element_type3A_427, %gather3A_371 : vector<16xf32>
      tpu.vector_store_idx %arg23[%add3A_440], %add3A_441 : memref<512xf32, #tpu.memory_space<vmem>>[vector<16xi32>], vector<16xf32>,
      %mul3A_442 = arith.constant 3 : i32
      %mul3A_443 = vector.broadcast %mul3A_442 : i32 to vector<16xi32>
      %mul3A_444 = arith.muli %mul3A_443, %add3A_364 : vector<16xi32>
      %add3A_445 = arith.constant 2 : i32
      %add3A_446 = vector.broadcast %add3A_445 : i32 to vector<16xi32>
      %add3A_447 = arith.addi %mul3A_444, %add3A_446 : vector<16xi32>
      tpu.vector_store_idx %arg23[%add3A_447], %gather3A_372 : memref<512xf32, #tpu.memory_space<vmem>>[vector<16xi32>], vector<16xf32>,
      %add3A_448 = arith.constant 32 : i32
      %add3A_449 = vector.broadcast %add3A_448 : i32 to vector<16xi32>
      %add3A_450 = arith.addi %add3A_449, %iota3A : vector<16xi32>
      %get3A_451 = arith.constant 32 : index
      %get3A_452 = tpu.vector_load %arg18[%get3A_451] {strides = array<i32>} : memref<112xi32, #tpu.memory_space<vmem>>, vector<16xi32>,
      %and3A_453 = arith.constant 127 : i32
      %and3A_454 = vector.broadcast %and3A_453 : i32 to vector<16xi32>
      %and3A_455 = arith.andi %get3A_452, %and3A_454 : vector<16xi32>
      %gather3A_456 = tpu.vector_load_idx %arg20[%add3A_450, %and3A_455] : memref<112x128xf32, #tpu.memory_space<vmem>>[vector<16xi32>, vector<16xi32>], vector<16xf32>,
      %gather3A_457 = tpu.vector_load_idx %arg21[%add3A_450, %and3A_455] : memref<112x128xf32, #tpu.memory_space<vmem>>[vector<16xi32>, vector<16xi32>], vector<16xf32>,
      %gather3A_458 = tpu.vector_load_idx %arg22[%add3A_450, %and3A_455] : memref<112x128xf32, #tpu.memory_space<vmem>>[vector<16xi32>, vector<16xi32>], vector<16xf32>,
      %jit3A_459 = arith.constant 384 : i32
      %div3A_460 = vector.broadcast %jit3A_459 : i32 to vector<16xi32>
      %div3A_461 = arith.divsi %get3A_452, %div3A_460 : vector<16xi32>
      %sign3A_462 = arith.constant 0 : i32
      %sign3A_463 = vector.broadcast %sign3A_462 : i32 to vector<16xi32>
      %sign3A_464 = arith.cmpi sgt, %get3A_452, %sign3A_463 : vector<16xi32>
      %sign3A_465 = arith.extui %sign3A_464 : vector<16xi1> to vector<16xi32>
      %sign3A_466 = arith.constant 0 : i32
      %sign3A_467 = vector.broadcast %sign3A_466 : i32 to vector<16xi32>
      %sign3A_468 = arith.cmpi slt, %get3A_452, %sign3A_467 : vector<16xi32>
      %sign3A_469 = arith.extui %sign3A_468 : vector<16xi1> to vector<16xi32>
      %sign3A_470 = arith.subi %sign3A_465, %sign3A_469 : vector<16xi32>
      %sign3A_471 = arith.constant 0 : i32
      %sign3A_472 = arith.cmpi sgt, %jit3A_459, %sign3A_471 : i32
      %sign3A_473 = arith.extui %sign3A_472 : i1 to i32
      %sign3A_474 = arith.constant 0 : i32
      %sign3A_475 = arith.cmpi slt, %jit3A_459, %sign3A_474 : i32
      %sign3A_476 = arith.extui %sign3A_475 : i1 to i32
      %sign3A_477 = arith.subi %sign3A_473, %sign3A_476 : i32
      %ne3A_478 = vector.broadcast %sign3A_477 : i32 to vector<16xi32>
      %ne3A_479 = arith.cmpi ne, %sign3A_470, %ne3A_478 : vector<16xi32>
      %rem3A_480 = vector.broadcast %jit3A_459 : i32 to vector<16xi32>
      %rem3A_481 = arith.remsi %get3A_452, %rem3A_480 : vector<16xi32>
      %ne3A_482 = arith.constant 0 : i32
      %ne3A_483 = vector.broadcast %ne3A_482 : i32 to vector<16xi32>
      %ne3A_484 = arith.cmpi ne, %rem3A_481, %ne3A_483 : vector<16xi32>
      %and3A_485 = arith.andi %ne3A_479, %ne3A_484 : vector<16xi1>
      %sub3A_486 = arith.constant 1 : i32
      %sub3A_487 = vector.broadcast %sub3A_486 : i32 to vector<16xi32>
      %sub3A_488 = arith.subi %div3A_461, %sub3A_487 : vector<16xi32>
      %select_n3A_489 = arith.select %and3A_485, %sub3A_488, %div3A_461 : vector<16xi1>, vector<16xi32>
      %convert_element_type3A_490 = arith.sitofp %select_n3A_489 : vector<16xi32> to vector<16xf32>
      %jit3A_491 = arith.constant 384 : i32
      %eq3A_492 = arith.constant 0 : i32
      %eq3A_493 = arith.cmpi eq, %jit3A_491, %eq3A_492 : i32
      %jit3A_494 = arith.constant 1 : i32
      %select_n3A_495 = arith.select %eq3A_493, %jit3A_494, %jit3A_491 : i32
      %rem3A_496 = vector.broadcast %select_n3A_495 : i32 to vector<16xi32>
      %rem3A_497 = arith.remsi %get3A_452, %rem3A_496 : vector<16xi32>
      %ne3A_498 = arith.constant 0 : i32
      %ne3A_499 = vector.broadcast %ne3A_498 : i32 to vector<16xi32>
      %ne3A_500 = arith.cmpi ne, %rem3A_497, %ne3A_499 : vector<16xi32>
      %lt3A_501 = arith.constant 0 : i32
      %lt3A_502 = vector.broadcast %lt3A_501 : i32 to vector<16xi32>
      %lt3A_503 = arith.cmpi slt, %rem3A_497, %lt3A_502 : vector<16xi32>
      %lt3A_504 = arith.constant 0 : i32
      %lt3A_505 = arith.cmpi slt, %select_n3A_495, %lt3A_504 : i32
      %ne3A_506 = vector.broadcast %lt3A_505 : i1 to vector<16xi1>
      %ne3A_507 = vector.broadcast %ne3A_506 : vector<16xi1> to vector<16xi1>
      %ne3A_508 = arith.xori %lt3A_503, %ne3A_507 : vector<16xi1>
      %and3A_509 = arith.andi %ne3A_508, %ne3A_500 : vector<16xi1>
      %add3A_510 = vector.broadcast %select_n3A_495 : i32 to vector<16xi32>
      %add3A_511 = arith.addi %rem3A_497, %add3A_510 : vector<16xi32>
      %select_n3A_512 = arith.select %and3A_509, %add3A_511, %rem3A_497 : vector<16xi1>, vector<16xi32>
      %convert_element_type3A_513 = arith.sitofp %select_n3A_512 : vector<16xi32> to vector<16xf32>
      %mul3A_514 = arith.constant 3 : i32
      %mul3A_515 = vector.broadcast %mul3A_514 : i32 to vector<16xi32>
      %mul3A_516 = arith.muli %mul3A_515, %add3A_450 : vector<16xi32>
      %add3A_517 = arith.constant 0 : i32
      %add3A_518 = vector.broadcast %add3A_517 : i32 to vector<16xi32>
      %add3A_519 = arith.addi %mul3A_516, %add3A_518 : vector<16xi32>
      %add3A_520 = arith.addf %convert_element_type3A_490, %gather3A_456 : vector<16xf32>
      tpu.vector_store_idx %arg23[%add3A_519], %add3A_520 : memref<512xf32, #tpu.memory_space<vmem>>[vector<16xi32>], vector<16xf32>,
      %mul3A_521 = arith.constant 3 : i32
      %mul3A_522 = vector.broadcast %mul3A_521 : i32 to vector<16xi32>
      %mul3A_523 = arith.muli %mul3A_522, %add3A_450 : vector<16xi32>
      %add3A_524 = arith.constant 1 : i32
      %add3A_525 = vector.broadcast %add3A_524 : i32 to vector<16xi32>
      %add3A_526 = arith.addi %mul3A_523, %add3A_525 : vector<16xi32>
      %add3A_527 = arith.addf %convert_element_type3A_513, %gather3A_457 : vector<16xf32>
      tpu.vector_store_idx %arg23[%add3A_526], %add3A_527 : memref<512xf32, #tpu.memory_space<vmem>>[vector<16xi32>], vector<16xf32>,
      %mul3A_528 = arith.constant 3 : i32
      %mul3A_529 = vector.broadcast %mul3A_528 : i32 to vector<16xi32>
      %mul3A_530 = arith.muli %mul3A_529, %add3A_450 : vector<16xi32>
      %add3A_531 = arith.constant 2 : i32
      %add3A_532 = vector.broadcast %add3A_531 : i32 to vector<16xi32>
      %add3A_533 = arith.addi %mul3A_530, %add3A_532 : vector<16xi32>
      tpu.vector_store_idx %arg23[%add3A_533], %gather3A_458 : memref<512xf32, #tpu.memory_space<vmem>>[vector<16xi32>], vector<16xf32>,
      %add3A_534 = arith.constant 48 : i32
      %add3A_535 = vector.broadcast %add3A_534 : i32 to vector<16xi32>
      %add3A_536 = arith.addi %add3A_535, %iota3A : vector<16xi32>
      %get3A_537 = arith.constant 48 : index
      %get3A_538 = tpu.vector_load %arg18[%get3A_537] {strides = array<i32>} : memref<112xi32, #tpu.memory_space<vmem>>, vector<16xi32>,
      %and3A_539 = arith.constant 127 : i32
      %and3A_540 = vector.broadcast %and3A_539 : i32 to vector<16xi32>
      %and3A_541 = arith.andi %get3A_538, %and3A_540 : vector<16xi32>
      %gather3A_542 = tpu.vector_load_idx %arg20[%add3A_536, %and3A_541] : memref<112x128xf32, #tpu.memory_space<vmem>>[vector<16xi32>, vector<16xi32>], vector<16xf32>,
      %gather3A_543 = tpu.vector_load_idx %arg21[%add3A_536, %and3A_541] : memref<112x128xf32, #tpu.memory_space<vmem>>[vector<16xi32>, vector<16xi32>], vector<16xf32>,
      %gather3A_544 = tpu.vector_load_idx %arg22[%add3A_536, %and3A_541] : memref<112x128xf32, #tpu.memory_space<vmem>>[vector<16xi32>, vector<16xi32>], vector<16xf32>,
      %jit3A_545 = arith.constant 384 : i32
      %div3A_546 = vector.broadcast %jit3A_545 : i32 to vector<16xi32>
      %div3A_547 = arith.divsi %get3A_538, %div3A_546 : vector<16xi32>
      %sign3A_548 = arith.constant 0 : i32
      %sign3A_549 = vector.broadcast %sign3A_548 : i32 to vector<16xi32>
      %sign3A_550 = arith.cmpi sgt, %get3A_538, %sign3A_549 : vector<16xi32>
      %sign3A_551 = arith.extui %sign3A_550 : vector<16xi1> to vector<16xi32>
      %sign3A_552 = arith.constant 0 : i32
      %sign3A_553 = vector.broadcast %sign3A_552 : i32 to vector<16xi32>
      %sign3A_554 = arith.cmpi slt, %get3A_538, %sign3A_553 : vector<16xi32>
      %sign3A_555 = arith.extui %sign3A_554 : vector<16xi1> to vector<16xi32>
      %sign3A_556 = arith.subi %sign3A_551, %sign3A_555 : vector<16xi32>
      %sign3A_557 = arith.constant 0 : i32
      %sign3A_558 = arith.cmpi sgt, %jit3A_545, %sign3A_557 : i32
      %sign3A_559 = arith.extui %sign3A_558 : i1 to i32
      %sign3A_560 = arith.constant 0 : i32
      %sign3A_561 = arith.cmpi slt, %jit3A_545, %sign3A_560 : i32
      %sign3A_562 = arith.extui %sign3A_561 : i1 to i32
      %sign3A_563 = arith.subi %sign3A_559, %sign3A_562 : i32
      %ne3A_564 = vector.broadcast %sign3A_563 : i32 to vector<16xi32>
      %ne3A_565 = arith.cmpi ne, %sign3A_556, %ne3A_564 : vector<16xi32>
      %rem3A_566 = vector.broadcast %jit3A_545 : i32 to vector<16xi32>
      %rem3A_567 = arith.remsi %get3A_538, %rem3A_566 : vector<16xi32>
      %ne3A_568 = arith.constant 0 : i32
      %ne3A_569 = vector.broadcast %ne3A_568 : i32 to vector<16xi32>
      %ne3A_570 = arith.cmpi ne, %rem3A_567, %ne3A_569 : vector<16xi32>
      %and3A_571 = arith.andi %ne3A_565, %ne3A_570 : vector<16xi1>
      %sub3A_572 = arith.constant 1 : i32
      %sub3A_573 = vector.broadcast %sub3A_572 : i32 to vector<16xi32>
      %sub3A_574 = arith.subi %div3A_547, %sub3A_573 : vector<16xi32>
      %select_n3A_575 = arith.select %and3A_571, %sub3A_574, %div3A_547 : vector<16xi1>, vector<16xi32>
      %convert_element_type3A_576 = arith.sitofp %select_n3A_575 : vector<16xi32> to vector<16xf32>
      %jit3A_577 = arith.constant 384 : i32
      %eq3A_578 = arith.constant 0 : i32
      %eq3A_579 = arith.cmpi eq, %jit3A_577, %eq3A_578 : i32
      %jit3A_580 = arith.constant 1 : i32
      %select_n3A_581 = arith.select %eq3A_579, %jit3A_580, %jit3A_577 : i32
      %rem3A_582 = vector.broadcast %select_n3A_581 : i32 to vector<16xi32>
      %rem3A_583 = arith.remsi %get3A_538, %rem3A_582 : vector<16xi32>
      %ne3A_584 = arith.constant 0 : i32
      %ne3A_585 = vector.broadcast %ne3A_584 : i32 to vector<16xi32>
      %ne3A_586 = arith.cmpi ne, %rem3A_583, %ne3A_585 : vector<16xi32>
      %lt3A_587 = arith.constant 0 : i32
      %lt3A_588 = vector.broadcast %lt3A_587 : i32 to vector<16xi32>
      %lt3A_589 = arith.cmpi slt, %rem3A_583, %lt3A_588 : vector<16xi32>
      %lt3A_590 = arith.constant 0 : i32
      %lt3A_591 = arith.cmpi slt, %select_n3A_581, %lt3A_590 : i32
      %ne3A_592 = vector.broadcast %lt3A_591 : i1 to vector<16xi1>
      %ne3A_593 = vector.broadcast %ne3A_592 : vector<16xi1> to vector<16xi1>
      %ne3A_594 = arith.xori %lt3A_589, %ne3A_593 : vector<16xi1>
      %and3A_595 = arith.andi %ne3A_594, %ne3A_586 : vector<16xi1>
      %add3A_596 = vector.broadcast %select_n3A_581 : i32 to vector<16xi32>
      %add3A_597 = arith.addi %rem3A_583, %add3A_596 : vector<16xi32>
      %select_n3A_598 = arith.select %and3A_595, %add3A_597, %rem3A_583 : vector<16xi1>, vector<16xi32>
      %convert_element_type3A_599 = arith.sitofp %select_n3A_598 : vector<16xi32> to vector<16xf32>
      %mul3A_600 = arith.constant 3 : i32
      %mul3A_601 = vector.broadcast %mul3A_600 : i32 to vector<16xi32>
      %mul3A_602 = arith.muli %mul3A_601, %add3A_536 : vector<16xi32>
      %add3A_603 = arith.constant 0 : i32
      %add3A_604 = vector.broadcast %add3A_603 : i32 to vector<16xi32>
      %add3A_605 = arith.addi %mul3A_602, %add3A_604 : vector<16xi32>
      %add3A_606 = arith.addf %convert_element_type3A_576, %gather3A_542 : vector<16xf32>
      tpu.vector_store_idx %arg23[%add3A_605], %add3A_606 : memref<512xf32, #tpu.memory_space<vmem>>[vector<16xi32>], vector<16xf32>,
      %mul3A_607 = arith.constant 3 : i32
      %mul3A_608 = vector.broadcast %mul3A_607 : i32 to vector<16xi32>
      %mul3A_609 = arith.muli %mul3A_608, %add3A_536 : vector<16xi32>
      %add3A_610 = arith.constant 1 : i32
      %add3A_611 = vector.broadcast %add3A_610 : i32 to vector<16xi32>
      %add3A_612 = arith.addi %mul3A_609, %add3A_611 : vector<16xi32>
      %add3A_613 = arith.addf %convert_element_type3A_599, %gather3A_543 : vector<16xf32>
      tpu.vector_store_idx %arg23[%add3A_612], %add3A_613 : memref<512xf32, #tpu.memory_space<vmem>>[vector<16xi32>], vector<16xf32>,
      %mul3A_614 = arith.constant 3 : i32
      %mul3A_615 = vector.broadcast %mul3A_614 : i32 to vector<16xi32>
      %mul3A_616 = arith.muli %mul3A_615, %add3A_536 : vector<16xi32>
      %add3A_617 = arith.constant 2 : i32
      %add3A_618 = vector.broadcast %add3A_617 : i32 to vector<16xi32>
      %add3A_619 = arith.addi %mul3A_616, %add3A_618 : vector<16xi32>
      tpu.vector_store_idx %arg23[%add3A_619], %gather3A_544 : memref<512xf32, #tpu.memory_space<vmem>>[vector<16xi32>], vector<16xf32>,
      %add3A_620 = arith.constant 64 : i32
      %add3A_621 = vector.broadcast %add3A_620 : i32 to vector<16xi32>
      %add3A_622 = arith.addi %add3A_621, %iota3A : vector<16xi32>
      %get3A_623 = arith.constant 64 : index
      %get3A_624 = tpu.vector_load %arg18[%get3A_623] {strides = array<i32>} : memref<112xi32, #tpu.memory_space<vmem>>, vector<16xi32>,
      %and3A_625 = arith.constant 127 : i32
      %and3A_626 = vector.broadcast %and3A_625 : i32 to vector<16xi32>
      %and3A_627 = arith.andi %get3A_624, %and3A_626 : vector<16xi32>
      %gather3A_628 = tpu.vector_load_idx %arg20[%add3A_622, %and3A_627] : memref<112x128xf32, #tpu.memory_space<vmem>>[vector<16xi32>, vector<16xi32>], vector<16xf32>,
      %gather3A_629 = tpu.vector_load_idx %arg21[%add3A_622, %and3A_627] : memref<112x128xf32, #tpu.memory_space<vmem>>[vector<16xi32>, vector<16xi32>], vector<16xf32>,
      %gather3A_630 = tpu.vector_load_idx %arg22[%add3A_622, %and3A_627] : memref<112x128xf32, #tpu.memory_space<vmem>>[vector<16xi32>, vector<16xi32>], vector<16xf32>,
      %jit3A_631 = arith.constant 384 : i32
      %div3A_632 = vector.broadcast %jit3A_631 : i32 to vector<16xi32>
      %div3A_633 = arith.divsi %get3A_624, %div3A_632 : vector<16xi32>
      %sign3A_634 = arith.constant 0 : i32
      %sign3A_635 = vector.broadcast %sign3A_634 : i32 to vector<16xi32>
      %sign3A_636 = arith.cmpi sgt, %get3A_624, %sign3A_635 : vector<16xi32>
      %sign3A_637 = arith.extui %sign3A_636 : vector<16xi1> to vector<16xi32>
      %sign3A_638 = arith.constant 0 : i32
      %sign3A_639 = vector.broadcast %sign3A_638 : i32 to vector<16xi32>
      %sign3A_640 = arith.cmpi slt, %get3A_624, %sign3A_639 : vector<16xi32>
      %sign3A_641 = arith.extui %sign3A_640 : vector<16xi1> to vector<16xi32>
      %sign3A_642 = arith.subi %sign3A_637, %sign3A_641 : vector<16xi32>
      %sign3A_643 = arith.constant 0 : i32
      %sign3A_644 = arith.cmpi sgt, %jit3A_631, %sign3A_643 : i32
      %sign3A_645 = arith.extui %sign3A_644 : i1 to i32
      %sign3A_646 = arith.constant 0 : i32
      %sign3A_647 = arith.cmpi slt, %jit3A_631, %sign3A_646 : i32
      %sign3A_648 = arith.extui %sign3A_647 : i1 to i32
      %sign3A_649 = arith.subi %sign3A_645, %sign3A_648 : i32
      %ne3A_650 = vector.broadcast %sign3A_649 : i32 to vector<16xi32>
      %ne3A_651 = arith.cmpi ne, %sign3A_642, %ne3A_650 : vector<16xi32>
      %rem3A_652 = vector.broadcast %jit3A_631 : i32 to vector<16xi32>
      %rem3A_653 = arith.remsi %get3A_624, %rem3A_652 : vector<16xi32>
      %ne3A_654 = arith.constant 0 : i32
      %ne3A_655 = vector.broadcast %ne3A_654 : i32 to vector<16xi32>
      %ne3A_656 = arith.cmpi ne, %rem3A_653, %ne3A_655 : vector<16xi32>
      %and3A_657 = arith.andi %ne3A_651, %ne3A_656 : vector<16xi1>
      %sub3A_658 = arith.constant 1 : i32
      %sub3A_659 = vector.broadcast %sub3A_658 : i32 to vector<16xi32>
      %sub3A_660 = arith.subi %div3A_633, %sub3A_659 : vector<16xi32>
      %select_n3A_661 = arith.select %and3A_657, %sub3A_660, %div3A_633 : vector<16xi1>, vector<16xi32>
      %convert_element_type3A_662 = arith.sitofp %select_n3A_661 : vector<16xi32> to vector<16xf32>
      %jit3A_663 = arith.constant 384 : i32
      %eq3A_664 = arith.constant 0 : i32
      %eq3A_665 = arith.cmpi eq, %jit3A_663, %eq3A_664 : i32
      %jit3A_666 = arith.constant 1 : i32
      %select_n3A_667 = arith.select %eq3A_665, %jit3A_666, %jit3A_663 : i32
      %rem3A_668 = vector.broadcast %select_n3A_667 : i32 to vector<16xi32>
      %rem3A_669 = arith.remsi %get3A_624, %rem3A_668 : vector<16xi32>
      %ne3A_670 = arith.constant 0 : i32
      %ne3A_671 = vector.broadcast %ne3A_670 : i32 to vector<16xi32>
      %ne3A_672 = arith.cmpi ne, %rem3A_669, %ne3A_671 : vector<16xi32>
      %lt3A_673 = arith.constant 0 : i32
      %lt3A_674 = vector.broadcast %lt3A_673 : i32 to vector<16xi32>
      %lt3A_675 = arith.cmpi slt, %rem3A_669, %lt3A_674 : vector<16xi32>
      %lt3A_676 = arith.constant 0 : i32
      %lt3A_677 = arith.cmpi slt, %select_n3A_667, %lt3A_676 : i32
      %ne3A_678 = vector.broadcast %lt3A_677 : i1 to vector<16xi1>
      %ne3A_679 = vector.broadcast %ne3A_678 : vector<16xi1> to vector<16xi1>
      %ne3A_680 = arith.xori %lt3A_675, %ne3A_679 : vector<16xi1>
      %and3A_681 = arith.andi %ne3A_680, %ne3A_672 : vector<16xi1>
      %add3A_682 = vector.broadcast %select_n3A_667 : i32 to vector<16xi32>
      %add3A_683 = arith.addi %rem3A_669, %add3A_682 : vector<16xi32>
      %select_n3A_684 = arith.select %and3A_681, %add3A_683, %rem3A_669 : vector<16xi1>, vector<16xi32>
      %convert_element_type3A_685 = arith.sitofp %select_n3A_684 : vector<16xi32> to vector<16xf32>
      %mul3A_686 = arith.constant 3 : i32
      %mul3A_687 = vector.broadcast %mul3A_686 : i32 to vector<16xi32>
      %mul3A_688 = arith.muli %mul3A_687, %add3A_622 : vector<16xi32>
      %add3A_689 = arith.constant 0 : i32
      %add3A_690 = vector.broadcast %add3A_689 : i32 to vector<16xi32>
      %add3A_691 = arith.addi %mul3A_688, %add3A_690 : vector<16xi32>
      %add3A_692 = arith.addf %convert_element_type3A_662, %gather3A_628 : vector<16xf32>
      tpu.vector_store_idx %arg23[%add3A_691], %add3A_692 : memref<512xf32, #tpu.memory_space<vmem>>[vector<16xi32>], vector<16xf32>,
      %mul3A_693 = arith.constant 3 : i32
      %mul3A_694 = vector.broadcast %mul3A_693 : i32 to vector<16xi32>
      %mul3A_695 = arith.muli %mul3A_694, %add3A_622 : vector<16xi32>
      %add3A_696 = arith.constant 1 : i32
      %add3A_697 = vector.broadcast %add3A_696 : i32 to vector<16xi32>
      %add3A_698 = arith.addi %mul3A_695, %add3A_697 : vector<16xi32>
      %add3A_699 = arith.addf %convert_element_type3A_685, %gather3A_629 : vector<16xf32>
      tpu.vector_store_idx %arg23[%add3A_698], %add3A_699 : memref<512xf32, #tpu.memory_space<vmem>>[vector<16xi32>], vector<16xf32>,
      %mul3A_700 = arith.constant 3 : i32
      %mul3A_701 = vector.broadcast %mul3A_700 : i32 to vector<16xi32>
      %mul3A_702 = arith.muli %mul3A_701, %add3A_622 : vector<16xi32>
      %add3A_703 = arith.constant 2 : i32
      %add3A_704 = vector.broadcast %add3A_703 : i32 to vector<16xi32>
      %add3A_705 = arith.addi %mul3A_702, %add3A_704 : vector<16xi32>
      tpu.vector_store_idx %arg23[%add3A_705], %gather3A_630 : memref<512xf32, #tpu.memory_space<vmem>>[vector<16xi32>], vector<16xf32>,
      %add3A_706 = arith.constant 80 : i32
      %add3A_707 = vector.broadcast %add3A_706 : i32 to vector<16xi32>
      %add3A_708 = arith.addi %add3A_707, %iota3A : vector<16xi32>
      %get3A_709 = arith.constant 80 : index
      %get3A_710 = tpu.vector_load %arg18[%get3A_709] {strides = array<i32>} : memref<112xi32, #tpu.memory_space<vmem>>, vector<16xi32>,
      %and3A_711 = arith.constant 127 : i32
      %and3A_712 = vector.broadcast %and3A_711 : i32 to vector<16xi32>
      %and3A_713 = arith.andi %get3A_710, %and3A_712 : vector<16xi32>
      %gather3A_714 = tpu.vector_load_idx %arg20[%add3A_708, %and3A_713] : memref<112x128xf32, #tpu.memory_space<vmem>>[vector<16xi32>, vector<16xi32>], vector<16xf32>,
      %gather3A_715 = tpu.vector_load_idx %arg21[%add3A_708, %and3A_713] : memref<112x128xf32, #tpu.memory_space<vmem>>[vector<16xi32>, vector<16xi32>], vector<16xf32>,
      %gather3A_716 = tpu.vector_load_idx %arg22[%add3A_708, %and3A_713] : memref<112x128xf32, #tpu.memory_space<vmem>>[vector<16xi32>, vector<16xi32>], vector<16xf32>,
      %jit3A_717 = arith.constant 384 : i32
      %div3A_718 = vector.broadcast %jit3A_717 : i32 to vector<16xi32>
      %div3A_719 = arith.divsi %get3A_710, %div3A_718 : vector<16xi32>
      %sign3A_720 = arith.constant 0 : i32
      %sign3A_721 = vector.broadcast %sign3A_720 : i32 to vector<16xi32>
      %sign3A_722 = arith.cmpi sgt, %get3A_710, %sign3A_721 : vector<16xi32>
      %sign3A_723 = arith.extui %sign3A_722 : vector<16xi1> to vector<16xi32>
      %sign3A_724 = arith.constant 0 : i32
      %sign3A_725 = vector.broadcast %sign3A_724 : i32 to vector<16xi32>
      %sign3A_726 = arith.cmpi slt, %get3A_710, %sign3A_725 : vector<16xi32>
      %sign3A_727 = arith.extui %sign3A_726 : vector<16xi1> to vector<16xi32>
      %sign3A_728 = arith.subi %sign3A_723, %sign3A_727 : vector<16xi32>
      %sign3A_729 = arith.constant 0 : i32
      %sign3A_730 = arith.cmpi sgt, %jit3A_717, %sign3A_729 : i32
      %sign3A_731 = arith.extui %sign3A_730 : i1 to i32
      %sign3A_732 = arith.constant 0 : i32
      %sign3A_733 = arith.cmpi slt, %jit3A_717, %sign3A_732 : i32
      %sign3A_734 = arith.extui %sign3A_733 : i1 to i32
      %sign3A_735 = arith.subi %sign3A_731, %sign3A_734 : i32
      %ne3A_736 = vector.broadcast %sign3A_735 : i32 to vector<16xi32>
      %ne3A_737 = arith.cmpi ne, %sign3A_728, %ne3A_736 : vector<16xi32>
      %rem3A_738 = vector.broadcast %jit3A_717 : i32 to vector<16xi32>
      %rem3A_739 = arith.remsi %get3A_710, %rem3A_738 : vector<16xi32>
      %ne3A_740 = arith.constant 0 : i32
      %ne3A_741 = vector.broadcast %ne3A_740 : i32 to vector<16xi32>
      %ne3A_742 = arith.cmpi ne, %rem3A_739, %ne3A_741 : vector<16xi32>
      %and3A_743 = arith.andi %ne3A_737, %ne3A_742 : vector<16xi1>
      %sub3A_744 = arith.constant 1 : i32
      %sub3A_745 = vector.broadcast %sub3A_744 : i32 to vector<16xi32>
      %sub3A_746 = arith.subi %div3A_719, %sub3A_745 : vector<16xi32>
      %select_n3A_747 = arith.select %and3A_743, %sub3A_746, %div3A_719 : vector<16xi1>, vector<16xi32>
      %convert_element_type3A_748 = arith.sitofp %select_n3A_747 : vector<16xi32> to vector<16xf32>
      %jit3A_749 = arith.constant 384 : i32
      %eq3A_750 = arith.constant 0 : i32
      %eq3A_751 = arith.cmpi eq, %jit3A_749, %eq3A_750 : i32
      %jit3A_752 = arith.constant 1 : i32
      %select_n3A_753 = arith.select %eq3A_751, %jit3A_752, %jit3A_749 : i32
      %rem3A_754 = vector.broadcast %select_n3A_753 : i32 to vector<16xi32>
      %rem3A_755 = arith.remsi %get3A_710, %rem3A_754 : vector<16xi32>
      %ne3A_756 = arith.constant 0 : i32
      %ne3A_757 = vector.broadcast %ne3A_756 : i32 to vector<16xi32>
      %ne3A_758 = arith.cmpi ne, %rem3A_755, %ne3A_757 : vector<16xi32>
      %lt3A_759 = arith.constant 0 : i32
      %lt3A_760 = vector.broadcast %lt3A_759 : i32 to vector<16xi32>
      %lt3A_761 = arith.cmpi slt, %rem3A_755, %lt3A_760 : vector<16xi32>
      %lt3A_762 = arith.constant 0 : i32
      %lt3A_763 = arith.cmpi slt, %select_n3A_753, %lt3A_762 : i32
      %ne3A_764 = vector.broadcast %lt3A_763 : i1 to vector<16xi1>
      %ne3A_765 = vector.broadcast %ne3A_764 : vector<16xi1> to vector<16xi1>
      %ne3A_766 = arith.xori %lt3A_761, %ne3A_765 : vector<16xi1>
      %and3A_767 = arith.andi %ne3A_766, %ne3A_758 : vector<16xi1>
      %add3A_768 = vector.broadcast %select_n3A_753 : i32 to vector<16xi32>
      %add3A_769 = arith.addi %rem3A_755, %add3A_768 : vector<16xi32>
      %select_n3A_770 = arith.select %and3A_767, %add3A_769, %rem3A_755 : vector<16xi1>, vector<16xi32>
      %convert_element_type3A_771 = arith.sitofp %select_n3A_770 : vector<16xi32> to vector<16xf32>
      %mul3A_772 = arith.constant 3 : i32
      %mul3A_773 = vector.broadcast %mul3A_772 : i32 to vector<16xi32>
      %mul3A_774 = arith.muli %mul3A_773, %add3A_708 : vector<16xi32>
      %add3A_775 = arith.constant 0 : i32
      %add3A_776 = vector.broadcast %add3A_775 : i32 to vector<16xi32>
      %add3A_777 = arith.addi %mul3A_774, %add3A_776 : vector<16xi32>
      %add3A_778 = arith.addf %convert_element_type3A_748, %gather3A_714 : vector<16xf32>
      tpu.vector_store_idx %arg23[%add3A_777], %add3A_778 : memref<512xf32, #tpu.memory_space<vmem>>[vector<16xi32>], vector<16xf32>,
      %mul3A_779 = arith.constant 3 : i32
      %mul3A_780 = vector.broadcast %mul3A_779 : i32 to vector<16xi32>
      %mul3A_781 = arith.muli %mul3A_780, %add3A_708 : vector<16xi32>
      %add3A_782 = arith.constant 1 : i32
      %add3A_783 = vector.broadcast %add3A_782 : i32 to vector<16xi32>
      %add3A_784 = arith.addi %mul3A_781, %add3A_783 : vector<16xi32>
      %add3A_785 = arith.addf %convert_element_type3A_771, %gather3A_715 : vector<16xf32>
      tpu.vector_store_idx %arg23[%add3A_784], %add3A_785 : memref<512xf32, #tpu.memory_space<vmem>>[vector<16xi32>], vector<16xf32>,
      %mul3A_786 = arith.constant 3 : i32
      %mul3A_787 = vector.broadcast %mul3A_786 : i32 to vector<16xi32>
      %mul3A_788 = arith.muli %mul3A_787, %add3A_708 : vector<16xi32>
      %add3A_789 = arith.constant 2 : i32
      %add3A_790 = vector.broadcast %add3A_789 : i32 to vector<16xi32>
      %add3A_791 = arith.addi %mul3A_788, %add3A_790 : vector<16xi32>
      tpu.vector_store_idx %arg23[%add3A_791], %gather3A_716 : memref<512xf32, #tpu.memory_space<vmem>>[vector<16xi32>], vector<16xf32>,
      %add3A_792 = arith.constant 96 : i32
      %add3A_793 = vector.broadcast %add3A_792 : i32 to vector<16xi32>
      %add3A_794 = arith.addi %add3A_793, %iota3A : vector<16xi32>
      %get3A_795 = arith.constant 96 : index
      %get3A_796 = tpu.vector_load %arg18[%get3A_795] {strides = array<i32>} : memref<112xi32, #tpu.memory_space<vmem>>, vector<16xi32>,
      %and3A_797 = arith.constant 127 : i32
      %and3A_798 = vector.broadcast %and3A_797 : i32 to vector<16xi32>
      %and3A_799 = arith.andi %get3A_796, %and3A_798 : vector<16xi32>
      %gather3A_800 = tpu.vector_load_idx %arg20[%add3A_794, %and3A_799] : memref<112x128xf32, #tpu.memory_space<vmem>>[vector<16xi32>, vector<16xi32>], vector<16xf32>,
      %gather3A_801 = tpu.vector_load_idx %arg21[%add3A_794, %and3A_799] : memref<112x128xf32, #tpu.memory_space<vmem>>[vector<16xi32>, vector<16xi32>], vector<16xf32>,
      %gather3A_802 = tpu.vector_load_idx %arg22[%add3A_794, %and3A_799] : memref<112x128xf32, #tpu.memory_space<vmem>>[vector<16xi32>, vector<16xi32>], vector<16xf32>,
      %jit3A_803 = arith.constant 384 : i32
      %div3A_804 = vector.broadcast %jit3A_803 : i32 to vector<16xi32>
      %div3A_805 = arith.divsi %get3A_796, %div3A_804 : vector<16xi32>
      %sign3A_806 = arith.constant 0 : i32
      %sign3A_807 = vector.broadcast %sign3A_806 : i32 to vector<16xi32>
      %sign3A_808 = arith.cmpi sgt, %get3A_796, %sign3A_807 : vector<16xi32>
      %sign3A_809 = arith.extui %sign3A_808 : vector<16xi1> to vector<16xi32>
      %sign3A_810 = arith.constant 0 : i32
      %sign3A_811 = vector.broadcast %sign3A_810 : i32 to vector<16xi32>
      %sign3A_812 = arith.cmpi slt, %get3A_796, %sign3A_811 : vector<16xi32>
      %sign3A_813 = arith.extui %sign3A_812 : vector<16xi1> to vector<16xi32>
      %sign3A_814 = arith.subi %sign3A_809, %sign3A_813 : vector<16xi32>
      %sign3A_815 = arith.constant 0 : i32
      %sign3A_816 = arith.cmpi sgt, %jit3A_803, %sign3A_815 : i32
      %sign3A_817 = arith.extui %sign3A_816 : i1 to i32
      %sign3A_818 = arith.constant 0 : i32
      %sign3A_819 = arith.cmpi slt, %jit3A_803, %sign3A_818 : i32
      %sign3A_820 = arith.extui %sign3A_819 : i1 to i32
      %sign3A_821 = arith.subi %sign3A_817, %sign3A_820 : i32
      %ne3A_822 = vector.broadcast %sign3A_821 : i32 to vector<16xi32>
      %ne3A_823 = arith.cmpi ne, %sign3A_814, %ne3A_822 : vector<16xi32>
      %rem3A_824 = vector.broadcast %jit3A_803 : i32 to vector<16xi32>
      %rem3A_825 = arith.remsi %get3A_796, %rem3A_824 : vector<16xi32>
      %ne3A_826 = arith.constant 0 : i32
      %ne3A_827 = vector.broadcast %ne3A_826 : i32 to vector<16xi32>
      %ne3A_828 = arith.cmpi ne, %rem3A_825, %ne3A_827 : vector<16xi32>
      %and3A_829 = arith.andi %ne3A_823, %ne3A_828 : vector<16xi1>
      %sub3A_830 = arith.constant 1 : i32
      %sub3A_831 = vector.broadcast %sub3A_830 : i32 to vector<16xi32>
      %sub3A_832 = arith.subi %div3A_805, %sub3A_831 : vector<16xi32>
      %select_n3A_833 = arith.select %and3A_829, %sub3A_832, %div3A_805 : vector<16xi1>, vector<16xi32>
      %convert_element_type3A_834 = arith.sitofp %select_n3A_833 : vector<16xi32> to vector<16xf32>
      %jit3A_835 = arith.constant 384 : i32
      %eq3A_836 = arith.constant 0 : i32
      %eq3A_837 = arith.cmpi eq, %jit3A_835, %eq3A_836 : i32
      %jit3A_838 = arith.constant 1 : i32
      %select_n3A_839 = arith.select %eq3A_837, %jit3A_838, %jit3A_835 : i32
      %rem3A_840 = vector.broadcast %select_n3A_839 : i32 to vector<16xi32>
      %rem3A_841 = arith.remsi %get3A_796, %rem3A_840 : vector<16xi32>
      %ne3A_842 = arith.constant 0 : i32
      %ne3A_843 = vector.broadcast %ne3A_842 : i32 to vector<16xi32>
      %ne3A_844 = arith.cmpi ne, %rem3A_841, %ne3A_843 : vector<16xi32>
      %lt3A_845 = arith.constant 0 : i32
      %lt3A_846 = vector.broadcast %lt3A_845 : i32 to vector<16xi32>
      %lt3A_847 = arith.cmpi slt, %rem3A_841, %lt3A_846 : vector<16xi32>
      %lt3A_848 = arith.constant 0 : i32
      %lt3A_849 = arith.cmpi slt, %select_n3A_839, %lt3A_848 : i32
      %ne3A_850 = vector.broadcast %lt3A_849 : i1 to vector<16xi1>
      %ne3A_851 = vector.broadcast %ne3A_850 : vector<16xi1> to vector<16xi1>
      %ne3A_852 = arith.xori %lt3A_847, %ne3A_851 : vector<16xi1>
      %and3A_853 = arith.andi %ne3A_852, %ne3A_844 : vector<16xi1>
      %add3A_854 = vector.broadcast %select_n3A_839 : i32 to vector<16xi32>
      %add3A_855 = arith.addi %rem3A_841, %add3A_854 : vector<16xi32>
      %select_n3A_856 = arith.select %and3A_853, %add3A_855, %rem3A_841 : vector<16xi1>, vector<16xi32>
      %convert_element_type3A_857 = arith.sitofp %select_n3A_856 : vector<16xi32> to vector<16xf32>
      %mul3A_858 = arith.constant 3 : i32
      %mul3A_859 = vector.broadcast %mul3A_858 : i32 to vector<16xi32>
      %mul3A_860 = arith.muli %mul3A_859, %add3A_794 : vector<16xi32>
      %add3A_861 = arith.constant 0 : i32
      %add3A_862 = vector.broadcast %add3A_861 : i32 to vector<16xi32>
      %add3A_863 = arith.addi %mul3A_860, %add3A_862 : vector<16xi32>
      %add3A_864 = arith.addf %convert_element_type3A_834, %gather3A_800 : vector<16xf32>
      tpu.vector_store_idx %arg23[%add3A_863], %add3A_864 : memref<512xf32, #tpu.memory_space<vmem>>[vector<16xi32>], vector<16xf32>,
      %mul3A_865 = arith.constant 3 : i32
      %mul3A_866 = vector.broadcast %mul3A_865 : i32 to vector<16xi32>
      %mul3A_867 = arith.muli %mul3A_866, %add3A_794 : vector<16xi32>
      %add3A_868 = arith.constant 1 : i32
      %add3A_869 = vector.broadcast %add3A_868 : i32 to vector<16xi32>
      %add3A_870 = arith.addi %mul3A_867, %add3A_869 : vector<16xi32>
      %add3A_871 = arith.addf %convert_element_type3A_857, %gather3A_801 : vector<16xf32>
      tpu.vector_store_idx %arg23[%add3A_870], %add3A_871 : memref<512xf32, #tpu.memory_space<vmem>>[vector<16xi32>], vector<16xf32>,
      %mul3A_872 = arith.constant 3 : i32
      %mul3A_873 = vector.broadcast %mul3A_872 : i32 to vector<16xi32>
      %mul3A_874 = arith.muli %mul3A_873, %add3A_794 : vector<16xi32>
      %add3A_875 = arith.constant 2 : i32
      %add3A_876 = vector.broadcast %add3A_875 : i32 to vector<16xi32>
      %add3A_877 = arith.addi %mul3A_874, %add3A_876 : vector<16xi32>
      tpu.vector_store_idx %arg23[%add3A_877], %gather3A_802 : memref<512xf32, #tpu.memory_space<vmem>>[vector<16xi32>], vector<16xf32>,
      "tpu.region"() ({
        %run_scoped3A = tpu.sem_alloc : memref<!tpu.dma_semaphore, #tpu.memory_space<semaphore_mem>>
        %dma_start3A_878 = arith.constant 0 : i32
        %dma_start3A_879 = tpu.memref_slice %arg6[%add3A_5, %dma_start3A_878] : memref<4x512xf32, #tpu.memory_space<hbm>> -> memref<1x512xf32, #tpu.memory_space<hbm>>
        %dma_start3A_880 = tpu.memref_squeeze %dma_start3A_879 : memref<1x512xf32, #tpu.memory_space<hbm>> -> memref<512xf32, #tpu.memory_space<hbm>>
        %dma_start3A_881 = arith.constant 0 : i32
        %dma_start3A_882 = tpu.memref_slice %arg6[%add3A_5, %dma_start3A_881] : memref<4x512xf32, #tpu.memory_space<hbm>> -> memref<1x512xf32, #tpu.memory_space<hbm>>
        %dma_start3A_883 = tpu.memref_squeeze %dma_start3A_882 : memref<1x512xf32, #tpu.memory_space<hbm>> -> memref<512xf32, #tpu.memory_space<hbm>>
        tpu.enqueue_dma source(%arg23 : memref<512xf32, #tpu.memory_space<vmem>>) target(%dma_start3A_883 : memref<512xf32, #tpu.memory_space<hbm>>) target_semaphore(%run_scoped3A : memref<!tpu.dma_semaphore, #tpu.memory_space<semaphore_mem>>)
        %dma_wait3A_884 = arith.constant 0 : i32
        %dma_wait3A_885 = tpu.memref_slice %arg6[%add3A_5, %dma_wait3A_884] : memref<4x512xf32, #tpu.memory_space<hbm>> -> memref<1x512xf32, #tpu.memory_space<hbm>>
        %dma_wait3A_886 = tpu.memref_squeeze %dma_wait3A_885 : memref<1x512xf32, #tpu.memory_space<hbm>> -> memref<512xf32, #tpu.memory_space<hbm>>
        %dma_wait3A_887 = arith.constant 0 : i32
        %dma_wait3A_888 = tpu.memref_slice %arg6[%add3A_5, %dma_wait3A_887] : memref<4x512xf32, #tpu.memory_space<hbm>> -> memref<1x512xf32, #tpu.memory_space<hbm>>
        %dma_wait3A_889 = tpu.memref_squeeze %dma_wait3A_888 : memref<1x512xf32, #tpu.memory_space<hbm>> -> memref<512xf32, #tpu.memory_space<hbm>>
        tpu.wait_dma2 semaphore(%run_scoped3A : memref<!tpu.dma_semaphore, #tpu.memory_space<semaphore_mem>>) src(%arg23 : memref<512xf32, #tpu.memory_space<vmem>>) dst(%dma_wait3A_889 : memref<512xf32, #tpu.memory_space<hbm>>)
        tpu.yield
      }) : () -> ()
    } else {
    }
    %barrier3A_57 = arith.constant 0 : index
    tpu.barrier barrier_id(%barrier3A_57)
    %mul3A_58 = arith.constant 2 : i32
    %mul3A_59 = arith.muli %arg0, %mul3A_58 : i32
    %add3A_60 = arith.constant 1 : i32
    %add3A_61 = arith.addi %mul3A_59, %add3A_60 : i32
    %scan3A_62 = arith.constant 0 : i32
    %scan3A_63 = arith.constant 0 : i32
    %scan3A_64 = arith.constant 512 : i32
    %scan3A_65 = arith.addi %scan3A_63, %scan3A_64 : i32
    %scan3A_66 = arith.constant 1 : i32
    scf.for %scan3A_123 = %scan3A_63 to %scan3A_65 step %scan3A_66  : i32 {
      %mul3A_124 = arith.constant 16 : i32
      %mul3A_125 = arith.muli %scan3A_123, %mul3A_124 : i32
      %swap3A_126 = arith.constant 0 : i32
      %swap3A_127 = arith.index_cast %swap3A_126 : i32 to index
      %swap3A_128 = arith.index_cast %mul3A_125 : i32 to index
      %swap3A_129 = tpu.vector_load %arg8[%swap3A_127, %swap3A_128] {strides = array<i32>} : memref<1x8192xi32, #tpu.memory_space<vmem>>, vector<16xi32>,
      tpu.vector_store %arg8[%swap3A_127, %swap3A_128], %broadcast_in_dim3A_0 {strides = array<i32>} : memref<1x8192xi32, #tpu.memory_space<vmem>>, vector<16xi32>,
    }
    %scan3A_67 = arith.constant 512 : i32
    %eq3A_68 = arith.constant 0 : i32
    %eq3A_69 = arith.cmpi eq, %arg1, %eq3A_68 : i32
    %convert_element_type3A_70 = arith.extui %eq3A_69 : i1 to i32
    %cond3A_71 = arith.constant 0 : i32
    %cond3A_72 = arith.cmpi ne, %convert_element_type3A_70, %cond3A_71 : i32
    scf.if %cond3A_72 {
      "tpu.region"() ({
        %run_scoped3A = tpu.sem_alloc : memref<!tpu.dma_semaphore, #tpu.memory_space<semaphore_mem>>
        tpu.enqueue_dma source(%arg8 : memref<1x8192xi32, #tpu.memory_space<vmem>>) target(%arg24 : memref<1x8192xi32, #tpu.memory_space<vmem_shared>>) target_semaphore(%run_scoped3A : memref<!tpu.dma_semaphore, #tpu.memory_space<semaphore_mem>>)
        tpu.wait_dma2 semaphore(%run_scoped3A : memref<!tpu.dma_semaphore, #tpu.memory_space<semaphore_mem>>) src(%arg8 : memref<1x8192xi32, #tpu.memory_space<vmem>>) dst(%arg24 : memref<1x8192xi32, #tpu.memory_space<vmem_shared>>)
        tpu.yield
      }) : () -> ()
    } else {
    }
    %mul3A_73 = arith.constant 1152 : i32
    %mul3A_74 = arith.muli %add3A_61, %mul3A_73 : i32
    %mul3A_75 = arith.constant 72 : i32
    %mul3A_76 = arith.muli %arg1, %mul3A_75 : i32
    %add3A_77 = arith.addi %mul3A_74, %mul3A_76 : i32
    "tpu.region"() ({
      %run_scoped3A = tpu.sem_alloc : memref<!tpu.dma_semaphore, #tpu.memory_space<semaphore_mem>>
      %dma_start3A = arith.constant 0 : i32
      %dma_start3A_123 = tpu.memref_slice %arg5[%add3A_77, %dma_start3A] : memref<4608x128xf32, #tpu.memory_space<hbm>> -> memref<72x128xf32, #tpu.memory_space<hbm>>
      %dma_start3A_124 = arith.constant 0 : i32
      %dma_start3A_125 = tpu.memref_slice %arg5[%add3A_77, %dma_start3A_124] : memref<4608x128xf32, #tpu.memory_space<hbm>> -> memref<72x128xf32, #tpu.memory_space<hbm>>
      tpu.enqueue_dma source(%dma_start3A_125 : memref<72x128xf32, #tpu.memory_space<hbm>>) target(%arg7 : memref<72x128xf32, #tpu.memory_space<vmem>>) target_semaphore(%run_scoped3A : memref<!tpu.dma_semaphore, #tpu.memory_space<semaphore_mem>>)
      %dma_wait3A = arith.constant 0 : i32
      %dma_wait3A_126 = tpu.memref_slice %arg5[%add3A_77, %dma_wait3A] : memref<4608x128xf32, #tpu.memory_space<hbm>> -> memref<72x128xf32, #tpu.memory_space<hbm>>
      %dma_wait3A_127 = arith.constant 0 : i32
      %dma_wait3A_128 = tpu.memref_slice %arg5[%add3A_77, %dma_wait3A_127] : memref<4608x128xf32, #tpu.memory_space<hbm>> -> memref<72x128xf32, #tpu.memory_space<hbm>>
      tpu.wait_dma2 semaphore(%run_scoped3A : memref<!tpu.dma_semaphore, #tpu.memory_space<semaphore_mem>>) src(%dma_wait3A_128 : memref<72x128xf32, #tpu.memory_space<hbm>>) dst(%arg7 : memref<72x128xf32, #tpu.memory_space<vmem>>)
      tpu.yield
    }) : () -> ()
    %barrier3A_78 = arith.constant 0 : index
    tpu.barrier barrier_id(%barrier3A_78)
    %scan3A_79 = arith.constant 0 : i32
    %scan3A_80 = arith.constant 0 : i32
    %scan3A_81 = arith.constant 576 : i32
    %scan3A_82 = arith.addi %scan3A_80, %scan3A_81 : i32
    %scan3A_83 = arith.constant 1 : i32
    scf.for %scan3A_123 = %scan3A_80 to %scan3A_82 step %scan3A_83  : i32 {
      %jit3A_124 = arith.constant 8 : i32
      %div3A = arith.divsi %scan3A_123, %jit3A_124 : i32
      %sign3A = arith.constant 0 : i32
      %sign3A_125 = arith.cmpi sgt, %scan3A_123, %sign3A : i32
      %sign3A_126 = arith.extui %sign3A_125 : i1 to i32
      %sign3A_127 = arith.constant 0 : i32
      %sign3A_128 = arith.cmpi slt, %scan3A_123, %sign3A_127 : i32
      %sign3A_129 = arith.extui %sign3A_128 : i1 to i32
      %sign3A_130 = arith.subi %sign3A_126, %sign3A_129 : i32
      %sign3A_131 = arith.constant 0 : i32
      %sign3A_132 = arith.cmpi sgt, %jit3A_124, %sign3A_131 : i32
      %sign3A_133 = arith.extui %sign3A_132 : i1 to i32
      %sign3A_134 = arith.constant 0 : i32
      %sign3A_135 = arith.cmpi slt, %jit3A_124, %sign3A_134 : i32
      %sign3A_136 = arith.extui %sign3A_135 : i1 to i32
      %sign3A_137 = arith.subi %sign3A_133, %sign3A_136 : i32
      %ne3A = arith.cmpi ne, %sign3A_130, %sign3A_137 : i32
      %rem3A = arith.remsi %scan3A_123, %jit3A_124 : i32
      %ne3A_138 = arith.constant 0 : i32
      %ne3A_139 = arith.cmpi ne, %rem3A, %ne3A_138 : i32
      %and3A = arith.andi %ne3A, %ne3A_139 : i1
      %sub3A = arith.constant 1 : i32
      %sub3A_140 = arith.subi %div3A, %sub3A : i32
      %select_n3A_141 = arith.select %and3A, %sub3A_140, %div3A : i32
      %jit3A_142 = arith.constant 8 : i32
      %eq3A_143 = arith.constant 0 : i32
      %eq3A_144 = arith.cmpi eq, %jit3A_142, %eq3A_143 : i32
      %jit3A_145 = arith.constant 1 : i32
      %select_n3A_146 = arith.select %eq3A_144, %jit3A_145, %jit3A_142 : i32
      %rem3A_147 = arith.remsi %scan3A_123, %select_n3A_146 : i32
      %ne3A_148 = arith.constant 0 : i32
      %ne3A_149 = arith.cmpi ne, %rem3A_147, %ne3A_148 : i32
      %lt3A = arith.constant 0 : i32
      %lt3A_150 = arith.cmpi slt, %rem3A_147, %lt3A : i32
      %lt3A_151 = arith.constant 0 : i32
      %lt3A_152 = arith.cmpi slt, %select_n3A_146, %lt3A_151 : i32
      %ne3A_153 = arith.xori %lt3A_150, %lt3A_152 : i1
      %and3A_154 = arith.andi %ne3A_153, %ne3A_149 : i1
      %add3A_155 = arith.addi %rem3A_147, %select_n3A_146 : i32
      %select_n3A_156 = arith.select %and3A_154, %add3A_155, %rem3A_147 : i32
      %mul3A_157 = arith.constant 16 : i32
      %mul3A_158 = arith.muli %select_n3A_156, %mul3A_157 : i32
      %get3A = arith.index_cast %select_n3A_141 : i32 to index
      %get3A_159 = arith.index_cast %mul3A_158 : i32 to index
      %get3A_160 = tpu.vector_load %arg7[%get3A, %get3A_159] {strides = array<i32>} : memref<72x128xf32, #tpu.memory_space<vmem>>, vector<16xf32>,
      %bitcast3A = vector.bitcast %get3A_160 : vector<16xf32> to vector<16xi32>
      %shift_right_logical3A = arith.constant 19 : i32
      %shift_right_logical3A_161 = vector.broadcast %shift_right_logical3A : i32 to vector<16xi32>
      %shift_right_logical3A_162 = arith.shrui %bitcast3A, %shift_right_logical3A_161 : vector<16xi32>
      tpu.vector_store_idx %arg8[%broadcast_in_dim3A_0, %shift_right_logical3A_162], %broadcast_in_dim3A_2 {add = true} : memref<1x8192xi32, #tpu.memory_space<vmem>>[vector<16xi32>, vector<16xi32>], vector<16xi32>,
    }
    %scan3A_84 = arith.constant 576 : i32
    "tpu.region"() ({
      %run_scoped3A = tpu.sem_alloc : memref<!tpu.dma_semaphore, #tpu.memory_space<semaphore_mem>>
      %dma_start3A = arith.constant 0 : i32
      %dma_start3A_123 = tpu.memref_slice %arg9[%dma_start3A] : memref<16xi32, #tpu.memory_space<vmem>> -> memref<1xi32, #tpu.memory_space<vmem>>
      %dma_start3A_124 = arith.constant 0 : i32
      %dma_start3A_125 = arith.constant 0 : i32
      %dma_start3A_126 = tpu.memref_slice %arg24[%dma_start3A_124, %dma_start3A_125] : memref<1x8192xi32, #tpu.memory_space<vmem_shared>> -> memref<1x8192xi32, #tpu.memory_space<vmem_shared>>
      tpu.enqueue_indirect_dma source(%arg8 : memref<1x8192xi32, #tpu.memory_space<vmem>>) target(%dma_start3A_126 : memref<1x8192xi32, #tpu.memory_space<vmem_shared>>) offsets(%dma_start3A_123 : memref<1xi32, #tpu.memory_space<vmem>>) semaphore(%run_scoped3A : memref<!tpu.dma_semaphore, #tpu.memory_space<semaphore_mem>>) {add = true}
      %dma_wait3A = arith.constant 0 : i32
      %dma_wait3A_127 = tpu.memref_slice %arg9[%dma_wait3A] : memref<16xi32, #tpu.memory_space<vmem>> -> memref<1xi32, #tpu.memory_space<vmem>>
      %dma_wait3A_128 = arith.constant 0 : i32
      %dma_wait3A_129 = arith.constant 0 : i32
      %dma_wait3A_130 = tpu.memref_slice %arg24[%dma_wait3A_128, %dma_wait3A_129] : memref<1x8192xi32, #tpu.memory_space<vmem_shared>> -> memref<1x8192xi32, #tpu.memory_space<vmem_shared>>
      tpu.wait_indirect_dma semaphore(%run_scoped3A : memref<!tpu.dma_semaphore, #tpu.memory_space<semaphore_mem>>) src(%arg8 : memref<1x8192xi32, #tpu.memory_space<vmem>>) dst(%dma_wait3A_130 : memref<1x8192xi32, #tpu.memory_space<vmem_shared>>)
      tpu.yield
    }) : () -> ()
    %barrier3A_85 = arith.constant 0 : index
    tpu.barrier barrier_id(%barrier3A_85)
    "tpu.region"() ({
      %run_scoped3A = tpu.sem_alloc : memref<!tpu.dma_semaphore, #tpu.memory_space<semaphore_mem>>
      tpu.enqueue_dma source(%arg24 : memref<1x8192xi32, #tpu.memory_space<vmem_shared>>) target(%arg8 : memref<1x8192xi32, #tpu.memory_space<vmem>>) target_semaphore(%run_scoped3A : memref<!tpu.dma_semaphore, #tpu.memory_space<semaphore_mem>>)
      tpu.wait_dma2 semaphore(%run_scoped3A : memref<!tpu.dma_semaphore, #tpu.memory_space<semaphore_mem>>) src(%arg24 : memref<1x8192xi32, #tpu.memory_space<vmem_shared>>) dst(%arg8 : memref<1x8192xi32, #tpu.memory_space<vmem>>)
      tpu.yield
    }) : () -> ()
    %scan3A_86 = arith.constant 0 : i32
    %scan3A_87 = arith.constant -1 : i32
    %scan3A_88 = arith.constant 0 : i32
    %scan3A_89 = arith.constant 512 : i32
    %scan3A_90 = arith.addi %scan3A_88, %scan3A_89 : i32
    %scan3A_91 = arith.constant 1 : i32
    %scan3A_92:2 = scf.for %scan3A_123 = %scan3A_88 to %scan3A_90 step %scan3A_91 iter_args(%scan3A_124 = %scan3A_86, %scan3A_125 = %scan3A_87) -> (i32, i32)  : i32 {
      %sub3A = arith.constant 511 : i32
      %sub3A_126 = arith.subi %sub3A, %scan3A_123 : i32
      %mul3A_127 = arith.constant 16 : i32
      %mul3A_128 = arith.muli %sub3A_126, %mul3A_127 : i32
      %get3A = arith.constant 0 : i32
      %get3A_129 = arith.index_cast %get3A : i32 to index
      %get3A_130 = arith.index_cast %mul3A_128 : i32 to index
      %get3A_131 = tpu.vector_load %arg8[%get3A_129, %get3A_130] {strides = array<i32>} : memref<1x8192xi32, #tpu.memory_space<vmem>>, vector<16xi32>,
      %rev3A = arith.constant 15 : i32
      %rev3A_132 = vector.broadcast %rev3A : i32 to vector<16xi32>
      %rev3A_133 = tpu.iota {dimensions = array<i32: 0>} : vector<16xi32>
      %rev3A_134 = arith.subi %rev3A_132, %rev3A_133 : vector<16xi32>
      %rev3A_135 = tpu.dynamic_gather %get3A_131[%rev3A_134] in [0] : vector<16xi32>, vector<16xi32> -> vector<16xi32>
      %cumsum3A = arith.constant true
      %cumsum3A_136 = vector.broadcast %cumsum3A : i1 to vector<16xi1>
      %cumsum3A_137 = tpu.scan <sum>, %rev3A_135 masked %cumsum3A_136 : vector<16xi32>, vector<16xi1> -> vector<16xi32>
      %rev3A_138 = arith.constant 15 : i32
      %rev3A_139 = vector.broadcast %rev3A_138 : i32 to vector<16xi32>
      %rev3A_140 = tpu.iota {dimensions = array<i32: 0>} : vector<16xi32>
      %rev3A_141 = arith.subi %rev3A_139, %rev3A_140 : vector<16xi32>
      %rev3A_142 = tpu.dynamic_gather %cumsum3A_137[%rev3A_141] in [0] : vector<16xi32>, vector<16xi32> -> vector<16xi32>
      %add3A_143 = vector.broadcast %scan3A_124 : i32 to vector<16xi32>
      %add3A_144 = arith.addi %rev3A_142, %add3A_143 : vector<16xi32>
      %mul3A_145 = arith.constant 16 : i32
      %mul3A_146 = arith.muli %sub3A_126, %mul3A_145 : i32
      %add3A_147 = vector.broadcast %mul3A_146 : i32 to vector<16xi32>
      %add3A_148 = arith.addi %add3A_147, %iota3A : vector<16xi32>
      %ge3A = arith.constant 100 : i32
      %ge3A_149 = vector.broadcast %ge3A : i32 to vector<16xi32>
      %ge3A_150 = arith.cmpi sge, %add3A_144, %ge3A_149 : vector<16xi32>
      %jit3A_151 = arith.constant -1 : i32
      %broadcast_in_dim3A_152 = vector.broadcast %jit3A_151 : i32 to vector<16xi32>
      %select_n3A_153 = arith.select %ge3A_150, %add3A_148, %broadcast_in_dim3A_152 : vector<16xi1>, vector<16xi32>
      %reduce_max3A = arith.constant true
      %reduce_max3A_154 = vector.broadcast %reduce_max3A : i1 to vector<16xi1>
      %reduce_max3A_155 = arith.constant -2147483648 : i32
      %reduce_max3A_156 = vector.broadcast %reduce_max3A_155 : i32 to vector<16xi32>
      %reduce_max3A_157 = arith.xori %select_n3A_153, %reduce_max3A_156 : vector<16xi32>
      %reduce_max3A_158 = tpu.scan <max>, %reduce_max3A_157 masked %reduce_max3A_154 : vector<16xi32>, vector<16xi1> -> vector<16xi32>
      %reduce_max3A_159 = arith.xori %reduce_max3A_158, %reduce_max3A_156 : vector<16xi32>
      %reduce_max3A_160 = vector.extract %reduce_max3A_159[15] : i32 from vector<16xi32>
      %max3A = arith.maxsi %scan3A_125, %reduce_max3A_160 : i32
      %slice3A = vector.extract_strided_slice %cumsum3A_137 {offsets = [15], sizes = [1], strides = [1]} : vector<16xi32> to vector<1xi32>
      %squeeze3A = vector.extract %slice3A[0] : i32 from vector<1xi32>
      %add3A_161 = arith.addi %scan3A_124, %squeeze3A : i32
      scf.yield %add3A_161, %max3A : i32, i32
    }
    %scan3A_93 = arith.constant 512 : i32
    %shift_left3A_94 = arith.constant 19 : i32
    %shift_left3A_95 = arith.shli %scan3A_92#1, %shift_left3A_94 : i32
    %mul3A_96 = arith.constant 9216 : i32
    %mul3A_97 = arith.muli %arg1, %mul3A_96 : i32
    %scan3A_98 = arith.constant 0 : i32
    %scan3A_99 = arith.constant 0 : i32
    %scan3A_100 = arith.constant 576 : i32
    %scan3A_101 = arith.addi %scan3A_99, %scan3A_100 : i32
    %scan3A_102 = arith.constant 1 : i32
    %scan3A_103 = scf.for %scan3A_123 = %scan3A_99 to %scan3A_101 step %scan3A_102 iter_args(%scan3A_124 = %scan3A_98) -> (i32)  : i32 {
      %jit3A_125 = arith.constant 8 : i32
      %div3A = arith.divsi %scan3A_123, %jit3A_125 : i32
      %sign3A = arith.constant 0 : i32
      %sign3A_126 = arith.cmpi sgt, %scan3A_123, %sign3A : i32
      %sign3A_127 = arith.extui %sign3A_126 : i1 to i32
      %sign3A_128 = arith.constant 0 : i32
      %sign3A_129 = arith.cmpi slt, %scan3A_123, %sign3A_128 : i32
      %sign3A_130 = arith.extui %sign3A_129 : i1 to i32
      %sign3A_131 = arith.subi %sign3A_127, %sign3A_130 : i32
      %sign3A_132 = arith.constant 0 : i32
      %sign3A_133 = arith.cmpi sgt, %jit3A_125, %sign3A_132 : i32
      %sign3A_134 = arith.extui %sign3A_133 : i1 to i32
      %sign3A_135 = arith.constant 0 : i32
      %sign3A_136 = arith.cmpi slt, %jit3A_125, %sign3A_135 : i32
      %sign3A_137 = arith.extui %sign3A_136 : i1 to i32
      %sign3A_138 = arith.subi %sign3A_134, %sign3A_137 : i32
      %ne3A = arith.cmpi ne, %sign3A_131, %sign3A_138 : i32
      %rem3A = arith.remsi %scan3A_123, %jit3A_125 : i32
      %ne3A_139 = arith.constant 0 : i32
      %ne3A_140 = arith.cmpi ne, %rem3A, %ne3A_139 : i32
      %and3A = arith.andi %ne3A, %ne3A_140 : i1
      %sub3A = arith.constant 1 : i32
      %sub3A_141 = arith.subi %div3A, %sub3A : i32
      %select_n3A_142 = arith.select %and3A, %sub3A_141, %div3A : i32
      %jit3A_143 = arith.constant 8 : i32
      %eq3A_144 = arith.constant 0 : i32
      %eq3A_145 = arith.cmpi eq, %jit3A_143, %eq3A_144 : i32
      %jit3A_146 = arith.constant 1 : i32
      %select_n3A_147 = arith.select %eq3A_145, %jit3A_146, %jit3A_143 : i32
      %rem3A_148 = arith.remsi %scan3A_123, %select_n3A_147 : i32
      %ne3A_149 = arith.constant 0 : i32
      %ne3A_150 = arith.cmpi ne, %rem3A_148, %ne3A_149 : i32
      %lt3A = arith.constant 0 : i32
      %lt3A_151 = arith.cmpi slt, %rem3A_148, %lt3A : i32
      %lt3A_152 = arith.constant 0 : i32
      %lt3A_153 = arith.cmpi slt, %select_n3A_147, %lt3A_152 : i32
      %ne3A_154 = arith.xori %lt3A_151, %lt3A_153 : i1
      %and3A_155 = arith.andi %ne3A_154, %ne3A_150 : i1
      %add3A_156 = arith.addi %rem3A_148, %select_n3A_147 : i32
      %select_n3A_157 = arith.select %and3A_155, %add3A_156, %rem3A_148 : i32
      %mul3A_158 = arith.constant 16 : i32
      %mul3A_159 = arith.muli %select_n3A_157, %mul3A_158 : i32
      %get3A = arith.index_cast %select_n3A_142 : i32 to index
      %get3A_160 = arith.index_cast %mul3A_159 : i32 to index
      %get3A_161 = tpu.vector_load %arg7[%get3A, %get3A_160] {strides = array<i32>} : memref<72x128xf32, #tpu.memory_space<vmem>>, vector<16xf32>,
      %bitcast3A = vector.bitcast %get3A_161 : vector<16xf32> to vector<16xi32>
      %ge3A = vector.broadcast %shift_left3A_95 : i32 to vector<16xi32>
      %ge3A_162 = arith.cmpi sge, %bitcast3A, %ge3A : vector<16xi32>
      %swap3A_163 = arith.index_cast %scan3A_124 : i32 to index
      %swap3A_164 = tpu.vector_load %arg10[%swap3A_163] masked %ge3A_162 {strides = array<i32>} : memref<512xf32, #tpu.memory_space<vmem>>, vector<16xf32>, vector<16xi1>
      tpu.vector_store %arg10[%swap3A_163], %get3A_161 masked %ge3A_162 {strides = array<i32>} : memref<512xf32, #tpu.memory_space<vmem>>, vector<16xf32>, vector<16xi1>
      %mul3A_165 = arith.constant 16 : i32
      %mul3A_166 = arith.muli %scan3A_123, %mul3A_165 : i32
      %add3A_167 = arith.addi %mul3A_97, %mul3A_166 : i32
      %add3A_168 = vector.broadcast %add3A_167 : i32 to vector<16xi32>
      %add3A_169 = arith.addi %add3A_168, %iota3A : vector<16xi32>
      %swap3A_170 = arith.index_cast %scan3A_124 : i32 to index
      %swap3A_171 = tpu.vector_load %arg11[%swap3A_170] masked %ge3A_162 {strides = array<i32>} : memref<512xi32, #tpu.memory_space<vmem>>, vector<16xi32>, vector<16xi1>
      tpu.vector_store %arg11[%swap3A_170], %add3A_169 masked %ge3A_162 {strides = array<i32>} : memref<512xi32, #tpu.memory_space<vmem>>, vector<16xi32>, vector<16xi1>
      %all_reduce_population_count3A = tpu.all_reduce %ge3A_162 {dim = 0 : i64, kind = #tpu.reduction_kind<sum>} : vector<16xi1> -> vector<16xi32>
      %slice3A = vector.extract_strided_slice %all_reduce_population_count3A {offsets = [0], sizes = [1], strides = [1]} : vector<16xi32> to vector<1xi32>
      %squeeze3A = vector.extract %slice3A[0] : i32 from vector<1xi32>
      %add3A_172 = arith.addi %scan3A_124, %squeeze3A : i32
      %min3A_173 = arith.constant 496 : i32
      %min3A_174 = arith.minsi %add3A_172, %min3A_173 : i32
      scf.yield %min3A_174 : i32
    }
    %scan3A_104 = arith.constant 576 : i32
    %min3A_105 = arith.constant 128 : i32
    %min3A_106 = arith.minsi %scan3A_103, %min3A_105 : i32
    %eq3A_107 = arith.constant 0 : i32
    %eq3A_108 = vector.broadcast %eq3A_107 : i32 to vector<16xi32>
    %eq3A_109 = arith.cmpi eq, %iota3A, %eq3A_108 : vector<16xi32>
    %jit3A_110 = arith.constant 0 : i32
    %broadcast_in_dim3A_111 = vector.broadcast %min3A_106 : i32 to vector<16xi32>
    %broadcast_in_dim3A_112 = vector.broadcast %jit3A_110 : i32 to vector<16xi32>
    %select_n3A_113 = arith.select %eq3A_109, %broadcast_in_dim3A_111, %broadcast_in_dim3A_112 : vector<16xi1>, vector<16xi32>
    %swap3A_114 = arith.constant 0 : index
    %swap3A_115 = tpu.vector_load %arg12[%swap3A_114] {strides = array<i32>} : memref<16xi32, #tpu.memory_space<vmem>>, vector<16xi32>,
    tpu.vector_store %arg12[%swap3A_114], %select_n3A_113 {strides = array<i32>} : memref<16xi32, #tpu.memory_space<vmem>>, vector<16xi32>,
    "tpu.region"() ({
      %run_scoped3A = tpu.sem_alloc : memref<!tpu.dma_semaphore, #tpu.memory_space<semaphore_mem>>
      %dma_start3A = arith.constant 0 : i32
      %dma_start3A_123 = tpu.memref_slice %arg10[%dma_start3A] : memref<512xf32, #tpu.memory_space<vmem>> -> memref<128xf32, #tpu.memory_space<vmem>>
      %dma_start3A_124 = arith.constant 0 : i32
      %dma_start3A_125 = tpu.memref_slice %arg25[%arg1, %dma_start3A_124] : memref<16x128xf32, #tpu.memory_space<vmem_shared>> -> memref<1x128xf32, #tpu.memory_space<vmem_shared>>
      %dma_start3A_126 = tpu.memref_squeeze %dma_start3A_125 : memref<1x128xf32, #tpu.memory_space<vmem_shared>> -> memref<128xf32, #tpu.memory_space<vmem_shared>>
      %dma_start3A_127 = arith.constant 0 : i32
      %dma_start3A_128 = tpu.memref_slice %arg25[%arg1, %dma_start3A_127] : memref<16x128xf32, #tpu.memory_space<vmem_shared>> -> memref<1x128xf32, #tpu.memory_space<vmem_shared>>
      %dma_start3A_129 = tpu.memref_squeeze %dma_start3A_128 : memref<1x128xf32, #tpu.memory_space<vmem_shared>> -> memref<128xf32, #tpu.memory_space<vmem_shared>>
      %dma_start3A_130 = arith.constant 0 : i32
      %dma_start3A_131 = tpu.memref_slice %arg10[%dma_start3A_130] : memref<512xf32, #tpu.memory_space<vmem>> -> memref<128xf32, #tpu.memory_space<vmem>>
      tpu.enqueue_dma source(%dma_start3A_131 : memref<128xf32, #tpu.memory_space<vmem>>) target(%dma_start3A_129 : memref<128xf32, #tpu.memory_space<vmem_shared>>) target_semaphore(%run_scoped3A : memref<!tpu.dma_semaphore, #tpu.memory_space<semaphore_mem>>)
      %dma_wait3A = arith.constant 0 : i32
      %dma_wait3A_132 = tpu.memref_slice %arg10[%dma_wait3A] : memref<512xf32, #tpu.memory_space<vmem>> -> memref<128xf32, #tpu.memory_space<vmem>>
      %dma_wait3A_133 = arith.constant 0 : i32
      %dma_wait3A_134 = tpu.memref_slice %arg25[%arg1, %dma_wait3A_133] : memref<16x128xf32, #tpu.memory_space<vmem_shared>> -> memref<1x128xf32, #tpu.memory_space<vmem_shared>>
      %dma_wait3A_135 = tpu.memref_squeeze %dma_wait3A_134 : memref<1x128xf32, #tpu.memory_space<vmem_shared>> -> memref<128xf32, #tpu.memory_space<vmem_shared>>
      %dma_wait3A_136 = arith.constant 0 : i32
      %dma_wait3A_137 = tpu.memref_slice %arg25[%arg1, %dma_wait3A_136] : memref<16x128xf32, #tpu.memory_space<vmem_shared>> -> memref<1x128xf32, #tpu.memory_space<vmem_shared>>
      %dma_wait3A_138 = tpu.memref_squeeze %dma_wait3A_137 : memref<1x128xf32, #tpu.memory_space<vmem_shared>> -> memref<128xf32, #tpu.memory_space<vmem_shared>>
      %dma_wait3A_139 = arith.constant 0 : i32
      %dma_wait3A_140 = tpu.memref_slice %arg10[%dma_wait3A_139] : memref<512xf32, #tpu.memory_space<vmem>> -> memref<128xf32, #tpu.memory_space<vmem>>
      tpu.wait_dma2 semaphore(%run_scoped3A : memref<!tpu.dma_semaphore, #tpu.memory_space<semaphore_mem>>) src(%dma_wait3A_140 : memref<128xf32, #tpu.memory_space<vmem>>) dst(%dma_wait3A_138 : memref<128xf32, #tpu.memory_space<vmem_shared>>)
      tpu.yield
    }) : () -> ()
    "tpu.region"() ({
      %run_scoped3A = tpu.sem_alloc : memref<!tpu.dma_semaphore, #tpu.memory_space<semaphore_mem>>
      %dma_start3A = arith.constant 0 : i32
      %dma_start3A_123 = tpu.memref_slice %arg11[%dma_start3A] : memref<512xi32, #tpu.memory_space<vmem>> -> memref<128xi32, #tpu.memory_space<vmem>>
      %dma_start3A_124 = arith.constant 0 : i32
      %dma_start3A_125 = tpu.memref_slice %arg26[%arg1, %dma_start3A_124] : memref<16x128xi32, #tpu.memory_space<vmem_shared>> -> memref<1x128xi32, #tpu.memory_space<vmem_shared>>
      %dma_start3A_126 = tpu.memref_squeeze %dma_start3A_125 : memref<1x128xi32, #tpu.memory_space<vmem_shared>> -> memref<128xi32, #tpu.memory_space<vmem_shared>>
      %dma_start3A_127 = arith.constant 0 : i32
      %dma_start3A_128 = tpu.memref_slice %arg26[%arg1, %dma_start3A_127] : memref<16x128xi32, #tpu.memory_space<vmem_shared>> -> memref<1x128xi32, #tpu.memory_space<vmem_shared>>
      %dma_start3A_129 = tpu.memref_squeeze %dma_start3A_128 : memref<1x128xi32, #tpu.memory_space<vmem_shared>> -> memref<128xi32, #tpu.memory_space<vmem_shared>>
      %dma_start3A_130 = arith.constant 0 : i32
      %dma_start3A_131 = tpu.memref_slice %arg11[%dma_start3A_130] : memref<512xi32, #tpu.memory_space<vmem>> -> memref<128xi32, #tpu.memory_space<vmem>>
      tpu.enqueue_dma source(%dma_start3A_131 : memref<128xi32, #tpu.memory_space<vmem>>) target(%dma_start3A_129 : memref<128xi32, #tpu.memory_space<vmem_shared>>) target_semaphore(%run_scoped3A : memref<!tpu.dma_semaphore, #tpu.memory_space<semaphore_mem>>)
      %dma_wait3A = arith.constant 0 : i32
      %dma_wait3A_132 = tpu.memref_slice %arg11[%dma_wait3A] : memref<512xi32, #tpu.memory_space<vmem>> -> memref<128xi32, #tpu.memory_space<vmem>>
      %dma_wait3A_133 = arith.constant 0 : i32
      %dma_wait3A_134 = tpu.memref_slice %arg26[%arg1, %dma_wait3A_133] : memref<16x128xi32, #tpu.memory_space<vmem_shared>> -> memref<1x128xi32, #tpu.memory_space<vmem_shared>>
      %dma_wait3A_135 = tpu.memref_squeeze %dma_wait3A_134 : memref<1x128xi32, #tpu.memory_space<vmem_shared>> -> memref<128xi32, #tpu.memory_space<vmem_shared>>
      %dma_wait3A_136 = arith.constant 0 : i32
      %dma_wait3A_137 = tpu.memref_slice %arg26[%arg1, %dma_wait3A_136] : memref<16x128xi32, #tpu.memory_space<vmem_shared>> -> memref<1x128xi32, #tpu.memory_space<vmem_shared>>
      %dma_wait3A_138 = tpu.memref_squeeze %dma_wait3A_137 : memref<1x128xi32, #tpu.memory_space<vmem_shared>> -> memref<128xi32, #tpu.memory_space<vmem_shared>>
      %dma_wait3A_139 = arith.constant 0 : i32
      %dma_wait3A_140 = tpu.memref_slice %arg11[%dma_wait3A_139] : memref<512xi32, #tpu.memory_space<vmem>> -> memref<128xi32, #tpu.memory_space<vmem>>
      tpu.wait_dma2 semaphore(%run_scoped3A : memref<!tpu.dma_semaphore, #tpu.memory_space<semaphore_mem>>) src(%dma_wait3A_140 : memref<128xi32, #tpu.memory_space<vmem>>) dst(%dma_wait3A_138 : memref<128xi32, #tpu.memory_space<vmem_shared>>)
      tpu.yield
    }) : () -> ()
    "tpu.region"() ({
      %run_scoped3A = tpu.sem_alloc : memref<!tpu.dma_semaphore, #tpu.memory_space<semaphore_mem>>
      %dma_start3A = arith.constant 0 : i32
      %dma_start3A_123 = tpu.memref_slice %arg27[%arg1, %dma_start3A] : memref<16x128xi32, #tpu.memory_space<vmem_shared>> -> memref<1x16xi32, #tpu.memory_space<vmem_shared>>
      %dma_start3A_124 = tpu.memref_squeeze %dma_start3A_123 : memref<1x16xi32, #tpu.memory_space<vmem_shared>> -> memref<16xi32, #tpu.memory_space<vmem_shared>>
      %dma_start3A_125 = arith.constant 0 : i32
      %dma_start3A_126 = tpu.memref_slice %arg27[%arg1, %dma_start3A_125] : memref<16x128xi32, #tpu.memory_space<vmem_shared>> -> memref<1x16xi32, #tpu.memory_space<vmem_shared>>
      %dma_start3A_127 = tpu.memref_squeeze %dma_start3A_126 : memref<1x16xi32, #tpu.memory_space<vmem_shared>> -> memref<16xi32, #tpu.memory_space<vmem_shared>>
      tpu.enqueue_dma source(%arg12 : memref<16xi32, #tpu.memory_space<vmem>>) target(%dma_start3A_127 : memref<16xi32, #tpu.memory_space<vmem_shared>>) target_semaphore(%run_scoped3A : memref<!tpu.dma_semaphore, #tpu.memory_space<semaphore_mem>>)
      %dma_wait3A = arith.constant 0 : i32
      %dma_wait3A_128 = tpu.memref_slice %arg27[%arg1, %dma_wait3A] : memref<16x128xi32, #tpu.memory_space<vmem_shared>> -> memref<1x16xi32, #tpu.memory_space<vmem_shared>>
      %dma_wait3A_129 = tpu.memref_squeeze %dma_wait3A_128 : memref<1x16xi32, #tpu.memory_space<vmem_shared>> -> memref<16xi32, #tpu.memory_space<vmem_shared>>
      %dma_wait3A_130 = arith.constant 0 : i32
      %dma_wait3A_131 = tpu.memref_slice %arg27[%arg1, %dma_wait3A_130] : memref<16x128xi32, #tpu.memory_space<vmem_shared>> -> memref<1x16xi32, #tpu.memory_space<vmem_shared>>
      %dma_wait3A_132 = tpu.memref_squeeze %dma_wait3A_131 : memref<1x16xi32, #tpu.memory_space<vmem_shared>> -> memref<16xi32, #tpu.memory_space<vmem_shared>>
      tpu.wait_dma2 semaphore(%run_scoped3A : memref<!tpu.dma_semaphore, #tpu.memory_space<semaphore_mem>>) src(%arg12 : memref<16xi32, #tpu.memory_space<vmem>>) dst(%dma_wait3A_132 : memref<16xi32, #tpu.memory_space<vmem_shared>>)
      tpu.yield
    }) : () -> ()
    %barrier3A_116 = arith.constant 0 : index
    tpu.barrier barrier_id(%barrier3A_116)
    %eq3A_117 = arith.constant 0 : i32
    %eq3A_118 = arith.cmpi eq, %arg1, %eq3A_117 : i32
    %convert_element_type3A_119 = arith.extui %eq3A_118 : i1 to i32
    %cond3A_120 = arith.constant 0 : i32
    %cond3A_121 = arith.cmpi ne, %convert_element_type3A_119, %cond3A_120 : i32
    scf.if %cond3A_121 {
      "tpu.region"() ({
        %run_scoped3A = tpu.sem_alloc : memref<!tpu.dma_semaphore, #tpu.memory_space<semaphore_mem>>
        tpu.enqueue_dma source(%arg25 : memref<16x128xf32, #tpu.memory_space<vmem_shared>>) target(%arg13 : memref<16x128xf32, #tpu.memory_space<vmem>>) target_semaphore(%run_scoped3A : memref<!tpu.dma_semaphore, #tpu.memory_space<semaphore_mem>>)
        tpu.wait_dma2 semaphore(%run_scoped3A : memref<!tpu.dma_semaphore, #tpu.memory_space<semaphore_mem>>) src(%arg25 : memref<16x128xf32, #tpu.memory_space<vmem_shared>>) dst(%arg13 : memref<16x128xf32, #tpu.memory_space<vmem>>)
        tpu.yield
      }) : () -> ()
      "tpu.region"() ({
        %run_scoped3A = tpu.sem_alloc : memref<!tpu.dma_semaphore, #tpu.memory_space<semaphore_mem>>
        tpu.enqueue_dma source(%arg26 : memref<16x128xi32, #tpu.memory_space<vmem_shared>>) target(%arg14 : memref<16x128xi32, #tpu.memory_space<vmem>>) target_semaphore(%run_scoped3A : memref<!tpu.dma_semaphore, #tpu.memory_space<semaphore_mem>>)
        tpu.wait_dma2 semaphore(%run_scoped3A : memref<!tpu.dma_semaphore, #tpu.memory_space<semaphore_mem>>) src(%arg26 : memref<16x128xi32, #tpu.memory_space<vmem_shared>>) dst(%arg14 : memref<16x128xi32, #tpu.memory_space<vmem>>)
        tpu.yield
      }) : () -> ()
      "tpu.region"() ({
        %run_scoped3A = tpu.sem_alloc : memref<!tpu.dma_semaphore, #tpu.memory_space<semaphore_mem>>
        tpu.enqueue_dma source(%arg27 : memref<16x128xi32, #tpu.memory_space<vmem_shared>>) target(%arg15 : memref<16x128xi32, #tpu.memory_space<vmem>>) target_semaphore(%run_scoped3A : memref<!tpu.dma_semaphore, #tpu.memory_space<semaphore_mem>>)
        tpu.wait_dma2 semaphore(%run_scoped3A : memref<!tpu.dma_semaphore, #tpu.memory_space<semaphore_mem>>) src(%arg27 : memref<16x128xi32, #tpu.memory_space<vmem_shared>>) dst(%arg15 : memref<16x128xi32, #tpu.memory_space<vmem>>)
        tpu.yield
      }) : () -> ()
      %scan3A_123 = arith.constant 0 : i32
      %scan3A_124 = arith.constant 0 : i32
      %scan3A_125 = arith.constant 16 : i32
      %scan3A_126 = arith.addi %scan3A_124, %scan3A_125 : i32
      %scan3A_127 = arith.constant 1 : i32
      %scan3A_128 = scf.for %scan3A_878 = %scan3A_124 to %scan3A_126 step %scan3A_127 iter_args(%scan3A_879 = %scan3A_123) -> (i32)  : i32 {
        %get3A_880 = arith.index_cast %scan3A_878 : i32 to index
        %get3A_881 = arith.constant 0 : index
        %get3A_882 = tpu.vector_load %arg15[%get3A_880, %get3A_881] {strides = array<i32>} : memref<16x128xi32, #tpu.memory_space<vmem>>, vector<16xi32>,
        %slice3A = vector.extract_strided_slice %get3A_882 {offsets = [0], sizes = [1], strides = [1]} : vector<16xi32> to vector<1xi32>
        %squeeze3A = vector.extract %slice3A[0] : i32 from vector<1xi32>
        %scan3A_883 = arith.constant 0 : i32
        %scan3A_884 = arith.constant 8 : i32
        %scan3A_885 = arith.addi %scan3A_883, %scan3A_884 : i32
        %scan3A_886 = arith.constant 1 : i32
        %scan3A_887 = scf.for %scan3A_889 = %scan3A_883 to %scan3A_885 step %scan3A_886 iter_args(%scan3A_890 = %scan3A_879) -> (i32)  : i32 {
          %mul3A_891 = arith.constant 16 : i32
          %mul3A_892 = arith.muli %scan3A_889, %mul3A_891 : i32
          %get3A_893 = arith.index_cast %scan3A_878 : i32 to index
          %get3A_894 = arith.index_cast %mul3A_892 : i32 to index
          %get3A_895 = tpu.vector_load %arg13[%get3A_893, %get3A_894] {strides = array<i32>} : memref<16x128xf32, #tpu.memory_space<vmem>>, vector<16xf32>,
          %mul3A_896 = arith.constant 16 : i32
          %mul3A_897 = arith.muli %scan3A_889, %mul3A_896 : i32
          %get3A_898 = arith.index_cast %scan3A_878 : i32 to index
          %get3A_899 = arith.index_cast %mul3A_897 : i32 to index
          %get3A_900 = tpu.vector_load %arg14[%get3A_898, %get3A_899] {strides = array<i32>} : memref<16x128xi32, #tpu.memory_space<vmem>>, vector<16xi32>,
          %mul3A_901 = arith.constant 16 : i32
          %mul3A_902 = arith.muli %scan3A_889, %mul3A_901 : i32
          %add3A_903 = vector.broadcast %mul3A_902 : i32 to vector<16xi32>
          %add3A_904 = arith.addi %add3A_903, %iota3A : vector<16xi32>
          %lt3A_905 = vector.broadcast %squeeze3A : i32 to vector<16xi32>
          %lt3A_906 = arith.cmpi slt, %add3A_904, %lt3A_905 : vector<16xi32>
          %swap3A_907 = arith.index_cast %scan3A_890 : i32 to index
          %swap3A_908 = tpu.vector_load %arg16[%swap3A_907] masked %lt3A_906 {strides = array<i32>} : memref<2080xf32, #tpu.memory_space<vmem>>, vector<16xf32>, vector<16xi1>
          tpu.vector_store %arg16[%swap3A_907], %get3A_895 masked %lt3A_906 {strides = array<i32>} : memref<2080xf32, #tpu.memory_space<vmem>>, vector<16xf32>, vector<16xi1>
          %swap3A_909 = arith.index_cast %scan3A_890 : i32 to index
          %swap3A_910 = tpu.vector_load %arg17[%swap3A_909] masked %lt3A_906 {strides = array<i32>} : memref<2080xi32, #tpu.memory_space<vmem>>, vector<16xi32>, vector<16xi1>
          tpu.vector_store %arg17[%swap3A_909], %get3A_900 masked %lt3A_906 {strides = array<i32>} : memref<2080xi32, #tpu.memory_space<vmem>>, vector<16xi32>, vector<16xi1>
          %all_reduce_population_count3A = tpu.all_reduce %lt3A_906 {dim = 0 : i64, kind = #tpu.reduction_kind<sum>} : vector<16xi1> -> vector<16xi32>
          %slice3A_911 = vector.extract_strided_slice %all_reduce_population_count3A {offsets = [0], sizes = [1], strides = [1]} : vector<16xi32> to vector<1xi32>
          %squeeze3A_912 = vector.extract %slice3A_911[0] : i32 from vector<1xi32>
          %add3A_913 = arith.addi %scan3A_890, %squeeze3A_912 : i32
          scf.yield %add3A_913 : i32
        }
        %scan3A_888 = arith.constant 8 : i32
        scf.yield %scan3A_887 : i32
      }
      %scan3A_129 = arith.constant 16 : i32
      %broadcast_in_dim3A_130 = arith.constant -1.000000e+00 : f32
      %broadcast_in_dim3A_131 = vector.broadcast %broadcast_in_dim3A_130 : f32 to vector<16xf32>
      %swap3A_132 = arith.index_cast %scan3A_128 : i32 to index
      %swap3A_133 = tpu.vector_load %arg16[%swap3A_132] {strides = array<i32>} : memref<2080xf32, #tpu.memory_space<vmem>>, vector<16xf32>,
      tpu.vector_store %arg16[%swap3A_132], %broadcast_in_dim3A_131 {strides = array<i32>} : memref<2080xf32, #tpu.memory_space<vmem>>, vector<16xf32>,
      %add3A_134 = arith.constant 15 : i32
      %add3A_135 = arith.addi %scan3A_128, %add3A_134 : i32
      %jit3A_136 = arith.constant 16 : i32
      %div3A = arith.divsi %add3A_135, %jit3A_136 : i32
      %sign3A = arith.constant 0 : i32
      %sign3A_137 = arith.cmpi sgt, %add3A_135, %sign3A : i32
      %sign3A_138 = arith.extui %sign3A_137 : i1 to i32
      %sign3A_139 = arith.constant 0 : i32
      %sign3A_140 = arith.cmpi slt, %add3A_135, %sign3A_139 : i32
      %sign3A_141 = arith.extui %sign3A_140 : i1 to i32
      %sign3A_142 = arith.subi %sign3A_138, %sign3A_141 : i32
      %sign3A_143 = arith.constant 0 : i32
      %sign3A_144 = arith.cmpi sgt, %jit3A_136, %sign3A_143 : i32
      %sign3A_145 = arith.extui %sign3A_144 : i1 to i32
      %sign3A_146 = arith.constant 0 : i32
      %sign3A_147 = arith.cmpi slt, %jit3A_136, %sign3A_146 : i32
      %sign3A_148 = arith.extui %sign3A_147 : i1 to i32
      %sign3A_149 = arith.subi %sign3A_145, %sign3A_148 : i32
      %ne3A = arith.cmpi ne, %sign3A_142, %sign3A_149 : i32
      %rem3A = arith.remsi %add3A_135, %jit3A_136 : i32
      %ne3A_150 = arith.constant 0 : i32
      %ne3A_151 = arith.cmpi ne, %rem3A, %ne3A_150 : i32
      %and3A = arith.andi %ne3A, %ne3A_151 : i1
      %sub3A = arith.constant 1 : i32
      %sub3A_152 = arith.subi %div3A, %sub3A : i32
      %select_n3A_153 = arith.select %and3A, %sub3A_152, %div3A : i32
      %scan3A_154 = arith.constant 0 : i32
      %scan3A_155 = arith.constant 0 : i32
      %scan3A_156 = arith.constant 7 : i32
      %scan3A_157 = arith.addi %scan3A_155, %scan3A_156 : i32
      %scan3A_158 = arith.constant 1 : i32
      scf.for %scan3A_878 = %scan3A_155 to %scan3A_157 step %scan3A_158  : i32 {
        %mul3A_879 = arith.constant 16 : i32
        %mul3A_880 = arith.muli %scan3A_878, %mul3A_879 : i32
        %swap3A_881 = arith.index_cast %mul3A_880 : i32 to index
        %swap3A_882 = tpu.vector_load %arg18[%swap3A_881] {strides = array<i32>} : memref<112xi32, #tpu.memory_space<vmem>>, vector<16xi32>,
        tpu.vector_store %arg18[%swap3A_881], %broadcast_in_dim3A_0 {strides = array<i32>} : memref<112xi32, #tpu.memory_space<vmem>>, vector<16xi32>,
      }
      %scan3A_159 = arith.constant 7 : i32
      %scan3A_160 = arith.constant 0 : i32
      %scan3A_161 = arith.constant 0 : i32
      %scan3A_162 = arith.constant 100 : i32
      %scan3A_163 = arith.addi %scan3A_161, %scan3A_162 : i32
      %scan3A_164 = arith.constant 1 : i32
      scf.for %scan3A_878 = %scan3A_161 to %scan3A_163 step %scan3A_164  : i32 {
        %broadcast_in_dim3A_879 = arith.constant -2.000000e+00 : f32
        %broadcast_in_dim3A_880 = vector.broadcast %broadcast_in_dim3A_879 : f32 to vector<16xf32>
        %while3A = arith.constant 0 : i32
        %while3A_881 = arith.subi %select_n3A_153, %while3A : i32
        %while3A_882 = arith.addi %while3A, %while3A_881 : i32
        %while3A_883 = arith.constant 1 : i32
        %while3A_884 = arith.divsi %while3A_881, %while3A_883 : i32
        %while3A_885 = arith.muli %while3A_884, %while3A_883 : i32
        %while3A_886 = arith.addi %while3A, %while3A_885 : i32
        %while3A_887 = arith.constant 1 : i32
        %while3A_888 = scf.for %while3A_931 = %while3A to %while3A_886 step %while3A_887 iter_args(%while3A_932 = %broadcast_in_dim3A_880) -> (vector<16xf32>)  : i32 {
          %mul3A_933 = arith.constant 16 : i32
          %mul3A_934 = arith.muli %while3A_931, %mul3A_933 : i32
          %get3A_935 = arith.index_cast %mul3A_934 : i32 to index
          %get3A_936 = tpu.vector_load %arg16[%get3A_935] {strides = array<i32>} : memref<2080xf32, #tpu.memory_space<vmem>>, vector<16xf32>,
          %max3A = arith.maximumf %while3A_932, %get3A_936 : vector<16xf32>
          scf.yield %max3A : vector<16xf32>
        }
        %while3A_889 = arith.constant 1 : i32
        %while3A_890 = scf.for %while3A_931 = %while3A_886 to %while3A_882 step %while3A_889 iter_args(%while3A_932 = %while3A_888) -> (vector<16xf32>)  : i32 {
          %mul3A_933 = arith.constant 16 : i32
          %mul3A_934 = arith.muli %while3A_931, %mul3A_933 : i32
          %get3A_935 = arith.index_cast %mul3A_934 : i32 to index
          %get3A_936 = tpu.vector_load %arg16[%get3A_935] {strides = array<i32>} : memref<2080xf32, #tpu.memory_space<vmem>>, vector<16xf32>,
          %max3A = arith.maximumf %while3A_932, %get3A_936 : vector<16xf32>
          scf.yield %max3A : vector<16xf32>
        }
        %reduce_max3A = arith.constant true
        %reduce_max3A_891 = vector.broadcast %reduce_max3A : i1 to vector<16xi1>
        %reduce_max3A_892 = tpu.scan <max>, %while3A_890 masked %reduce_max3A_891 : vector<16xf32>, vector<16xi1> -> vector<16xf32>
        %reduce_max3A_893 = vector.extract %reduce_max3A_892[15] : f32 from vector<16xf32>
        %broadcast_in_dim3A_894 = arith.constant 1073741824 : i32
        %broadcast_in_dim3A_895 = vector.broadcast %broadcast_in_dim3A_894 : i32 to vector<16xi32>
        %while3A_896 = arith.constant 0 : i32
        %while3A_897 = arith.subi %select_n3A_153, %while3A_896 : i32
        %while3A_898 = arith.addi %while3A_896, %while3A_897 : i32
        %while3A_899 = arith.constant 1 : i32
        %while3A_900 = arith.divsi %while3A_897, %while3A_899 : i32
        %while3A_901 = arith.muli %while3A_900, %while3A_899 : i32
        %while3A_902 = arith.addi %while3A_896, %while3A_901 : i32
        %while3A_903 = arith.constant 1 : i32
        %while3A_904 = scf.for %while3A_931 = %while3A_896 to %while3A_902 step %while3A_903 iter_args(%while3A_932 = %broadcast_in_dim3A_895) -> (vector<16xi32>)  : i32 {
          %mul3A_933 = arith.constant 16 : i32
          %mul3A_934 = arith.muli %while3A_931, %mul3A_933 : i32
          %get3A_935 = arith.index_cast %mul3A_934 : i32 to index
          %get3A_936 = tpu.vector_load %arg16[%get3A_935] {strides = array<i32>} : memref<2080xf32, #tpu.memory_space<vmem>>, vector<16xf32>,
          %mul3A_937 = arith.constant 16 : i32
          %mul3A_938 = arith.muli %while3A_931, %mul3A_937 : i32
          %get3A_939 = arith.index_cast %mul3A_938 : i32 to index
          %get3A_940 = tpu.vector_load %arg17[%get3A_939] {strides = array<i32>} : memref<2080xi32, #tpu.memory_space<vmem>>, vector<16xi32>,
          %eq3A_941 = vector.broadcast %reduce_max3A_893 : f32 to vector<16xf32>
          %eq3A_942 = arith.cmpf oeq, %get3A_936, %eq3A_941 : vector<16xf32>
          %jit3A_943 = arith.constant 1073741824 : i32
          %broadcast_in_dim3A_944 = vector.broadcast %jit3A_943 : i32 to vector<16xi32>
          %select_n3A_945 = arith.select %eq3A_942, %get3A_940, %broadcast_in_dim3A_944 : vector<16xi1>, vector<16xi32>
          %min3A_946 = arith.minsi %while3A_932, %select_n3A_945 : vector<16xi32>
          scf.yield %min3A_946 : vector<16xi32>
        }
        %while3A_905 = arith.constant 1 : i32
        %while3A_906 = scf.for %while3A_931 = %while3A_902 to %while3A_898 step %while3A_905 iter_args(%while3A_932 = %while3A_904) -> (vector<16xi32>)  : i32 {
          %mul3A_933 = arith.constant 16 : i32
          %mul3A_934 = arith.muli %while3A_931, %mul3A_933 : i32
          %get3A_935 = arith.index_cast %mul3A_934 : i32 to index
          %get3A_936 = tpu.vector_load %arg16[%get3A_935] {strides = array<i32>} : memref<2080xf32, #tpu.memory_space<vmem>>, vector<16xf32>,
          %mul3A_937 = arith.constant 16 : i32
          %mul3A_938 = arith.muli %while3A_931, %mul3A_937 : i32
          %get3A_939 = arith.index_cast %mul3A_938 : i32 to index
          %get3A_940 = tpu.vector_load %arg17[%get3A_939] {strides = array<i32>} : memref<2080xi32, #tpu.memory_space<vmem>>, vector<16xi32>,
          %eq3A_941 = vector.broadcast %reduce_max3A_893 : f32 to vector<16xf32>
          %eq3A_942 = arith.cmpf oeq, %get3A_936, %eq3A_941 : vector<16xf32>
          %jit3A_943 = arith.constant 1073741824 : i32
          %broadcast_in_dim3A_944 = vector.broadcast %jit3A_943 : i32 to vector<16xi32>
          %select_n3A_945 = arith.select %eq3A_942, %get3A_940, %broadcast_in_dim3A_944 : vector<16xi1>, vector<16xi32>
          %min3A_946 = arith.minsi %while3A_932, %select_n3A_945 : vector<16xi32>
          scf.yield %min3A_946 : vector<16xi32>
        }
        %reduce_min3A = arith.constant true
        %reduce_min3A_907 = vector.broadcast %reduce_min3A : i1 to vector<16xi1>
        %reduce_min3A_908 = arith.constant -2147483648 : i32
        %reduce_min3A_909 = vector.broadcast %reduce_min3A_908 : i32 to vector<16xi32>
        %reduce_min3A_910 = arith.xori %while3A_906, %reduce_min3A_909 : vector<16xi32>
        %reduce_min3A_911 = tpu.scan <min>, %reduce_min3A_910 masked %reduce_min3A_907 : vector<16xi32>, vector<16xi1> -> vector<16xi32>
        %reduce_min3A_912 = arith.xori %reduce_min3A_911, %reduce_min3A_909 : vector<16xi32>
        %reduce_min3A_913 = vector.extract %reduce_min3A_912[15] : i32 from vector<16xi32>
        %while3A_914 = arith.constant 0 : i32
        %while3A_915 = arith.constant 0 : i32
        %while3A_916 = arith.subi %select_n3A_153, %while3A_915 : i32
        %while3A_917 = arith.addi %while3A_915, %while3A_916 : i32
        %while3A_918 = arith.constant 1 : i32
        %while3A_919 = arith.divsi %while3A_916, %while3A_918 : i32
        %while3A_920 = arith.muli %while3A_919, %while3A_918 : i32
        %while3A_921 = arith.addi %while3A_915, %while3A_920 : i32
        %while3A_922 = arith.constant 1 : i32
        scf.for %while3A_931 = %while3A_915 to %while3A_921 step %while3A_922  : i32 {
          %mul3A_932 = arith.constant 16 : i32
          %mul3A_933 = arith.muli %while3A_931, %mul3A_932 : i32
          %get3A_934 = arith.index_cast %mul3A_933 : i32 to index
          %get3A_935 = tpu.vector_load %arg16[%get3A_934] {strides = array<i32>} : memref<2080xf32, #tpu.memory_space<vmem>>, vector<16xf32>,
          %mul3A_936 = arith.constant 16 : i32
          %mul3A_937 = arith.muli %while3A_931, %mul3A_936 : i32
          %get3A_938 = arith.index_cast %mul3A_937 : i32 to index
          %get3A_939 = tpu.vector_load %arg17[%get3A_938] {strides = array<i32>} : memref<2080xi32, #tpu.memory_space<vmem>>, vector<16xi32>,
          %eq3A_940 = vector.broadcast %reduce_max3A_893 : f32 to vector<16xf32>
          %eq3A_941 = arith.cmpf oeq, %get3A_935, %eq3A_940 : vector<16xf32>
          %eq3A_942 = vector.broadcast %reduce_min3A_913 : i32 to vector<16xi32>
          %eq3A_943 = arith.cmpi eq, %get3A_939, %eq3A_942 : vector<16xi32>
          %and3A_944 = arith.andi %eq3A_941, %eq3A_943 : vector<16xi1>
          %jit3A_945 = arith.constant -1.000000e+00 : f32
          %broadcast_in_dim3A_946 = vector.broadcast %jit3A_945 : f32 to vector<16xf32>
          %select_n3A_947 = arith.select %and3A_944, %broadcast_in_dim3A_946, %get3A_935 : vector<16xi1>, vector<16xf32>
          %mul3A_948 = arith.constant 16 : i32
          %mul3A_949 = arith.muli %while3A_931, %mul3A_948 : i32
          %swap3A_950 = arith.index_cast %mul3A_949 : i32 to index
          %swap3A_951 = tpu.vector_load %arg16[%swap3A_950] {strides = array<i32>} : memref<2080xf32, #tpu.memory_space<vmem>>, vector<16xf32>,
          tpu.vector_store %arg16[%swap3A_950], %select_n3A_947 {strides = array<i32>} : memref<2080xf32, #tpu.memory_space<vmem>>, vector<16xf32>,
        }
        %while3A_923 = arith.constant 1 : i32
        scf.for %while3A_931 = %while3A_921 to %while3A_917 step %while3A_923  : i32 {
          %mul3A_932 = arith.constant 16 : i32
          %mul3A_933 = arith.muli %while3A_931, %mul3A_932 : i32
          %get3A_934 = arith.index_cast %mul3A_933 : i32 to index
          %get3A_935 = tpu.vector_load %arg16[%get3A_934] {strides = array<i32>} : memref<2080xf32, #tpu.memory_space<vmem>>, vector<16xf32>,
          %mul3A_936 = arith.constant 16 : i32
          %mul3A_937 = arith.muli %while3A_931, %mul3A_936 : i32
          %get3A_938 = arith.index_cast %mul3A_937 : i32 to index
          %get3A_939 = tpu.vector_load %arg17[%get3A_938] {strides = array<i32>} : memref<2080xi32, #tpu.memory_space<vmem>>, vector<16xi32>,
          %eq3A_940 = vector.broadcast %reduce_max3A_893 : f32 to vector<16xf32>
          %eq3A_941 = arith.cmpf oeq, %get3A_935, %eq3A_940 : vector<16xf32>
          %eq3A_942 = vector.broadcast %reduce_min3A_913 : i32 to vector<16xi32>
          %eq3A_943 = arith.cmpi eq, %get3A_939, %eq3A_942 : vector<16xi32>
          %and3A_944 = arith.andi %eq3A_941, %eq3A_943 : vector<16xi1>
          %jit3A_945 = arith.constant -1.000000e+00 : f32
          %broadcast_in_dim3A_946 = vector.broadcast %jit3A_945 : f32 to vector<16xf32>
          %select_n3A_947 = arith.select %and3A_944, %broadcast_in_dim3A_946, %get3A_935 : vector<16xi1>, vector<16xf32>
          %mul3A_948 = arith.constant 16 : i32
          %mul3A_949 = arith.muli %while3A_931, %mul3A_948 : i32
          %swap3A_950 = arith.index_cast %mul3A_949 : i32 to index
          %swap3A_951 = tpu.vector_load %arg16[%swap3A_950] {strides = array<i32>} : memref<2080xf32, #tpu.memory_space<vmem>>, vector<16xf32>,
          tpu.vector_store %arg16[%swap3A_950], %select_n3A_947 {strides = array<i32>} : memref<2080xf32, #tpu.memory_space<vmem>>, vector<16xf32>,
        }
        %add3A_924 = vector.broadcast %scan3A_878 : i32 to vector<16xi32>
        %add3A_925 = arith.addi %broadcast_in_dim3A_0, %add3A_924 : vector<16xi32>
        %add3A_926 = vector.broadcast %reduce_min3A_913 : i32 to vector<16xi32>
        %add3A_927 = arith.addi %broadcast_in_dim3A_0, %add3A_926 : vector<16xi32>
        %eq3A_928 = arith.constant 0 : i32
        %eq3A_929 = vector.broadcast %eq3A_928 : i32 to vector<16xi32>
        %eq3A_930 = arith.cmpi eq, %iota3A, %eq3A_929 : vector<16xi32>
        tpu.vector_store_idx %arg18[%add3A_925], %add3A_927 masked %eq3A_930 : memref<112xi32, #tpu.memory_space<vmem>>[vector<16xi32>], vector<16xi32>, vector<16xi1>
      }
      %scan3A_165 = arith.constant 100 : i32
      %get3A = arith.constant 0 : index
      %get3A_166 = tpu.vector_load %arg18[%get3A] {strides = array<i32>} : memref<112xi32, #tpu.memory_space<vmem>>, vector<16xi32>,
      %mul3A_167 = arith.constant 1152 : i32
      %mul3A_168 = arith.muli %add3A_61, %mul3A_167 : i32
      %shift_right_logical3A = arith.constant 7 : i32
      %shift_right_logical3A_169 = vector.broadcast %shift_right_logical3A : i32 to vector<16xi32>
      %shift_right_logical3A_170 = arith.shrui %get3A_166, %shift_right_logical3A_169 : vector<16xi32>
      %min3A_171 = arith.constant 1151 : i32
      %min3A_172 = vector.broadcast %min3A_171 : i32 to vector<16xi32>
      %min3A_173 = arith.minsi %shift_right_logical3A_170, %min3A_172 : vector<16xi32>
      %add3A_174 = vector.broadcast %mul3A_168 : i32 to vector<16xi32>
      %add3A_175 = arith.addi %add3A_174, %min3A_173 : vector<16xi32>
      %swap3A_176 = arith.constant 0 : index
      %swap3A_177 = tpu.vector_load %arg19[%swap3A_176] {strides = array<i32>} : memref<112xi32, #tpu.memory_space<vmem>>, vector<16xi32>,
      tpu.vector_store %arg19[%swap3A_176], %add3A_175 {strides = array<i32>} : memref<112xi32, #tpu.memory_space<vmem>>, vector<16xi32>,
      %get3A_178 = arith.constant 16 : index
      %get3A_179 = tpu.vector_load %arg18[%get3A_178] {strides = array<i32>} : memref<112xi32, #tpu.memory_space<vmem>>, vector<16xi32>,
      %mul3A_180 = arith.constant 1152 : i32
      %mul3A_181 = arith.muli %add3A_61, %mul3A_180 : i32
      %shift_right_logical3A_182 = arith.constant 7 : i32
      %shift_right_logical3A_183 = vector.broadcast %shift_right_logical3A_182 : i32 to vector<16xi32>
      %shift_right_logical3A_184 = arith.shrui %get3A_179, %shift_right_logical3A_183 : vector<16xi32>
      %min3A_185 = arith.constant 1151 : i32
      %min3A_186 = vector.broadcast %min3A_185 : i32 to vector<16xi32>
      %min3A_187 = arith.minsi %shift_right_logical3A_184, %min3A_186 : vector<16xi32>
      %add3A_188 = vector.broadcast %mul3A_181 : i32 to vector<16xi32>
      %add3A_189 = arith.addi %add3A_188, %min3A_187 : vector<16xi32>
      %swap3A_190 = arith.constant 16 : index
      %swap3A_191 = tpu.vector_load %arg19[%swap3A_190] {strides = array<i32>} : memref<112xi32, #tpu.memory_space<vmem>>, vector<16xi32>,
      tpu.vector_store %arg19[%swap3A_190], %add3A_189 {strides = array<i32>} : memref<112xi32, #tpu.memory_space<vmem>>, vector<16xi32>,
      %get3A_192 = arith.constant 32 : index
      %get3A_193 = tpu.vector_load %arg18[%get3A_192] {strides = array<i32>} : memref<112xi32, #tpu.memory_space<vmem>>, vector<16xi32>,
      %mul3A_194 = arith.constant 1152 : i32
      %mul3A_195 = arith.muli %add3A_61, %mul3A_194 : i32
      %shift_right_logical3A_196 = arith.constant 7 : i32
      %shift_right_logical3A_197 = vector.broadcast %shift_right_logical3A_196 : i32 to vector<16xi32>
      %shift_right_logical3A_198 = arith.shrui %get3A_193, %shift_right_logical3A_197 : vector<16xi32>
      %min3A_199 = arith.constant 1151 : i32
      %min3A_200 = vector.broadcast %min3A_199 : i32 to vector<16xi32>
      %min3A_201 = arith.minsi %shift_right_logical3A_198, %min3A_200 : vector<16xi32>
      %add3A_202 = vector.broadcast %mul3A_195 : i32 to vector<16xi32>
      %add3A_203 = arith.addi %add3A_202, %min3A_201 : vector<16xi32>
      %swap3A_204 = arith.constant 32 : index
      %swap3A_205 = tpu.vector_load %arg19[%swap3A_204] {strides = array<i32>} : memref<112xi32, #tpu.memory_space<vmem>>, vector<16xi32>,
      tpu.vector_store %arg19[%swap3A_204], %add3A_203 {strides = array<i32>} : memref<112xi32, #tpu.memory_space<vmem>>, vector<16xi32>,
      %get3A_206 = arith.constant 48 : index
      %get3A_207 = tpu.vector_load %arg18[%get3A_206] {strides = array<i32>} : memref<112xi32, #tpu.memory_space<vmem>>, vector<16xi32>,
      %mul3A_208 = arith.constant 1152 : i32
      %mul3A_209 = arith.muli %add3A_61, %mul3A_208 : i32
      %shift_right_logical3A_210 = arith.constant 7 : i32
      %shift_right_logical3A_211 = vector.broadcast %shift_right_logical3A_210 : i32 to vector<16xi32>
      %shift_right_logical3A_212 = arith.shrui %get3A_207, %shift_right_logical3A_211 : vector<16xi32>
      %min3A_213 = arith.constant 1151 : i32
      %min3A_214 = vector.broadcast %min3A_213 : i32 to vector<16xi32>
      %min3A_215 = arith.minsi %shift_right_logical3A_212, %min3A_214 : vector<16xi32>
      %add3A_216 = vector.broadcast %mul3A_209 : i32 to vector<16xi32>
      %add3A_217 = arith.addi %add3A_216, %min3A_215 : vector<16xi32>
      %swap3A_218 = arith.constant 48 : index
      %swap3A_219 = tpu.vector_load %arg19[%swap3A_218] {strides = array<i32>} : memref<112xi32, #tpu.memory_space<vmem>>, vector<16xi32>,
      tpu.vector_store %arg19[%swap3A_218], %add3A_217 {strides = array<i32>} : memref<112xi32, #tpu.memory_space<vmem>>, vector<16xi32>,
      %get3A_220 = arith.constant 64 : index
      %get3A_221 = tpu.vector_load %arg18[%get3A_220] {strides = array<i32>} : memref<112xi32, #tpu.memory_space<vmem>>, vector<16xi32>,
      %mul3A_222 = arith.constant 1152 : i32
      %mul3A_223 = arith.muli %add3A_61, %mul3A_222 : i32
      %shift_right_logical3A_224 = arith.constant 7 : i32
      %shift_right_logical3A_225 = vector.broadcast %shift_right_logical3A_224 : i32 to vector<16xi32>
      %shift_right_logical3A_226 = arith.shrui %get3A_221, %shift_right_logical3A_225 : vector<16xi32>
      %min3A_227 = arith.constant 1151 : i32
      %min3A_228 = vector.broadcast %min3A_227 : i32 to vector<16xi32>
      %min3A_229 = arith.minsi %shift_right_logical3A_226, %min3A_228 : vector<16xi32>
      %add3A_230 = vector.broadcast %mul3A_223 : i32 to vector<16xi32>
      %add3A_231 = arith.addi %add3A_230, %min3A_229 : vector<16xi32>
      %swap3A_232 = arith.constant 64 : index
      %swap3A_233 = tpu.vector_load %arg19[%swap3A_232] {strides = array<i32>} : memref<112xi32, #tpu.memory_space<vmem>>, vector<16xi32>,
      tpu.vector_store %arg19[%swap3A_232], %add3A_231 {strides = array<i32>} : memref<112xi32, #tpu.memory_space<vmem>>, vector<16xi32>,
      %get3A_234 = arith.constant 80 : index
      %get3A_235 = tpu.vector_load %arg18[%get3A_234] {strides = array<i32>} : memref<112xi32, #tpu.memory_space<vmem>>, vector<16xi32>,
      %mul3A_236 = arith.constant 1152 : i32
      %mul3A_237 = arith.muli %add3A_61, %mul3A_236 : i32
      %shift_right_logical3A_238 = arith.constant 7 : i32
      %shift_right_logical3A_239 = vector.broadcast %shift_right_logical3A_238 : i32 to vector<16xi32>
      %shift_right_logical3A_240 = arith.shrui %get3A_235, %shift_right_logical3A_239 : vector<16xi32>
      %min3A_241 = arith.constant 1151 : i32
      %min3A_242 = vector.broadcast %min3A_241 : i32 to vector<16xi32>
      %min3A_243 = arith.minsi %shift_right_logical3A_240, %min3A_242 : vector<16xi32>
      %add3A_244 = vector.broadcast %mul3A_237 : i32 to vector<16xi32>
      %add3A_245 = arith.addi %add3A_244, %min3A_243 : vector<16xi32>
      %swap3A_246 = arith.constant 80 : index
      %swap3A_247 = tpu.vector_load %arg19[%swap3A_246] {strides = array<i32>} : memref<112xi32, #tpu.memory_space<vmem>>, vector<16xi32>,
      tpu.vector_store %arg19[%swap3A_246], %add3A_245 {strides = array<i32>} : memref<112xi32, #tpu.memory_space<vmem>>, vector<16xi32>,
      %get3A_248 = arith.constant 96 : index
      %get3A_249 = tpu.vector_load %arg18[%get3A_248] {strides = array<i32>} : memref<112xi32, #tpu.memory_space<vmem>>, vector<16xi32>,
      %mul3A_250 = arith.constant 1152 : i32
      %mul3A_251 = arith.muli %add3A_61, %mul3A_250 : i32
      %shift_right_logical3A_252 = arith.constant 7 : i32
      %shift_right_logical3A_253 = vector.broadcast %shift_right_logical3A_252 : i32 to vector<16xi32>
      %shift_right_logical3A_254 = arith.shrui %get3A_249, %shift_right_logical3A_253 : vector<16xi32>
      %min3A_255 = arith.constant 1151 : i32
      %min3A_256 = vector.broadcast %min3A_255 : i32 to vector<16xi32>
      %min3A_257 = arith.minsi %shift_right_logical3A_254, %min3A_256 : vector<16xi32>
      %add3A_258 = vector.broadcast %mul3A_251 : i32 to vector<16xi32>
      %add3A_259 = arith.addi %add3A_258, %min3A_257 : vector<16xi32>
      %swap3A_260 = arith.constant 96 : index
      %swap3A_261 = tpu.vector_load %arg19[%swap3A_260] {strides = array<i32>} : memref<112xi32, #tpu.memory_space<vmem>>, vector<16xi32>,
      tpu.vector_store %arg19[%swap3A_260], %add3A_259 {strides = array<i32>} : memref<112xi32, #tpu.memory_space<vmem>>, vector<16xi32>,
      %dma_start3A = arith.constant 0 : i32
      %dma_start3A_262 = arith.constant 0 : i32
      %dma_start3A_263 = tpu.memref_slice %arg2[%dma_start3A, %dma_start3A_262] : memref<4608x128xf32, #tpu.memory_space<hbm>> -> memref<4608x128xf32, #tpu.memory_space<hbm>>
      tpu.enqueue_indirect_dma source(%dma_start3A_263 : memref<4608x128xf32, #tpu.memory_space<hbm>>) target(%arg20 : memref<112x128xf32, #tpu.memory_space<vmem>>) offsets(%arg19 : memref<112xi32, #tpu.memory_space<vmem>>) semaphore(%arg28 : memref<!tpu.dma_semaphore, #tpu.memory_space<semaphore_mem>>)
      %dma_wait3A = arith.constant 0 : i32
      %dma_wait3A_264 = arith.constant 0 : i32
      %dma_wait3A_265 = tpu.memref_slice %arg2[%dma_wait3A, %dma_wait3A_264] : memref<4608x128xf32, #tpu.memory_space<hbm>> -> memref<4608x128xf32, #tpu.memory_space<hbm>>
      tpu.wait_indirect_dma semaphore(%arg28 : memref<!tpu.dma_semaphore, #tpu.memory_space<semaphore_mem>>) src(%dma_wait3A_265 : memref<4608x128xf32, #tpu.memory_space<hbm>>) dst(%arg20 : memref<112x128xf32, #tpu.memory_space<vmem>>)
      %dma_start3A_266 = arith.constant 0 : i32
      %dma_start3A_267 = arith.constant 0 : i32
      %dma_start3A_268 = tpu.memref_slice %arg3[%dma_start3A_266, %dma_start3A_267] : memref<4608x128xf32, #tpu.memory_space<hbm>> -> memref<4608x128xf32, #tpu.memory_space<hbm>>
      tpu.enqueue_indirect_dma source(%dma_start3A_268 : memref<4608x128xf32, #tpu.memory_space<hbm>>) target(%arg21 : memref<112x128xf32, #tpu.memory_space<vmem>>) offsets(%arg19 : memref<112xi32, #tpu.memory_space<vmem>>) semaphore(%arg28 : memref<!tpu.dma_semaphore, #tpu.memory_space<semaphore_mem>>)
      %dma_wait3A_269 = arith.constant 0 : i32
      %dma_wait3A_270 = arith.constant 0 : i32
      %dma_wait3A_271 = tpu.memref_slice %arg3[%dma_wait3A_269, %dma_wait3A_270] : memref<4608x128xf32, #tpu.memory_space<hbm>> -> memref<4608x128xf32, #tpu.memory_space<hbm>>
      tpu.wait_indirect_dma semaphore(%arg28 : memref<!tpu.dma_semaphore, #tpu.memory_space<semaphore_mem>>) src(%dma_wait3A_271 : memref<4608x128xf32, #tpu.memory_space<hbm>>) dst(%arg21 : memref<112x128xf32, #tpu.memory_space<vmem>>)
      %dma_start3A_272 = arith.constant 0 : i32
      %dma_start3A_273 = arith.constant 0 : i32
      %dma_start3A_274 = tpu.memref_slice %arg4[%dma_start3A_272, %dma_start3A_273] : memref<4608x128xf32, #tpu.memory_space<hbm>> -> memref<4608x128xf32, #tpu.memory_space<hbm>>
      tpu.enqueue_indirect_dma source(%dma_start3A_274 : memref<4608x128xf32, #tpu.memory_space<hbm>>) target(%arg22 : memref<112x128xf32, #tpu.memory_space<vmem>>) offsets(%arg19 : memref<112xi32, #tpu.memory_space<vmem>>) semaphore(%arg28 : memref<!tpu.dma_semaphore, #tpu.memory_space<semaphore_mem>>)
      %dma_wait3A_275 = arith.constant 0 : i32
      %dma_wait3A_276 = arith.constant 0 : i32
      %dma_wait3A_277 = tpu.memref_slice %arg4[%dma_wait3A_275, %dma_wait3A_276] : memref<4608x128xf32, #tpu.memory_space<hbm>> -> memref<4608x128xf32, #tpu.memory_space<hbm>>
      tpu.wait_indirect_dma semaphore(%arg28 : memref<!tpu.dma_semaphore, #tpu.memory_space<semaphore_mem>>) src(%dma_wait3A_277 : memref<4608x128xf32, #tpu.memory_space<hbm>>) dst(%arg22 : memref<112x128xf32, #tpu.memory_space<vmem>>)
      %add3A_278 = arith.constant 0 : i32
      %add3A_279 = vector.broadcast %add3A_278 : i32 to vector<16xi32>
      %add3A_280 = arith.addi %add3A_279, %iota3A : vector<16xi32>
      %get3A_281 = arith.constant 0 : index
      %get3A_282 = tpu.vector_load %arg18[%get3A_281] {strides = array<i32>} : memref<112xi32, #tpu.memory_space<vmem>>, vector<16xi32>,
      %and3A_283 = arith.constant 127 : i32
      %and3A_284 = vector.broadcast %and3A_283 : i32 to vector<16xi32>
      %and3A_285 = arith.andi %get3A_282, %and3A_284 : vector<16xi32>
      %gather3A = tpu.vector_load_idx %arg20[%add3A_280, %and3A_285] : memref<112x128xf32, #tpu.memory_space<vmem>>[vector<16xi32>, vector<16xi32>], vector<16xf32>,
      %gather3A_286 = tpu.vector_load_idx %arg21[%add3A_280, %and3A_285] : memref<112x128xf32, #tpu.memory_space<vmem>>[vector<16xi32>, vector<16xi32>], vector<16xf32>,
      %gather3A_287 = tpu.vector_load_idx %arg22[%add3A_280, %and3A_285] : memref<112x128xf32, #tpu.memory_space<vmem>>[vector<16xi32>, vector<16xi32>], vector<16xf32>,
      %jit3A_288 = arith.constant 384 : i32
      %div3A_289 = vector.broadcast %jit3A_288 : i32 to vector<16xi32>
      %div3A_290 = arith.divsi %get3A_282, %div3A_289 : vector<16xi32>
      %sign3A_291 = arith.constant 0 : i32
      %sign3A_292 = vector.broadcast %sign3A_291 : i32 to vector<16xi32>
      %sign3A_293 = arith.cmpi sgt, %get3A_282, %sign3A_292 : vector<16xi32>
      %sign3A_294 = arith.extui %sign3A_293 : vector<16xi1> to vector<16xi32>
      %sign3A_295 = arith.constant 0 : i32
      %sign3A_296 = vector.broadcast %sign3A_295 : i32 to vector<16xi32>
      %sign3A_297 = arith.cmpi slt, %get3A_282, %sign3A_296 : vector<16xi32>
      %sign3A_298 = arith.extui %sign3A_297 : vector<16xi1> to vector<16xi32>
      %sign3A_299 = arith.subi %sign3A_294, %sign3A_298 : vector<16xi32>
      %sign3A_300 = arith.constant 0 : i32
      %sign3A_301 = arith.cmpi sgt, %jit3A_288, %sign3A_300 : i32
      %sign3A_302 = arith.extui %sign3A_301 : i1 to i32
      %sign3A_303 = arith.constant 0 : i32
      %sign3A_304 = arith.cmpi slt, %jit3A_288, %sign3A_303 : i32
      %sign3A_305 = arith.extui %sign3A_304 : i1 to i32
      %sign3A_306 = arith.subi %sign3A_302, %sign3A_305 : i32
      %ne3A_307 = vector.broadcast %sign3A_306 : i32 to vector<16xi32>
      %ne3A_308 = arith.cmpi ne, %sign3A_299, %ne3A_307 : vector<16xi32>
      %rem3A_309 = vector.broadcast %jit3A_288 : i32 to vector<16xi32>
      %rem3A_310 = arith.remsi %get3A_282, %rem3A_309 : vector<16xi32>
      %ne3A_311 = arith.constant 0 : i32
      %ne3A_312 = vector.broadcast %ne3A_311 : i32 to vector<16xi32>
      %ne3A_313 = arith.cmpi ne, %rem3A_310, %ne3A_312 : vector<16xi32>
      %and3A_314 = arith.andi %ne3A_308, %ne3A_313 : vector<16xi1>
      %sub3A_315 = arith.constant 1 : i32
      %sub3A_316 = vector.broadcast %sub3A_315 : i32 to vector<16xi32>
      %sub3A_317 = arith.subi %div3A_290, %sub3A_316 : vector<16xi32>
      %select_n3A_318 = arith.select %and3A_314, %sub3A_317, %div3A_290 : vector<16xi1>, vector<16xi32>
      %convert_element_type3A_319 = arith.sitofp %select_n3A_318 : vector<16xi32> to vector<16xf32>
      %jit3A_320 = arith.constant 384 : i32
      %eq3A_321 = arith.constant 0 : i32
      %eq3A_322 = arith.cmpi eq, %jit3A_320, %eq3A_321 : i32
      %jit3A_323 = arith.constant 1 : i32
      %select_n3A_324 = arith.select %eq3A_322, %jit3A_323, %jit3A_320 : i32
      %rem3A_325 = vector.broadcast %select_n3A_324 : i32 to vector<16xi32>
      %rem3A_326 = arith.remsi %get3A_282, %rem3A_325 : vector<16xi32>
      %ne3A_327 = arith.constant 0 : i32
      %ne3A_328 = vector.broadcast %ne3A_327 : i32 to vector<16xi32>
      %ne3A_329 = arith.cmpi ne, %rem3A_326, %ne3A_328 : vector<16xi32>
      %lt3A = arith.constant 0 : i32
      %lt3A_330 = vector.broadcast %lt3A : i32 to vector<16xi32>
      %lt3A_331 = arith.cmpi slt, %rem3A_326, %lt3A_330 : vector<16xi32>
      %lt3A_332 = arith.constant 0 : i32
      %lt3A_333 = arith.cmpi slt, %select_n3A_324, %lt3A_332 : i32
      %ne3A_334 = vector.broadcast %lt3A_333 : i1 to vector<16xi1>
      %ne3A_335 = vector.broadcast %ne3A_334 : vector<16xi1> to vector<16xi1>
      %ne3A_336 = arith.xori %lt3A_331, %ne3A_335 : vector<16xi1>
      %and3A_337 = arith.andi %ne3A_336, %ne3A_329 : vector<16xi1>
      %add3A_338 = vector.broadcast %select_n3A_324 : i32 to vector<16xi32>
      %add3A_339 = arith.addi %rem3A_326, %add3A_338 : vector<16xi32>
      %select_n3A_340 = arith.select %and3A_337, %add3A_339, %rem3A_326 : vector<16xi1>, vector<16xi32>
      %convert_element_type3A_341 = arith.sitofp %select_n3A_340 : vector<16xi32> to vector<16xf32>
      %mul3A_342 = arith.constant 3 : i32
      %mul3A_343 = vector.broadcast %mul3A_342 : i32 to vector<16xi32>
      %mul3A_344 = arith.muli %mul3A_343, %add3A_280 : vector<16xi32>
      %add3A_345 = arith.constant 0 : i32
      %add3A_346 = vector.broadcast %add3A_345 : i32 to vector<16xi32>
      %add3A_347 = arith.addi %mul3A_344, %add3A_346 : vector<16xi32>
      %add3A_348 = arith.addf %convert_element_type3A_319, %gather3A : vector<16xf32>
      tpu.vector_store_idx %arg23[%add3A_347], %add3A_348 : memref<512xf32, #tpu.memory_space<vmem>>[vector<16xi32>], vector<16xf32>,
      %mul3A_349 = arith.constant 3 : i32
      %mul3A_350 = vector.broadcast %mul3A_349 : i32 to vector<16xi32>
      %mul3A_351 = arith.muli %mul3A_350, %add3A_280 : vector<16xi32>
      %add3A_352 = arith.constant 1 : i32
      %add3A_353 = vector.broadcast %add3A_352 : i32 to vector<16xi32>
      %add3A_354 = arith.addi %mul3A_351, %add3A_353 : vector<16xi32>
      %add3A_355 = arith.addf %convert_element_type3A_341, %gather3A_286 : vector<16xf32>
      tpu.vector_store_idx %arg23[%add3A_354], %add3A_355 : memref<512xf32, #tpu.memory_space<vmem>>[vector<16xi32>], vector<16xf32>,
      %mul3A_356 = arith.constant 3 : i32
      %mul3A_357 = vector.broadcast %mul3A_356 : i32 to vector<16xi32>
      %mul3A_358 = arith.muli %mul3A_357, %add3A_280 : vector<16xi32>
      %add3A_359 = arith.constant 2 : i32
      %add3A_360 = vector.broadcast %add3A_359 : i32 to vector<16xi32>
      %add3A_361 = arith.addi %mul3A_358, %add3A_360 : vector<16xi32>
      tpu.vector_store_idx %arg23[%add3A_361], %gather3A_287 : memref<512xf32, #tpu.memory_space<vmem>>[vector<16xi32>], vector<16xf32>,
      %add3A_362 = arith.constant 16 : i32
      %add3A_363 = vector.broadcast %add3A_362 : i32 to vector<16xi32>
      %add3A_364 = arith.addi %add3A_363, %iota3A : vector<16xi32>
      %get3A_365 = arith.constant 16 : index
      %get3A_366 = tpu.vector_load %arg18[%get3A_365] {strides = array<i32>} : memref<112xi32, #tpu.memory_space<vmem>>, vector<16xi32>,
      %and3A_367 = arith.constant 127 : i32
      %and3A_368 = vector.broadcast %and3A_367 : i32 to vector<16xi32>
      %and3A_369 = arith.andi %get3A_366, %and3A_368 : vector<16xi32>
      %gather3A_370 = tpu.vector_load_idx %arg20[%add3A_364, %and3A_369] : memref<112x128xf32, #tpu.memory_space<vmem>>[vector<16xi32>, vector<16xi32>], vector<16xf32>,
      %gather3A_371 = tpu.vector_load_idx %arg21[%add3A_364, %and3A_369] : memref<112x128xf32, #tpu.memory_space<vmem>>[vector<16xi32>, vector<16xi32>], vector<16xf32>,
      %gather3A_372 = tpu.vector_load_idx %arg22[%add3A_364, %and3A_369] : memref<112x128xf32, #tpu.memory_space<vmem>>[vector<16xi32>, vector<16xi32>], vector<16xf32>,
      %jit3A_373 = arith.constant 384 : i32
      %div3A_374 = vector.broadcast %jit3A_373 : i32 to vector<16xi32>
      %div3A_375 = arith.divsi %get3A_366, %div3A_374 : vector<16xi32>
      %sign3A_376 = arith.constant 0 : i32
      %sign3A_377 = vector.broadcast %sign3A_376 : i32 to vector<16xi32>
      %sign3A_378 = arith.cmpi sgt, %get3A_366, %sign3A_377 : vector<16xi32>
      %sign3A_379 = arith.extui %sign3A_378 : vector<16xi1> to vector<16xi32>
      %sign3A_380 = arith.constant 0 : i32
      %sign3A_381 = vector.broadcast %sign3A_380 : i32 to vector<16xi32>
      %sign3A_382 = arith.cmpi slt, %get3A_366, %sign3A_381 : vector<16xi32>
      %sign3A_383 = arith.extui %sign3A_382 : vector<16xi1> to vector<16xi32>
      %sign3A_384 = arith.subi %sign3A_379, %sign3A_383 : vector<16xi32>
      %sign3A_385 = arith.constant 0 : i32
      %sign3A_386 = arith.cmpi sgt, %jit3A_373, %sign3A_385 : i32
      %sign3A_387 = arith.extui %sign3A_386 : i1 to i32
      %sign3A_388 = arith.constant 0 : i32
      %sign3A_389 = arith.cmpi slt, %jit3A_373, %sign3A_388 : i32
      %sign3A_390 = arith.extui %sign3A_389 : i1 to i32
      %sign3A_391 = arith.subi %sign3A_387, %sign3A_390 : i32
      %ne3A_392 = vector.broadcast %sign3A_391 : i32 to vector<16xi32>
      %ne3A_393 = arith.cmpi ne, %sign3A_384, %ne3A_392 : vector<16xi32>
      %rem3A_394 = vector.broadcast %jit3A_373 : i32 to vector<16xi32>
      %rem3A_395 = arith.remsi %get3A_366, %rem3A_394 : vector<16xi32>
      %ne3A_396 = arith.constant 0 : i32
      %ne3A_397 = vector.broadcast %ne3A_396 : i32 to vector<16xi32>
      %ne3A_398 = arith.cmpi ne, %rem3A_395, %ne3A_397 : vector<16xi32>
      %and3A_399 = arith.andi %ne3A_393, %ne3A_398 : vector<16xi1>
      %sub3A_400 = arith.constant 1 : i32
      %sub3A_401 = vector.broadcast %sub3A_400 : i32 to vector<16xi32>
      %sub3A_402 = arith.subi %div3A_375, %sub3A_401 : vector<16xi32>
      %select_n3A_403 = arith.select %and3A_399, %sub3A_402, %div3A_375 : vector<16xi1>, vector<16xi32>
      %convert_element_type3A_404 = arith.sitofp %select_n3A_403 : vector<16xi32> to vector<16xf32>
      %jit3A_405 = arith.constant 384 : i32
      %eq3A_406 = arith.constant 0 : i32
      %eq3A_407 = arith.cmpi eq, %jit3A_405, %eq3A_406 : i32
      %jit3A_408 = arith.constant 1 : i32
      %select_n3A_409 = arith.select %eq3A_407, %jit3A_408, %jit3A_405 : i32
      %rem3A_410 = vector.broadcast %select_n3A_409 : i32 to vector<16xi32>
      %rem3A_411 = arith.remsi %get3A_366, %rem3A_410 : vector<16xi32>
      %ne3A_412 = arith.constant 0 : i32
      %ne3A_413 = vector.broadcast %ne3A_412 : i32 to vector<16xi32>
      %ne3A_414 = arith.cmpi ne, %rem3A_411, %ne3A_413 : vector<16xi32>
      %lt3A_415 = arith.constant 0 : i32
      %lt3A_416 = vector.broadcast %lt3A_415 : i32 to vector<16xi32>
      %lt3A_417 = arith.cmpi slt, %rem3A_411, %lt3A_416 : vector<16xi32>
      %lt3A_418 = arith.constant 0 : i32
      %lt3A_419 = arith.cmpi slt, %select_n3A_409, %lt3A_418 : i32
      %ne3A_420 = vector.broadcast %lt3A_419 : i1 to vector<16xi1>
      %ne3A_421 = vector.broadcast %ne3A_420 : vector<16xi1> to vector<16xi1>
      %ne3A_422 = arith.xori %lt3A_417, %ne3A_421 : vector<16xi1>
      %and3A_423 = arith.andi %ne3A_422, %ne3A_414 : vector<16xi1>
      %add3A_424 = vector.broadcast %select_n3A_409 : i32 to vector<16xi32>
      %add3A_425 = arith.addi %rem3A_411, %add3A_424 : vector<16xi32>
      %select_n3A_426 = arith.select %and3A_423, %add3A_425, %rem3A_411 : vector<16xi1>, vector<16xi32>
      %convert_element_type3A_427 = arith.sitofp %select_n3A_426 : vector<16xi32> to vector<16xf32>
      %mul3A_428 = arith.constant 3 : i32
      %mul3A_429 = vector.broadcast %mul3A_428 : i32 to vector<16xi32>
      %mul3A_430 = arith.muli %mul3A_429, %add3A_364 : vector<16xi32>
      %add3A_431 = arith.constant 0 : i32
      %add3A_432 = vector.broadcast %add3A_431 : i32 to vector<16xi32>
      %add3A_433 = arith.addi %mul3A_430, %add3A_432 : vector<16xi32>
      %add3A_434 = arith.addf %convert_element_type3A_404, %gather3A_370 : vector<16xf32>
      tpu.vector_store_idx %arg23[%add3A_433], %add3A_434 : memref<512xf32, #tpu.memory_space<vmem>>[vector<16xi32>], vector<16xf32>,
      %mul3A_435 = arith.constant 3 : i32
      %mul3A_436 = vector.broadcast %mul3A_435 : i32 to vector<16xi32>
      %mul3A_437 = arith.muli %mul3A_436, %add3A_364 : vector<16xi32>
      %add3A_438 = arith.constant 1 : i32
      %add3A_439 = vector.broadcast %add3A_438 : i32 to vector<16xi32>
      %add3A_440 = arith.addi %mul3A_437, %add3A_439 : vector<16xi32>
      %add3A_441 = arith.addf %convert_element_type3A_427, %gather3A_371 : vector<16xf32>
      tpu.vector_store_idx %arg23[%add3A_440], %add3A_441 : memref<512xf32, #tpu.memory_space<vmem>>[vector<16xi32>], vector<16xf32>,
      %mul3A_442 = arith.constant 3 : i32
      %mul3A_443 = vector.broadcast %mul3A_442 : i32 to vector<16xi32>
      %mul3A_444 = arith.muli %mul3A_443, %add3A_364 : vector<16xi32>
      %add3A_445 = arith.constant 2 : i32
      %add3A_446 = vector.broadcast %add3A_445 : i32 to vector<16xi32>
      %add3A_447 = arith.addi %mul3A_444, %add3A_446 : vector<16xi32>
      tpu.vector_store_idx %arg23[%add3A_447], %gather3A_372 : memref<512xf32, #tpu.memory_space<vmem>>[vector<16xi32>], vector<16xf32>,
      %add3A_448 = arith.constant 32 : i32
      %add3A_449 = vector.broadcast %add3A_448 : i32 to vector<16xi32>
      %add3A_450 = arith.addi %add3A_449, %iota3A : vector<16xi32>
      %get3A_451 = arith.constant 32 : index
      %get3A_452 = tpu.vector_load %arg18[%get3A_451] {strides = array<i32>} : memref<112xi32, #tpu.memory_space<vmem>>, vector<16xi32>,
      %and3A_453 = arith.constant 127 : i32
      %and3A_454 = vector.broadcast %and3A_453 : i32 to vector<16xi32>
      %and3A_455 = arith.andi %get3A_452, %and3A_454 : vector<16xi32>
      %gather3A_456 = tpu.vector_load_idx %arg20[%add3A_450, %and3A_455] : memref<112x128xf32, #tpu.memory_space<vmem>>[vector<16xi32>, vector<16xi32>], vector<16xf32>,
      %gather3A_457 = tpu.vector_load_idx %arg21[%add3A_450, %and3A_455] : memref<112x128xf32, #tpu.memory_space<vmem>>[vector<16xi32>, vector<16xi32>], vector<16xf32>,
      %gather3A_458 = tpu.vector_load_idx %arg22[%add3A_450, %and3A_455] : memref<112x128xf32, #tpu.memory_space<vmem>>[vector<16xi32>, vector<16xi32>], vector<16xf32>,
      %jit3A_459 = arith.constant 384 : i32
      %div3A_460 = vector.broadcast %jit3A_459 : i32 to vector<16xi32>
      %div3A_461 = arith.divsi %get3A_452, %div3A_460 : vector<16xi32>
      %sign3A_462 = arith.constant 0 : i32
      %sign3A_463 = vector.broadcast %sign3A_462 : i32 to vector<16xi32>
      %sign3A_464 = arith.cmpi sgt, %get3A_452, %sign3A_463 : vector<16xi32>
      %sign3A_465 = arith.extui %sign3A_464 : vector<16xi1> to vector<16xi32>
      %sign3A_466 = arith.constant 0 : i32
      %sign3A_467 = vector.broadcast %sign3A_466 : i32 to vector<16xi32>
      %sign3A_468 = arith.cmpi slt, %get3A_452, %sign3A_467 : vector<16xi32>
      %sign3A_469 = arith.extui %sign3A_468 : vector<16xi1> to vector<16xi32>
      %sign3A_470 = arith.subi %sign3A_465, %sign3A_469 : vector<16xi32>
      %sign3A_471 = arith.constant 0 : i32
      %sign3A_472 = arith.cmpi sgt, %jit3A_459, %sign3A_471 : i32
      %sign3A_473 = arith.extui %sign3A_472 : i1 to i32
      %sign3A_474 = arith.constant 0 : i32
      %sign3A_475 = arith.cmpi slt, %jit3A_459, %sign3A_474 : i32
      %sign3A_476 = arith.extui %sign3A_475 : i1 to i32
      %sign3A_477 = arith.subi %sign3A_473, %sign3A_476 : i32
      %ne3A_478 = vector.broadcast %sign3A_477 : i32 to vector<16xi32>
      %ne3A_479 = arith.cmpi ne, %sign3A_470, %ne3A_478 : vector<16xi32>
      %rem3A_480 = vector.broadcast %jit3A_459 : i32 to vector<16xi32>
      %rem3A_481 = arith.remsi %get3A_452, %rem3A_480 : vector<16xi32>
      %ne3A_482 = arith.constant 0 : i32
      %ne3A_483 = vector.broadcast %ne3A_482 : i32 to vector<16xi32>
      %ne3A_484 = arith.cmpi ne, %rem3A_481, %ne3A_483 : vector<16xi32>
      %and3A_485 = arith.andi %ne3A_479, %ne3A_484 : vector<16xi1>
      %sub3A_486 = arith.constant 1 : i32
      %sub3A_487 = vector.broadcast %sub3A_486 : i32 to vector<16xi32>
      %sub3A_488 = arith.subi %div3A_461, %sub3A_487 : vector<16xi32>
      %select_n3A_489 = arith.select %and3A_485, %sub3A_488, %div3A_461 : vector<16xi1>, vector<16xi32>
      %convert_element_type3A_490 = arith.sitofp %select_n3A_489 : vector<16xi32> to vector<16xf32>
      %jit3A_491 = arith.constant 384 : i32
      %eq3A_492 = arith.constant 0 : i32
      %eq3A_493 = arith.cmpi eq, %jit3A_491, %eq3A_492 : i32
      %jit3A_494 = arith.constant 1 : i32
      %select_n3A_495 = arith.select %eq3A_493, %jit3A_494, %jit3A_491 : i32
      %rem3A_496 = vector.broadcast %select_n3A_495 : i32 to vector<16xi32>
      %rem3A_497 = arith.remsi %get3A_452, %rem3A_496 : vector<16xi32>
      %ne3A_498 = arith.constant 0 : i32
      %ne3A_499 = vector.broadcast %ne3A_498 : i32 to vector<16xi32>
      %ne3A_500 = arith.cmpi ne, %rem3A_497, %ne3A_499 : vector<16xi32>
      %lt3A_501 = arith.constant 0 : i32
      %lt3A_502 = vector.broadcast %lt3A_501 : i32 to vector<16xi32>
      %lt3A_503 = arith.cmpi slt, %rem3A_497, %lt3A_502 : vector<16xi32>
      %lt3A_504 = arith.constant 0 : i32
      %lt3A_505 = arith.cmpi slt, %select_n3A_495, %lt3A_504 : i32
      %ne3A_506 = vector.broadcast %lt3A_505 : i1 to vector<16xi1>
      %ne3A_507 = vector.broadcast %ne3A_506 : vector<16xi1> to vector<16xi1>
      %ne3A_508 = arith.xori %lt3A_503, %ne3A_507 : vector<16xi1>
      %and3A_509 = arith.andi %ne3A_508, %ne3A_500 : vector<16xi1>
      %add3A_510 = vector.broadcast %select_n3A_495 : i32 to vector<16xi32>
      %add3A_511 = arith.addi %rem3A_497, %add3A_510 : vector<16xi32>
      %select_n3A_512 = arith.select %and3A_509, %add3A_511, %rem3A_497 : vector<16xi1>, vector<16xi32>
      %convert_element_type3A_513 = arith.sitofp %select_n3A_512 : vector<16xi32> to vector<16xf32>
      %mul3A_514 = arith.constant 3 : i32
      %mul3A_515 = vector.broadcast %mul3A_514 : i32 to vector<16xi32>
      %mul3A_516 = arith.muli %mul3A_515, %add3A_450 : vector<16xi32>
      %add3A_517 = arith.constant 0 : i32
      %add3A_518 = vector.broadcast %add3A_517 : i32 to vector<16xi32>
      %add3A_519 = arith.addi %mul3A_516, %add3A_518 : vector<16xi32>
      %add3A_520 = arith.addf %convert_element_type3A_490, %gather3A_456 : vector<16xf32>
      tpu.vector_store_idx %arg23[%add3A_519], %add3A_520 : memref<512xf32, #tpu.memory_space<vmem>>[vector<16xi32>], vector<16xf32>,
      %mul3A_521 = arith.constant 3 : i32
      %mul3A_522 = vector.broadcast %mul3A_521 : i32 to vector<16xi32>
      %mul3A_523 = arith.muli %mul3A_522, %add3A_450 : vector<16xi32>
      %add3A_524 = arith.constant 1 : i32
      %add3A_525 = vector.broadcast %add3A_524 : i32 to vector<16xi32>
      %add3A_526 = arith.addi %mul3A_523, %add3A_525 : vector<16xi32>
      %add3A_527 = arith.addf %convert_element_type3A_513, %gather3A_457 : vector<16xf32>
      tpu.vector_store_idx %arg23[%add3A_526], %add3A_527 : memref<512xf32, #tpu.memory_space<vmem>>[vector<16xi32>], vector<16xf32>,
      %mul3A_528 = arith.constant 3 : i32
      %mul3A_529 = vector.broadcast %mul3A_528 : i32 to vector<16xi32>
      %mul3A_530 = arith.muli %mul3A_529, %add3A_450 : vector<16xi32>
      %add3A_531 = arith.constant 2 : i32
      %add3A_532 = vector.broadcast %add3A_531 : i32 to vector<16xi32>
      %add3A_533 = arith.addi %mul3A_530, %add3A_532 : vector<16xi32>
      tpu.vector_store_idx %arg23[%add3A_533], %gather3A_458 : memref<512xf32, #tpu.memory_space<vmem>>[vector<16xi32>], vector<16xf32>,
      %add3A_534 = arith.constant 48 : i32
      %add3A_535 = vector.broadcast %add3A_534 : i32 to vector<16xi32>
      %add3A_536 = arith.addi %add3A_535, %iota3A : vector<16xi32>
      %get3A_537 = arith.constant 48 : index
      %get3A_538 = tpu.vector_load %arg18[%get3A_537] {strides = array<i32>} : memref<112xi32, #tpu.memory_space<vmem>>, vector<16xi32>,
      %and3A_539 = arith.constant 127 : i32
      %and3A_540 = vector.broadcast %and3A_539 : i32 to vector<16xi32>
      %and3A_541 = arith.andi %get3A_538, %and3A_540 : vector<16xi32>
      %gather3A_542 = tpu.vector_load_idx %arg20[%add3A_536, %and3A_541] : memref<112x128xf32, #tpu.memory_space<vmem>>[vector<16xi32>, vector<16xi32>], vector<16xf32>,
      %gather3A_543 = tpu.vector_load_idx %arg21[%add3A_536, %and3A_541] : memref<112x128xf32, #tpu.memory_space<vmem>>[vector<16xi32>, vector<16xi32>], vector<16xf32>,
      %gather3A_544 = tpu.vector_load_idx %arg22[%add3A_536, %and3A_541] : memref<112x128xf32, #tpu.memory_space<vmem>>[vector<16xi32>, vector<16xi32>], vector<16xf32>,
      %jit3A_545 = arith.constant 384 : i32
      %div3A_546 = vector.broadcast %jit3A_545 : i32 to vector<16xi32>
      %div3A_547 = arith.divsi %get3A_538, %div3A_546 : vector<16xi32>
      %sign3A_548 = arith.constant 0 : i32
      %sign3A_549 = vector.broadcast %sign3A_548 : i32 to vector<16xi32>
      %sign3A_550 = arith.cmpi sgt, %get3A_538, %sign3A_549 : vector<16xi32>
      %sign3A_551 = arith.extui %sign3A_550 : vector<16xi1> to vector<16xi32>
      %sign3A_552 = arith.constant 0 : i32
      %sign3A_553 = vector.broadcast %sign3A_552 : i32 to vector<16xi32>
      %sign3A_554 = arith.cmpi slt, %get3A_538, %sign3A_553 : vector<16xi32>
      %sign3A_555 = arith.extui %sign3A_554 : vector<16xi1> to vector<16xi32>
      %sign3A_556 = arith.subi %sign3A_551, %sign3A_555 : vector<16xi32>
      %sign3A_557 = arith.constant 0 : i32
      %sign3A_558 = arith.cmpi sgt, %jit3A_545, %sign3A_557 : i32
      %sign3A_559 = arith.extui %sign3A_558 : i1 to i32
      %sign3A_560 = arith.constant 0 : i32
      %sign3A_561 = arith.cmpi slt, %jit3A_545, %sign3A_560 : i32
      %sign3A_562 = arith.extui %sign3A_561 : i1 to i32
      %sign3A_563 = arith.subi %sign3A_559, %sign3A_562 : i32
      %ne3A_564 = vector.broadcast %sign3A_563 : i32 to vector<16xi32>
      %ne3A_565 = arith.cmpi ne, %sign3A_556, %ne3A_564 : vector<16xi32>
      %rem3A_566 = vector.broadcast %jit3A_545 : i32 to vector<16xi32>
      %rem3A_567 = arith.remsi %get3A_538, %rem3A_566 : vector<16xi32>
      %ne3A_568 = arith.constant 0 : i32
      %ne3A_569 = vector.broadcast %ne3A_568 : i32 to vector<16xi32>
      %ne3A_570 = arith.cmpi ne, %rem3A_567, %ne3A_569 : vector<16xi32>
      %and3A_571 = arith.andi %ne3A_565, %ne3A_570 : vector<16xi1>
      %sub3A_572 = arith.constant 1 : i32
      %sub3A_573 = vector.broadcast %sub3A_572 : i32 to vector<16xi32>
      %sub3A_574 = arith.subi %div3A_547, %sub3A_573 : vector<16xi32>
      %select_n3A_575 = arith.select %and3A_571, %sub3A_574, %div3A_547 : vector<16xi1>, vector<16xi32>
      %convert_element_type3A_576 = arith.sitofp %select_n3A_575 : vector<16xi32> to vector<16xf32>
      %jit3A_577 = arith.constant 384 : i32
      %eq3A_578 = arith.constant 0 : i32
      %eq3A_579 = arith.cmpi eq, %jit3A_577, %eq3A_578 : i32
      %jit3A_580 = arith.constant 1 : i32
      %select_n3A_581 = arith.select %eq3A_579, %jit3A_580, %jit3A_577 : i32
      %rem3A_582 = vector.broadcast %select_n3A_581 : i32 to vector<16xi32>
      %rem3A_583 = arith.remsi %get3A_538, %rem3A_582 : vector<16xi32>
      %ne3A_584 = arith.constant 0 : i32
      %ne3A_585 = vector.broadcast %ne3A_584 : i32 to vector<16xi32>
      %ne3A_586 = arith.cmpi ne, %rem3A_583, %ne3A_585 : vector<16xi32>
      %lt3A_587 = arith.constant 0 : i32
      %lt3A_588 = vector.broadcast %lt3A_587 : i32 to vector<16xi32>
      %lt3A_589 = arith.cmpi slt, %rem3A_583, %lt3A_588 : vector<16xi32>
      %lt3A_590 = arith.constant 0 : i32
      %lt3A_591 = arith.cmpi slt, %select_n3A_581, %lt3A_590 : i32
      %ne3A_592 = vector.broadcast %lt3A_591 : i1 to vector<16xi1>
      %ne3A_593 = vector.broadcast %ne3A_592 : vector<16xi1> to vector<16xi1>
      %ne3A_594 = arith.xori %lt3A_589, %ne3A_593 : vector<16xi1>
      %and3A_595 = arith.andi %ne3A_594, %ne3A_586 : vector<16xi1>
      %add3A_596 = vector.broadcast %select_n3A_581 : i32 to vector<16xi32>
      %add3A_597 = arith.addi %rem3A_583, %add3A_596 : vector<16xi32>
      %select_n3A_598 = arith.select %and3A_595, %add3A_597, %rem3A_583 : vector<16xi1>, vector<16xi32>
      %convert_element_type3A_599 = arith.sitofp %select_n3A_598 : vector<16xi32> to vector<16xf32>
      %mul3A_600 = arith.constant 3 : i32
      %mul3A_601 = vector.broadcast %mul3A_600 : i32 to vector<16xi32>
      %mul3A_602 = arith.muli %mul3A_601, %add3A_536 : vector<16xi32>
      %add3A_603 = arith.constant 0 : i32
      %add3A_604 = vector.broadcast %add3A_603 : i32 to vector<16xi32>
      %add3A_605 = arith.addi %mul3A_602, %add3A_604 : vector<16xi32>
      %add3A_606 = arith.addf %convert_element_type3A_576, %gather3A_542 : vector<16xf32>
      tpu.vector_store_idx %arg23[%add3A_605], %add3A_606 : memref<512xf32, #tpu.memory_space<vmem>>[vector<16xi32>], vector<16xf32>,
      %mul3A_607 = arith.constant 3 : i32
      %mul3A_608 = vector.broadcast %mul3A_607 : i32 to vector<16xi32>
      %mul3A_609 = arith.muli %mul3A_608, %add3A_536 : vector<16xi32>
      %add3A_610 = arith.constant 1 : i32
      %add3A_611 = vector.broadcast %add3A_610 : i32 to vector<16xi32>
      %add3A_612 = arith.addi %mul3A_609, %add3A_611 : vector<16xi32>
      %add3A_613 = arith.addf %convert_element_type3A_599, %gather3A_543 : vector<16xf32>
      tpu.vector_store_idx %arg23[%add3A_612], %add3A_613 : memref<512xf32, #tpu.memory_space<vmem>>[vector<16xi32>], vector<16xf32>,
      %mul3A_614 = arith.constant 3 : i32
      %mul3A_615 = vector.broadcast %mul3A_614 : i32 to vector<16xi32>
      %mul3A_616 = arith.muli %mul3A_615, %add3A_536 : vector<16xi32>
      %add3A_617 = arith.constant 2 : i32
      %add3A_618 = vector.broadcast %add3A_617 : i32 to vector<16xi32>
      %add3A_619 = arith.addi %mul3A_616, %add3A_618 : vector<16xi32>
      tpu.vector_store_idx %arg23[%add3A_619], %gather3A_544 : memref<512xf32, #tpu.memory_space<vmem>>[vector<16xi32>], vector<16xf32>,
      %add3A_620 = arith.constant 64 : i32
      %add3A_621 = vector.broadcast %add3A_620 : i32 to vector<16xi32>
      %add3A_622 = arith.addi %add3A_621, %iota3A : vector<16xi32>
      %get3A_623 = arith.constant 64 : index
      %get3A_624 = tpu.vector_load %arg18[%get3A_623] {strides = array<i32>} : memref<112xi32, #tpu.memory_space<vmem>>, vector<16xi32>,
      %and3A_625 = arith.constant 127 : i32
      %and3A_626 = vector.broadcast %and3A_625 : i32 to vector<16xi32>
      %and3A_627 = arith.andi %get3A_624, %and3A_626 : vector<16xi32>
      %gather3A_628 = tpu.vector_load_idx %arg20[%add3A_622, %and3A_627] : memref<112x128xf32, #tpu.memory_space<vmem>>[vector<16xi32>, vector<16xi32>], vector<16xf32>,
      %gather3A_629 = tpu.vector_load_idx %arg21[%add3A_622, %and3A_627] : memref<112x128xf32, #tpu.memory_space<vmem>>[vector<16xi32>, vector<16xi32>], vector<16xf32>,
      %gather3A_630 = tpu.vector_load_idx %arg22[%add3A_622, %and3A_627] : memref<112x128xf32, #tpu.memory_space<vmem>>[vector<16xi32>, vector<16xi32>], vector<16xf32>,
      %jit3A_631 = arith.constant 384 : i32
      %div3A_632 = vector.broadcast %jit3A_631 : i32 to vector<16xi32>
      %div3A_633 = arith.divsi %get3A_624, %div3A_632 : vector<16xi32>
      %sign3A_634 = arith.constant 0 : i32
      %sign3A_635 = vector.broadcast %sign3A_634 : i32 to vector<16xi32>
      %sign3A_636 = arith.cmpi sgt, %get3A_624, %sign3A_635 : vector<16xi32>
      %sign3A_637 = arith.extui %sign3A_636 : vector<16xi1> to vector<16xi32>
      %sign3A_638 = arith.constant 0 : i32
      %sign3A_639 = vector.broadcast %sign3A_638 : i32 to vector<16xi32>
      %sign3A_640 = arith.cmpi slt, %get3A_624, %sign3A_639 : vector<16xi32>
      %sign3A_641 = arith.extui %sign3A_640 : vector<16xi1> to vector<16xi32>
      %sign3A_642 = arith.subi %sign3A_637, %sign3A_641 : vector<16xi32>
      %sign3A_643 = arith.constant 0 : i32
      %sign3A_644 = arith.cmpi sgt, %jit3A_631, %sign3A_643 : i32
      %sign3A_645 = arith.extui %sign3A_644 : i1 to i32
      %sign3A_646 = arith.constant 0 : i32
      %sign3A_647 = arith.cmpi slt, %jit3A_631, %sign3A_646 : i32
      %sign3A_648 = arith.extui %sign3A_647 : i1 to i32
      %sign3A_649 = arith.subi %sign3A_645, %sign3A_648 : i32
      %ne3A_650 = vector.broadcast %sign3A_649 : i32 to vector<16xi32>
      %ne3A_651 = arith.cmpi ne, %sign3A_642, %ne3A_650 : vector<16xi32>
      %rem3A_652 = vector.broadcast %jit3A_631 : i32 to vector<16xi32>
      %rem3A_653 = arith.remsi %get3A_624, %rem3A_652 : vector<16xi32>
      %ne3A_654 = arith.constant 0 : i32
      %ne3A_655 = vector.broadcast %ne3A_654 : i32 to vector<16xi32>
      %ne3A_656 = arith.cmpi ne, %rem3A_653, %ne3A_655 : vector<16xi32>
      %and3A_657 = arith.andi %ne3A_651, %ne3A_656 : vector<16xi1>
      %sub3A_658 = arith.constant 1 : i32
      %sub3A_659 = vector.broadcast %sub3A_658 : i32 to vector<16xi32>
      %sub3A_660 = arith.subi %div3A_633, %sub3A_659 : vector<16xi32>
      %select_n3A_661 = arith.select %and3A_657, %sub3A_660, %div3A_633 : vector<16xi1>, vector<16xi32>
      %convert_element_type3A_662 = arith.sitofp %select_n3A_661 : vector<16xi32> to vector<16xf32>
      %jit3A_663 = arith.constant 384 : i32
      %eq3A_664 = arith.constant 0 : i32
      %eq3A_665 = arith.cmpi eq, %jit3A_663, %eq3A_664 : i32
      %jit3A_666 = arith.constant 1 : i32
      %select_n3A_667 = arith.select %eq3A_665, %jit3A_666, %jit3A_663 : i32
      %rem3A_668 = vector.broadcast %select_n3A_667 : i32 to vector<16xi32>
      %rem3A_669 = arith.remsi %get3A_624, %rem3A_668 : vector<16xi32>
      %ne3A_670 = arith.constant 0 : i32
      %ne3A_671 = vector.broadcast %ne3A_670 : i32 to vector<16xi32>
      %ne3A_672 = arith.cmpi ne, %rem3A_669, %ne3A_671 : vector<16xi32>
      %lt3A_673 = arith.constant 0 : i32
      %lt3A_674 = vector.broadcast %lt3A_673 : i32 to vector<16xi32>
      %lt3A_675 = arith.cmpi slt, %rem3A_669, %lt3A_674 : vector<16xi32>
      %lt3A_676 = arith.constant 0 : i32
      %lt3A_677 = arith.cmpi slt, %select_n3A_667, %lt3A_676 : i32
      %ne3A_678 = vector.broadcast %lt3A_677 : i1 to vector<16xi1>
      %ne3A_679 = vector.broadcast %ne3A_678 : vector<16xi1> to vector<16xi1>
      %ne3A_680 = arith.xori %lt3A_675, %ne3A_679 : vector<16xi1>
      %and3A_681 = arith.andi %ne3A_680, %ne3A_672 : vector<16xi1>
      %add3A_682 = vector.broadcast %select_n3A_667 : i32 to vector<16xi32>
      %add3A_683 = arith.addi %rem3A_669, %add3A_682 : vector<16xi32>
      %select_n3A_684 = arith.select %and3A_681, %add3A_683, %rem3A_669 : vector<16xi1>, vector<16xi32>
      %convert_element_type3A_685 = arith.sitofp %select_n3A_684 : vector<16xi32> to vector<16xf32>
      %mul3A_686 = arith.constant 3 : i32
      %mul3A_687 = vector.broadcast %mul3A_686 : i32 to vector<16xi32>
      %mul3A_688 = arith.muli %mul3A_687, %add3A_622 : vector<16xi32>
      %add3A_689 = arith.constant 0 : i32
      %add3A_690 = vector.broadcast %add3A_689 : i32 to vector<16xi32>
      %add3A_691 = arith.addi %mul3A_688, %add3A_690 : vector<16xi32>
      %add3A_692 = arith.addf %convert_element_type3A_662, %gather3A_628 : vector<16xf32>
      tpu.vector_store_idx %arg23[%add3A_691], %add3A_692 : memref<512xf32, #tpu.memory_space<vmem>>[vector<16xi32>], vector<16xf32>,
      %mul3A_693 = arith.constant 3 : i32
      %mul3A_694 = vector.broadcast %mul3A_693 : i32 to vector<16xi32>
      %mul3A_695 = arith.muli %mul3A_694, %add3A_622 : vector<16xi32>
      %add3A_696 = arith.constant 1 : i32
      %add3A_697 = vector.broadcast %add3A_696 : i32 to vector<16xi32>
      %add3A_698 = arith.addi %mul3A_695, %add3A_697 : vector<16xi32>
      %add3A_699 = arith.addf %convert_element_type3A_685, %gather3A_629 : vector<16xf32>
      tpu.vector_store_idx %arg23[%add3A_698], %add3A_699 : memref<512xf32, #tpu.memory_space<vmem>>[vector<16xi32>], vector<16xf32>,
      %mul3A_700 = arith.constant 3 : i32
      %mul3A_701 = vector.broadcast %mul3A_700 : i32 to vector<16xi32>
      %mul3A_702 = arith.muli %mul3A_701, %add3A_622 : vector<16xi32>
      %add3A_703 = arith.constant 2 : i32
      %add3A_704 = vector.broadcast %add3A_703 : i32 to vector<16xi32>
      %add3A_705 = arith.addi %mul3A_702, %add3A_704 : vector<16xi32>
      tpu.vector_store_idx %arg23[%add3A_705], %gather3A_630 : memref<512xf32, #tpu.memory_space<vmem>>[vector<16xi32>], vector<16xf32>,
      %add3A_706 = arith.constant 80 : i32
      %add3A_707 = vector.broadcast %add3A_706 : i32 to vector<16xi32>
      %add3A_708 = arith.addi %add3A_707, %iota3A : vector<16xi32>
      %get3A_709 = arith.constant 80 : index
      %get3A_710 = tpu.vector_load %arg18[%get3A_709] {strides = array<i32>} : memref<112xi32, #tpu.memory_space<vmem>>, vector<16xi32>,
      %and3A_711 = arith.constant 127 : i32
      %and3A_712 = vector.broadcast %and3A_711 : i32 to vector<16xi32>
      %and3A_713 = arith.andi %get3A_710, %and3A_712 : vector<16xi32>
      %gather3A_714 = tpu.vector_load_idx %arg20[%add3A_708, %and3A_713] : memref<112x128xf32, #tpu.memory_space<vmem>>[vector<16xi32>, vector<16xi32>], vector<16xf32>,
      %gather3A_715 = tpu.vector_load_idx %arg21[%add3A_708, %and3A_713] : memref<112x128xf32, #tpu.memory_space<vmem>>[vector<16xi32>, vector<16xi32>], vector<16xf32>,
      %gather3A_716 = tpu.vector_load_idx %arg22[%add3A_708, %and3A_713] : memref<112x128xf32, #tpu.memory_space<vmem>>[vector<16xi32>, vector<16xi32>], vector<16xf32>,
      %jit3A_717 = arith.constant 384 : i32
      %div3A_718 = vector.broadcast %jit3A_717 : i32 to vector<16xi32>
      %div3A_719 = arith.divsi %get3A_710, %div3A_718 : vector<16xi32>
      %sign3A_720 = arith.constant 0 : i32
      %sign3A_721 = vector.broadcast %sign3A_720 : i32 to vector<16xi32>
      %sign3A_722 = arith.cmpi sgt, %get3A_710, %sign3A_721 : vector<16xi32>
      %sign3A_723 = arith.extui %sign3A_722 : vector<16xi1> to vector<16xi32>
      %sign3A_724 = arith.constant 0 : i32
      %sign3A_725 = vector.broadcast %sign3A_724 : i32 to vector<16xi32>
      %sign3A_726 = arith.cmpi slt, %get3A_710, %sign3A_725 : vector<16xi32>
      %sign3A_727 = arith.extui %sign3A_726 : vector<16xi1> to vector<16xi32>
      %sign3A_728 = arith.subi %sign3A_723, %sign3A_727 : vector<16xi32>
      %sign3A_729 = arith.constant 0 : i32
      %sign3A_730 = arith.cmpi sgt, %jit3A_717, %sign3A_729 : i32
      %sign3A_731 = arith.extui %sign3A_730 : i1 to i32
      %sign3A_732 = arith.constant 0 : i32
      %sign3A_733 = arith.cmpi slt, %jit3A_717, %sign3A_732 : i32
      %sign3A_734 = arith.extui %sign3A_733 : i1 to i32
      %sign3A_735 = arith.subi %sign3A_731, %sign3A_734 : i32
      %ne3A_736 = vector.broadcast %sign3A_735 : i32 to vector<16xi32>
      %ne3A_737 = arith.cmpi ne, %sign3A_728, %ne3A_736 : vector<16xi32>
      %rem3A_738 = vector.broadcast %jit3A_717 : i32 to vector<16xi32>
      %rem3A_739 = arith.remsi %get3A_710, %rem3A_738 : vector<16xi32>
      %ne3A_740 = arith.constant 0 : i32
      %ne3A_741 = vector.broadcast %ne3A_740 : i32 to vector<16xi32>
      %ne3A_742 = arith.cmpi ne, %rem3A_739, %ne3A_741 : vector<16xi32>
      %and3A_743 = arith.andi %ne3A_737, %ne3A_742 : vector<16xi1>
      %sub3A_744 = arith.constant 1 : i32
      %sub3A_745 = vector.broadcast %sub3A_744 : i32 to vector<16xi32>
      %sub3A_746 = arith.subi %div3A_719, %sub3A_745 : vector<16xi32>
      %select_n3A_747 = arith.select %and3A_743, %sub3A_746, %div3A_719 : vector<16xi1>, vector<16xi32>
      %convert_element_type3A_748 = arith.sitofp %select_n3A_747 : vector<16xi32> to vector<16xf32>
      %jit3A_749 = arith.constant 384 : i32
      %eq3A_750 = arith.constant 0 : i32
      %eq3A_751 = arith.cmpi eq, %jit3A_749, %eq3A_750 : i32
      %jit3A_752 = arith.constant 1 : i32
      %select_n3A_753 = arith.select %eq3A_751, %jit3A_752, %jit3A_749 : i32
      %rem3A_754 = vector.broadcast %select_n3A_753 : i32 to vector<16xi32>
      %rem3A_755 = arith.remsi %get3A_710, %rem3A_754 : vector<16xi32>
      %ne3A_756 = arith.constant 0 : i32
      %ne3A_757 = vector.broadcast %ne3A_756 : i32 to vector<16xi32>
      %ne3A_758 = arith.cmpi ne, %rem3A_755, %ne3A_757 : vector<16xi32>
      %lt3A_759 = arith.constant 0 : i32
      %lt3A_760 = vector.broadcast %lt3A_759 : i32 to vector<16xi32>
      %lt3A_761 = arith.cmpi slt, %rem3A_755, %lt3A_760 : vector<16xi32>
      %lt3A_762 = arith.constant 0 : i32
      %lt3A_763 = arith.cmpi slt, %select_n3A_753, %lt3A_762 : i32
      %ne3A_764 = vector.broadcast %lt3A_763 : i1 to vector<16xi1>
      %ne3A_765 = vector.broadcast %ne3A_764 : vector<16xi1> to vector<16xi1>
      %ne3A_766 = arith.xori %lt3A_761, %ne3A_765 : vector<16xi1>
      %and3A_767 = arith.andi %ne3A_766, %ne3A_758 : vector<16xi1>
      %add3A_768 = vector.broadcast %select_n3A_753 : i32 to vector<16xi32>
      %add3A_769 = arith.addi %rem3A_755, %add3A_768 : vector<16xi32>
      %select_n3A_770 = arith.select %and3A_767, %add3A_769, %rem3A_755 : vector<16xi1>, vector<16xi32>
      %convert_element_type3A_771 = arith.sitofp %select_n3A_770 : vector<16xi32> to vector<16xf32>
      %mul3A_772 = arith.constant 3 : i32
      %mul3A_773 = vector.broadcast %mul3A_772 : i32 to vector<16xi32>
      %mul3A_774 = arith.muli %mul3A_773, %add3A_708 : vector<16xi32>
      %add3A_775 = arith.constant 0 : i32
      %add3A_776 = vector.broadcast %add3A_775 : i32 to vector<16xi32>
      %add3A_777 = arith.addi %mul3A_774, %add3A_776 : vector<16xi32>
      %add3A_778 = arith.addf %convert_element_type3A_748, %gather3A_714 : vector<16xf32>
      tpu.vector_store_idx %arg23[%add3A_777], %add3A_778 : memref<512xf32, #tpu.memory_space<vmem>>[vector<16xi32>], vector<16xf32>,
      %mul3A_779 = arith.constant 3 : i32
      %mul3A_780 = vector.broadcast %mul3A_779 : i32 to vector<16xi32>
      %mul3A_781 = arith.muli %mul3A_780, %add3A_708 : vector<16xi32>
      %add3A_782 = arith.constant 1 : i32
      %add3A_783 = vector.broadcast %add3A_782 : i32 to vector<16xi32>
      %add3A_784 = arith.addi %mul3A_781, %add3A_783 : vector<16xi32>
      %add3A_785 = arith.addf %convert_element_type3A_771, %gather3A_715 : vector<16xf32>
      tpu.vector_store_idx %arg23[%add3A_784], %add3A_785 : memref<512xf32, #tpu.memory_space<vmem>>[vector<16xi32>], vector<16xf32>,
      %mul3A_786 = arith.constant 3 : i32
      %mul3A_787 = vector.broadcast %mul3A_786 : i32 to vector<16xi32>
      %mul3A_788 = arith.muli %mul3A_787, %add3A_708 : vector<16xi32>
      %add3A_789 = arith.constant 2 : i32
      %add3A_790 = vector.broadcast %add3A_789 : i32 to vector<16xi32>
      %add3A_791 = arith.addi %mul3A_788, %add3A_790 : vector<16xi32>
      tpu.vector_store_idx %arg23[%add3A_791], %gather3A_716 : memref<512xf32, #tpu.memory_space<vmem>>[vector<16xi32>], vector<16xf32>,
      %add3A_792 = arith.constant 96 : i32
      %add3A_793 = vector.broadcast %add3A_792 : i32 to vector<16xi32>
      %add3A_794 = arith.addi %add3A_793, %iota3A : vector<16xi32>
      %get3A_795 = arith.constant 96 : index
      %get3A_796 = tpu.vector_load %arg18[%get3A_795] {strides = array<i32>} : memref<112xi32, #tpu.memory_space<vmem>>, vector<16xi32>,
      %and3A_797 = arith.constant 127 : i32
      %and3A_798 = vector.broadcast %and3A_797 : i32 to vector<16xi32>
      %and3A_799 = arith.andi %get3A_796, %and3A_798 : vector<16xi32>
      %gather3A_800 = tpu.vector_load_idx %arg20[%add3A_794, %and3A_799] : memref<112x128xf32, #tpu.memory_space<vmem>>[vector<16xi32>, vector<16xi32>], vector<16xf32>,
      %gather3A_801 = tpu.vector_load_idx %arg21[%add3A_794, %and3A_799] : memref<112x128xf32, #tpu.memory_space<vmem>>[vector<16xi32>, vector<16xi32>], vector<16xf32>,
      %gather3A_802 = tpu.vector_load_idx %arg22[%add3A_794, %and3A_799] : memref<112x128xf32, #tpu.memory_space<vmem>>[vector<16xi32>, vector<16xi32>], vector<16xf32>,
      %jit3A_803 = arith.constant 384 : i32
      %div3A_804 = vector.broadcast %jit3A_803 : i32 to vector<16xi32>
      %div3A_805 = arith.divsi %get3A_796, %div3A_804 : vector<16xi32>
      %sign3A_806 = arith.constant 0 : i32
      %sign3A_807 = vector.broadcast %sign3A_806 : i32 to vector<16xi32>
      %sign3A_808 = arith.cmpi sgt, %get3A_796, %sign3A_807 : vector<16xi32>
      %sign3A_809 = arith.extui %sign3A_808 : vector<16xi1> to vector<16xi32>
      %sign3A_810 = arith.constant 0 : i32
      %sign3A_811 = vector.broadcast %sign3A_810 : i32 to vector<16xi32>
      %sign3A_812 = arith.cmpi slt, %get3A_796, %sign3A_811 : vector<16xi32>
      %sign3A_813 = arith.extui %sign3A_812 : vector<16xi1> to vector<16xi32>
      %sign3A_814 = arith.subi %sign3A_809, %sign3A_813 : vector<16xi32>
      %sign3A_815 = arith.constant 0 : i32
      %sign3A_816 = arith.cmpi sgt, %jit3A_803, %sign3A_815 : i32
      %sign3A_817 = arith.extui %sign3A_816 : i1 to i32
      %sign3A_818 = arith.constant 0 : i32
      %sign3A_819 = arith.cmpi slt, %jit3A_803, %sign3A_818 : i32
      %sign3A_820 = arith.extui %sign3A_819 : i1 to i32
      %sign3A_821 = arith.subi %sign3A_817, %sign3A_820 : i32
      %ne3A_822 = vector.broadcast %sign3A_821 : i32 to vector<16xi32>
      %ne3A_823 = arith.cmpi ne, %sign3A_814, %ne3A_822 : vector<16xi32>
      %rem3A_824 = vector.broadcast %jit3A_803 : i32 to vector<16xi32>
      %rem3A_825 = arith.remsi %get3A_796, %rem3A_824 : vector<16xi32>
      %ne3A_826 = arith.constant 0 : i32
      %ne3A_827 = vector.broadcast %ne3A_826 : i32 to vector<16xi32>
      %ne3A_828 = arith.cmpi ne, %rem3A_825, %ne3A_827 : vector<16xi32>
      %and3A_829 = arith.andi %ne3A_823, %ne3A_828 : vector<16xi1>
      %sub3A_830 = arith.constant 1 : i32
      %sub3A_831 = vector.broadcast %sub3A_830 : i32 to vector<16xi32>
      %sub3A_832 = arith.subi %div3A_805, %sub3A_831 : vector<16xi32>
      %select_n3A_833 = arith.select %and3A_829, %sub3A_832, %div3A_805 : vector<16xi1>, vector<16xi32>
      %convert_element_type3A_834 = arith.sitofp %select_n3A_833 : vector<16xi32> to vector<16xf32>
      %jit3A_835 = arith.constant 384 : i32
      %eq3A_836 = arith.constant 0 : i32
      %eq3A_837 = arith.cmpi eq, %jit3A_835, %eq3A_836 : i32
      %jit3A_838 = arith.constant 1 : i32
      %select_n3A_839 = arith.select %eq3A_837, %jit3A_838, %jit3A_835 : i32
      %rem3A_840 = vector.broadcast %select_n3A_839 : i32 to vector<16xi32>
      %rem3A_841 = arith.remsi %get3A_796, %rem3A_840 : vector<16xi32>
      %ne3A_842 = arith.constant 0 : i32
      %ne3A_843 = vector.broadcast %ne3A_842 : i32 to vector<16xi32>
      %ne3A_844 = arith.cmpi ne, %rem3A_841, %ne3A_843 : vector<16xi32>
      %lt3A_845 = arith.constant 0 : i32
      %lt3A_846 = vector.broadcast %lt3A_845 : i32 to vector<16xi32>
      %lt3A_847 = arith.cmpi slt, %rem3A_841, %lt3A_846 : vector<16xi32>
      %lt3A_848 = arith.constant 0 : i32
      %lt3A_849 = arith.cmpi slt, %select_n3A_839, %lt3A_848 : i32
      %ne3A_850 = vector.broadcast %lt3A_849 : i1 to vector<16xi1>
      %ne3A_851 = vector.broadcast %ne3A_850 : vector<16xi1> to vector<16xi1>
      %ne3A_852 = arith.xori %lt3A_847, %ne3A_851 : vector<16xi1>
      %and3A_853 = arith.andi %ne3A_852, %ne3A_844 : vector<16xi1>
      %add3A_854 = vector.broadcast %select_n3A_839 : i32 to vector<16xi32>
      %add3A_855 = arith.addi %rem3A_841, %add3A_854 : vector<16xi32>
      %select_n3A_856 = arith.select %and3A_853, %add3A_855, %rem3A_841 : vector<16xi1>, vector<16xi32>
      %convert_element_type3A_857 = arith.sitofp %select_n3A_856 : vector<16xi32> to vector<16xf32>
      %mul3A_858 = arith.constant 3 : i32
      %mul3A_859 = vector.broadcast %mul3A_858 : i32 to vector<16xi32>
      %mul3A_860 = arith.muli %mul3A_859, %add3A_794 : vector<16xi32>
      %add3A_861 = arith.constant 0 : i32
      %add3A_862 = vector.broadcast %add3A_861 : i32 to vector<16xi32>
      %add3A_863 = arith.addi %mul3A_860, %add3A_862 : vector<16xi32>
      %add3A_864 = arith.addf %convert_element_type3A_834, %gather3A_800 : vector<16xf32>
      tpu.vector_store_idx %arg23[%add3A_863], %add3A_864 : memref<512xf32, #tpu.memory_space<vmem>>[vector<16xi32>], vector<16xf32>,
      %mul3A_865 = arith.constant 3 : i32
      %mul3A_866 = vector.broadcast %mul3A_865 : i32 to vector<16xi32>
      %mul3A_867 = arith.muli %mul3A_866, %add3A_794 : vector<16xi32>
      %add3A_868 = arith.constant 1 : i32
      %add3A_869 = vector.broadcast %add3A_868 : i32 to vector<16xi32>
      %add3A_870 = arith.addi %mul3A_867, %add3A_869 : vector<16xi32>
      %add3A_871 = arith.addf %convert_element_type3A_857, %gather3A_801 : vector<16xf32>
      tpu.vector_store_idx %arg23[%add3A_870], %add3A_871 : memref<512xf32, #tpu.memory_space<vmem>>[vector<16xi32>], vector<16xf32>,
      %mul3A_872 = arith.constant 3 : i32
      %mul3A_873 = vector.broadcast %mul3A_872 : i32 to vector<16xi32>
      %mul3A_874 = arith.muli %mul3A_873, %add3A_794 : vector<16xi32>
      %add3A_875 = arith.constant 2 : i32
      %add3A_876 = vector.broadcast %add3A_875 : i32 to vector<16xi32>
      %add3A_877 = arith.addi %mul3A_874, %add3A_876 : vector<16xi32>
      tpu.vector_store_idx %arg23[%add3A_877], %gather3A_802 : memref<512xf32, #tpu.memory_space<vmem>>[vector<16xi32>], vector<16xf32>,
      "tpu.region"() ({
        %run_scoped3A = tpu.sem_alloc : memref<!tpu.dma_semaphore, #tpu.memory_space<semaphore_mem>>
        %dma_start3A_878 = arith.constant 0 : i32
        %dma_start3A_879 = tpu.memref_slice %arg6[%add3A_61, %dma_start3A_878] : memref<4x512xf32, #tpu.memory_space<hbm>> -> memref<1x512xf32, #tpu.memory_space<hbm>>
        %dma_start3A_880 = tpu.memref_squeeze %dma_start3A_879 : memref<1x512xf32, #tpu.memory_space<hbm>> -> memref<512xf32, #tpu.memory_space<hbm>>
        %dma_start3A_881 = arith.constant 0 : i32
        %dma_start3A_882 = tpu.memref_slice %arg6[%add3A_61, %dma_start3A_881] : memref<4x512xf32, #tpu.memory_space<hbm>> -> memref<1x512xf32, #tpu.memory_space<hbm>>
        %dma_start3A_883 = tpu.memref_squeeze %dma_start3A_882 : memref<1x512xf32, #tpu.memory_space<hbm>> -> memref<512xf32, #tpu.memory_space<hbm>>
        tpu.enqueue_dma source(%arg23 : memref<512xf32, #tpu.memory_space<vmem>>) target(%dma_start3A_883 : memref<512xf32, #tpu.memory_space<hbm>>) target_semaphore(%run_scoped3A : memref<!tpu.dma_semaphore, #tpu.memory_space<semaphore_mem>>)
        %dma_wait3A_884 = arith.constant 0 : i32
        %dma_wait3A_885 = tpu.memref_slice %arg6[%add3A_61, %dma_wait3A_884] : memref<4x512xf32, #tpu.memory_space<hbm>> -> memref<1x512xf32, #tpu.memory_space<hbm>>
        %dma_wait3A_886 = tpu.memref_squeeze %dma_wait3A_885 : memref<1x512xf32, #tpu.memory_space<hbm>> -> memref<512xf32, #tpu.memory_space<hbm>>
        %dma_wait3A_887 = arith.constant 0 : i32
        %dma_wait3A_888 = tpu.memref_slice %arg6[%add3A_61, %dma_wait3A_887] : memref<4x512xf32, #tpu.memory_space<hbm>> -> memref<1x512xf32, #tpu.memory_space<hbm>>
        %dma_wait3A_889 = tpu.memref_squeeze %dma_wait3A_888 : memref<1x512xf32, #tpu.memory_space<hbm>> -> memref<512xf32, #tpu.memory_space<hbm>>
        tpu.wait_dma2 semaphore(%run_scoped3A : memref<!tpu.dma_semaphore, #tpu.memory_space<semaphore_mem>>) src(%arg23 : memref<512xf32, #tpu.memory_space<vmem>>) dst(%dma_wait3A_889 : memref<512xf32, #tpu.memory_space<hbm>>)
        tpu.yield
      }) : () -> ()
    } else {
    }
    %barrier3A_122 = arith.constant 0 : index
    tpu.barrier barrier_id(%barrier3A_122)
    return
  }
}

module attributes {stable_mosaic.version = 14 : i64} {
  func.func @_maps_kernel(%arg0: i32, %arg1: i32, %arg2: i32, %arg3: memref<8x96xf32, #tpu.memory_space<vmem>>, %arg4: memref<8x1xf32, #tpu.memory_space<vmem>>, %arg5: memref<1x96x96x128xf32, #tpu.memory_space<vmem>>, %arg6: memref<1x96x128xf32, #tpu.memory_space<vmem>>, %arg7: memref<1x96x128xf32, #tpu.memory_space<vmem>>, %arg8: memref<1x96x128xf32, #tpu.memory_space<vmem>>, %arg9: memref<1x96x128xf32, #tpu.memory_space<vmem>>) attributes {dimension_semantics = [#tpu.dimension_semantics<parallel>, #tpu.dimension_semantics<arbitrary>, #tpu.dimension_semantics<arbitrary>], iteration_bounds = array<i64: 4, 4, 3>, scalar_prefetch = 0 : i64, scratch_operands = 0 : i64, tpu.core_type = #tpu.core_type<tc>, window_params = [{pipeline_mode = #tpu.pipeline_mode<synchronous>, transform_indices = @transform_0, window_bounds = array<i64: 8, 96>}, {pipeline_mode = #tpu.pipeline_mode<synchronous>, transform_indices = @transform_1, window_bounds = array<i64: 8, 1>}, {transform_indices = @transform_2, window_bounds = array<i64: 1, 96, 96, 128>}, {transform_indices = @transform_3, window_bounds = array<i64: 1, 96, 128>}, {transform_indices = @transform_4, window_bounds = array<i64: 1, 96, 128>}, {transform_indices = @transform_5, window_bounds = array<i64: 1, 96, 128>}, {transform_indices = @transform_6, window_bounds = array<i64: 1, 96, 128>}]} {
    %get3A = arith.constant 0 : index
    %get3A_0 = arith.constant 0 : index
    %get3A_1 = arith.constant 0 : index
    %get3A_2 = arith.constant 0 : index
    %get3A_3 = vector.load %arg5[%get3A, %get3A_0, %get3A_1, %get3A_2] : memref<1x96x96x128xf32, #tpu.memory_space<vmem>>, vector<1x96x96x128xf32>
    %get3A_4 = vector.shape_cast %get3A_3 : vector<1x96x96x128xf32> to vector<96x96x128xf32>
    %reshape3A = vector.shape_cast %get3A_4 : vector<96x96x128xf32> to vector<96x12288xf32>
    %get3A_5 = arith.constant 0 : index
    %get3A_6 = arith.constant 0 : index
    %get3A_7 = vector.load %arg3[%get3A_5, %get3A_6] : memref<8x96xf32, #tpu.memory_space<vmem>>, vector<8x96xf32>
    %dot_general3A = arith.constant dense<0.000000e+00> : vector<8x12288xf32>
    %dot_general3A_8 = tpu.matmul %get3A_7, %reshape3A, %dot_general3A {dimension_numbers = #tpu.dot_dimension_numbers<[1], [0], [0], [1], [0, 0, 1, 1], [], []>, transpose_lhs_hint = false} : vector<8x96xf32>, vector<96x12288xf32>, vector<8x12288xf32> -> vector<8x12288xf32>
    %get3A_9 = arith.constant 0 : index
    %get3A_10 = arith.constant 0 : index
    %get3A_11 = vector.load %arg4[%get3A_9, %get3A_10] : memref<8x1xf32, #tpu.memory_space<vmem>>, vector<8x1xf32>
    %add3A = vector.broadcast %get3A_11 : vector<8x1xf32> to vector<8x12288xf32>
    %add3A_12 = arith.addf %dot_general3A_8, %add3A : vector<8x12288xf32>
    %slice3A = vector.extract_strided_slice %add3A_12 {offsets = [0, 0], sizes = [1, 12288], strides = [1, 1]} : vector<8x12288xf32> to vector<1x12288xf32>
    %squeeze3A = vector.shape_cast %slice3A : vector<1x12288xf32> to vector<12288xf32>
    %slice3A_13 = vector.extract_strided_slice %add3A_12 {offsets = [1, 0], sizes = [1, 12288], strides = [1, 1]} : vector<8x12288xf32> to vector<1x12288xf32>
    %squeeze3A_14 = vector.shape_cast %slice3A_13 : vector<1x12288xf32> to vector<12288xf32>
    %slice3A_15 = vector.extract_strided_slice %add3A_12 {offsets = [2, 0], sizes = [1, 12288], strides = [1, 1]} : vector<8x12288xf32> to vector<1x12288xf32>
    %squeeze3A_16 = vector.shape_cast %slice3A_15 : vector<1x12288xf32> to vector<12288xf32>
    %logistic3A = arith.negf %squeeze3A_16 : vector<12288xf32>
    %logistic3A_17 = math.exp %logistic3A : vector<12288xf32>
    %logistic3A_18 = arith.constant 1.000000e+00 : f32
    %logistic3A_19 = vector.broadcast %logistic3A_18 : f32 to vector<12288xf32>
    %logistic3A_20 = arith.addf %logistic3A_19, %logistic3A_17 : vector<12288xf32>
    %logistic3A_21 = arith.divf %logistic3A_19, %logistic3A_20 : vector<12288xf32>
    %mul3A = arith.mulf %squeeze3A, %squeeze3A : vector<12288xf32>
    %mul3A_22 = arith.mulf %squeeze3A_14, %squeeze3A_14 : vector<12288xf32>
    %add3A_23 = arith.addf %mul3A, %mul3A_22 : vector<12288xf32>
    %sqrt3A = math.sqrt %add3A_23 : vector<12288xf32>
    %mul3A_24 = arith.mulf %sqrt3A, %logistic3A_21 : vector<12288xf32>
    %reshape3A_25 = vector.shape_cast %squeeze3A : vector<12288xf32> to vector<96x128xf32>
    %swap3A = arith.constant 0 : index
    %swap3A_26 = arith.constant 0 : index
    %swap3A_27 = arith.constant 0 : index
    %swap3A_28 = vector.load %arg6[%swap3A, %swap3A_26, %swap3A_27] : memref<1x96x128xf32, #tpu.memory_space<vmem>>, vector<1x96x128xf32>
    %swap3A_29 = vector.shape_cast %swap3A_28 : vector<1x96x128xf32> to vector<96x128xf32>
    %swap3A_30 = vector.shape_cast %reshape3A_25 : vector<96x128xf32> to vector<1x96x128xf32>
    tpu.vector_store %arg6[%swap3A, %swap3A_26, %swap3A_27], %swap3A_30 {strides = array<i32>} : memref<1x96x128xf32, #tpu.memory_space<vmem>>, vector<1x96x128xf32>,
    %reshape3A_31 = vector.shape_cast %squeeze3A_14 : vector<12288xf32> to vector<96x128xf32>
    %swap3A_32 = arith.constant 0 : index
    %swap3A_33 = arith.constant 0 : index
    %swap3A_34 = arith.constant 0 : index
    %swap3A_35 = vector.load %arg7[%swap3A_32, %swap3A_33, %swap3A_34] : memref<1x96x128xf32, #tpu.memory_space<vmem>>, vector<1x96x128xf32>
    %swap3A_36 = vector.shape_cast %swap3A_35 : vector<1x96x128xf32> to vector<96x128xf32>
    %swap3A_37 = vector.shape_cast %reshape3A_31 : vector<96x128xf32> to vector<1x96x128xf32>
    tpu.vector_store %arg7[%swap3A_32, %swap3A_33, %swap3A_34], %swap3A_37 {strides = array<i32>} : memref<1x96x128xf32, #tpu.memory_space<vmem>>, vector<1x96x128xf32>,
    %reshape3A_38 = vector.shape_cast %logistic3A_21 : vector<12288xf32> to vector<96x128xf32>
    %swap3A_39 = arith.constant 0 : index
    %swap3A_40 = arith.constant 0 : index
    %swap3A_41 = arith.constant 0 : index
    %swap3A_42 = vector.load %arg8[%swap3A_39, %swap3A_40, %swap3A_41] : memref<1x96x128xf32, #tpu.memory_space<vmem>>, vector<1x96x128xf32>
    %swap3A_43 = vector.shape_cast %swap3A_42 : vector<1x96x128xf32> to vector<96x128xf32>
    %swap3A_44 = vector.shape_cast %reshape3A_38 : vector<96x128xf32> to vector<1x96x128xf32>
    tpu.vector_store %arg8[%swap3A_39, %swap3A_40, %swap3A_41], %swap3A_44 {strides = array<i32>} : memref<1x96x128xf32, #tpu.memory_space<vmem>>, vector<1x96x128xf32>,
    %reshape3A_45 = vector.shape_cast %mul3A_24 : vector<12288xf32> to vector<96x128xf32>
    %swap3A_46 = arith.constant 0 : index
    %swap3A_47 = arith.constant 0 : index
    %swap3A_48 = arith.constant 0 : index
    %swap3A_49 = vector.load %arg9[%swap3A_46, %swap3A_47, %swap3A_48] : memref<1x96x128xf32, #tpu.memory_space<vmem>>, vector<1x96x128xf32>
    %swap3A_50 = vector.shape_cast %swap3A_49 : vector<1x96x128xf32> to vector<96x128xf32>
    %swap3A_51 = vector.shape_cast %reshape3A_45 : vector<96x128xf32> to vector<1x96x128xf32>
    tpu.vector_store %arg9[%swap3A_46, %swap3A_47, %swap3A_48], %swap3A_51 {strides = array<i32>} : memref<1x96x128xf32, #tpu.memory_space<vmem>>, vector<1x96x128xf32>,
    return
  }
  func.func @transform_0(%arg0: i32, %arg1: i32, %arg2: i32) -> (i32, i32) {
    %c0_i32 = arith.constant 0 : i32
    %c0_i32_0 = arith.constant 0 : i32
    %c0_i32_1 = arith.constant 0 : i32
    return %c0_i32, %c0_i32_0 : i32, i32
  }
  func.func @transform_1(%arg0: i32, %arg1: i32, %arg2: i32) -> (i32, i32) {
    %c0_i32 = arith.constant 0 : i32
    %c0_i32_0 = arith.constant 0 : i32
    %c0_i32_1 = arith.constant 0 : i32
    return %c0_i32, %c0_i32_0 : i32, i32
  }
  func.func @transform_2(%arg0: i32, %arg1: i32, %arg2: i32) -> (i32, i32, i32, i32) {
    %c0_i32 = arith.constant 0 : i32
    %c0_i32_0 = arith.constant 0 : i32
    return %arg0, %c0_i32, %arg1, %arg2 : i32, i32, i32, i32
  }
  func.func @transform_3(%arg0: i32, %arg1: i32, %arg2: i32) -> (i32, i32, i32) {
    %c0_i32 = arith.constant 0 : i32
    return %arg0, %arg1, %arg2 : i32, i32, i32
  }
  func.func @transform_4(%arg0: i32, %arg1: i32, %arg2: i32) -> (i32, i32, i32) {
    %c0_i32 = arith.constant 0 : i32
    return %arg0, %arg1, %arg2 : i32, i32, i32
  }
  func.func @transform_5(%arg0: i32, %arg1: i32, %arg2: i32) -> (i32, i32, i32) {
    %c0_i32 = arith.constant 0 : i32
    return %arg0, %arg1, %arg2 : i32, i32, i32
  }
  func.func @transform_6(%arg0: i32, %arg1: i32, %arg2: i32) -> (i32, i32, i32) {
    %c0_i32 = arith.constant 0 : i32
    return %arg0, %arg1, %arg2 : i32, i32, i32
  }
}

</mosaic_0001>

<sc_bundles>
// kernel: kernel.4.cloned.1.call-start
scs
__scs_entry_jumppad:
0x0: {  	(pc) =	sbr.rel $0x88, $3  }
0x1: {  	(tag) =	ssettag $0x0;
	lr =	simm.s32 $0x1  }
0x2: {  	[smem:$0x3F9C] =	sst lr;
	_ =	strace $0xD0000000  }
0x3: {  	_ = 	snop  }
0x4: {  	_ = 	snop  }
0x5: {  	_ = 	snop  }
0x6: {  	_ = 	snop  }
0x7: {  	_ = 	snop  }
__scs_overlays_trampoline_lowered:
0x8: {  	[smem:$0x3FAB] =	sst s0  }
0x9: {  	[smem:$0x3FAC] =	sst s1  }
0xa: {  	[smem:$0x3FAD] =	sst s2  }
0xb: {  	[smem:$0x3FAE] =	sst s3  }
0xc: {  	[smem:$0x3FAF] =	sst s4  }
0xd: {  	[smem:$0x3FB0] =	sst s5  }
0xe: {  	[smem:$0x3FB1] =	sst s6  }
0xf: {  	[smem:$0x3FB2] =	sst s7  }
0x10: {  	[smem:$0x3FB3] =	sst s8  }
0x11: {  	[smem:$0x3FB4] =	sst s9;
	s0 =	simm.s32 @!p0 $0x0  }
0x12: {  	s1 =	sld [smem:$0x3F9A];
	s0 =	simm.s32 @p0 $0x1  }
0x13: {  	[smem:$0x3FB5] =	sst s0;
	s0 =	simm.s32 @!p1 $0x0  }
0x14: {  	s2 =	sld [smem:$0x3F99];
	s0 =	simm.s32 @p1 $0x1  }
0x15: {  	[smem:$0x3FB6] =	sst s0;
	s0 =	simm.s32 @!p2 $0x0  }
0x16: {  	s3 =	sld [smem:$0x3FDB];
	s0 =	simm.s32 @p2 $0x1  }
0x17: {  	s4 =	simm.s32 $0x1BF5;
	[smem:$0x3FB8] =	sst s0  }
0x18: {  	s0 =	sld [smem:$0x3F9B];
	_ =	swait.ge [sflag:s4], $0x0  }
0x19: {  	s7 =	sld [smem:$0x3F9C]  }
0x1a: {  	s8 =	sadd.s32 $0xFFFFE003, lr  }
0x1b: {  	s9 =	sadd.s32 $0xFFFFFEF7, lr;
	s5 =	simm.s32 $0xFFFFFFFF;
	p2 =	slt.u32 s8, $0xFFFFF086  }
0x1c: {  	p1 =	slt.u32 s9, $0xF7A;
	s5 =	simm.s32 @!p2 $0x0  }
0x1d: {  	s5 =	simm.s32 @p1 $0x1;
	p0 =	seq.s32 s7, s2  }
0x1e: {  	s7 =	smul.u32 @!p0 $0xF7A, s2;
	p2 =	seq.s32 @!p0 s5, $0x0  }
0x1f: {  	s9 =	smul.u32 $0xF7A, s1;
	s8 =	simm.s32 @!p0 $0x1BF5;
	p2 =	por !p2, p0  }
0x20: {  	[sflag:s8] =	ssyncset.s32 @!p0 $0xFFFFF086;
	s6 =	sadd.s32 @!p0 s3, s7;
	s7 =	simm.s32 @!p0 $0x108  }
0x21: {  	s3 =	sadd.s32 s3, s9;
	s6 =	sadd.s32 @!p0 $0x88, s6;
	s7 =	simm.s32 @p2 $0x1082  }
0x22: {  	[simem:s7], [sflag:s8] =	dma.local @!p0 [hbm:s6], $0xF7A  }
0x23: {  	s9 =	sor.u32 $0xD0000000, s2;
	s6 =	simm.s32 $0x108;
	_ =	swait.ge @!p0 [sflag:s8], $0x0  }
0x24: {  	s3 =	sadd.s32 $0x88, s3;
	s6 =	simm.s32 @!p1 $0x1082;
	[sflag:s4] =	ssyncset.s32 $0xFFFFF086  }
0x25: {  	[simem:s6], [sflag:s4] =	dma.local [hbm:s3], $0xF7A  }
0x26: {  	[smem:$0x3F9C] =	sst s1;
	(tag) =	ssettag s2;
	_ =	strace s9  }
0x27: {  	s1 =	sld [smem:$0x3FAC]  }
0x28: {  	s2 =	sld [smem:$0x3FAD]  }
0x29: {  	s4 =	sld [smem:$0x3FAF]  }
0x2a: {  	p0 =	seq.s32 s5, $0x0;
	s5 =	sld [smem:$0x3FB0]  }
0x2b: {  	s6 =	sld [smem:$0x3FB1]  }
0x2c: {  	s7 =	sld [smem:$0x3FB2]  }
0x2d: {  	s3 =	simm.s32 $0x108;
	s8 =	sld [smem:$0x3FB3]  }
0x2e: {  	s3 =	simm.s32 @!p0 $0x1082;
	s9 =	sld [smem:$0x3FB4]  }
0x2f: {  	lr =	sadd.s32 s0, s3;
	s0 =	sld [smem:$0x3FAB]  }
0x30: {  	s3 =	sld [smem:$0x3FAE]  }
0x31: {  	[smem:$0x3FB7] =	sst s10  }
0x32: {  	s10 =	sld [smem:$0x3FB5];
	_ =	sdelay $0x3  }
0x33: {  	p0 =	seq.s32 s10, $0x1;
	s10 =	sld [smem:$0x3FB7];
	_ =	sdelay $0x3  }
0x34: {  	[smem:$0x3FB7] =	sst s10  }
0x35: {  	s10 =	sld [smem:$0x3FB6];
	_ =	sdelay $0x3  }
0x36: {  	p1 =	seq.s32 s10, $0x1;
	s10 =	sld [smem:$0x3FB7];
	_ =	sdelay $0x3  }
0x37: {  	[smem:$0x3FB7] =	sst s10  }
0x38: {  	s10 =	sld [smem:$0x3FB8]  }
0x39: {  	_ = 	snop;
	(pc) =	sbr.ind lr, $3  }
0x3a: {  	_ = 	snop  }
0x3b: {  	_ = 	snop  }
0x3c: {  	p2 =	seq.s32 s10, $0x1;
	s10 =	sld [smem:$0x3FB7]  }
0x3d: {  	_ =	shalt  }
0x3e: {  	_ =	shalt  }
0x3f: {  	_ =	shalt  }
0x40: {  	_ =	shalt  }
0x41: {  	_ =	shalt  }
0x42: {  	_ =	shalt  }
0x43: {  	_ =	shalt  }
0x44: {  	_ =	shalt  }
0x45: {  	_ =	shalt  }
0x46: {  	_ =	shalt  }
0x47: {  	_ =	shalt  }
0x48: {  	_ =	shalt  }
0x49: {  	_ =	shalt  }
0x4a: {  	_ =	shalt  }
0x4b: {  	_ =	shalt  }
0x4c: {  	_ =	shalt  }
0x4d: {  	_ =	shalt  }
0x4e: {  	_ =	shalt  }
0x4f: {  	_ =	shalt  }
0x50: {  	_ =	shalt  }
0x51: {  	_ =	shalt  }
0x52: {  	_ =	shalt  }
0x53: {  	_ =	shalt  }
0x54: {  	_ =	shalt  }
0x55: {  	_ =	shalt  }
0x56: {  	_ =	shalt  }
0x57: {  	_ =	shalt  }
0x58: {  	_ =	shalt  }
0x59: {  	_ =	shalt  }
0x5a: {  	_ =	shalt  }
0x5b: {  	_ =	shalt  }
0x5c: {  	_ =	shalt  }
0x5d: {  	_ =	shalt  }
0x5e: {  	_ =	shalt  }
0x5f: {  	_ =	shalt  }
0x60: {  	_ =	shalt  }
0x61: {  	_ =	shalt  }
0x62: {  	_ =	shalt  }
0x63: {  	_ =	shalt  }
0x64: {  	_ =	shalt  }
0x65: {  	_ =	shalt  }
0x66: {  	_ =	shalt  }
0x67: {  	_ =	shalt  }
0x68: {  	_ =	shalt  }
0x69: {  	_ =	shalt  }
0x6a: {  	_ =	shalt  }
0x6b: {  	_ =	shalt  }
0x6c: {  	_ =	shalt  }
0x6d: {  	_ =	shalt  }
0x6e: {  	_ =	shalt  }
0x6f: {  	_ =	shalt  }
0x70: {  	_ =	shalt  }
0x71: {  	_ =	shalt  }
0x72: {  	_ =	shalt  }
0x73: {  	_ =	shalt  }
0x74: {  	_ =	shalt  }
0x75: {  	_ =	shalt  }
0x76: {  	_ =	shalt  }
0x77: {  	_ =	shalt  }
0x78: {  	_ =	shalt  }
0x79: {  	_ =	shalt  }
0x7a: {  	_ =	shalt  }
0x7b: {  	_ =	shalt  }
0x7c: {  	_ =	shalt  }
0x7d: {  	_ =	shalt  }
0x7e: {  	_ =	shalt  }
0x7f: {  	_ =	shalt  }
0x80: {  	_ =	shalt  }
0x81: {  	_ =	shalt  }
0x82: {  	_ =	shalt  }
0x83: {  	_ =	shalt  }
0x84: {  	_ =	shalt  }
0x85: {  	_ =	shalt  }
0x86: {  	_ =	shalt  }
0x87: {  	_ =	shalt  }
.Lfunc_end0:
.L_simem_size_0:
called_computation_lowered:
.L_overlay_start_0:
0x88: {  	s2 =	sld [smem:$0x3FD9]  }
0x89: {  	s3 =	sld [smem:$0x3FFE];
	_ =	sdelay $0x1  }
0x8a: {  	s1 =	srdreg.scid  }
0x8b: {  	s0 =	sand.u32 $0x1, s1  }
0x8c: {  	s16 =	sshll.u32 s0, $0xA;
	s2 =	sadd.s32 s3, s2  }
0x8d: {  	s2 =	sadd.s32 s2, s16  }
0x8e: {  	[smem:$0x3FC3] =	sst s2  }
0x8f: {  	_ = 	snop  }
0x90: {  	(tm) =	ssettm $0x1  }
0x91: {  	s17 =	sld [smem:$0x3FFB];
	_ =	sdelay $0x3  }
0x92: {  	_ =	strace s17  }
0x93: {  	s2 =	sld [smem:$0x3FFC];
	_ =	sdelay $0x3  }
0x94: {  	_ =	strace s2  }
0x95: {  	s2 =	sld [smem:$0x3FFD];
	_ =	sdelay $0x3  }
0x96: {  	_ =	strace s2  }
0x97: {  	_ =	strace $0x8FFFFFFF  }
0x98: {  	s18 =	sld [smem:$0x3FDB];
	_ =	sdelay $0x1  }
0x99: {  	s19 =	simm.s32 $_scs_section_size  }
0x9a: {  	s4 =	simm.s32 $_size__tile_overlayer_lowered;
	s5 =	simm.s32 $_tile_overlayer_lowered  }
0x9b: {  	s22 =	simm.s32 $0x1BFF;
	s21 =	sshll.u32 s5, $0x1;
	s2 =	sadd.s32 s19, s18  }
0x9c: {  	s6 =	simm.s32 $0x0;
	s20 =	sshll.u32 s4, $0x1;
	s4 =	sadd.s32 s21, s2  }
0x9d: {  	[timem:s6], [sflag:s22] =	dma.local [hbm:s4], s20  }
0x9e: {  	_ =	swait.ge [sflag:s22], s20  }
0x9f: {  	s3 =	ssub.s32 $0x0, s20;
	[sflag:s22] =	ssyncset.done $0x0  }
0xa0: {  	[sflag:s22] =	ssyncadd.s32 s3;
	_ =	sdelay $0x1  }
0xa1: {  	s23 =	simm.s32 $0x1B8B  }
0xa2: {  	_ =	swait.ge [sflag:s23], $0x1  }
0xa3: {  	[sflag:s23] =	ssyncset.done $0x0  }
0xa4: {  	s25 =	simm.s32 $0x1B8E;
	s24 =	sld [smem:$0x3FFE];
	[sflag:s23] =	ssyncadd.s32 $0xFFFFFFFF  }
0xa5: {  	s26 =	simm.s32 $execute0_lowered;
	[smem:$0x3FD2] =	sst s25  }
0xa6: {  	s4 =	sshll.u32 s26, $0x1;
	_ =	strace $0x80000046;
	[dreg:$0x1] =	wrdreg $0xFFFFFFFF  }
0xa7: {  	s28 =	simm.s32 $_size_execute0_lowered;
	s2 =	sadd.s32 s2, s4;
	[dreg:$0x0] =	wrdreg $0x0  }
0xa8: {  	s4 =	sshll.u32 s28, $0x1;
	[dreg:$0x2] =	wrdreg s2  }
0xa9: {  	[dreg:$0x3] =	wrdreg s4  }
0xaa: {  	[dreg:$0x4] =	wrdreg $0xC0  }
0xab: {  	_ =	task [dreg:s6], $0x5FFFF  }
0xac: {  	[dreg:$0x1] =	wrdreg $0xFFFFFFFF  }
0xad: {  	[dreg:$0x0] =	wrdreg $0x60  }
0xae: {  	[dreg:$0x2] =	wrdreg s24  }
0xaf: {  	[dreg:$0x3] =	wrdreg $0x11F000  }
0xb0: {  	[dreg:$0x4] =	wrdreg $0x11F800  }
0xb1: {  	[dreg:$0x5] =	wrdreg $0x11D000  }
0xb2: {  	[dreg:$0x6] =	wrdreg $0x120000  }
0xb3: {  	[dreg:$0x7] =	wrdreg $0x9  }
0xb4: {  	_ =	task.clear_ibuf [dreg:s6], $0x8FFFF;
	_ =	strace $0x90000046  }
0xb5: {  	s29 =	simm.s32 $0x9;
	_ =	strace $0x80000048  }
0xb6: {  	_ =	swait.ge [sflag:s29], $0x1  }
0xb7: {  	[sflag:s29] =	ssyncadd.s32 $0xFFFFFFFF  }
0xb8: {  	_ =	strace $0x90000048  }
0xb9: {  	_ =	sfence  }
0xba: {  	s30 =	sld [smem:$0x0];
	_ =	sdelay $0x2  }
0xbb: {  	s31 =	sshll.u32 s1, $0xD;
	s1 =	sshrl.u32 s1, $0x2  }
0xbc: {  	s3 =	sand.u32 $0x4000, s31;
	s1 =	sadd.s32 s1, s30  }
0xbd: {  	s0 =	sor.u32 s3, s0;
	s1 =	sshll.u32 s1, $0x11  }
0xbe: {  	s0 =	sor.u32 s1, s0  }
0xbf: {  	s0 =	sadd.s32 $0x8F2B, s0  }
0xc0: {  	[sflag:s0] =	ssyncadd.remote.s32 $0x1  }
0xc1: {  	_ =	sfence.sel $0xFFFF  }
0xc2: {  	[dreg:$0x0] =	wrdreg $0xFFFFFFFF;
	(pc) =	sbr.abs _section_cstart, $3  }
0xc3: {  	[dreg:$0x1] =	wrdreg $0xFFFFFFFF  }
0xc4: {  	_ =	task.clear_ibuf [dreg:s6], $0x2FFFF;
	_ =	strace $0x9FFFFFFF  }
0xc5: {  	(tm) =	ssettm $0x7FFFFFFF  }
tec
execute0_lowered:
.L_overlay_start_1:
0x0: {  	(tag) =	ssettag $0x1  }
0x1: {  	s0 =	rddreg [dreg:$0x0]  }
0x2: {  	s3 =	rddreg [dreg:$0x1]  }
0x3: {  	s5 =	rddreg [dreg:$0x2]  }
0x4: {  	s12 =	rddreg [dreg:$0x3];
	s15 =	simm.s32 $0x0  }
0x5: {  	[smem:$0x7FF] =	sst s15  }
0x6: {  	s13 =	rddreg [dreg:$0x4];
	v0 =	vimm.s32 $0xC0000000;
	_ =	strace $0x80000047  }
0x7: {  	(xrf0) =	vmin.scan.msk.u32 $0xffff, v0;
	_ =	sdelay $0x5  }
0x8: {  	v0, _, _ =	vpop (xrf0)  }
0x9: {  	s1 =	srdreg.scid;
	s22 =	stileid.u32;
	(v2sf) =	vpush v0, $0xF  }
0xa: {  	v4 =	vimm.s32 $0x0;
	s18 =	simm.s32 $0x2;
	s19 =	simm.s32 $0x2400;
	s20 =	simm.s32 $0x4400  }
0xb: {  	v5 =	vimm.s32 $0x1;
	v9 =	vimm.s32 $0xECA86420;
	vm0 =	vcmask $0x300;
	s1 =	sand.u32 $0x1, s1;
	s8 =	smul.u32 $0x48, s22;
	s9 =	sadd.s32 $0x600, s0  }
0xc: {  	v8 =	vimm.f32 $-1.000000000e+00;
	vm8 =	vcmask $0xB08;
	vm2 =	vcmask $0x1310;
	s23 =	sadd.s32 $0x12600, s0;
	s24 =	sadd.s32 $0x24600, s0;
	s2 =	smul.u32 $0x900, s1  }
0xd: {  	vm1 =	vmmov $0xff;
	v12 =	vimm.s32 $0x0;
	v10 =	vunpack.c.l.s4.s8 v9;
	s25 =	sadd.s32 $0x36600, s0;
	s4 =	sshllo.u32 s1, $0x1;
	[dreg:$0x7] =	wrdreg s9  }
0xe: {  	vm3 =	vcmask $0x1B18;
	s0 =	sadd.s32 $0x48600, s0;
	v12 =	vsel vm1, $0xFFFFFFFF, v12;
	[dreg:$0x8] =	wrdreg s23;
	s6 =	smul.u32 $0x480, s4;
	v0 =	vlaneseq.u32  }
0xf: {  	s26 =	sshll.u32 s22, $0x7;
	p0 =	sne.s32 s22, $0x0;
	[dreg:$0x9] =	wrdreg s24;
	v10 =	vunpack.c.0.s8.s32 v10;
	v1 =	vmov s2;
	v6 =	vmul.u32 $0xFFFFFFFF, v0  }
0x10: {  	s10 =	ssub.s32 $0x2, s1;
	[tilespmem:$0x1FFF0] =	vst v12;
	s17 =	sadd.s32 s26, s5;
	s13 =	sadd.s32 s26, s13;
	v2 =	vmov s6;
	v9 =	vmul.u32 $0x80, v0;
	v12 =	vmul.u32 $0x3, v0  }
0x11: {  	s1 =	sshll.u32 s1, $0x5;
	s23 =	simm.s32 $0x4480;
	s24 =	simm.s32 $0x4680;
	v7 =	vor.u32 $0x80000000, v0;
	v11 =	vmul.u32 $0x2, v0;
	v6 =	vadd.s32 $0xF, v6  }
0x12: {  	s11 =	sshrl.u32 s10, $0x1;
	s1 =	sadd.s32 s0, s1;
	[dreg:$0xc] =	wrdreg s17;
	v13 =	vadd.s32 $0x1, v12;
	v14 =	vadd.s32 $0x2, v12;
	v15 =	vor.u32 $0x800, v9  }
0x13: {  	s30 =	sshll.u32 s4, $0x4;
	[dreg:$0xd] =	wrdreg s13;
	s2 =	sadd.s32 s8, s2;
	v16 =	vadd.s32 $0x30, v12;
	v17 =	vadd.s32 $0x31, v12;
	v18 =	vadd.s32 $0x32, v12  }
0x14: {  	s14 =	ssub.s32 s10, s11;
	s10 =	smul.u32 $0x2400, s22;
	s11 =	sadd.s32 s26, s3;
	v19 =	vor.u32 $0x1000, v9;
	v20 =	vadd.s32 $0x60, v12;
	v21 =	vadd.s32 $0x61, v12  }
0x15: {  	[dreg:$0xe] =	wrdreg s1;
	s0 =	sadd.s32 s0, s30;
	s2 =	sshll.u32 s2, $0x4;
	v22 =	vadd.s32 $0x62, v12;
	v23 =	vor.u32 $0x1800, v9;
	v24 =	vadd.s32 $0x90, v12  }
.Ltmp0:
0x16: {  	s28 =	sadd.s32 s8, s6;
	[dreg:$0x10] =	wrdreg s0;
	v25 =	vadd.s32 $0x91, v12;
	v26 =	vadd.s32 $0x92, v12;
	v27 =	vor.u32 $0x2000, v9;
	(pc) =	sbr.rel .LBB2_1-.Ltmp0, $4  }
0x17: {  	s31 =	smax.u32 s14, $0x1;
	[dreg:$0xb] =	wrdreg s11;
	s2 =	sadd.s32 s25, s2;
	v28 =	vor.u32 $0xC0, v12;
	v29 =	vadd.s32 $0xC1, v12;
	v30 =	vadd.s32 $0xC2, v12  }
0x18: {  	s29 =	sshll.u32 s28, $0x4;
	[dreg:$0x11] =	wrdreg s31;
	v31 =	vor.u32 $0x2800, v9;
	v32 =	vadd.s32 $0xF0, v12;
	v33 =	vadd.s32 $0xF1, v12;
	s7 =	spop (v2sf)  }
0x19: {  	[dreg:$0xa] =	wrdreg s2;
	s1 =	sadd.s32 s25, s29;
	v34 =	vadd.s32 $0xF2, v12;
	v35 =	vor.u32 $0x3000, v9;
	v36 =	vadd.s32 $0x120, v12;
	s7 =	sxor.u32 $0x80000000, s7  }
0x1a: {  	s26 =	simm.s32 $0x7200;
	s25 =	simm.s32 $0x4880;
	[dreg:$0xf] =	wrdreg s1;
	v37 =	vadd.s32 $0x121, v12;
	v38 =	vadd.s32 $0x122, v12;
	v3 =	vmov s7  }
.LBB2_48:
0x1b: {  	v39 =	vld [tilespmem:$0x7200]  }
0x1c: {  	v40 =	vld [tilespmem:$0x7210]  }
0x1d: {  	v41 =	vld [tilespmem:$0x7220]  }
0x1e: {  	v42 =	vld [tilespmem:$0x7230]  }
0x1f: {  	v43 =	vld [tilespmem:$0x7240]  }
0x20: {  	v44 =	vld [tilespmem:$0x7250];
	v39 =	vshrl.u32 v39, $0x7  }
0x21: {  	v45 =	vld [tilespmem:$0x7260];
	v40 =	vshrl.u32 v40, $0x7;
	v39 =	vmin.u32 v39, $0x47F  }
0x22: {  	v41 =	vshrl.u32 v41, $0x7;
	v40 =	vmin.u32 v40, $0x47F;
	v39 =	vadd.s32 v2, v39  }
0x23: {  	v58 =	vshrl.u32 v42, $0x7;
	v57 =	vmin.u32 v41, $0x47F;
	v56 =	vadd.s32 v2, v40;
	[tilespmem:$0x7280] =	vst v39  }
0x24: {  	v61 =	vshrl.u32 v43, $0x7;
	v60 =	vmin.u32 v58, $0x47F;
	v59 =	vadd.s32 v2, v57;
	[tilespmem:$0x7290] =	vst v56  }
0x25: {  	v46 =	vshrl.u32 v44, $0x7;
	v63 =	vmin.u32 v61, $0x47F;
	v62 =	vadd.s32 v2, v60;
	[tilespmem:$0x72A0] =	vst v59  }
0x26: {  	v49 =	vshrl.u32 v45, $0x7;
	v48 =	vmin.u32 v46, $0x47F;
	v47 =	vadd.s32 v2, v63;
	[tilespmem:$0x72B0] =	vst v62  }
0x27: {  	v51 =	vmin.u32 v49, $0x47F;
	v50 =	vadd.s32 v2, v48;
	[tilespmem:$0x72C0] =	vst v47  }
0x28: {  	s0 =	rddreg [dreg:$0x7];
	s2 =	simm.s32 $0x70;
	v52 =	vadd.s32 v2, v51;
	[tilespmem:$0x72D0] =	vst v50  }
0x29: {  	s3 =	simm.s32 $0x7280;
	s1 =	simm.s32 $0x7300;
	s30 =	simm.s32 $0x1;
	[tilespmem:$0x72E0] =	vst v52  }
0x2a: {  	[tilespmem:s1], [sflag:$0x1] =	stream.indirect.gather [hbm4b:s0+s2], $0x80, s3, s2, $0xb8;
	[tilespmem:$0x12080] =	vst v63  }
0x2b: {  	_ =	swait.ge [sflag:s30], $0x3800  }
0x2c: {  	[sflag:s30] =	ssyncset.done $0x0  }
0x2d: {  	s4 =	simm.s32 $0xAB00;
	s31 =	rddreg [dreg:$0x8];
	[sflag:s30] =	ssyncadd.s32 $0xFFFFC800  }
0x2e: {  	[tilespmem:s4], [sflag:$0x1] =	stream.indirect.gather [hbm4b:s31+s2], $0x80, s3, s2, $0xb8;
	[tilespmem:$0x12080] =	vst v63  }
0x2f: {  	_ =	swait.ge [sflag:s30], $0x3800  }
0x30: {  	[sflag:s30] =	ssyncset.done $0x0  }
0x31: {  	s6 =	simm.s32 $0xE300;
	s5 =	rddreg [dreg:$0x9];
	[sflag:s30] =	ssyncadd.s32 $0xFFFFC800  }
0x32: {  	[tilespmem:s6], [sflag:$0x1] =	stream.indirect.gather [hbm4b:s5+s2], $0x80, s3, s2, $0xb8;
	[tilespmem:$0x12080] =	vst v63  }
0x33: {  	_ =	swait.ge [sflag:s30], $0x3800  }
0x34: {  	[sflag:s30] =	ssyncset.done $0x0  }
0x35: {  	[sflag:s30] =	ssyncadd.s32 $0xFFFFC800  }
0x36: {  	v53 =	vld [tilespmem:$0x7200];
	_ =	sdelay $0x4  }
0x37: {  	(v2sf) =	vpush v53, $0xD;
	_ =	sdelay $0x1  }
0x38: {  	(v2sf) =	vpush v53, $0xC;
	_ =	sdelay $0x1  }
0x39: {  	(v2sf) =	vpush v53, $0xE;
	_ =	sdelay $0x1  }
0x3a: {  	(v2sf) =	vpush v53, $0xF;
	_ =	sdelay $0x1  }
0x3b: {  	(v2sf) =	vpush v53, $0x9;
	_ =	sdelay $0x1  }
0x3c: {  	(v2sf) =	vpush v53, $0x8;
	_ =	sdelay $0x1  }
0x3d: {  	(v2sf) =	vpush v53, $0xA;
	_ =	sdelay $0x1  }
0x3e: {  	(v2sf) =	vpush v53, $0xB  }
0x3f: {  	s7 =	spop (v2sf)  }
0x40: {  	(v2sf) =	vpush v53, $0x0;
	s8 =	smulhi.u32 $0x2AAAAAAB, s7;
	s0 =	sshra.s32 s7, $0x1F  }
0x41: {  	s9 =	spop (v2sf);
	(v2sf) =	vpush v53, $0x1;
	s0 =	smul.u32 $0x2AAAAAAB, s0  }
0x42: {  	s11 =	smulhi.u32 $0x2AAAAAAB, s9;
	s2 =	sshra.s32 s9, $0x1F;
	(v2sf) =	vpush v53, $0x2  }
0x43: {  	s12 =	spop (v2sf);
	s2 =	smul.u32 $0x2AAAAAAB, s2;
	(v2sf) =	vpush v53, $0x3  }
0x44: {  	s5 =	smulhi.u32 $0x2AAAAAAB, s12;
	s4 =	sshra.s32 s12, $0x1F;
	(v2sf) =	vpush v53, $0x4  }
0x45: {  	s6 =	spop (v2sf);
	s4 =	smul.u32 $0x2AAAAAAB, s4;
	(v2sf) =	vpush v53, $0x5  }
0x46: {  	s13 =	smulhi.u32 $0x2AAAAAAB, s6;
	s6 =	sshra.s32 s6, $0x1F;
	(v2sf) =	vpush v53, $0x6  }
0x47: {  	s1 =	sadd.s32 s0, s8;
	s7 =	spop (v2sf);
	s6 =	smul.u32 $0x2AAAAAAB, s6;
	(v2sf) =	vpush v53, $0x7  }
0x48: {  	s22 =	sshrl.u32 s1, $0x1F;
	s14 =	sadd.s32 s2, s11;
	s15 =	smulhi.u32 $0x2AAAAAAB, s7  }
0x49: {  	s16 =	sshra.s32 s7, $0x1F;
	s8 =	spop (v2sf);
	s1 =	sshra.s32 s1, $0x6  }
0x4a: {  	s11 =	sshrl.u32 s14, $0x1F;
	s7 =	smul.u32 $0x2AAAAAAB, s16;
	s2 =	sadd.s32 s4, s5  }
0x4b: {  	s17 =	smulhi.u32 $0x2AAAAAAB, s8;
	s20 =	sshra.s32 s8, $0x1F;
	s12 =	spop (v2sf)  }
0x4c: {  	s9 =	sshrl.u32 s2, $0x1F;
	s8 =	smul.u32 $0x2AAAAAAB, s20;
	s4 =	sadd.s32 s6, s13  }
0x4d: {  	s21 =	smulhi.u32 $0x2AAAAAAB, s12;
	s29 =	sshra.s32 s12, $0x1F;
	s30 =	spop (v2sf)  }
0x4e: {  	s24 =	sshrl.u32 s4, $0x1F;
	s6 =	smul.u32 $0x2AAAAAAB, s29;
	s16 =	sadd.s32 s7, s15  }
0x4f: {  	s31 =	smulhi.u32 $0x2AAAAAAB, s30;
	s28 =	sshra.s32 s30, $0x1F;
	s29 =	spop (v2sf)  }
0x50: {  	s23 =	sshrl.u32 s16, $0x1F;
	s7 =	smul.u32 $0x2AAAAAAB, s28;
	s15 =	spop (v2sf)  }
0x51: {  	s13 =	smulhi.u32 $0x2AAAAAAB, s29;
	s12 =	sshra.s32 s29, $0x1F;
	s30 =	spop (v2sf)  }
0x52: {  	s8 =	sadd.s32 s8, s17;
	s5 =	smul.u32 $0x2AAAAAAB, s12;
	s20 =	spop (v2sf)  }
0x53: {  	s17 =	smulhi.u32 $0x2AAAAAAB, s15;
	s15 =	sshra.s32 s15, $0x1F;
	s26 =	spop (v2sf)  }
0x54: {  	s15 =	smul.u32 $0x2AAAAAAB, s15;
	s12 =	sshra.s32 s30, $0x1F;
	s29 =	spop (v2sf)  }
0x55: {  	v55 =	vmov s11;
	s21 =	sadd.s32 s6, s21;
	s0 =	smul.u32 $0x2AAAAAAB, s12;
	s12 =	spop (v2sf)  }
0x56: {  	v41 =	vsel vm8, s22, v55;
	s6 =	sadd.s32 s7, s31;
	s28 =	smulhi.u32 $0x2AAAAAAB, s30;
	s31 =	spop (v2sf)  }
0x57: {  	v41 =	vsel vm2, s9, v41;
	s25 =	sshrl.u32 s8, $0x1F;
	s30 =	smulhi.u32 $0x2AAAAAAB, s31;
	s7 =	sshra.s32 s31, $0x1F  }
0x58: {  	v41 =	vsel vm3, s24, v41;
	s24 =	sshra.s32 s14, $0x6;
	s5 =	sadd.s32 s5, s13;
	s7 =	smul.u32 $0x2AAAAAAB, s7  }
0x59: {  	v57 =	vmov s25;
	s25 =	sshra.s32 s8, $0x6;
	s3 =	smulhi.u32 $0x2AAAAAAB, s20;
	s13 =	sshrl.u32 s5, $0x1F  }
0x5a: {  	v56 =	vmov s13;
	s13 =	smulhi.u32 $0x2AAAAAAB, s29;
	s22 =	sshra.s32 s29, $0x1F;
	s7 =	sadd.s32 s7, s30  }
0x5b: {  	vm11 =	vcmask $0x704;
	vm12 =	vcmask $0xF0C;
	s22 =	smul.u32 $0x2AAAAAAB, s22;
	s31 =	sshra.s32 s20, $0x1F;
	s30 =	sshra.s32 s7, $0x1F  }
0x5c: {  	vm13 =	vcmask $0x1714;
	vm5 =	vcmask $0x2320;
	s15 =	sadd.s32 s15, s17;
	s17 =	smul.u32 $0x2AAAAAAB, s31;
	s31 =	sshra.s32 s5, $0x6;
	v54 =	vmov s30  }
0x5d: {  	vm6 =	vcmask $0x2B28;
	vm14 =	vcmask $0x1F1C;
	s0 =	sadd.s32 s0, s28;
	s28 =	sshrl.u32 s6, $0x1F;
	s5 =	sshra.s32 s5, $0x1F;
	v40 =	vsel vm0, s31, v54  }
0x5e: {  	vm7 =	vcmask $0x3330;
	vm15 =	vcmask $0x2724;
	s29 =	sshra.s32 s15, $0x6;
	s20 =	sshrl.u32 s21, $0x1F;
	s9 =	sadd.s32 s22, s13;
	v40 =	vsel vm11, s5, v40  }
0x5f: {  	v43 =	vsel vm8, s23, v57;
	v42 =	vnsel vm0, $0x0, v56;
	s3 =	sadd.s32 s17, s3;
	s30 =	sshrl.u32 s15, $0x1F;
	s15 =	sshra.s32 s15, $0x1F;
	v40 =	vsel vm8, s29, v40  }
0x60: {  	v43 =	vsel vm2, s20, v43;
	s17 =	smulhi.u32 $0x2AAAAAAB, s26;
	s26 =	sshra.s32 s26, $0x1F;
	v42 =	vsel vm8, s30, v42;
	s30 =	sshra.s32 s0, $0x6;
	v40 =	vsel vm12, s15, v40  }
0x61: {  	v58 =	vmov s24;
	v43 =	vsel vm3, s28, v43;
	s11 =	smul.u32 $0x2AAAAAAB, s26;
	s26 =	sshrl.u32 s0, $0x1F;
	s0 =	sshra.s32 s0, $0x1F;
	v40 =	vsel vm2, s30, v40  }
0x62: {  	v59 =	vmov s25;
	s28 =	sshra.s32 s16, $0x6;
	v41 =	vcombine.low v43, v41;
	s13 =	sshra.s32 s3, $0x6;
	s20 =	sshra.s32 s3, $0x1F;
	v40 =	vsel vm13, s0, v40  }
0x63: {  	v43 =	vsel vm8, s1, v58;
	v44 =	vsel vm8, s28, v59;
	s11 =	sadd.s32 s11, s17;
	s29 =	smulhi.u32 $0x2AAAAAAB, s12;
	s12 =	sshra.s32 s12, $0x1F;
	v40 =	vsel vm3, s13, v40  }
0x64: {  	s31 =	sshrl.u32 s3, $0x1F;
	vm0 =	vcmask $0x3B38;
	v42 =	vsel vm2, s26, v42;
	s23 =	sshra.s32 s11, $0x6;
	s12 =	smul.u32 $0x2AAAAAAB, s12;
	v40 =	vsel vm14, s20, v40  }
0x65: {  	s17 =	sshrl.u32 s9, $0x1F;
	s26 =	sshra.s32 s11, $0x1F;
	vm11 =	vcmask $0x2F2C;
	v42 =	vsel vm3, s31, v42;
	s31 =	sshrl.u32 s11, $0x1F;
	v40 =	vsel vm5, s23, v40  }
0x66: {  	v42 =	vsel vm5, s31, v42;
	s31 =	sshra.s32 s21, $0x6;
	vm12 =	vcmask $0x3734;
	s12 =	sadd.s32 s12, s29;
	s29 =	sshra.s32 s9, $0x6;
	v40 =	vsel vm15, s26, v40  }
0x67: {  	s8 =	sshra.s32 s6, $0x6;
	s3 =	sshra.s32 s9, $0x1F;
	v42 =	vsel vm6, s17, v42;
	s30 =	sshra.s32 s2, $0x6;
	v44 =	vsel vm2, s31, v44;
	v40 =	vsel vm6, s29, v40  }
0x68: {  	v61 =	vld [tilespmem:$0x1FFF0];
	s5 =	sshra.s32 s4, $0x6;
	v43 =	vsel vm2, s30, v43;
	v44 =	vsel vm3, s8, v44;
	s22 =	sshrl.u32 s12, $0x1F;
	s9 =	sshra.s32 s12, $0x6;
	v40 =	vsel vm11, s3, v40  }
0x69: {  	s11 =	sshrl.u32 s7, $0x1F;
	v43 =	vsel vm3, s5, v43;
	s13 =	sshra.s32 s12, $0x1F;
	v42 =	vsel vm7, s22, v42;
	v40 =	vsel vm7, s9, v40  }
0x6a: {  	s14 =	sshra.s32 s7, $0x6;
	v43 =	vcombine.low v44, v43;
	v42 =	vsel vm0, s11, v42;
	v40 =	vsel vm12, s13, v40  }
0x6b: {  	v41 =	vperm.xlane v41, v10;
	v42 =	vperm.xlane v42, v11;
	v40 =	vsel vm0, s14, v40  }
0x6c: {  	v43 =	vperm.xlane v43, v10;
	v40 =	vperm.xlane v40, v11  }
0x6d: {  	vm1 =	vnez.u8 v61  }
0x6e: {  	v60 =	vand.u32 $0x7F, v53;
	v41 =	vsel vm1, v42, v41;
	v40 =	vsel vm1, v40, v43  }
0x6f: {  	v62 =	vor.u32 v9, v60;
	v40 =	vadd.s32 v41, v40  }
0x70: {  	v41 =	vmul.u32 $0xFFFFFE80, v40;
	_ =	sdelay $0x1  }
0x71: {  	v41 =	vadd.s32 v53, v41  }
0x72: {  	vm9 =	vlt.s32 v53, $0x1;
	s15 =	simm.s32 $0x7300;
	vm10 =	vne.s32 v41, $0x0  }
0x73: {  	s16 =	simm.s32 $0xAB00;
	v63 =	vld.idx.msk [tilespmem:v62+s15+$0x0], $0xffff;
	vm9 =	vmand vm9, vm10  }
0x74: {  	v48 =	vld.idx.msk [tilespmem:v62+s16+$0x0], $0xffff;
	v49 =	vsel vm9, $0xFFFFFFFF, v4  }
0x75: {  	v50 =	vadd.s32 $0x180, v41;
	vm9 =	vlt.s32 v41, $0x0;
	v40 =	vadd.s32 v49, v40  }
0x76: {  	s17 =	simm.s32 $0xE300;
	v41 =	vsel vm9, v50, v41;
	v40 =	vcvt.s32.f32 v40  }
0x77: {  	v42 =	vld.idx.msk [tilespmem:v62+s17+$0x0], $0xffff;
	v41 =	vcvt.s32.f32 v41  }
0x78: {  	v39 =	vadd.f32 v40, v63  }
0x79: {  	s20 =	simm.s32 $0x11B00;
	v51 =	vadd.f32 v41, v48  }
0x7a: {  	[tilespmem:v12+s20+$0x0] =	vst.idx.msk $0xffff, v39  }
0x7b: {  	[tilespmem:v13+s20+$0x0] =	vst.idx.msk $0xffff, v51  }
0x7c: {  	[tilespmem:v14+s20+$0x0] =	vst.idx.msk $0xffff, v42  }
0x7d: {  	v39 =	vld [tilespmem:$0x7210];
	_ =	sdelay $0x4  }
0x7e: {  	(v2sf) =	vpush v39, $0xD;
	_ =	sdelay $0x1  }
0x7f: {  	(v2sf) =	vpush v39, $0xC;
	_ =	sdelay $0x1  }
0x80: {  	(v2sf) =	vpush v39, $0xE;
	_ =	sdelay $0x1  }
0x81: {  	(v2sf) =	vpush v39, $0xF;
	_ =	sdelay $0x1  }
0x82: {  	(v2sf) =	vpush v39, $0x9;
	_ =	sdelay $0x1  }
0x83: {  	(v2sf) =	vpush v39, $0x8;
	_ =	sdelay $0x1  }
0x84: {  	(v2sf) =	vpush v39, $0xA;
	_ =	sdelay $0x1  }
0x85: {  	(v2sf) =	vpush v39, $0xB  }
0x86: {  	s21 =	spop (v2sf)  }
0x87: {  	(v2sf) =	vpush v39, $0x0;
	s22 =	smulhi.u32 $0x2AAAAAAB, s21;
	s0 =	sshra.s32 s21, $0x1F  }
0x88: {  	(v2sf) =	vpush v39, $0x1;
	s23 =	spop (v2sf);
	s0 =	smul.u32 $0x2AAAAAAB, s0  }
0x89: {  	(v2sf) =	vpush v39, $0x2;
	s24 =	smulhi.u32 $0x2AAAAAAB, s23;
	s2 =	sshra.s32 s23, $0x1F  }
0x8a: {  	s25 =	spop (v2sf);
	(v2sf) =	vpush v39, $0x3;
	s2 =	smul.u32 $0x2AAAAAAB, s2  }
0x8b: {  	s26 =	smulhi.u32 $0x2AAAAAAB, s25;
	s4 =	sshra.s32 s25, $0x1F;
	(v2sf) =	vpush v39, $0x4  }
0x8c: {  	s28 =	spop (v2sf);
	s4 =	smul.u32 $0x2AAAAAAB, s4;
	(v2sf) =	vpush v39, $0x5  }
0x8d: {  	s29 =	smulhi.u32 $0x2AAAAAAB, s28;
	s6 =	sshra.s32 s28, $0x1F;
	(v2sf) =	vpush v39, $0x6  }
0x8e: {  	s1 =	sadd.s32 s0, s22;
	s30 =	spop (v2sf);
	s6 =	smul.u32 $0x2AAAAAAB, s6;
	(v2sf) =	vpush v39, $0x7  }
0x8f: {  	s22 =	sshrl.u32 s1, $0x1F;
	s14 =	sadd.s32 s2, s24;
	s31 =	smulhi.u32 $0x2AAAAAAB, s30  }
0x90: {  	s12 =	sshra.s32 s30, $0x1F;
	s13 =	spop (v2sf);
	s1 =	sshra.s32 s1, $0x6  }
0x91: {  	s11 =	sshrl.u32 s14, $0x1F;
	s7 =	smul.u32 $0x2AAAAAAB, s12;
	s2 =	sadd.s32 s4, s26  }
0x92: {  	s15 =	smulhi.u32 $0x2AAAAAAB, s13;
	s17 =	sshra.s32 s13, $0x1F;
	s20 =	spop (v2sf)  }
0x93: {  	s9 =	sshrl.u32 s2, $0x1F;
	s8 =	smul.u32 $0x2AAAAAAB, s17;
	s4 =	sadd.s32 s6, s29  }
0x94: {  	s21 =	smulhi.u32 $0x2AAAAAAB, s20;
	s25 =	sshra.s32 s20, $0x1F;
	s26 =	spop (v2sf)  }
0x95: {  	s24 =	sshrl.u32 s4, $0x1F;
	s6 =	smul.u32 $0x2AAAAAAB, s25;
	s16 =	sadd.s32 s7, s31  }
0x96: {  	s3 =	smulhi.u32 $0x2AAAAAAB, s26;
	s28 =	sshra.s32 s26, $0x1F;
	s29 =	spop (v2sf)  }
0x97: {  	s23 =	sshrl.u32 s16, $0x1F;
	s7 =	smul.u32 $0x2AAAAAAB, s28;
	s30 =	spop (v2sf)  }
0x98: {  	s13 =	smulhi.u32 $0x2AAAAAAB, s29;
	s12 =	sshra.s32 s29, $0x1F;
	s29 =	spop (v2sf)  }
0x99: {  	s8 =	sadd.s32 s8, s15;
	s31 =	smul.u32 $0x2AAAAAAB, s12;
	s20 =	spop (v2sf)  }
0x9a: {  	s17 =	smulhi.u32 $0x2AAAAAAB, s30;
	s15 =	sshra.s32 s30, $0x1F;
	s26 =	spop (v2sf)  }
0x9b: {  	s28 =	smulhi.u32 $0x2AAAAAAB, s29;
	s12 =	sshra.s32 s29, $0x1F;
	s29 =	spop (v2sf)  }
0x9c: {  	v53 =	vmov s11;
	s21 =	sadd.s32 s6, s21;
	s0 =	smul.u32 $0x2AAAAAAB, s12;
	s12 =	spop (v2sf)  }
0x9d: {  	v41 =	vsel vm8, s22, v53;
	s15 =	smul.u32 $0x2AAAAAAB, s15;
	s6 =	sadd.s32 s7, s3;
	s30 =	spop (v2sf)  }
0x9e: {  	v41 =	vsel vm2, s9, v41;
	s5 =	sadd.s32 s31, s13;
	s31 =	smulhi.u32 $0x2AAAAAAB, s30;
	s7 =	sshra.s32 s30, $0x1F  }
0x9f: {  	s25 =	sshrl.u32 s8, $0x1F;
	v41 =	vsel vm3, s24, v41;
	s24 =	sshra.s32 s14, $0x6;
	s7 =	smul.u32 $0x2AAAAAAB, s7  }
0xa0: {  	v55 =	vmov s25;
	s25 =	sshra.s32 s8, $0x6;
	s15 =	sadd.s32 s15, s17;
	s13 =	sshrl.u32 s5, $0x1F  }
0xa1: {  	s3 =	smulhi.u32 $0x2AAAAAAB, s20;
	s0 =	sadd.s32 s0, s28;
	s7 =	sadd.s32 s7, s31  }
0xa2: {  	v54 =	vmov s13;
	s13 =	smulhi.u32 $0x2AAAAAAB, s29;
	s22 =	sshra.s32 s29, $0x1F;
	s31 =	sshra.s32 s7, $0x1F  }
0xa3: {  	vm9 =	vcmask $0x300;
	s22 =	smul.u32 $0x2AAAAAAB, s22;
	s30 =	sshra.s32 s20, $0x1F;
	v52 =	vmov s31;
	s31 =	sshra.s32 s5, $0x6  }
0xa4: {  	vm0 =	vcmask $0x704;
	s28 =	sshrl.u32 s6, $0x1F;
	s17 =	smul.u32 $0x2AAAAAAB, s30;
	s5 =	sshra.s32 s5, $0x1F;
	v40 =	vsel vm9, s31, v52  }
0xa5: {  	s29 =	sshra.s32 s15, $0x6;
	s20 =	sshrl.u32 s21, $0x1F;
	s30 =	sshrl.u32 s15, $0x1F;
	vm9 =	vcmask $0x300;
	v40 =	vsel vm0, s5, v40  }
0xa6: {  	vm4 =	vcmask $0xF0C;
	s15 =	sshra.s32 s15, $0x1F;
	s9 =	sadd.s32 s22, s13;
	s3 =	sadd.s32 s17, s3;
	v42 =	vnsel vm9, $0x0, v54;
	v40 =	vsel vm8, s29, v40  }
0xa7: {  	v43 =	vsel vm8, s23, v55;
	s17 =	smulhi.u32 $0x2AAAAAAB, s26;
	s26 =	sshra.s32 s26, $0x1F;
	v42 =	vsel vm8, s30, v42;
	s30 =	sshra.s32 s0, $0x6;
	v40 =	vsel vm4, s15, v40  }
0xa8: {  	v43 =	vsel vm2, s20, v43;
	s11 =	smul.u32 $0x2AAAAAAB, s26;
	s26 =	sshrl.u32 s0, $0x1F;
	s0 =	sshra.s32 s0, $0x1F;
	v40 =	vsel vm2, s30, v40  }
0xa9: {  	v56 =	vmov s24;
	v43 =	vsel vm3, s28, v43;
	s28 =	sshra.s32 s16, $0x6;
	s13 =	sshra.s32 s3, $0x6;
	s20 =	sshra.s32 s3, $0x1F;
	v40 =	vsel vm13, s0, v40  }
0xaa: {  	v57 =	vmov s25;
	v41 =	vcombine.low v43, v41;
	s11 =	sadd.s32 s11, s17;
	s29 =	smulhi.u32 $0x2AAAAAAB, s12;
	s12 =	sshra.s32 s12, $0x1F;
	v40 =	vsel vm3, s13, v40  }
0xab: {  	v43 =	vsel vm8, s1, v56;
	s31 =	sshrl.u32 s3, $0x1F;
	s23 =	sshra.s32 s11, $0x6;
	v42 =	vsel vm2, s26, v42;
	s12 =	smul.u32 $0x2AAAAAAB, s12;
	v40 =	vsel vm14, s20, v40  }
0xac: {  	v44 =	vsel vm8, s28, v57;
	s17 =	sshrl.u32 s9, $0x1F;
	s26 =	sshra.s32 s11, $0x1F;
	v42 =	vsel vm3, s31, v42;
	s31 =	sshrl.u32 s11, $0x1F;
	v40 =	vsel vm5, s23, v40  }
0xad: {  	vm9 =	vcmask $0x3B38;
	s30 =	sshra.s32 s2, $0x6;
	v42 =	vsel vm5, s31, v42;
	s12 =	sadd.s32 s12, s29;
	s29 =	sshra.s32 s9, $0x6;
	v40 =	vsel vm15, s26, v40  }
0xae: {  	s3 =	sshra.s32 s9, $0x1F;
	s5 =	sshra.s32 s4, $0x6;
	s31 =	sshra.s32 s21, $0x6;
	v43 =	vsel vm2, s30, v43;
	v42 =	vsel vm6, s17, v42;
	v40 =	vsel vm6, s29, v40  }
0xaf: {  	s8 =	sshra.s32 s6, $0x6;
	s22 =	sshrl.u32 s12, $0x1F;
	v44 =	vsel vm2, s31, v44;
	s9 =	sshra.s32 s12, $0x6;
	v43 =	vsel vm3, s5, v43;
	v40 =	vsel vm11, s3, v40  }
0xb0: {  	s11 =	sshrl.u32 s7, $0x1F;
	s13 =	sshra.s32 s12, $0x1F;
	v42 =	vsel vm7, s22, v42;
	v44 =	vsel vm3, s8, v44;
	v40 =	vsel vm7, s9, v40  }
0xb1: {  	s14 =	sshra.s32 s7, $0x6;
	v42 =	vsel vm9, s11, v42;
	v43 =	vcombine.low v44, v43;
	v40 =	vsel vm12, s13, v40  }
0xb2: {  	v41 =	vperm.xlane v41, v10;
	v42 =	vperm.xlane v42, v11;
	v40 =	vsel vm9, s14, v40  }
0xb3: {  	v43 =	vperm.xlane v43, v10;
	v40 =	vperm.xlane v40, v11;
	_ =	sdelay $0x1  }
0xb4: {  	v58 =	vand.u32 $0x7F, v39;
	v41 =	vsel vm1, v42, v41;
	v40 =	vsel vm1, v40, v43  }
0xb5: {  	v59 =	vor.u32 v15, v58;
	v40 =	vadd.s32 v41, v40  }
0xb6: {  	v41 =	vmul.u32 $0xFFFFFE80, v40;
	_ =	sdelay $0x1  }
0xb7: {  	v41 =	vadd.s32 v39, v41  }
0xb8: {  	s15 =	simm.s32 $0x7300;
	vm12 =	vmmov vm9;
	vm9 =	vlt.s32 v39, $0x1;
	vm10 =	vne.s32 v41, $0x0  }
0xb9: {  	s16 =	simm.s32 $0xAB00;
	v60 =	vld.idx.msk [tilespmem:v59+s15+$0x0], $0xffff;
	vm9 =	vmand vm9, vm10  }
0xba: {  	v61 =	vld.idx.msk [tilespmem:v59+s16+$0x0], $0xffff;
	v62 =	vsel vm9, $0xFFFFFFFF, v4  }
0xbb: {  	v63 =	vadd.s32 $0x180, v41;
	vm9 =	vlt.s32 v41, $0x0;
	v40 =	vadd.s32 v62, v40  }
0xbc: {  	s17 =	simm.s32 $0xE300;
	v41 =	vsel vm9, v63, v41;
	v40 =	vcvt.s32.f32 v40  }
0xbd: {  	v42 =	vld.idx.msk [tilespmem:v59+s17+$0x0], $0xffff;
	v41 =	vcvt.s32.f32 v41  }
0xbe: {  	v39 =	vadd.f32 v40, v60  }
0xbf: {  	s20 =	simm.s32 $0x11B00;
	v45 =	vadd.f32 v41, v61  }
0xc0: {  	[tilespmem:v16+s20+$0x0] =	vst.idx.msk $0xffff, v39  }
0xc1: {  	[tilespmem:v17+s20+$0x0] =	vst.idx.msk $0xffff, v45  }
0xc2: {  	[tilespmem:v18+s20+$0x0] =	vst.idx.msk $0xffff, v42  }
0xc3: {  	v39 =	vld [tilespmem:$0x7220];
	_ =	sdelay $0x4  }
0xc4: {  	(v2sf) =	vpush v39, $0xD;
	_ =	sdelay $0x1  }
0xc5: {  	(v2sf) =	vpush v39, $0xC;
	_ =	sdelay $0x1  }
0xc6: {  	(v2sf) =	vpush v39, $0xE;
	_ =	sdelay $0x1  }
0xc7: {  	(v2sf) =	vpush v39, $0xF;
	_ =	sdelay $0x1  }
0xc8: {  	(v2sf) =	vpush v39, $0x9;
	_ =	sdelay $0x1  }
0xc9: {  	(v2sf) =	vpush v39, $0x8;
	_ =	sdelay $0x1  }
0xca: {  	(v2sf) =	vpush v39, $0xA;
	_ =	sdelay $0x1  }
0xcb: {  	(v2sf) =	vpush v39, $0xB  }
0xcc: {  	s21 =	spop (v2sf)  }
0xcd: {  	(v2sf) =	vpush v39, $0x0;
	s22 =	smulhi.u32 $0x2AAAAAAB, s21;
	s0 =	sshra.s32 s21, $0x1F  }
0xce: {  	(v2sf) =	vpush v39, $0x1;
	s23 =	spop (v2sf);
	s0 =	smul.u32 $0x2AAAAAAB, s0  }
0xcf: {  	(v2sf) =	vpush v39, $0x2;
	s24 =	smulhi.u32 $0x2AAAAAAB, s23;
	s2 =	sshra.s32 s23, $0x1F  }
0xd0: {  	s25 =	spop (v2sf);
	(v2sf) =	vpush v39, $0x3;
	s2 =	smul.u32 $0x2AAAAAAB, s2  }
0xd1: {  	s26 =	smulhi.u32 $0x2AAAAAAB, s25;
	s4 =	sshra.s32 s25, $0x1F;
	(v2sf) =	vpush v39, $0x4  }
0xd2: {  	s28 =	spop (v2sf);
	s4 =	smul.u32 $0x2AAAAAAB, s4;
	(v2sf) =	vpush v39, $0x5  }
0xd3: {  	s1 =	sadd.s32 s0, s22;
	s29 =	smulhi.u32 $0x2AAAAAAB, s28;
	s6 =	sshra.s32 s28, $0x1F;
	(v2sf) =	vpush v39, $0x6  }
0xd4: {  	s30 =	spop (v2sf);
	s22 =	sshrl.u32 s1, $0x1F;
	s6 =	smul.u32 $0x2AAAAAAB, s6;
	(v2sf) =	vpush v39, $0x7  }
0xd5: {  	s14 =	sadd.s32 s2, s24;
	s31 =	smulhi.u32 $0x2AAAAAAB, s30;
	s12 =	sshra.s32 s30, $0x1F  }
0xd6: {  	s13 =	spop (v2sf);
	s1 =	sshra.s32 s1, $0x6;
	s7 =	smul.u32 $0x2AAAAAAB, s12  }
0xd7: {  	s11 =	sshrl.u32 s14, $0x1F;
	s15 =	smulhi.u32 $0x2AAAAAAB, s13;
	s17 =	sshra.s32 s13, $0x1F  }
0xd8: {  	s2 =	sadd.s32 s4, s26;
	s20 =	spop (v2sf);
	s8 =	smul.u32 $0x2AAAAAAB, s17  }
0xd9: {  	s9 =	sshrl.u32 s2, $0x1F;
	s21 =	smulhi.u32 $0x2AAAAAAB, s20;
	s25 =	sshra.s32 s20, $0x1F  }
0xda: {  	s4 =	sadd.s32 s6, s29;
	s26 =	spop (v2sf);
	s6 =	smul.u32 $0x2AAAAAAB, s25  }
0xdb: {  	s24 =	sshrl.u32 s4, $0x1F;
	s3 =	smulhi.u32 $0x2AAAAAAB, s26;
	s28 =	sshra.s32 s26, $0x1F  }
0xdc: {  	s16 =	sadd.s32 s7, s31;
	s29 =	spop (v2sf);
	s7 =	smul.u32 $0x2AAAAAAB, s28  }
0xdd: {  	s13 =	smulhi.u32 $0x2AAAAAAB, s29;
	s12 =	sshra.s32 s29, $0x1F;
	s30 =	spop (v2sf)  }
0xde: {  	s23 =	sshrl.u32 s16, $0x1F;
	s31 =	smul.u32 $0x2AAAAAAB, s12;
	s29 =	spop (v2sf)  }
0xdf: {  	s8 =	sadd.s32 s8, s15;
	s17 =	smulhi.u32 $0x2AAAAAAB, s30;
	s20 =	spop (v2sf)  }
0xe0: {  	s15 =	sshra.s32 s30, $0x1F;
	s25 =	sshrl.u32 s8, $0x1F;
	s26 =	spop (v2sf)  }
0xe1: {  	s28 =	smulhi.u32 $0x2AAAAAAB, s29;
	s12 =	sshra.s32 s29, $0x1F;
	s29 =	spop (v2sf)  }
0xe2: {  	v47 =	vmov s11;
	s21 =	sadd.s32 s6, s21;
	s0 =	smul.u32 $0x2AAAAAAB, s12;
	s12 =	spop (v2sf)  }
0xe3: {  	v41 =	vsel vm8, s22, v47;
	s15 =	smul.u32 $0x2AAAAAAB, s15;
	s6 =	sadd.s32 s7, s3;
	s30 =	spop (v2sf)  }
0xe4: {  	v41 =	vsel vm2, s9, v41;
	s5 =	sadd.s32 s31, s13;
	s31 =	smulhi.u32 $0x2AAAAAAB, s30;
	s7 =	sshra.s32 s30, $0x1F  }
0xe5: {  	v41 =	vsel vm3, s24, v41;
	s24 =	sshra.s32 s14, $0x6;
	v49 =	vmov s25;
	s25 =	sshra.s32 s8, $0x6;
	s7 =	smul.u32 $0x2AAAAAAB, s7  }
0xe6: {  	s15 =	sadd.s32 s15, s17;
	s13 =	sshrl.u32 s5, $0x1F;
	s3 =	smulhi.u32 $0x2AAAAAAB, s20  }
0xe7: {  	s0 =	sadd.s32 s0, s28;
	s28 =	sshrl.u32 s6, $0x1F;
	s7 =	sadd.s32 s7, s31  }
0xe8: {  	v48 =	vmov s13;
	s13 =	smulhi.u32 $0x2AAAAAAB, s29;
	s22 =	sshra.s32 s29, $0x1F;
	s31 =	sshra.s32 s7, $0x1F  }
0xe9: {  	vm9 =	vcmask $0x300;
	s22 =	smul.u32 $0x2AAAAAAB, s22;
	s30 =	sshra.s32 s20, $0x1F;
	v46 =	vmov s31;
	s31 =	sshra.s32 s5, $0x6  }
0xea: {  	v43 =	vsel vm8, s23, v49;
	s20 =	sshrl.u32 s21, $0x1F;
	s17 =	smul.u32 $0x2AAAAAAB, s30;
	s5 =	sshra.s32 s5, $0x1F;
	v40 =	vsel vm9, s31, v46  }
0xeb: {  	s29 =	sshra.s32 s15, $0x6;
	s30 =	sshrl.u32 s15, $0x1F;
	s15 =	sshra.s32 s15, $0x1F;
	v43 =	vsel vm2, s20, v43;
	vm9 =	vcmask $0x300;
	v40 =	vsel vm0, s5, v40  }
0xec: {  	s9 =	sadd.s32 s22, s13;
	v43 =	vsel vm3, s28, v43;
	s28 =	sshra.s32 s16, $0x6;
	s3 =	sadd.s32 s17, s3;
	v42 =	vnsel vm9, $0x0, v48;
	v40 =	vsel vm8, s29, v40  }
0xed: {  	s17 =	smulhi.u32 $0x2AAAAAAB, s26;
	s26 =	sshra.s32 s26, $0x1F;
	v42 =	vsel vm8, s30, v42;
	s30 =	sshra.s32 s0, $0x6;
	v40 =	vsel vm4, s15, v40  }
0xee: {  	v50 =	vmov s24;
	v51 =	vmov s25;
	s11 =	smul.u32 $0x2AAAAAAB, s26;
	s26 =	sshrl.u32 s0, $0x1F;
	s0 =	sshra.s32 s0, $0x1F;
	v40 =	vsel vm2, s30, v40  }
0xef: {  	v41 =	vcombine.low v43, v41;
	v43 =	vsel vm8, s1, v50;
	s13 =	sshra.s32 s3, $0x6;
	s20 =	sshra.s32 s3, $0x1F;
	s31 =	sshrl.u32 s3, $0x1F;
	v40 =	vsel vm13, s0, v40  }
0xf0: {  	v44 =	vsel vm8, s28, v51;
	s11 =	sadd.s32 s11, s17;
	s29 =	smulhi.u32 $0x2AAAAAAB, s12;
	s12 =	sshra.s32 s12, $0x1F;
	v42 =	vsel vm2, s26, v42;
	v40 =	vsel vm3, s13, v40  }
0xf1: {  	vm9 =	vmmov vm5;
	s23 =	sshra.s32 s11, $0x6;
	s12 =	smul.u32 $0x2AAAAAAB, s12;
	v42 =	vsel vm3, s31, v42;
	s31 =	sshrl.u32 s11, $0x1F;
	v40 =	vsel vm14, s20, v40  }
0xf2: {  	s17 =	sshrl.u32 s9, $0x1F;
	s26 =	sshra.s32 s11, $0x1F;
	s30 =	sshra.s32 s2, $0x6;
	v42 =	vsel vm5, s31, v42;
	vm5 =	vmmov vm6;
	v40 =	vsel vm9, s23, v40  }
0xf3: {  	s12 =	sadd.s32 s12, s29;
	s29 =	sshra.s32 s9, $0x6;
	s31 =	sshra.s32 s21, $0x6;
	v43 =	vsel vm2, s30, v43;
	v42 =	vsel vm6, s17, v42;
	v40 =	vsel vm15, s26, v40  }
0xf4: {  	s3 =	sshra.s32 s9, $0x1F;
	s5 =	sshra.s32 s4, $0x6;
	s22 =	sshrl.u32 s12, $0x1F;
	vm6 =	vmmov vm7;
	v44 =	vsel vm2, s31, v44;
	v40 =	vsel vm5, s29, v40  }
0xf5: {  	s8 =	sshra.s32 s6, $0x6;
	s9 =	sshra.s32 s12, $0x6;
	v43 =	vsel vm3, s5, v43;
	v42 =	vsel vm7, s22, v42;
	v40 =	vsel vm11, s3, v40  }
0xf6: {  	s11 =	sshrl.u32 s7, $0x1F;
	s13 =	sshra.s32 s12, $0x1F;
	v44 =	vsel vm3, s8, v44;
	vm5 =	vcmask $0x3734;
	v40 =	vsel vm6, s9, v40  }
0xf7: {  	s14 =	sshra.s32 s7, $0x6;
	v42 =	vsel vm12, s11, v42;
	v43 =	vcombine.low v44, v43;
	v40 =	vsel vm5, s13, v40  }
0xf8: {  	v41 =	vperm.xlane v41, v10;
	v42 =	vperm.xlane v42, v11;
	v40 =	vsel vm12, s14, v40  }
0xf9: {  	v43 =	vperm.xlane v43, v10;
	v40 =	vperm.xlane v40, v11;
	_ =	sdelay $0x1  }
0xfa: {  	v52 =	vand.u32 $0x7F, v39;
	v41 =	vsel vm1, v42, v41;
	v40 =	vsel vm1, v40, v43  }
0xfb: {  	v53 =	vor.u32 v19, v52;
	v40 =	vadd.s32 v41, v40  }
0xfc: {  	v41 =	vmul.u32 $0xFFFFFE80, v40;
	_ =	sdelay $0x1  }
0xfd: {  	v41 =	vadd.s32 v39, v41  }
0xfe: {  	s15 =	simm.s32 $0x7300;
	vm7 =	vmmov vm9;
	vm9 =	vlt.s32 v39, $0x1;
	vm10 =	vne.s32 v41, $0x0  }
0xff: {  	s16 =	simm.s32 $0xAB00;
	v54 =	vld.idx.msk [tilespmem:v53+s15+$0x0], $0xffff;
	vm9 =	vmand vm9, vm10  }
0x100: {  	v55 =	vld.idx.msk [tilespmem:v53+s16+$0x0], $0xffff;
	v56 =	vsel vm9, $0xFFFFFFFF, v4  }
0x101: {  	v57 =	vadd.s32 $0x180, v41;
	vm9 =	vlt.s32 v41, $0x0;
	v40 =	vadd.s32 v56, v40  }
0x102: {  	s17 =	simm.s32 $0xE300;
	v41 =	vsel vm9, v57, v41;
	v40 =	vcvt.s32.f32 v40  }
0x103: {  	v42 =	vld.idx.msk [tilespmem:v53+s17+$0x0], $0xffff;
	v41 =	vcvt.s32.f32 v41  }
0x104: {  	v39 =	vadd.f32 v40, v54  }
0x105: {  	s20 =	simm.s32 $0x11B00;
	v58 =	vadd.f32 v41, v55  }
0x106: {  	[tilespmem:v20+s20+$0x0] =	vst.idx.msk $0xffff, v39  }
0x107: {  	[tilespmem:v21+s20+$0x0] =	vst.idx.msk $0xffff, v58  }
0x108: {  	[tilespmem:v22+s20+$0x0] =	vst.idx.msk $0xffff, v42  }
0x109: {  	v39 =	vld [tilespmem:$0x7230];
	_ =	sdelay $0x4  }
0x10a: {  	(v2sf) =	vpush v39, $0xD;
	_ =	sdelay $0x1  }
0x10b: {  	(v2sf) =	vpush v39, $0xC;
	_ =	sdelay $0x1  }
0x10c: {  	(v2sf) =	vpush v39, $0xE;
	_ =	sdelay $0x1  }
0x10d: {  	(v2sf) =	vpush v39, $0xF;
	_ =	sdelay $0x1  }
0x10e: {  	(v2sf) =	vpush v39, $0x9;
	_ =	sdelay $0x1  }
0x10f: {  	(v2sf) =	vpush v39, $0x8;
	_ =	sdelay $0x1  }
0x110: {  	(v2sf) =	vpush v39, $0xA;
	_ =	sdelay $0x1  }
0x111: {  	(v2sf) =	vpush v39, $0xB  }
0x112: {  	s21 =	spop (v2sf)  }
0x113: {  	(v2sf) =	vpush v39, $0x0;
	s22 =	smulhi.u32 $0x2AAAAAAB, s21;
	s0 =	sshra.s32 s21, $0x1F  }
0x114: {  	(v2sf) =	vpush v39, $0x1;
	s23 =	spop (v2sf);
	s0 =	smul.u32 $0x2AAAAAAB, s0  }
0x115: {  	(v2sf) =	vpush v39, $0x2;
	s24 =	smulhi.u32 $0x2AAAAAAB, s23;
	s2 =	sshra.s32 s23, $0x1F  }
0x116: {  	s25 =	spop (v2sf);
	(v2sf) =	vpush v39, $0x3;
	s2 =	smul.u32 $0x2AAAAAAB, s2  }
0x117: {  	s26 =	smulhi.u32 $0x2AAAAAAB, s25;
	s4 =	sshra.s32 s25, $0x1F;
	(v2sf) =	vpush v39, $0x4  }
0x118: {  	s28 =	spop (v2sf);
	s4 =	smul.u32 $0x2AAAAAAB, s4;
	(v2sf) =	vpush v39, $0x5  }
0x119: {  	s1 =	sadd.s32 s0, s22;
	s29 =	smulhi.u32 $0x2AAAAAAB, s28;
	s6 =	sshra.s32 s28, $0x1F;
	(v2sf) =	vpush v39, $0x6  }
0x11a: {  	s30 =	spop (v2sf);
	s22 =	sshrl.u32 s1, $0x1F;
	s6 =	smul.u32 $0x2AAAAAAB, s6;
	(v2sf) =	vpush v39, $0x7  }
0x11b: {  	s14 =	sadd.s32 s2, s24;
	s31 =	smulhi.u32 $0x2AAAAAAB, s30;
	s12 =	sshra.s32 s30, $0x1F  }
0x11c: {  	s13 =	spop (v2sf);
	s1 =	sshra.s32 s1, $0x6;
	s7 =	smul.u32 $0x2AAAAAAB, s12  }
0x11d: {  	s11 =	sshrl.u32 s14, $0x1F;
	s15 =	smulhi.u32 $0x2AAAAAAB, s13;
	s17 =	sshra.s32 s13, $0x1F  }
0x11e: {  	s2 =	sadd.s32 s4, s26;
	s20 =	spop (v2sf);
	s8 =	smul.u32 $0x2AAAAAAB, s17  }
0x11f: {  	s9 =	sshrl.u32 s2, $0x1F;
	s21 =	smulhi.u32 $0x2AAAAAAB, s20;
	s25 =	sshra.s32 s20, $0x1F  }
0x120: {  	s4 =	sadd.s32 s6, s29;
	s26 =	spop (v2sf);
	s6 =	smul.u32 $0x2AAAAAAB, s25  }
0x121: {  	s24 =	sshrl.u32 s4, $0x1F;
	s3 =	smulhi.u32 $0x2AAAAAAB, s26;
	s28 =	sshra.s32 s26, $0x1F  }
0x122: {  	s16 =	sadd.s32 s7, s31;
	s29 =	spop (v2sf);
	s7 =	smul.u32 $0x2AAAAAAB, s28  }
0x123: {  	s13 =	smulhi.u32 $0x2AAAAAAB, s29;
	s12 =	sshra.s32 s29, $0x1F;
	s30 =	spop (v2sf)  }
0x124: {  	s23 =	sshrl.u32 s16, $0x1F;
	s31 =	smul.u32 $0x2AAAAAAB, s12;
	s29 =	spop (v2sf)  }
0x125: {  	s8 =	sadd.s32 s8, s15;
	s17 =	smulhi.u32 $0x2AAAAAAB, s30;
	s20 =	spop (v2sf)  }
0x126: {  	s15 =	sshra.s32 s30, $0x1F;
	s25 =	sshrl.u32 s8, $0x1F;
	s26 =	spop (v2sf)  }
0x127: {  	s28 =	smulhi.u32 $0x2AAAAAAB, s29;
	s12 =	sshra.s32 s29, $0x1F;
	s29 =	spop (v2sf)  }
0x128: {  	v60 =	vmov s11;
	s21 =	sadd.s32 s6, s21;
	s0 =	smul.u32 $0x2AAAAAAB, s12;
	s12 =	spop (v2sf)  }
0x129: {  	v41 =	vsel vm8, s22, v60;
	s15 =	smul.u32 $0x2AAAAAAB, s15;
	s6 =	sadd.s32 s7, s3;
	s30 =	spop (v2sf)  }
0x12a: {  	v41 =	vsel vm2, s9, v41;
	s5 =	sadd.s32 s31, s13;
	s31 =	smulhi.u32 $0x2AAAAAAB, s30;
	s7 =	sshra.s32 s30, $0x1F  }
0x12b: {  	v41 =	vsel vm3, s24, v41;
	s24 =	sshra.s32 s14, $0x6;
	v62 =	vmov s25;
	s25 =	sshra.s32 s8, $0x6;
	s7 =	smul.u32 $0x2AAAAAAB, s7  }
0x12c: {  	s15 =	sadd.s32 s15, s17;
	s13 =	sshrl.u32 s5, $0x1F;
	s3 =	smulhi.u32 $0x2AAAAAAB, s20  }
0x12d: {  	s0 =	sadd.s32 s0, s28;
	s28 =	sshrl.u32 s6, $0x1F;
	s7 =	sadd.s32 s7, s31  }
0x12e: {  	v61 =	vmov s13;
	s13 =	smulhi.u32 $0x2AAAAAAB, s29;
	s22 =	sshra.s32 s29, $0x1F;
	s31 =	sshra.s32 s7, $0x1F  }
0x12f: {  	vm9 =	vcmask $0x300;
	s22 =	smul.u32 $0x2AAAAAAB, s22;
	s30 =	sshra.s32 s20, $0x1F;
	v59 =	vmov s31;
	s31 =	sshra.s32 s5, $0x6  }
0x130: {  	v43 =	vsel vm8, s23, v62;
	s20 =	sshrl.u32 s21, $0x1F;
	s17 =	smul.u32 $0x2AAAAAAB, s30;
	s5 =	sshra.s32 s5, $0x1F;
	v40 =	vsel vm9, s31, v59  }
0x131: {  	s29 =	sshra.s32 s15, $0x6;
	s30 =	sshrl.u32 s15, $0x1F;
	s15 =	sshra.s32 s15, $0x1F;
	v43 =	vsel vm2, s20, v43;
	vm9 =	vcmask $0x300;
	v40 =	vsel vm0, s5, v40  }
0x132: {  	s9 =	sadd.s32 s22, s13;
	v43 =	vsel vm3, s28, v43;
	s28 =	sshra.s32 s16, $0x6;
	s3 =	sadd.s32 s17, s3;
	v42 =	vnsel vm9, $0x0, v61;
	v40 =	vsel vm8, s29, v40  }
0x133: {  	s17 =	smulhi.u32 $0x2AAAAAAB, s26;
	s26 =	sshra.s32 s26, $0x1F;
	v42 =	vsel vm8, s30, v42;
	s30 =	sshra.s32 s0, $0x6;
	v40 =	vsel vm4, s15, v40  }
0x134: {  	vm5 =	vmmov vm0;
	s11 =	smul.u32 $0x2AAAAAAB, s26;
	s26 =	sshrl.u32 s0, $0x1F;
	s0 =	sshra.s32 s0, $0x1F;
	v40 =	vsel vm2, s30, v40  }
0x135: {  	v63 =	vmov s24;
	v48 =	vmov s25;
	s13 =	sshra.s32 s3, $0x6;
	s20 =	sshra.s32 s3, $0x1F;
	s31 =	sshrl.u32 s3, $0x1F;
	v40 =	vsel vm13, s0, v40  }
0x136: {  	v41 =	vcombine.low v43, v41;
	v43 =	vsel vm8, s1, v63;
	s11 =	sadd.s32 s11, s17;
	s29 =	smulhi.u32 $0x2AAAAAAB, s12;
	s12 =	sshra.s32 s12, $0x1F;
	v40 =	vsel vm3, s13, v40  }
0x137: {  	v44 =	vsel vm8, s28, v48;
	s17 =	sshrl.u32 s9, $0x1F;
	s23 =	sshra.s32 s11, $0x6;
	v42 =	vsel vm2, s26, v42;
	s12 =	smul.u32 $0x2AAAAAAB, s12;
	v40 =	vsel vm14, s20, v40  }
0x138: {  	vm0 =	vcmask $0x2B28;
	s26 =	sshra.s32 s11, $0x1F;
	v42 =	vsel vm3, s31, v42;
	s31 =	sshrl.u32 s11, $0x1F;
	s30 =	sshra.s32 s2, $0x6;
	v40 =	vsel vm7, s23, v40  }
0x139: {  	v42 =	vsel vm7, s31, v42;
	s12 =	sadd.s32 s12, s29;
	s29 =	sshra.s32 s9, $0x6;
	s31 =	sshra.s32 s21, $0x6;
	v43 =	vsel vm2, s30, v43;
	v40 =	vsel vm15, s26, v40  }
0x13a: {  	s3 =	sshra.s32 s9, $0x1F;
	s5 =	sshra.s32 s4, $0x6;
	v42 =	vsel vm0, s17, v42;
	s22 =	sshrl.u32 s12, $0x1F;
	v44 =	vsel vm2, s31, v44;
	v40 =	vsel vm0, s29, v40  }
0x13b: {  	s8 =	sshra.s32 s6, $0x6;
	s9 =	sshra.s32 s12, $0x6;
	v43 =	vsel vm3, s5, v43;
	v42 =	vsel vm6, s22, v42;
	v40 =	vsel vm11, s3, v40  }
0x13c: {  	s11 =	sshrl.u32 s7, $0x1F;
	s13 =	sshra.s32 s12, $0x1F;
	v44 =	vsel vm3, s8, v44;
	vm0 =	vcmask $0x3734;
	v40 =	vsel vm6, s9, v40  }
0x13d: {  	s14 =	sshra.s32 s7, $0x6;
	v42 =	vsel vm12, s11, v42;
	v43 =	vcombine.low v44, v43;
	v40 =	vsel vm0, s13, v40  }
0x13e: {  	v41 =	vperm.xlane v41, v10;
	v42 =	vperm.xlane v42, v11;
	v40 =	vsel vm12, s14, v40  }
0x13f: {  	v43 =	vperm.xlane v43, v10;
	v40 =	vperm.xlane v40, v11;
	_ =	sdelay $0x1  }
0x140: {  	v49 =	vand.u32 $0x7F, v39;
	v41 =	vsel vm1, v42, v41;
	v40 =	vsel vm1, v40, v43  }
0x141: {  	v50 =	vor.u32 v23, v49;
	v40 =	vadd.s32 v41, v40  }
0x142: {  	v41 =	vmul.u32 $0xFFFFFE80, v40;
	_ =	sdelay $0x1  }
0x143: {  	v41 =	vadd.s32 v39, v41  }
0x144: {  	vm9 =	vlt.s32 v39, $0x1;
	s15 =	simm.s32 $0x7300;
	vm10 =	vne.s32 v41, $0x0  }
0x145: {  	s16 =	simm.s32 $0xAB00;
	v51 =	vld.idx.msk [tilespmem:v50+s15+$0x0], $0xffff;
	vm9 =	vmand vm9, vm10  }
0x146: {  	v52 =	vld.idx.msk [tilespmem:v50+s16+$0x0], $0xffff;
	v53 =	vsel vm9, $0xFFFFFFFF, v4  }
0x147: {  	v54 =	vadd.s32 $0x180, v41;
	vm9 =	vlt.s32 v41, $0x0;
	v40 =	vadd.s32 v53, v40  }
0x148: {  	s17 =	simm.s32 $0xE300;
	v41 =	vsel vm9, v54, v41;
	v40 =	vcvt.s32.f32 v40  }
0x149: {  	v42 =	vld.idx.msk [tilespmem:v50+s17+$0x0], $0xffff;
	v41 =	vcvt.s32.f32 v41  }
0x14a: {  	v39 =	vadd.f32 v40, v51  }
0x14b: {  	s20 =	simm.s32 $0x11B00;
	v55 =	vadd.f32 v41, v52  }
0x14c: {  	[tilespmem:v24+s20+$0x0] =	vst.idx.msk $0xffff, v39  }
0x14d: {  	[tilespmem:v25+s20+$0x0] =	vst.idx.msk $0xffff, v55  }
0x14e: {  	[tilespmem:v26+s20+$0x0] =	vst.idx.msk $0xffff, v42  }
0x14f: {  	v39 =	vld [tilespmem:$0x7240];
	_ =	sdelay $0x4  }
0x150: {  	(v2sf) =	vpush v39, $0xD;
	_ =	sdelay $0x1  }
0x151: {  	(v2sf) =	vpush v39, $0xC;
	_ =	sdelay $0x1  }
0x152: {  	(v2sf) =	vpush v39, $0xE;
	_ =	sdelay $0x1  }
0x153: {  	(v2sf) =	vpush v39, $0xF;
	_ =	sdelay $0x1  }
0x154: {  	(v2sf) =	vpush v39, $0x9;
	_ =	sdelay $0x1  }
0x155: {  	(v2sf) =	vpush v39, $0x8;
	_ =	sdelay $0x1  }
0x156: {  	(v2sf) =	vpush v39, $0xA;
	_ =	sdelay $0x1  }
0x157: {  	(v2sf) =	vpush v39, $0xB  }
0x158: {  	s21 =	spop (v2sf)  }
0x159: {  	(v2sf) =	vpush v39, $0x0;
	s22 =	smulhi.u32 $0x2AAAAAAB, s21;
	s0 =	sshra.s32 s21, $0x1F  }
0x15a: {  	(v2sf) =	vpush v39, $0x1;
	s23 =	spop (v2sf);
	s0 =	smul.u32 $0x2AAAAAAB, s0  }
0x15b: {  	(v2sf) =	vpush v39, $0x2;
	s24 =	smulhi.u32 $0x2AAAAAAB, s23;
	s2 =	sshra.s32 s23, $0x1F  }
0x15c: {  	s25 =	spop (v2sf);
	(v2sf) =	vpush v39, $0x3;
	s2 =	smul.u32 $0x2AAAAAAB, s2  }
0x15d: {  	s26 =	smulhi.u32 $0x2AAAAAAB, s25;
	s4 =	sshra.s32 s25, $0x1F;
	(v2sf) =	vpush v39, $0x4  }
0x15e: {  	s28 =	spop (v2sf);
	s4 =	smul.u32 $0x2AAAAAAB, s4;
	(v2sf) =	vpush v39, $0x5  }
0x15f: {  	s29 =	smulhi.u32 $0x2AAAAAAB, s28;
	s6 =	sshra.s32 s28, $0x1F;
	(v2sf) =	vpush v39, $0x6  }
0x160: {  	s1 =	sadd.s32 s0, s22;
	s30 =	spop (v2sf);
	s6 =	smul.u32 $0x2AAAAAAB, s6;
	(v2sf) =	vpush v39, $0x7  }
0x161: {  	s22 =	sshrl.u32 s1, $0x1F;
	s14 =	sadd.s32 s2, s24;
	s31 =	smulhi.u32 $0x2AAAAAAB, s30  }
0x162: {  	s12 =	sshra.s32 s30, $0x1F;
	s13 =	spop (v2sf);
	s1 =	sshra.s32 s1, $0x6  }
0x163: {  	s11 =	sshrl.u32 s14, $0x1F;
	s7 =	smul.u32 $0x2AAAAAAB, s12;
	s2 =	sadd.s32 s4, s26  }
0x164: {  	s15 =	smulhi.u32 $0x2AAAAAAB, s13;
	s17 =	sshra.s32 s13, $0x1F;
	s20 =	spop (v2sf)  }
0x165: {  	s9 =	sshrl.u32 s2, $0x1F;
	s8 =	smul.u32 $0x2AAAAAAB, s17;
	s4 =	sadd.s32 s6, s29  }
0x166: {  	s21 =	smulhi.u32 $0x2AAAAAAB, s20;
	s25 =	sshra.s32 s20, $0x1F;
	s26 =	spop (v2sf)  }
0x167: {  	s24 =	sshrl.u32 s4, $0x1F;
	s6 =	smul.u32 $0x2AAAAAAB, s25;
	s16 =	sadd.s32 s7, s31  }
0x168: {  	s3 =	smulhi.u32 $0x2AAAAAAB, s26;
	s28 =	sshra.s32 s26, $0x1F;
	s29 =	spop (v2sf)  }
0x169: {  	s23 =	sshrl.u32 s16, $0x1F;
	s7 =	smul.u32 $0x2AAAAAAB, s28;
	s30 =	spop (v2sf)  }
0x16a: {  	s13 =	smulhi.u32 $0x2AAAAAAB, s29;
	s12 =	sshra.s32 s29, $0x1F;
	s29 =	spop (v2sf)  }
0x16b: {  	s8 =	sadd.s32 s8, s15;
	s31 =	smul.u32 $0x2AAAAAAB, s12;
	s20 =	spop (v2sf)  }
0x16c: {  	s17 =	smulhi.u32 $0x2AAAAAAB, s30;
	s15 =	sshra.s32 s30, $0x1F;
	s26 =	spop (v2sf)  }
0x16d: {  	s28 =	smulhi.u32 $0x2AAAAAAB, s29;
	s12 =	sshra.s32 s29, $0x1F;
	s29 =	spop (v2sf)  }
0x16e: {  	v57 =	vmov s11;
	s21 =	sadd.s32 s6, s21;
	s0 =	smul.u32 $0x2AAAAAAB, s12;
	s12 =	spop (v2sf)  }
0x16f: {  	v41 =	vsel vm8, s22, v57;
	s15 =	smul.u32 $0x2AAAAAAB, s15;
	s6 =	sadd.s32 s7, s3;
	s30 =	spop (v2sf)  }
0x170: {  	v41 =	vsel vm2, s9, v41;
	s5 =	sadd.s32 s31, s13;
	s31 =	smulhi.u32 $0x2AAAAAAB, s30;
	s7 =	sshra.s32 s30, $0x1F  }
0x171: {  	s25 =	sshrl.u32 s8, $0x1F;
	v41 =	vsel vm3, s24, v41;
	s24 =	sshra.s32 s14, $0x6;
	s7 =	smul.u32 $0x2AAAAAAB, s7  }
0x172: {  	v59 =	vmov s25;
	s25 =	sshra.s32 s8, $0x6;
	s15 =	sadd.s32 s15, s17;
	s13 =	sshrl.u32 s5, $0x1F  }
0x173: {  	s3 =	smulhi.u32 $0x2AAAAAAB, s20;
	s0 =	sadd.s32 s0, s28;
	s7 =	sadd.s32 s7, s31  }
0x174: {  	v58 =	vmov s13;
	s13 =	smulhi.u32 $0x2AAAAAAB, s29;
	s22 =	sshra.s32 s29, $0x1F;
	s31 =	sshra.s32 s7, $0x1F  }
0x175: {  	vm9 =	vcmask $0x300;
	s22 =	smul.u32 $0x2AAAAAAB, s22;
	s30 =	sshra.s32 s20, $0x1F;
	v56 =	vmov s31;
	s31 =	sshra.s32 s5, $0x6  }
0x176: {  	s28 =	sshrl.u32 s6, $0x1F;
	s17 =	smul.u32 $0x2AAAAAAB, s30;
	s5 =	sshra.s32 s5, $0x1F;
	v40 =	vsel vm9, s31, v56  }
0x177: {  	s29 =	sshra.s32 s15, $0x6;
	s20 =	sshrl.u32 s21, $0x1F;
	s30 =	sshrl.u32 s15, $0x1F;
	vm9 =	vcmask $0x300;
	v40 =	vsel vm5, s5, v40  }
0x178: {  	vm6 =	vmmov vm5;
	s15 =	sshra.s32 s15, $0x1F;
	s9 =	sadd.s32 s22, s13;
	s3 =	sadd.s32 s17, s3;
	v42 =	vnsel vm9, $0x0, v58;
	v40 =	vsel vm8, s29, v40  }
0x179: {  	v43 =	vsel vm8, s23, v59;
	s17 =	smulhi.u32 $0x2AAAAAAB, s26;
	s26 =	sshra.s32 s26, $0x1F;
	v42 =	vsel vm8, s30, v42;
	s30 =	sshra.s32 s0, $0x6;
	v40 =	vsel vm4, s15, v40  }
0x17a: {  	v60 =	vmov s24;
	v43 =	vsel vm2, s20, v43;
	s11 =	smul.u32 $0x2AAAAAAB, s26;
	s26 =	sshrl.u32 s0, $0x1F;
	s0 =	sshra.s32 s0, $0x1F;
	v40 =	vsel vm2, s30, v40  }
0x17b: {  	v61 =	vmov s25;
	v43 =	vsel vm3, s28, v43;
	s28 =	sshra.s32 s16, $0x6;
	s13 =	sshra.s32 s3, $0x6;
	s20 =	sshra.s32 s3, $0x1F;
	v40 =	vsel vm13, s0, v40  }
0x17c: {  	v41 =	vcombine.low v43, v41;
	v43 =	vsel vm8, s1, v60;
	s11 =	sadd.s32 s11, s17;
	s29 =	smulhi.u32 $0x2AAAAAAB, s12;
	s12 =	sshra.s32 s12, $0x1F;
	v40 =	vsel vm3, s13, v40  }
0x17d: {  	v44 =	vsel vm8, s28, v61;
	s31 =	sshrl.u32 s3, $0x1F;
	s23 =	sshra.s32 s11, $0x6;
	v42 =	vsel vm2, s26, v42;
	s12 =	smul.u32 $0x2AAAAAAB, s12;
	v40 =	vsel vm14, s20, v40  }
0x17e: {  	s17 =	sshrl.u32 s9, $0x1F;
	vm5 =	vcmask $0x2B28;
	s26 =	sshra.s32 s11, $0x1F;
	v42 =	vsel vm3, s31, v42;
	s31 =	sshrl.u32 s11, $0x1F;
	v40 =	vsel vm7, s23, v40  }
0x17f: {  	vm4 =	vcmask $0x3330;
	s30 =	sshra.s32 s2, $0x6;
	v42 =	vsel vm7, s31, v42;
	s12 =	sadd.s32 s12, s29;
	s29 =	sshra.s32 s9, $0x6;
	v40 =	vsel vm15, s26, v40  }
0x180: {  	s3 =	sshra.s32 s9, $0x1F;
	s5 =	sshra.s32 s4, $0x6;
	s31 =	sshra.s32 s21, $0x6;
	v43 =	vsel vm2, s30, v43;
	v42 =	vsel vm5, s17, v42;
	v40 =	vsel vm5, s29, v40  }
0x181: {  	s8 =	sshra.s32 s6, $0x6;
	s22 =	sshrl.u32 s12, $0x1F;
	v44 =	vsel vm2, s31, v44;
	s9 =	sshra.s32 s12, $0x6;
	v43 =	vsel vm3, s5, v43;
	v40 =	vsel vm11, s3, v40  }
0x182: {  	s11 =	sshrl.u32 s7, $0x1F;
	s13 =	sshra.s32 s12, $0x1F;
	v42 =	vsel vm4, s22, v42;
	v44 =	vsel vm3, s8, v44;
	v40 =	vsel vm4, s9, v40  }
0x183: {  	s14 =	sshra.s32 s7, $0x6;
	v42 =	vsel vm12, s11, v42;
	v43 =	vcombine.low v44, v43;
	v40 =	vsel vm0, s13, v40  }
0x184: {  	v41 =	vperm.xlane v41, v10;
	v42 =	vperm.xlane v42, v11;
	v40 =	vsel vm12, s14, v40  }
0x185: {  	v43 =	vperm.xlane v43, v10;
	v40 =	vperm.xlane v40, v11;
	_ =	sdelay $0x1  }
0x186: {  	v62 =	vand.u32 $0x7F, v39;
	v41 =	vsel vm1, v42, v41;
	v40 =	vsel vm1, v40, v43  }
0x187: {  	v63 =	vor.u32 v27, v62;
	v40 =	vadd.s32 v41, v40  }
0x188: {  	v41 =	vmul.u32 $0xFFFFFE80, v40;
	_ =	sdelay $0x1  }
0x189: {  	v41 =	vadd.s32 v39, v41  }
0x18a: {  	vm9 =	vlt.s32 v39, $0x1;
	s15 =	simm.s32 $0x7300;
	vm10 =	vne.s32 v41, $0x0  }
0x18b: {  	s16 =	simm.s32 $0xAB00;
	v48 =	vld.idx.msk [tilespmem:v63+s15+$0x0], $0xffff;
	vm9 =	vmand vm9, vm10  }
0x18c: {  	v49 =	vld.idx.msk [tilespmem:v63+s16+$0x0], $0xffff;
	v50 =	vsel vm9, $0xFFFFFFFF, v4  }
0x18d: {  	v51 =	vadd.s32 $0x180, v41;
	vm9 =	vlt.s32 v41, $0x0;
	v40 =	vadd.s32 v50, v40  }
0x18e: {  	s17 =	simm.s32 $0xE300;
	v41 =	vsel vm9, v51, v41;
	v40 =	vcvt.s32.f32 v40  }
0x18f: {  	v42 =	vld.idx.msk [tilespmem:v63+s17+$0x0], $0xffff;
	v41 =	vcvt.s32.f32 v41  }
0x190: {  	v39 =	vadd.f32 v40, v48  }
0x191: {  	s20 =	simm.s32 $0x11B00;
	v52 =	vadd.f32 v41, v49  }
0x192: {  	[tilespmem:v28+s20+$0x0] =	vst.idx.msk $0xffff, v39  }
0x193: {  	[tilespmem:v29+s20+$0x0] =	vst.idx.msk $0xffff, v52  }
0x194: {  	[tilespmem:v30+s20+$0x0] =	vst.idx.msk $0xffff, v42  }
0x195: {  	v39 =	vld [tilespmem:$0x7250];
	_ =	sdelay $0x4  }
0x196: {  	(v2sf) =	vpush v39, $0xD;
	_ =	sdelay $0x1  }
0x197: {  	(v2sf) =	vpush v39, $0xC;
	_ =	sdelay $0x1  }
0x198: {  	(v2sf) =	vpush v39, $0xE;
	_ =	sdelay $0x1  }
0x199: {  	(v2sf) =	vpush v39, $0xF;
	_ =	sdelay $0x1  }
0x19a: {  	(v2sf) =	vpush v39, $0x9;
	_ =	sdelay $0x1  }
0x19b: {  	(v2sf) =	vpush v39, $0x8;
	_ =	sdelay $0x1  }
0x19c: {  	(v2sf) =	vpush v39, $0xA;
	_ =	sdelay $0x1  }
0x19d: {  	(v2sf) =	vpush v39, $0xB  }
0x19e: {  	s21 =	spop (v2sf)  }
0x19f: {  	(v2sf) =	vpush v39, $0x0;
	s22 =	smulhi.u32 $0x2AAAAAAB, s21;
	s0 =	sshra.s32 s21, $0x1F  }
0x1a0: {  	s23 =	spop (v2sf);
	s0 =	smul.u32 $0x2AAAAAAB, s0  }
0x1a1: {  	(v2sf) =	vpush v39, $0x1;
	s24 =	smulhi.u32 $0x2AAAAAAB, s23;
	s2 =	sshra.s32 s23, $0x1F  }
0x1a2: {  	(v2sf) =	vpush v39, $0x2;
	s25 =	spop (v2sf);
	s2 =	smul.u32 $0x2AAAAAAB, s2  }
0x1a3: {  	(v2sf) =	vpush v39, $0x3;
	s26 =	smulhi.u32 $0x2AAAAAAB, s25;
	s4 =	sshra.s32 s25, $0x1F  }
0x1a4: {  	(v2sf) =	vpush v39, $0x4;
	s28 =	spop (v2sf);
	s4 =	smul.u32 $0x2AAAAAAB, s4  }
0x1a5: {  	(v2sf) =	vpush v39, $0x5;
	s29 =	smulhi.u32 $0x2AAAAAAB, s28;
	s6 =	sshra.s32 s28, $0x1F  }
0x1a6: {  	s1 =	sadd.s32 s0, s22;
	s30 =	spop (v2sf);
	(v2sf) =	vpush v39, $0x6;
	s6 =	smul.u32 $0x2AAAAAAB, s6  }
0x1a7: {  	s22 =	sshrl.u32 s1, $0x1F;
	s31 =	smulhi.u32 $0x2AAAAAAB, s30;
	s12 =	sshra.s32 s30, $0x1F;
	(v2sf) =	vpush v39, $0x7  }
0x1a8: {  	s14 =	sadd.s32 s2, s24;
	s13 =	spop (v2sf);
	s7 =	smul.u32 $0x2AAAAAAB, s12  }
0x1a9: {  	s11 =	sshrl.u32 s14, $0x1F;
	s15 =	smulhi.u32 $0x2AAAAAAB, s13;
	s17 =	sshra.s32 s13, $0x1F  }
0x1aa: {  	s2 =	sadd.s32 s4, s26;
	s20 =	spop (v2sf);
	s8 =	smul.u32 $0x2AAAAAAB, s17  }
0x1ab: {  	s9 =	sshrl.u32 s2, $0x1F;
	s21 =	smulhi.u32 $0x2AAAAAAB, s20;
	s25 =	sshra.s32 s20, $0x1F  }
0x1ac: {  	s4 =	sadd.s32 s6, s29;
	s26 =	spop (v2sf);
	s6 =	smul.u32 $0x2AAAAAAB, s25  }
0x1ad: {  	s24 =	sshrl.u32 s4, $0x1F;
	s3 =	smulhi.u32 $0x2AAAAAAB, s26;
	s28 =	sshra.s32 s26, $0x1F  }
0x1ae: {  	s16 =	sadd.s32 s7, s31;
	s29 =	spop (v2sf);
	s7 =	smul.u32 $0x2AAAAAAB, s28  }
0x1af: {  	s23 =	sshrl.u32 s16, $0x1F;
	s13 =	smulhi.u32 $0x2AAAAAAB, s29;
	s12 =	sshra.s32 s29, $0x1F  }
0x1b0: {  	v54 =	vmov s11;
	s30 =	spop (v2sf);
	s8 =	sadd.s32 s8, s15;
	s31 =	smul.u32 $0x2AAAAAAB, s12  }
0x1b1: {  	v41 =	vsel vm8, s22, v54;
	s17 =	smulhi.u32 $0x2AAAAAAB, s30;
	s15 =	sshra.s32 s30, $0x1F;
	s29 =	spop (v2sf)  }
0x1b2: {  	v41 =	vsel vm2, s9, v41;
	s25 =	sshrl.u32 s8, $0x1F;
	s21 =	sadd.s32 s6, s21;
	s20 =	spop (v2sf)  }
0x1b3: {  	v41 =	vsel vm3, s24, v41;
	s24 =	sshra.s32 s14, $0x6;
	s15 =	smul.u32 $0x2AAAAAAB, s15;
	s26 =	spop (v2sf)  }
0x1b4: {  	s28 =	smulhi.u32 $0x2AAAAAAB, s29;
	s12 =	sshra.s32 s29, $0x1F;
	s29 =	spop (v2sf)  }
0x1b5: {  	s6 =	sadd.s32 s7, s3;
	s0 =	smul.u32 $0x2AAAAAAB, s12;
	s12 =	spop (v2sf)  }
0x1b6: {  	v56 =	vmov s25;
	s25 =	sshra.s32 s8, $0x6;
	s3 =	smulhi.u32 $0x2AAAAAAB, s20;
	s30 =	spop (v2sf)  }
0x1b7: {  	s5 =	sadd.s32 s31, s13;
	s31 =	smulhi.u32 $0x2AAAAAAB, s30;
	s7 =	sshra.s32 s30, $0x1F  }
0x1b8: {  	s15 =	sadd.s32 s15, s17;
	s13 =	sshrl.u32 s5, $0x1F;
	s7 =	smul.u32 $0x2AAAAAAB, s7  }
0x1b9: {  	v55 =	vmov s13;
	s0 =	sadd.s32 s0, s28;
	s13 =	smulhi.u32 $0x2AAAAAAB, s29;
	s29 =	sshra.s32 s29, $0x1F  }
0x1ba: {  	s22 =	smul.u32 $0x2AAAAAAB, s29;
	s30 =	sshra.s32 s20, $0x1F;
	s7 =	sadd.s32 s7, s31  }
0x1bb: {  	s28 =	sshrl.u32 s6, $0x1F;
	s17 =	smul.u32 $0x2AAAAAAB, s30;
	s31 =	sshra.s32 s7, $0x1F  }
0x1bc: {  	vm9 =	vcmask $0x300;
	s29 =	smulhi.u32 $0x2AAAAAAB, s12;
	s12 =	sshra.s32 s12, $0x1F;
	v53 =	vmov s31;
	s31 =	sshra.s32 s5, $0x6  }
0x1bd: {  	vm15 =	vmmov vm4;
	s20 =	sshrl.u32 s21, $0x1F;
	s3 =	sadd.s32 s17, s3;
	s5 =	sshra.s32 s5, $0x1F;
	v40 =	vsel vm9, s31, v53  }
0x1be: {  	vm4 =	vcmask $0xF0C;
	s17 =	smulhi.u32 $0x2AAAAAAB, s26;
	s26 =	sshra.s32 s26, $0x1F;
	s31 =	sshra.s32 s15, $0x6;
	vm9 =	vcmask $0x300;
	v40 =	vsel vm6, s5, v40  }
0x1bf: {  	vm0 =	vmmov vm15;
	s30 =	sshrl.u32 s15, $0x1F;
	s11 =	smul.u32 $0x2AAAAAAB, s26;
	s15 =	sshra.s32 s15, $0x1F;
	v42 =	vnsel vm9, $0x0, v55;
	v40 =	vsel vm8, s31, v40  }
0x1c0: {  	v57 =	vmov s24;
	s12 =	smul.u32 $0x2AAAAAAB, s12;
	s26 =	sshrl.u32 s0, $0x1F;
	v42 =	vsel vm8, s30, v42;
	s30 =	sshra.s32 s0, $0x6;
	v40 =	vsel vm4, s15, v40  }
0x1c1: {  	v43 =	vsel vm8, s23, v56;
	s9 =	sshrl.u32 s3, $0x1F;
	s11 =	sadd.s32 s11, s17;
	s0 =	sshra.s32 s0, $0x1F;
	v42 =	vsel vm2, s26, v42;
	v40 =	vsel vm2, s30, v40  }
0x1c2: {  	v58 =	vmov s25;
	s31 =	sshrl.u32 s11, $0x1F;
	s15 =	sshra.s32 s3, $0x6;
	v42 =	vsel vm3, s9, v42;
	s9 =	sadd.s32 s22, s13;
	v40 =	vsel vm13, s0, v40  }
0x1c3: {  	v43 =	vsel vm2, s20, v43;
	s12 =	sadd.s32 s12, s29;
	s20 =	sshra.s32 s3, $0x1F;
	v42 =	vsel vm7, s31, v42;
	s17 =	sshrl.u32 s9, $0x1F;
	v40 =	vsel vm3, s15, v40  }
0x1c4: {  	v43 =	vsel vm3, s28, v43;
	s23 =	sshra.s32 s11, $0x6;
	s22 =	sshrl.u32 s12, $0x1F;
	v42 =	vsel vm5, s17, v42;
	v40 =	vsel vm14, s20, v40  }
0x1c5: {  	s1 =	sshra.s32 s1, $0x6;
	s26 =	sshra.s32 s11, $0x1F;
	v42 =	vsel vm15, s22, v42;
	vm15 =	vcmask $0x2724;
	v40 =	vsel vm7, s23, v40  }
0x1c6: {  	s28 =	sshra.s32 s16, $0x6;
	v41 =	vcombine.low v43, v41;
	v43 =	vsel vm8, s1, v57;
	s30 =	sshra.s32 s2, $0x6;
	s29 =	sshra.s32 s9, $0x6;
	v40 =	vsel vm15, s26, v40  }
0x1c7: {  	v44 =	vsel vm8, s28, v58;
	s31 =	sshra.s32 s21, $0x6;
	s3 =	sshra.s32 s9, $0x1F;
	v43 =	vsel vm2, s30, v43;
	v40 =	vsel vm5, s29, v40  }
0x1c8: {  	s8 =	sshra.s32 s6, $0x6;
	s5 =	sshra.s32 s4, $0x6;
	s9 =	sshra.s32 s12, $0x6;
	vm13 =	vcmask $0x3734;
	v44 =	vsel vm2, s31, v44;
	v40 =	vsel vm11, s3, v40  }
0x1c9: {  	s11 =	sshrl.u32 s7, $0x1F;
	s12 =	sshra.s32 s12, $0x1F;
	v43 =	vsel vm3, s5, v43;
	v44 =	vsel vm3, s8, v44;
	v40 =	vsel vm0, s9, v40  }
0x1ca: {  	s13 =	sshra.s32 s7, $0x6;
	v42 =	vsel vm12, s11, v42;
	v43 =	vcombine.low v44, v43;
	v40 =	vsel vm13, s12, v40  }
0x1cb: {  	v41 =	vperm.xlane v41, v10;
	v42 =	vperm.xlane v42, v11;
	v40 =	vsel vm12, s13, v40  }
0x1cc: {  	v43 =	vperm.xlane v43, v10;
	v40 =	vperm.xlane v40, v11;
	_ =	sdelay $0x1  }
0x1cd: {  	v59 =	vand.u32 $0x7F, v39;
	v41 =	vsel vm1, v42, v41;
	v40 =	vsel vm1, v40, v43  }
0x1ce: {  	v60 =	vor.u32 v31, v59;
	v40 =	vadd.s32 v41, v40  }
0x1cf: {  	v41 =	vmul.u32 $0xFFFFFE80, v40;
	_ =	sdelay $0x1  }
0x1d0: {  	v41 =	vadd.s32 v39, v41  }
0x1d1: {  	vm9 =	vlt.s32 v39, $0x1;
	s29 =	simm.s32 $0x7300;
	vm10 =	vne.s32 v41, $0x0  }
0x1d2: {  	s31 =	simm.s32 $0xAB00;
	v61 =	vld.idx.msk [tilespmem:v60+s29+$0x0], $0xffff;
	vm9 =	vmand vm9, vm10  }
0x1d3: {  	v62 =	vld.idx.msk [tilespmem:v60+s31+$0x0], $0xffff;
	v63 =	vsel vm9, $0xFFFFFFFF, v4  }
0x1d4: {  	v48 =	vadd.s32 $0x180, v41;
	vm9 =	vlt.s32 v41, $0x0;
	v40 =	vadd.s32 v63, v40  }
0x1d5: {  	s30 =	simm.s32 $0xE300;
	v41 =	vsel vm9, v48, v41;
	v40 =	vcvt.s32.f32 v40  }
0x1d6: {  	v42 =	vld.idx.msk [tilespmem:v60+s30+$0x0], $0xffff;
	v41 =	vcvt.s32.f32 v41  }
0x1d7: {  	v39 =	vadd.f32 v40, v61  }
0x1d8: {  	s14 =	simm.s32 $0x11B00;
	v49 =	vadd.f32 v41, v62  }
0x1d9: {  	[tilespmem:v32+s14+$0x0] =	vst.idx.msk $0xffff, v39  }
0x1da: {  	[tilespmem:v33+s14+$0x0] =	vst.idx.msk $0xffff, v49  }
0x1db: {  	[tilespmem:v34+s14+$0x0] =	vst.idx.msk $0xffff, v42  }
0x1dc: {  	v39 =	vld [tilespmem:$0x7260];
	_ =	sdelay $0x4  }
0x1dd: {  	(v2sf) =	vpush v39, $0xD;
	_ =	sdelay $0x1  }
0x1de: {  	(v2sf) =	vpush v39, $0xC;
	_ =	sdelay $0x1  }
0x1df: {  	(v2sf) =	vpush v39, $0xE;
	_ =	sdelay $0x1  }
0x1e0: {  	(v2sf) =	vpush v39, $0xF;
	_ =	sdelay $0x1  }
0x1e1: {  	(v2sf) =	vpush v39, $0x9;
	_ =	sdelay $0x1  }
0x1e2: {  	(v2sf) =	vpush v39, $0x8;
	_ =	sdelay $0x1  }
0x1e3: {  	(v2sf) =	vpush v39, $0xA;
	_ =	sdelay $0x1  }
0x1e4: {  	(v2sf) =	vpush v39, $0xB  }
0x1e5: {  	s15 =	spop (v2sf)  }
0x1e6: {  	(v2sf) =	vpush v39, $0x0;
	s1 =	smulhi.u32 $0x2AAAAAAB, s15;
	s0 =	sshra.s32 s15, $0x1F  }
0x1e7: {  	(v2sf) =	vpush v39, $0x1;
	s16 =	spop (v2sf);
	s0 =	smul.u32 $0x2AAAAAAB, s0  }
0x1e8: {  	s3 =	smulhi.u32 $0x2AAAAAAB, s16;
	s2 =	sshra.s32 s16, $0x1F  }
0x1e9: {  	s17 =	spop (v2sf);
	s4 =	smul.u32 $0x2AAAAAAB, s2  }
0x1ea: {  	(v2sf) =	vpush v39, $0x2;
	s5 =	smulhi.u32 $0x2AAAAAAB, s17;
	s2 =	sshra.s32 s17, $0x1F  }
0x1eb: {  	(v2sf) =	vpush v39, $0x3;
	s20 =	spop (v2sf);
	s6 =	smul.u32 $0x2AAAAAAB, s2  }
0x1ec: {  	(v2sf) =	vpush v39, $0x4;
	s7 =	smulhi.u32 $0x2AAAAAAB, s20;
	s2 =	sshra.s32 s20, $0x1F  }
0x1ed: {  	s21 =	spop (v2sf);
	s9 =	smul.u32 $0x2AAAAAAB, s2  }
0x1ee: {  	(v2sf) =	vpush v39, $0x5;
	s11 =	smulhi.u32 $0x2AAAAAAB, s21;
	s22 =	sshra.s32 s21, $0x1F  }
0x1ef: {  	(v2sf) =	vpush v39, $0x6;
	s23 =	spop (v2sf);
	s8 =	smul.u32 $0x2AAAAAAB, s22  }
0x1f0: {  	(v2sf) =	vpush v39, $0x7;
	s12 =	smulhi.u32 $0x2AAAAAAB, s23;
	s2 =	sshra.s32 s23, $0x1F  }
0x1f1: {  	s24 =	spop (v2sf);
	s14 =	smul.u32 $0x2AAAAAAB, s2  }
0x1f2: {  	s15 =	smulhi.u32 $0x2AAAAAAB, s24;
	s13 =	sshra.s32 s24, $0x1F  }
0x1f3: {  	s25 =	spop (v2sf);
	s13 =	smul.u32 $0x2AAAAAAB, s13  }
0x1f4: {  	s16 =	sadd.s32 s4, s3;
	s20 =	smulhi.u32 $0x2AAAAAAB, s25;
	s2 =	sshra.s32 s25, $0x1F  }
0x1f5: {  	s4 =	sadd.s32 s6, s5;
	s26 =	spop (v2sf);
	s22 =	smul.u32 $0x2AAAAAAB, s2  }
0x1f6: {  	s28 =	spop (v2sf);
	s24 =	smulhi.u32 $0x2AAAAAAB, s26;
	s26 =	sshra.s32 s26, $0x1F  }
0x1f7: {  	s2 =	sadd.s32 s0, s1;
	s1 =	sadd.s32 s9, s7;
	s26 =	smul.u32 $0x2AAAAAAB, s26  }
0x1f8: {  	s7 =	sadd.s32 s8, s11;
	s0 =	smulhi.u32 $0x2AAAAAAB, s28;
	s28 =	sshra.s32 s28, $0x1F  }
0x1f9: {  	s11 =	sshrl.u32 s2, $0x1F;
	s3 =	smul.u32 $0x2AAAAAAB, s28;
	s21 =	spop (v2sf)  }
0x1fa: {  	s23 =	spop (v2sf);
	s5 =	smulhi.u32 $0x2AAAAAAB, s21;
	s21 =	sshra.s32 s21, $0x1F  }
0x1fb: {  	s6 =	sadd.s32 s22, s20;
	s25 =	spop (v2sf);
	s9 =	smul.u32 $0x2AAAAAAB, s21  }
0x1fc: {  	s8 =	smulhi.u32 $0x2AAAAAAB, s23;
	s23 =	sshra.s32 s23, $0x1F;
	s21 =	sadd.s32 s14, s12  }
0x1fd: {  	s14 =	sadd.s32 s13, s15;
	s17 =	spop (v2sf);
	s12 =	smul.u32 $0x2AAAAAAB, s23  }
0x1fe: {  	s13 =	smulhi.u32 $0x2AAAAAAB, s25;
	s23 =	sshra.s32 s25, $0x1F;
	s28 =	spop (v2sf)  }
0x1ff: {  	s22 =	sadd.s32 s26, s24;
	s15 =	smul.u32 $0x2AAAAAAB, s23;
	s25 =	spop (v2sf)  }
0x200: {  	s24 =	sshrl.u32 s16, $0x1F;
	s23 =	smulhi.u32 $0x2AAAAAAB, s25;
	s20 =	sshra.s32 s25, $0x1F  }
0x201: {  	s0 =	sadd.s32 s3, s0;
	v51 =	vmov s24;
	s24 =	sshrl.u32 s21, $0x1F;
	s25 =	smul.u32 $0x2AAAAAAB, s20  }
0x202: {  	s5 =	sadd.s32 s9, s5;
	s9 =	sshrl.u32 s1, $0x1F;
	s3 =	smulhi.u32 $0x2AAAAAAB, s17  }
0x203: {  	s17 =	sshra.s32 s17, $0x1F;
	s12 =	sadd.s32 s12, s8;
	s8 =	sadd.s32 s25, s23  }
0x204: {  	s13 =	sadd.s32 s15, s13;
	s15 =	smul.u32 $0x2AAAAAAB, s17;
	s25 =	sshra.s32 s8, $0x1F  }
0x205: {  	vm9 =	vcmask $0x300;
	s17 =	sshrl.u32 s0, $0x1F;
	s20 =	sshrl.u32 s4, $0x1F;
	v50 =	vmov s25;
	s25 =	sshra.s32 s22, $0x6  }
0x206: {  	v41 =	vsel vm8, s11, v51;
	v53 =	vmov s24;
	s3 =	sadd.s32 s15, s3;
	v40 =	vsel vm9, s25, v50;
	s25 =	sshrl.u32 s22, $0x1F;
	s22 =	sshra.s32 s22, $0x1F  }
0x207: {  	v41 =	vsel vm2, s20, v41;
	s15 =	smulhi.u32 $0x2AAAAAAB, s28;
	s28 =	sshra.s32 s28, $0x1F;
	v52 =	vmov s25;
	v40 =	vsel vm6, s22, v40;
	s25 =	sshra.s32 s0, $0x6  }
0x208: {  	s23 =	sshrl.u32 s7, $0x1F;
	v41 =	vsel vm3, s9, v41;
	s20 =	smul.u32 $0x2AAAAAAB, s28;
	vm9 =	vcmask $0x300;
	s0 =	sshra.s32 s0, $0x1F;
	v40 =	vsel vm8, s25, v40  }
0x209: {  	s11 =	sshrl.u32 s5, $0x1F;
	v43 =	vsel vm8, s23, v53;
	s22 =	sshra.s32 s5, $0x6;
	v42 =	vnsel vm9, $0x0, v52;
	v40 =	vsel vm4, s0, v40  }
0x20a: {  	s5 =	sshra.s32 s5, $0x1F;
	s25 =	sshrl.u32 s14, $0x1F;
	v42 =	vsel vm8, s17, v42;
	s0 =	sadd.s32 s20, s15;
	vm4 =	vcmask $0x1714;
	v40 =	vsel vm2, s22, v40  }
0x20b: {  	s17 =	sshra.s32 s12, $0x6;
	v43 =	vsel vm2, s25, v43;
	s20 =	sshrl.u32 s6, $0x1F;
	s25 =	sshra.s32 s16, $0x6;
	v42 =	vsel vm2, s11, v42;
	v40 =	vsel vm4, s5, v40  }
0x20c: {  	s28 =	sshrl.u32 s12, $0x1F;
	s23 =	sshra.s32 s12, $0x1F;
	s12 =	sshra.s32 s21, $0x6;
	v43 =	vsel vm3, s20, v43;
	v54 =	vmov s25;
	v40 =	vsel vm3, s17, v40  }
0x20d: {  	s2 =	sshra.s32 s2, $0x6;
	s16 =	sshra.s32 s7, $0x6;
	v55 =	vmov s12;
	v42 =	vsel vm3, s28, v42;
	s28 =	sshra.s32 s13, $0x6;
	v40 =	vsel vm14, s23, v40  }
0x20e: {  	s15 =	sshrl.u32 s13, $0x1F;
	s13 =	sshra.s32 s13, $0x1F;
	v44 =	vsel vm8, s2, v54;
	v45 =	vsel vm8, s16, v55;
	v40 =	vsel vm7, s28, v40  }
0x20f: {  	s22 =	sshrl.u32 s3, $0x1F;
	s20 =	sshra.s32 s14, $0x6;
	v41 =	vcombine.low v43, v41;
	v42 =	vsel vm7, s15, v42;
	s17 =	sshra.s32 s3, $0x6;
	v40 =	vsel vm15, s13, v40  }
0x210: {  	s21 =	sshra.s32 s6, $0x6;
	s15 =	sshra.s32 s4, $0x6;
	s3 =	sshra.s32 s3, $0x1F;
	v45 =	vsel vm2, s20, v45;
	v42 =	vsel vm5, s22, v42;
	v40 =	vsel vm5, s17, v40  }
0x211: {  	s1 =	sshra.s32 s1, $0x6;
	s24 =	sshrl.u32 s0, $0x1F;
	v44 =	vsel vm2, s15, v44;
	s22 =	sshra.s32 s0, $0x6;
	v45 =	vsel vm3, s21, v45;
	v40 =	vsel vm11, s3, v40  }
0x212: {  	s23 =	sshrl.u32 s8, $0x1F;
	s0 =	sshra.s32 s0, $0x1F;
	v42 =	vsel vm0, s24, v42;
	v44 =	vsel vm3, s1, v44;
	v40 =	vsel vm0, s22, v40  }
0x213: {  	s24 =	sshra.s32 s8, $0x6;
	v42 =	vsel vm12, s23, v42;
	v56 =	vcombine.low v45, v44;
	v40 =	vsel vm13, s0, v40  }
0x214: {  	v41 =	vperm.xlane v41, v10;
	v42 =	vperm.xlane v42, v11;
	v40 =	vsel vm12, s24, v40  }
0x215: {  	v43 =	vperm.xlane v56, v10;
	v40 =	vperm.xlane v40, v11;
	_ =	sdelay $0x1  }
0x216: {  	v57 =	vand.u32 $0x7F, v39;
	v41 =	vsel vm1, v42, v41;
	v40 =	vsel vm1, v40, v43  }
0x217: {  	v58 =	vor.u32 v35, v57;
	v40 =	vadd.s32 v41, v40  }
0x218: {  	v41 =	vmul.u32 $0xFFFFFE80, v40;
	_ =	sdelay $0x1  }
0x219: {  	v41 =	vadd.s32 v39, v41  }
0x21a: {  	vm9 =	vlt.s32 v39, $0x1;
	vm10 =	vne.s32 v41, $0x0  }
0x21b: {  	v59 =	vld.idx.msk [tilespmem:v58+s29+$0x0], $0xffff;
	vm9 =	vmand vm9, vm10  }
0x21c: {  	v60 =	vld.idx.msk [tilespmem:v58+s31+$0x0], $0xffff;
	v61 =	vsel vm9, $0xFFFFFFFF, v4  }
0x21d: {  	v62 =	vadd.s32 $0x180, v41;
	vm9 =	vlt.s32 v41, $0x0;
	v40 =	vadd.s32 v61, v40  }
0x21e: {  	v41 =	vsel vm9, v62, v41;
	v40 =	vcvt.s32.f32 v40  }
0x21f: {  	v42 =	vld.idx.msk [tilespmem:v58+s30+$0x0], $0xffff;
	v41 =	vcvt.s32.f32 v41  }
0x220: {  	v39 =	vadd.f32 v40, v59  }
0x221: {  	s25 =	simm.s32 $0x11B00;
	v63 =	vadd.f32 v41, v60  }
0x222: {  	[tilespmem:v36+s25+$0x0] =	vst.idx.msk $0xffff, v39  }
0x223: {  	s29 =	rddreg [dreg:$0x10];
	[tilespmem:v37+s25+$0x0] =	vst.idx.msk $0xffff, v63  }
0x224: {  	s31 =	simm.s32 $0x200;
	s28 =	simm.s32 $0x11B00;
	s30 =	simm.s32 $0x80;
	[tilespmem:v38+s25+$0x0] =	vst.idx.msk $0xffff, v42  }
0x225: {  	[hbm4b:s29+s30] =	stream.strided.scatter [tilespmem:s28], [sflag:$0x2], $0x200, s31, s30, $0x38;
	[tilespmem:$0x12080] =	vst v63  }
0x226: {  	_ =	swait.ge [sflag:s18], $0x200  }
0x227: {  	s15 =	rddreg [dreg:$0x6]  }
0x228: {  	s26 =	simm.s32 $0x7200;
	s11 =	rddreg [dreg:$0xb]  }
0x229: {  	s20 =	simm.s32 $0x4400;
	[sflag:s18] =	ssyncset.done $0x0;
	s17 =	rddreg [dreg:$0xc]  }
0x22a: {  	s23 =	simm.s32 $0x4480;
	s13 =	rddreg [dreg:$0xd];
	[sflag:s18] =	ssyncadd.s32 $0xFFFFFE00  }
0x22b: {  	vm0 =	vcmask $0x300;
	s24 =	simm.s32 $0x4680;
	s25 =	simm.s32 $0x4880;
	s12 =	rddreg [dreg:$0x3]  }
.LBB2_49:
0x22c: {  	s15 =	sadd.s32 $0x1, s15;
	s0 =	rddreg [dreg:$0x11]  }
0x22d: {  	p1 =	sne.s32 s15, s0  }
.Ltmp1:
0x22e: {  	_ = 	snop;
	(pc) =	sbr.rel @!p1 .LBB2_50-.Ltmp1, $2  }
0x22f: {  	_ =	sdelay $0x1  }
0x230: {  	[bflag:$0x0] =	sbarrier.arrive $0xFFFF;
	_ =	sdelay $0x1  }
.LBB2_1:
0x231: {  	[tilespmem:$0x4400] =	vst v4;
	s1 =	simm.s32 $0x40;
	s2 =	simm.s32 $0x0  }
.LBB2_2:
0x232: {  	p1 =	sne.s32 s1, $0x7FC0;
	[tilespmem:s2+$0x2400] =	vst v4;
	s2 =	smov.u32 s1;
	s1 =	sadd.s32 $0x40, s1  }
.Ltmp2:
0x233: {  	(pc) =	sbr.rel @p1 .LBB2_2-.Ltmp2, $2  }
0x234: {  	_ =	sdelay $0x2  }
0x235: {  	s2 =	sshra.s32 s2, $0x2  }
0x236: {  	[tilespmem:s2+$0x2400] =	vst v4;
	s1 =	simm.s32 @!p0 $0x2400  }
0x237: {  	[spmem:s12] =	stream.linear.scatter @!p0 [tilespmem:s1], [sflag:$0x2], $0x2000, $0x38;
	[tilespmem:$0x12080] =	vst v63  }
0x238: {  	s1 =	simm.s32 @!p0 $0x2  }
0x239: {  	_ =	swait.ge @!p0 [sflag:s1], $0x2000  }
0x23a: {  	[sflag:s1] =	ssyncset.done @!p0 $0x0  }
0x23b: {  	s29 =	simm.s32 $0x0;
	s0 =	rddreg [dreg:$0xa];
	[sflag:s1] =	ssyncadd.s32 @!p0 $0xFFFFE000  }
0x23c: {  	[tilespmem:s29], [sflag:$0x2] =	stream.linear.gather [hbm4b:s0+s29], $0x2400, $0x38;
	[tilespmem:$0x12080] =	vst v63  }
0x23d: {  	_ =	swait.ge [sflag:s18], $0x2400  }
0x23e: {  	s30 =	sand.u32 $0xFE00, s29;
	[sflag:s18] =	ssyncset.done $0x0  }
0x23f: {  	s2 =	sshrl.u32 s30, $0x2;
	s1 =	sand.u32 $0x70, s29;
	[sflag:s18] =	ssyncadd.s32 $0xFFFFDC00  }
0x240: {  	s1 =	sor.u32 s1, s2;
	[bflag:$0x0] =	sbarrier.arrive $0xFFFF  }
0x241: {  	v39 =	vld [tilespmem:s1+$0x0];
	_ =	sdelay $0x4  }
0x242: {  	v39 =	vshrl.u32 v39, $0x13;
	_ =	sdelay $0x1  }
0x243: {  	s31 =	simm.s32 $0x40  }
0x244: {  	s4 =	sand.u32 $0xFE00, s31;
	s2 =	simm.s32 $0x80;
	s1 =	simm.s32 $0x10  }
.LBB2_4:
0x245: {  	p1 =	sne.s32 s2, $0x8FC0;
	s6 =	sand.u32 $0x70, s1;
	s4 =	sshrl.u32 s4, $0x2  }
0x246: {  	s4 =	sor.u32 s6, s4;
	[tilespmem:v39+s19+$0x0] =	vst.idx.add.s32.msk $0xffff, v5  }
0x247: {  	v39 =	vld [tilespmem:s4+$0x0];
	_ =	sdelay $0x3  }
.Ltmp3:
0x248: {  	(pc) =	sbr.rel @p1 .LBB2_4-.Ltmp3, $2  }
0x249: {  	v39 =	vshrl.u32 v39, $0x13;
	_ =	sdelay $0x2  }
0x24a: {  	s1 =	sadd.s32 $0x10, s1;
	s4 =	sand.u32 $0xFE00, s2;
	s2 =	sadd.s32 $0x40, s2  }
0x24b: {  	_ =	sdelay $0x2  }
0x24c: {  	s1 =	sand.u32 $0x70, s1;
	s2 =	sshrl.u32 s4, $0x2  }
0x24d: {  	[tilespmem:v39+s19+$0x0] =	vst.idx.add.s32.msk $0xffff, v5;
	s1 =	sor.u32 s1, s2  }
0x24e: {  	v39 =	vld [tilespmem:s1+$0x0];
	_ =	sdelay $0x4  }
0x24f: {  	v39 =	vshrl.u32 v39, $0x13;
	_ =	sdelay $0x4  }
0x250: {  	s0 =	simm.s32 $0x1;
	[tilespmem:v39+s19+$0x0] =	vst.idx.add.s32.msk $0xffff, v5  }
0x251: {  	[spmem:s12] =	stream.indirect.scatter.add.s32 [tilespmem:s19], [sflag:$0x2], $0x2000, s20, s0, $0xb8;
	[tilespmem:$0x12080] =	vst v63  }
0x252: {  	_ =	swait.ge [sflag:s18], $0x2000  }
0x253: {  	[sflag:s18] =	ssyncset.done $0x0  }
0x254: {  	[sflag:s18] =	ssyncadd.s32 $0xFFFFE000  }
0x255: {  	[bflag:$0x0] =	sbarrier.arrive $0xFFFF  }
0x256: {  	[tilespmem:s19], [sflag:$0x2] =	stream.linear.gather [spmem:s12], $0x2000, $0x38;
	[tilespmem:$0x12080] =	vst v63  }
0x257: {  	_ =	swait.ge [sflag:s18], $0x2000  }
0x258: {  	[sflag:s18] =	ssyncset.done $0x0  }
0x259: {  	s30 =	simm.s32 $0x43F0;
	[sflag:s18] =	ssyncadd.s32 $0xFFFFE000  }
0x25a: {  	v57 =	vld [tilespmem:s30+$0x0]  }
0x25b: {  	s31 =	simm.s32 $0x43E0  }
0x25c: {  	v40 =	vld [tilespmem:s31+$0x0];
	_ =	sdelay $0x2  }
0x25d: {  	v39 =	vperm.xlane v57, v6;
	_ =	sdelay $0x1  }
0x25e: {  	v58 =	vperm.xlane v40, v6;
	(xrf0) =	vadd.scan.msk.s32 $0xffff, v39;
	_ =	sdelay $0x1  }
0x25f: {  	(xrf0) =	vadd.scan.msk.s32 $0xffff, v58;
	_ =	sdelay $0x2  }
0x260: {  	s0 =	simm.s32 $0x43D0  }
0x261: {  	s2 =	simm.s32 $0x43C0;
	v41 =	vld [tilespmem:s0+$0x0];
	v61, _, _ =	vpop (xrf0)  }
0x262: {  	v60 =	vld [tilespmem:s2+$0x0];
	(v2sf) =	vpush v61, $0xF  }
0x263: {  	v62, _, _ =	vpop (xrf0)  }
0x264: {  	(v2sf) =	vpush v62, $0xF;
	_ =	sdelay $0x1  }
0x265: {  	v59 =	vperm.xlane v41, v6  }
0x266: {  	v40 =	vperm.xlane v60, v6  }
0x267: {  	(xrf0) =	vadd.scan.msk.s32 $0xffff, v59  }
0x268: {  	(xrf0) =	vadd.scan.msk.s32 $0xffff, v40;
	v39 =	vperm.xlane v61, v6  }
0x269: {  	s3 =	simm.s32 $0x0  }
0x26a: {  	s4 =	simm.s32 $0x1FF0;
	v39 =	vadd.s32 s3, v39  }
0x26b: {  	v42 =	vor.u32 s4, v7;
	vm9 =	vgt.s32 v39, $0x63  }
0x26c: {  	s5 =	simm.s32 $0x43B0;
	v39 =	vnsel vm9, $0x7FFFFFFF, v42  }
0x26d: {  	s6 =	simm.s32 $0x43A0;
	v49 =	vld [tilespmem:s5+$0x0];
	v63, _, _ =	vpop (xrf0);
	(xrf0) =	vmax.scan.msk.u32 $0xffff, v39  }
0x26e: {  	v50 =	vld [tilespmem:s6+$0x0];
	(v2sf) =	vpush v63, $0xF;
	v48, _, _ =	vpop (xrf0)  }
0x26f: {  	(v2sf) =	vpush v48, $0xF  }
0x270: {  	v41 =	vperm.xlane v62, v6;
	s7 =	spop (v2sf)  }
0x271: {  	s1 =	sadd.s32 $0x0, s7  }
0x272: {  	s9 =	simm.s32 $0x1FE0;
	v40 =	vperm.xlane v63, v6;
	v42 =	vperm.xlane v49, v6;
	s14 =	spop (v2sf);
	v41 =	vadd.s32 s1, v41  }
0x273: {  	v51 =	vor.u32 s9, v7;
	v52 =	vperm.xlane v50, v6;
	v43, _, _ =	vpop (xrf0);
	s1 =	sadd.s32 s1, s14;
	vm9 =	vgt.s32 v41, $0x63  }
0x274: {  	s8 =	simm.s32 $0x4390;
	s16 =	simm.s32 $0x1FD0;
	(xrf0) =	vadd.scan.msk.s32 $0xffff, v42;
	(v2sf) =	vpush v43, $0xF;
	v40 =	vadd.s32 s1, v40;
	v41 =	vnsel vm9, $0x7FFFFFFF, v51  }
0x275: {  	v53 =	vor.u32 s16, v7;
	v44 =	vld [tilespmem:s8+$0x0];
	vm9 =	vgt.s32 v40, $0x63;
	(xrf0) =	vmax.scan.msk.u32 $0xffff, v41  }
0x276: {  	v40 =	vnsel vm9, $0x7FFFFFFF, v53;
	(xrf0) =	vadd.scan.msk.s32 $0xffff, v52  }
0x277: {  	(xrf0) =	vmax.scan.msk.u32 $0xffff, v40;
	_ =	sdelay $0x2  }
0x278: {  	v54 =	vperm.xlane v44, v6;
	v57, _, _ =	vpop (xrf0)  }
0x279: {  	(v2sf) =	vpush v57, $0xF;
	v59, _, _ =	vpop (xrf0)  }
0x27a: {  	(xrf0) =	vadd.scan.msk.s32 $0xffff, v54;
	v60, _, _ =	vpop (xrf0);
	(v2sf) =	vpush v59, $0xF  }
0x27b: {  	s21 =	spop (v2sf);
	(v2sf) =	vpush v60, $0xF;
	v61, _, _ =	vpop (xrf0)  }
0x27c: {  	s29 =	spop (v2sf);
	(v2sf) =	vpush v61, $0xF  }
0x27d: {  	v39 =	vperm.xlane v48, v6  }
0x27e: {  	s1 =	sadd.s32 s1, s21  }
0x27f: {  	s22 =	simm.s32 $0x1FC0;
	s28 =	simm.s32 $0x4380;
	v39 =	vadd.s32 s1, v39  }
0x280: {  	v56 =	vor.u32 s22, v7;
	v55 =	vld [tilespmem:s28+$0x0];
	vm9 =	vgt.s32 v39, $0x63;
	v63, _, _ =	vpop (xrf0)  }
0x281: {  	v39 =	vnsel vm9, $0x7FFFFFFF, v56;
	s31 =	spop (v2sf);
	(v2sf) =	vpush v63, $0xF  }
0x282: {  	(xrf0) =	vmax.scan.msk.u32 $0xffff, v39  }
0x283: {  	v58 =	vperm.xlane v57, v6  }
0x284: {  	s8 =	sadd.s32 s1, s29  }
0x285: {  	s9 =	simm.s32 $0x4370;
	s30 =	simm.s32 $0x1FB0;
	v40 =	vperm.xlane v55, v6;
	v39 =	vadd.s32 s8, v58  }
0x286: {  	s4 =	simm.s32 $0x1F90;
	s16 =	simm.s32 $0x1F60;
	v62 =	vor.u32 s30, v7;
	v41 =	vld [tilespmem:s9+$0x0];
	vm9 =	vgt.s32 v39, $0x63  }
0x287: {  	s6 =	simm.s32 $0x1F80;
	s2 =	simm.s32 $0x1F70;
	(xrf0) =	vadd.scan.msk.s32 $0xffff, v40;
	v43 =	vnsel vm9, $0x7FFFFFFF, v62;
	s7 =	sxor.u32 $0x80000000, s31  }
0x288: {  	s14 =	simm.s32 $0x1FA0;
	s1 =	simm.s32 $0xFFFFFFFF;
	(xrf0) =	vmax.scan.msk.u32 $0xffff, v43;
	v40 =	vperm.xlane v60, v6;
	p1 =	slt.s32 s7, $0xFFFFFFFF;
	v39 =	vperm.xlane v63, v6;
	v42, _, _ =	vpop (xrf0)  }
.LBB2_6:
0x289: {  	s21 =	smov.u32 s1  }
0x28a: {  	s9 =	sadd.s32 $0xFFFFFFF0, s9;
	s1 =	smov.u32 s7;
	s7 =	smov.u32 s16  }
0x28b: {  	v43 =	vperm.xlane v41, v6;
	p2 =	sne.s32 s16, $0x0;
	s22 =	spop (v2sf);
	(v2sf) =	vpush v42, $0xF;
	s1 =	smov.u32 @p1 s21  }
.Ltmp4:
0x28c: {  	s21 =	sadd.s32 $0xFFFFFFF0, s16;
	v41 =	vld [tilespmem:s9+$0x0];
	s8 =	sadd.s32 s8, s22;
	(pc) =	sbr.rel @p2 .LBB2_6-.Ltmp4, $4  }
0x28d: {  	v44 =	vor.u32 s14, v7;
	s14 =	smov.u32 s4;
	s4 =	smov.u32 s6;
	(xrf0) =	vadd.scan.msk.s32 $0xffff, v43;
	v42, _, _ =	vpop (xrf0);
	v43 =	vadd.s32 s8, v40;
	v40 =	vmov v39  }
0x28e: {  	s6 =	smov.u32 s2;
	s2 =	smov.u32 s7;
	v39 =	vperm.xlane v42, v6;
	(v2sf) =	vpush v42, $0xF;
	vm9 =	vgt.s32 v43, $0x63;
	s16 =	spop (v2sf)  }
0x28f: {  	v43 =	vnsel vm9, $0x7FFFFFFF, v44;
	s7 =	sxor.u32 $0x80000000, s16  }
0x290: {  	s16 =	smov.u32 s21;
	(xrf0) =	vmax.scan.msk.u32 $0xffff, v43;
	v42, _, _ =	vpop (xrf0);
	p1 =	sgt.s32 s1, s7  }
0x291: {  	_ =	sdelay $0x1  }
0x292: {  	(v2sf) =	vpush v42, $0xF;
	v48, _, _ =	vpop (xrf0)  }
0x293: {  	(v2sf) =	vpush v48, $0xF;
	_ =	sdelay $0x5  }
0x294: {  	v41 =	vperm.xlane v41, v6;
	_ =	sdelay $0x1  }
0x295: {  	(xrf0) =	vadd.scan.msk.s32 $0xffff, v41  }
0x296: {  	s9 =	spop (v2sf)  }
0x297: {  	s8 =	sadd.s32 s8, s9;
	s30 =	spop (v2sf)  }
0x298: {  	v40 =	vadd.s32 s8, v40;
	s16 =	spop (v2sf)  }
0x299: {  	v49 =	vor.u32 s14, v7;
	vm9 =	vgt.s32 v40, $0x63;
	s8 =	sadd.s32 s8, s16;
	s31 =	spop (v2sf)  }
0x29a: {  	v50 =	vperm.xlane v48, v6;
	v40 =	vnsel vm9, $0x7FFFFFFF, v49;
	v39 =	vadd.s32 s8, v39;
	v51, _, _ =	vpop (xrf0);
	s0 =	spop (v2sf)  }
0x29b: {  	v52 =	vor.u32 s4, v7;
	(xrf0) =	vmax.scan.msk.u32 $0xffff, v40;
	vm9 =	vgt.s32 v39, $0x63;
	v53, _, _ =	vpop (xrf0);
	s4 =	sadd.s32 s8, s0;
	s3 =	spop (v2sf)  }
0x29c: {  	v42 =	vnsel vm9, $0x7FFFFFFF, v52;
	v43 =	vperm.xlane v53, v6;
	v41 =	vadd.s32 s4, v50;
	s5 =	spop (v2sf)  }
0x29d: {  	v54 =	vor.u32 s6, v7;
	(xrf0) =	vmax.scan.msk.u32 $0xffff, v42;
	vm9 =	vgt.s32 v41, $0x63;
	s4 =	sadd.s32 s4, s5  }
0x29e: {  	v41 =	vnsel vm9, $0x7FFFFFFF, v54;
	v55 =	vadd.s32 s4, v43  }
0x29f: {  	v56 =	vor.u32 s2, v7;
	(xrf0) =	vmax.scan.msk.u32 $0xffff, v41;
	vm9 =	vgt.s32 v55, $0x63  }
0x2a0: {  	(v2sf) =	vpush v51, $0xF;
	v40 =	vnsel vm9, $0x7FFFFFFF, v56  }
0x2a1: {  	(v2sf) =	vpush v53, $0xF;
	v57, _, _ =	vpop (xrf0);
	(xrf0) =	vmax.scan.msk.u32 $0xffff, v40  }
0x2a2: {  	(v2sf) =	vpush v57, $0xF  }
0x2a3: {  	v58, _, _ =	vpop (xrf0)  }
0x2a4: {  	(v2sf) =	vpush v58, $0xF  }
0x2a5: {  	v59, _, _ =	vpop (xrf0)  }
0x2a6: {  	(v2sf) =	vpush v59, $0xF  }
0x2a7: {  	v60, _, _ =	vpop (xrf0)  }
0x2a8: {  	(v2sf) =	vpush v60, $0xF;
	_ =	sdelay $0x1  }
0x2a9: {  	s7 =	smov.u32 @p1 s1;
	s1 =	sxor.u32 $0x80000000, s30  }
0x2aa: {  	p1 =	sgt.s32 s7, s1  }
0x2ab: {  	s1 =	smov.u32 @p1 s7;
	s2 =	sxor.u32 $0x80000000, s31  }
0x2ac: {  	p1 =	sgt.s32 s1, s2  }
0x2ad: {  	s2 =	smov.u32 @p1 s1;
	s1 =	sxor.u32 $0x80000000, s3  }
0x2ae: {  	p1 =	sgt.s32 s2, s1;
	s9 =	spop (v2sf)  }
0x2af: {  	s1 =	smov.u32 @p1 s2;
	s2 =	sxor.u32 $0x80000000, s9;
	s14 =	spop (v2sf)  }
0x2b0: {  	p1 =	sgt.s32 s1, s2;
	s4 =	spop (v2sf)  }
0x2b1: {  	s2 =	smov.u32 @p1 s1;
	s4 =	sxor.u32 $0x80000000, s4  }
0x2b2: {  	s1 =	simm.s32 $0x0;
	p1 =	sgt.s32 s2, s4;
	s16 =	spop (v2sf)  }
0x2b3: {  	s22 =	sand.u32 $0xFE00, s1;
	s4 =	smov.u32 @p1 s2;
	s2 =	sxor.u32 $0x80000000, s16  }
0x2b4: {  	s28 =	sand.u32 $0x70, s1;
	p1 =	sgt.s32 s4, s2;
	s21 =	spop (v2sf)  }
0x2b5: {  	s6 =	sshrl.u32 s22, $0x2;
	s2 =	smov.u32 @p1 s4;
	s4 =	sxor.u32 $0x80000000, s21  }
0x2b6: {  	s6 =	sor.u32 s28, s6;
	p1 =	sgt.s32 s2, s4;
	s29 =	spop (v2sf)  }
0x2b7: {  	v61 =	vld [tilespmem:s6+$0x0];
	s4 =	smov.u32 @p1 s2;
	s2 =	sxor.u32 $0x80000000, s29  }
0x2b8: {  	p1 =	sgt.s32 s4, s2  }
0x2b9: {  	s2 =	smov.u32 @p1 s4  }
0x2ba: {  	s2 =	sshll.u32 s2, $0x13  }
0x2bb: {  	v39 =	vmov s2  }
0x2bc: {  	vm9 =	vle.s32 v39, v61  }
0x2bd: {  	v62 =	vmpcnt.ones.xlane vm9;
	_ =	sdelay $0x1  }
0x2be: {  	(v2sf) =	vpush v62, $0x0;
	_ =	sdelay $0x2  }
0x2bf: {  	s30 =	sadd.s32 $0x0, s10  }
0x2c0: {  	v63 =	vor.u32 s30, v0;
	s31 =	simm.s32 $0x40;
	[tilespmem:s1+$0x4480] =	vst.msk vm9, v61  }
0x2c1: {  	s6 =	sand.u32 $0xFE00, s31;
	s4 =	simm.s32 $0x80;
	s2 =	simm.s32 $0x10;
	[tilespmem:s1+$0x4680] =	vst.msk vm9, v63  }
.LBB2_8:
0x2c2: {  	p1 =	sne.s32 s4, $0x8FC0;
	s7 =	sand.u32 $0x70, s2;
	s6 =	sshrl.u32 s6, $0x2  }
0x2c3: {  	s6 =	sor.u32 s7, s6  }
0x2c4: {  	v40 =	vld [tilespmem:s6+$0x0];
	_ =	sdelay $0x4  }
0x2c5: {  	vm9 =	vle.s32 v39, v40  }
0x2c6: {  	v41 =	vmpcnt.ones.xlane vm9  }
0x2c7: {  	s6 =	spop (v2sf)  }
0x2c8: {  	(v2sf) =	vpush v41, $0x0;
	s1 =	sadd.s32 s1, s6  }
.Ltmp5:
0x2c9: {  	p2 =	slt.s32 s1, $0x1F0;
	(pc) =	sbr.rel @p1 .LBB2_8-.Ltmp5, $4  }
0x2ca: {  	s6 =	sadd.s32 s2, s10;
	s1 =	simm.s32 @!p2 $0x1F0  }
0x2cb: {  	[tilespmem:s1+$0x4480] =	vst.msk vm9, v40;
	v40 =	vor.u32 s6, v0  }
0x2cc: {  	[tilespmem:s1+$0x4680] =	vst.msk vm9, v40  }
0x2cd: {  	s2 =	sadd.s32 $0x10, s2;
	s6 =	sand.u32 $0xFE00, s4;
	s4 =	sadd.s32 $0x40, s4  }
0x2ce: {  	s4 =	sand.u32 $0x70, s2;
	s6 =	sshrl.u32 s6, $0x2  }
0x2cf: {  	s4 =	sor.u32 s4, s6  }
0x2d0: {  	v40 =	vld [tilespmem:s4+$0x0];
	_ =	sdelay $0x4  }
0x2d1: {  	vm9 =	vle.s32 v39, v40  }
0x2d2: {  	v39 =	vmpcnt.ones.xlane vm9;
	_ =	sdelay $0x1  }
0x2d3: {  	(v2sf) =	vpush v39, $0x0;
	_ =	sdelay $0xb  }
0x2d4: {  	s29 =	spop (v2sf)  }
0x2d5: {  	s1 =	sadd.s32 s1, s29  }
0x2d6: {  	p1 =	slt.s32 s1, $0x1F0  }
0x2d7: {  	s1 =	simm.s32 @!p1 $0x1F0;
	s30 =	spop (v2sf)  }
0x2d8: {  	s4 =	sadd.s32 s1, s30  }
0x2d9: {  	p1 =	slt.s32 s4, $0x80  }
0x2da: {  	s31 =	sadd.s32 s2, s10;
	s4 =	simm.s32 @!p1 $0x80  }
0x2db: {  	v61 =	vor.u32 s31, v0;
	[tilespmem:s1+$0x4480] =	vst.msk vm9, v40;
	v62 =	vmov s4  }
0x2dc: {  	[tilespmem:s1+$0x4680] =	vst.msk vm9, v61;
	v63 =	vnsel vm0, $0x0, v62  }
0x2dd: {  	[tilespmem:$0x4880] =	vst v63  }
0x2de: {  	[spmem:s11] =	stream.linear.scatter [tilespmem:s23], [sflag:$0x2], $0x80, $0x38;
	[tilespmem:$0x12080] =	vst v63  }
0x2df: {  	_ =	swait.ge [sflag:s18], $0x80  }
0x2e0: {  	[sflag:s18] =	ssyncset.done $0x0  }
0x2e1: {  	[sflag:s18] =	ssyncadd.s32 $0xFFFFFF80  }
0x2e2: {  	[spmem:s17] =	stream.linear.scatter [tilespmem:s24], [sflag:$0x2], $0x80, $0x38;
	[tilespmem:$0x12080] =	vst v63  }
0x2e3: {  	_ =	swait.ge [sflag:s18], $0x80  }
0x2e4: {  	[sflag:s18] =	ssyncset.done $0x0  }
0x2e5: {  	[sflag:s18] =	ssyncadd.s32 $0xFFFFFF80  }
0x2e6: {  	[spmem:s13] =	stream.linear.scatter [tilespmem:s25], [sflag:$0x2], $0x10, $0x38;
	[tilespmem:$0x12080] =	vst v63  }
.Ltmp6:
0x2e7: {  	_ =	swait.ge [sflag:s18], $0x10;
	(pc) =	sbr.rel @p0 .LBB2_25-.Ltmp6, $3  }
0x2e8: {  	[sflag:s18] =	ssyncset.done $0x0  }
0x2e9: {  	[sflag:s18] =	ssyncadd.s32 $0xFFFFFFF0  }
0x2ea: {  	[bflag:$0x0] =	sbarrier.arrive $0xFFFF;
	_ =	sdelay $0x1  }
0x2eb: {  	s1 =	simm.s32 $0x4900;
	s0 =	rddreg [dreg:$0x1]  }
0x2ec: {  	[tilespmem:s1], [sflag:$0x2] =	stream.linear.gather [spmem:s0], $0x800, $0x38;
	[tilespmem:$0x12080] =	vst v63  }
0x2ed: {  	_ =	swait.ge [sflag:s18], $0x800  }
0x2ee: {  	[sflag:s18] =	ssyncset.done $0x0  }
0x2ef: {  	[sflag:s18] =	ssyncadd.s32 $0xFFFFF800  }
0x2f0: {  	s2 =	simm.s32 $0x5100;
	s30 =	rddreg [dreg:$0x2]  }
0x2f1: {  	[tilespmem:s2], [sflag:$0x2] =	stream.linear.gather [spmem:s30], $0x800, $0x38;
	[tilespmem:$0x12080] =	vst v63  }
0x2f2: {  	_ =	swait.ge [sflag:s18], $0x800  }
0x2f3: {  	[sflag:s18] =	ssyncset.done $0x0  }
0x2f4: {  	[sflag:s18] =	ssyncadd.s32 $0xFFFFF800  }
0x2f5: {  	s3 =	simm.s32 $0x5900;
	s31 =	rddreg [dreg:$0x4]  }
0x2f6: {  	[tilespmem:s3], [sflag:$0x2] =	stream.linear.gather [spmem:s31], $0x800, $0x38;
	[tilespmem:$0x12080] =	vst v63  }
0x2f7: {  	_ =	swait.ge [sflag:s18], $0x800  }
0x2f8: {  	s4 =	simm.s32 $0x0;
	[sflag:s18] =	ssyncset.done $0x0  }
0x2f9: {  	s6 =	simm.s32 $0x0;
	s14 =	simm.s32 $0x0;
	[sflag:s18] =	ssyncadd.s32 $0xFFFFF800  }
.LBB2_11:
0x2fa: {  	s7 =	sshll.u32 s14, $0x7  }
0x2fb: {  	v39 =	vld.msk [tilespmem:s7+$0x5900 ss:$0x0], $0xffff;
	_ =	sdelay $0x3  }
0x2fc: {  	v42 =	vor.u32 s4, v0  }
0x2fd: {  	vm9 =	vlt.s32 v42, v39  }
0x2fe: {  	v43 =	vmpcnt.ones.xlane vm9  }
0x2ff: {  	s30 =	simm.s32 $0x10  }
0x300: {  	v62 =	vor.u32 s30, v0;
	(v2sf) =	vpush v43, $0x0  }
0x301: {  	vm10 =	vlt.s32 v62, v39  }
0x302: {  	v42 =	vmpcnt.ones.xlane vm10;
	_ =	sdelay $0x1  }
0x303: {  	(v2sf) =	vpush v42, $0x0  }
0x304: {  	v40 =	vld [tilespmem:s1+$0x0]  }
0x305: {  	v41 =	vld [tilespmem:s2+$0x0];
	_ =	sdelay $0x2  }
0x306: {  	s31 =	simm.s32 $0x20;
	vm11 =	vmmov vm9  }
0x307: {  	v63 =	vor.u32 s31, v0;
	[tilespmem:s6+$0x6100] =	vst.msk vm11, v40  }
0x308: {  	s7 =	sadd.s32 $0x10, s1;
	vm9 =	vlt.s32 v63, v39;
	[tilespmem:s6+$0x6980] =	vst.msk vm11, v41  }
0x309: {  	s9 =	simm.s32 $0x30;
	s16 =	simm.s32 $0x40;
	s8 =	sadd.s32 $0x10, s2;
	vm10 =	vmmov vm10;
	v41 =	vmpcnt.ones.xlane vm9;
	v40 =	vld [tilespmem:s7+$0x0]  }
.LBB2_12:
0x30a: {  	p1 =	sne.s32 s16, $0x70;
	v42 =	vld [tilespmem:s8+$0x0]  }
0x30b: {  	(v2sf) =	vpush v41, $0x0  }
.Ltmp7:
0x30c: {  	s21 =	spop (v2sf);
	(pc) =	sbr.rel @p1 .LBB2_12-.Ltmp7, $4  }
0x30d: {  	s6 =	sadd.s32 s6, s21  }
0x30e: {  	v41 =	vor.u32 s9, v0;
	s9 =	smov.u32 s16;
	[tilespmem:s6+$0x6100] =	vst.msk vm10, v40  }
0x30f: {  	s7 =	sadd.s32 $0x10, s7;
	[tilespmem:s6+$0x6980] =	vst.msk vm10, v42;
	vm10 =	vmmov vm9;
	vm9 =	vlt.s32 v41, v39  }
0x310: {  	s8 =	sadd.s32 $0x10, s8;
	s16 =	sadd.s32 $0x10, s16;
	v41 =	vmpcnt.ones.xlane vm9;
	v40 =	vld [tilespmem:s7+$0x0]  }
0x311: {  	v42 =	vor.u32 s9, v0  }
0x312: {  	v62 =	vld [tilespmem:s8+$0x0];
	vm11 =	vlt.s32 v42, v39  }
0x313: {  	(v2sf) =	vpush v41, $0x0;
	v63 =	vmpcnt.ones.xlane vm11  }
0x314: {  	s24 =	spop (v2sf)  }
0x315: {  	s6 =	sadd.s32 s6, s24;
	(v2sf) =	vpush v63, $0x0  }
0x316: {  	[tilespmem:s6+$0x6100] =	vst.msk vm10, v40  }
0x317: {  	s7 =	sadd.s32 $0x10, s7;
	[tilespmem:s6+$0x6980] =	vst.msk vm10, v62  }
0x318: {  	s25 =	sadd.s32 $0x10, s8;
	v39 =	vld [tilespmem:s7+$0x0]  }
0x319: {  	v40 =	vld [tilespmem:s25+$0x0];
	_ =	sdelay $0x1  }
0x31a: {  	s28 =	spop (v2sf)  }
0x31b: {  	vm9 =	vmmov vm9;
	s6 =	sadd.s32 s6, s28  }
0x31c: {  	[tilespmem:s6+$0x6100] =	vst.msk vm9, v39  }
0x31d: {  	s7 =	sadd.s32 $0x10, s7;
	[tilespmem:s6+$0x6980] =	vst.msk vm9, v40  }
0x31e: {  	s14 =	sadd.s32 $0x1, s14;
	s29 =	sadd.s32 $0x10, s25;
	v39 =	vld [tilespmem:s7+$0x0]  }
0x31f: {  	p1 =	sne.s32 s14, $0x10;
	v40 =	vld [tilespmem:s29+$0x0]  }
.Ltmp8:
0x320: {  	_ = 	snop;
	(pc) =	sbr.rel @p1 .LBB2_11-.Ltmp8, $4  }
0x321: {  	s30 =	spop (v2sf)  }
0x322: {  	vm9 =	vmmov vm11;
	s6 =	sadd.s32 s6, s30  }
0x323: {  	[tilespmem:s6+$0x6100] =	vst.msk vm9, v39;
	s31 =	spop (v2sf)  }
0x324: {  	s1 =	sadd.s32 $0x80, s1;
	s2 =	sadd.s32 $0x80, s2;
	[tilespmem:s6+$0x6980] =	vst.msk vm9, v40;
	s6 =	sadd.s32 s6, s31  }
0x325: {  	[tilespmem:s6+$0x6100] =	vst v8;
	s1 =	sadd.s32 $0xF, s6  }
0x326: {  	[tilespmem:$0x7200] =	vst v4;
	s2 =	sand.u32 $0xF, s1  }
0x327: {  	[tilespmem:$0x7210] =	vst v4;
	s31 =	sshra.s32 s1, $0x1F;
	p2 =	slt.s32 s1, $0x1;
	p1 =	sne.s32 s2, $0x0  }
.Ltmp9:
0x328: {  	[tilespmem:$0x7220] =	vst v4;
	s2 =	sshrl.u32 s31, $0x1C;
	p1 =	por !p2, !p1;
	(pc) =	sbr.rel .LBB2_15-.Ltmp9, $4  }
0x329: {  	[tilespmem:$0x7230] =	vst v4;
	s1 =	sadd.s32 s2, s1;
	s2 =	simm.s32 $0x1;
	p1 =	por !p1, !p1  }
0x32a: {  	[tilespmem:$0x7240] =	vst v4;
	s1 =	sshra.s32 s1, $0x4;
	s2 =	simm.s32 @!p1 $0x0  }
0x32b: {  	[tilespmem:$0x7250] =	vst v4;
	s1 =	ssub.s32 s1, s2  }
0x32c: {  	[dreg:$0x6] =	wrdreg s15;
	[tilespmem:$0x7260] =	vst v4;
	s2 =	simm.s32 $0x0;
	p1 =	slt.s32 s1, $0x1  }
.LBB2_22:
0x32d: {  	vm9 =	veq.f32 v41, v39;
	vm10 =	veq.s32 v42, v40  }
0x32e: {  	vm9 =	vmand vm9, vm10  }
0x32f: {  	v63 =	vsel vm9, $0xBF800000, v41  }
0x330: {  	[tilespmem:s6+$0x0] =	vst v63  }
.LBB2_23:
0x331: {  	v39 =	vmov s2;
	s2 =	sadd.s32 $0x1, s2  }
0x332: {  	p2 =	sne.s32 s2, $0x64  }
.Ltmp10:
0x333: {  	_ = 	snop;
	(pc) =	sbr.rel @!p2 .LBB2_24-.Ltmp10, $2  }
0x334: {  	_ =	sdelay $0x2  }
0x335: {  	[tilespmem:v39+s26+$0x0] =	vst.idx.msk $0x1, v40  }
.LBB2_15:
.Ltmp11:
0x336: {  	(pc) =	sbr.rel @p1 .LBB2_23-.Ltmp11, $2  }
0x337: {  	_ =	sdelay $0x2  }
0x338: {  	v40 =	vmov v3  }
0x339: {  	p2 =	sne.s32 s1, $0x1  }
.Ltmp12:
0x33a: {  	_ = 	snop;
	(pc) =	sbr.rel @!p2 .LBB2_18-.Ltmp12, $3  }
0x33b: {  	_ =	sdelay $0x1  }
0x33c: {  	s4 =	simm.s32 $0x6100  }
0x33d: {  	v39 =	vimm.f32 $-2.000000000e+00;
	s6 =	sadd.s32 $0xFFFFFFFF, s1;
	s7 =	simm.s32 $0x6100;
	v40 =	vld [tilespmem:s4+$0x0]  }
.LBB2_17:
0x33e: {  	p3 =	sne.s32 s6, $0x1  }
.Ltmp13:
0x33f: {  	_ = 	snop;
	(pc) =	sbr.rel @p3 .LBB2_17-.Ltmp13, $3  }
0x340: {  	_ =	sdelay $0x1  }
0x341: {  	s6 =	sadd.s32 $0xFFFFFFFF, s6;
	s7 =	sadd.s32 $0x10, s7;
	v39 =	vmax.f32 v39, v40  }
0x342: {  	v40 =	vld [tilespmem:s7+$0x0]  }
.LBB2_18:
0x343: {  	_ =	sdelay $0x3  }
0x344: {  	v39 =	vmax.f32 v39, v40  }
0x345: {  	(xrf0) =	vmax.scan.msk.f32 $0xffff, v39;
	_ =	sdelay $0x3  }
0x346: {  	v42 =	vld [tilespmem:s4+$0x0];
	s4 =	simm.s32 $0x6980  }
.Ltmp14:
0x347: {  	v41 =	vld [tilespmem:s4+$0x0];
	(pc) =	sbr.rel @!p2 .LBB2_20-.Ltmp14, $3  }
0x348: {  	v39, _, _ =	vpop (xrf0)  }
0x349: {  	v39 =	vbroadcast v39, $0xF;
	_ =	sdelay $0x1  }
0x34a: {  	s6 =	sadd.s32 $0xFFFFFFFF, s1;
	s7 =	simm.s32 $0x6110;
	s8 =	simm.s32 $0x6980;
	v40 =	vimm.s32 $0x40000000;
	vm9 =	veq.f32 v42, v39  }
.LBB2_19:
0x34b: {  	v42 =	vld [tilespmem:s7+$0x0];
	p3 =	sne.s32 s6, $0x1;
	s6 =	sadd.s32 $0xFFFFFFFF, s6;
	v43 =	vnsel vm9, $0x40000000, v41;
	s8 =	sadd.s32 $0x10, s8  }
.Ltmp15:
0x34c: {  	v41 =	vld [tilespmem:s8+$0x0];
	vm9 =	vlt.s32 v40, v43;
	(pc) =	sbr.rel @p3 .LBB2_19-.Ltmp15, $2  }
0x34d: {  	v40 =	vsel vm9, v40, v43;
	_ =	sdelay $0x2  }
0x34e: {  	s7 =	sadd.s32 $0x10, s7;
	vm9 =	veq.f32 v42, v39  }
.LBB2_20:
0x34f: {  	v41 =	vnsel vm9, $0x40000000, v41  }
0x350: {  	vm9 =	vlt.s32 v40, v41  }
0x351: {  	v40 =	vsel vm9, v40, v41  }
0x352: {  	v40 =	vxor.u32 $0x80000000, v40  }
0x353: {  	(xrf0) =	vmin.scan.msk.u32 $0xffff, v40;
	_ =	sdelay $0x5  }
0x354: {  	v40, _, _ =	vpop (xrf0)  }
0x355: {  	(v2sf) =	vpush v40, $0xF;
	_ =	sdelay $0xb  }
0x356: {  	s6 =	simm.s32 $0x6100;
	v42 =	vld [tilespmem:s4+$0x0]  }
.Ltmp16:
0x357: {  	v41 =	vld [tilespmem:s6+$0x0];
	(pc) =	sbr.rel @!p2 .LBB2_22-.Ltmp16, $4  }
0x358: {  	_ = 	snop  }
0x359: {  	s7 =	spop (v2sf)  }
0x35a: {  	s7 =	sxor.u32 $0x80000000, s7  }
0x35b: {  	v40 =	vmov s7;
	s7 =	sadd.s32 $0xFFFFFFFF, s1  }
.LBB2_21:
0x35c: {  	p2 =	sne.s32 s7, $0x1;
	_ =	sdelay $0x3  }
0x35d: {  	vm9 =	veq.f32 v41, v39;
	vm10 =	veq.s32 v42, v40  }
.Ltmp17:
0x35e: {  	vm9 =	vmand vm9, vm10;
	(pc) =	sbr.rel @p2 .LBB2_21-.Ltmp17, $4  }
0x35f: {  	v41 =	vsel vm9, $0xBF800000, v41  }
0x360: {  	[tilespmem:s6+$0x0] =	vst v41;
	s6 =	sadd.s32 $0x10, s6  }
0x361: {  	s4 =	sadd.s32 $0x10, s4;
	v41 =	vld [tilespmem:s6+$0x0]  }
0x362: {  	s7 =	sadd.s32 $0xFFFFFFFF, s7;
	v42 =	vld [tilespmem:s4+$0x0]  }
.Ltmp18:
0x363: {  	_ = 	snop;
	(pc) =	sbr.rel .LBB2_22-.Ltmp18, $1  }
0x364: {  	_ =	sdelay $0x3  }
.LBB2_24:
0x365: {  	v39 =	vld [tilespmem:$0x7200]  }
0x366: {  	v40 =	vld [tilespmem:$0x7210]  }
0x367: {  	v41 =	vld [tilespmem:$0x7220]  }
0x368: {  	v42 =	vld [tilespmem:$0x7230]  }
0x369: {  	v43 =	vld [tilespmem:$0x7240]  }
0x36a: {  	v44 =	vld [tilespmem:$0x7250];
	v39 =	vshrl.u32 v39, $0x7  }
0x36b: {  	v45 =	vld [tilespmem:$0x7260];
	v40 =	vshrl.u32 v40, $0x7;
	v39 =	vmin.u32 v39, $0x47F  }
0x36c: {  	v41 =	vshrl.u32 v41, $0x7;
	v40 =	vmin.u32 v40, $0x47F;
	v39 =	vadd.s32 v1, v39  }
0x36d: {  	v58 =	vshrl.u32 v42, $0x7;
	v57 =	vmin.u32 v41, $0x47F;
	v56 =	vadd.s32 v1, v40;
	[tilespmem:$0x7280] =	vst v39  }
0x36e: {  	v61 =	vshrl.u32 v43, $0x7;
	v60 =	vmin.u32 v58, $0x47F;
	v59 =	vadd.s32 v1, v57;
	[tilespmem:$0x7290] =	vst v56  }
0x36f: {  	v46 =	vshrl.u32 v44, $0x7;
	v63 =	vmin.u32 v61, $0x47F;
	v62 =	vadd.s32 v1, v60;
	[tilespmem:$0x72A0] =	vst v59  }
0x370: {  	v49 =	vshrl.u32 v45, $0x7;
	v48 =	vmin.u32 v46, $0x47F;
	v47 =	vadd.s32 v1, v63;
	[tilespmem:$0x72B0] =	vst v62  }
0x371: {  	v51 =	vmin.u32 v49, $0x47F;
	v50 =	vadd.s32 v1, v48;
	[tilespmem:$0x72C0] =	vst v47  }
0x372: {  	s0 =	rddreg [dreg:$0x7];
	s2 =	simm.s32 $0x70;
	v52 =	vadd.s32 v1, v51;
	[tilespmem:$0x72D0] =	vst v50  }
0x373: {  	s3 =	simm.s32 $0x7280;
	s1 =	simm.s32 $0x7300;
	s21 =	simm.s32 $0x1;
	[tilespmem:$0x72E0] =	vst v52  }
0x374: {  	[tilespmem:s1], [sflag:$0x1] =	stream.indirect.gather [hbm4b:s0+s2], $0x80, s3, s2, $0xb8;
	[tilespmem:$0x12080] =	vst v63  }
0x375: {  	_ =	swait.ge [sflag:s21], $0x3800  }
0x376: {  	[sflag:s21] =	ssyncset.done $0x0  }
0x377: {  	s4 =	simm.s32 $0xAB00;
	s22 =	rddreg [dreg:$0x8];
	[sflag:s21] =	ssyncadd.s32 $0xFFFFC800  }
0x378: {  	[tilespmem:s4], [sflag:$0x1] =	stream.indirect.gather [hbm4b:s22+s2], $0x80, s3, s2, $0xb8;
	[tilespmem:$0x12080] =	vst v63  }
0x379: {  	_ =	swait.ge [sflag:s21], $0x3800  }
0x37a: {  	[sflag:s21] =	ssyncset.done $0x0  }
0x37b: {  	s24 =	simm.s32 $0xE300;
	s23 =	rddreg [dreg:$0x9];
	[sflag:s21] =	ssyncadd.s32 $0xFFFFC800  }
0x37c: {  	[tilespmem:s24], [sflag:$0x1] =	stream.indirect.gather [hbm4b:s23+s2], $0x80, s3, s2, $0xb8;
	[tilespmem:$0x12080] =	vst v63  }
0x37d: {  	_ =	swait.ge [sflag:s21], $0x3800  }
0x37e: {  	[sflag:s21] =	ssyncset.done $0x0  }
0x37f: {  	[sflag:s21] =	ssyncadd.s32 $0xFFFFC800  }
0x380: {  	v53 =	vld [tilespmem:$0x7200];
	_ =	sdelay $0x4  }
0x381: {  	(v2sf) =	vpush v53, $0xD;
	_ =	sdelay $0x1  }
0x382: {  	(v2sf) =	vpush v53, $0xC;
	_ =	sdelay $0x1  }
0x383: {  	(v2sf) =	vpush v53, $0xE;
	_ =	sdelay $0x1  }
0x384: {  	(v2sf) =	vpush v53, $0xF;
	_ =	sdelay $0x1  }
0x385: {  	(v2sf) =	vpush v53, $0x9;
	_ =	sdelay $0x1  }
0x386: {  	(v2sf) =	vpush v53, $0x8;
	_ =	sdelay $0x1  }
0x387: {  	(v2sf) =	vpush v53, $0xA;
	_ =	sdelay $0x1  }
0x388: {  	(v2sf) =	vpush v53, $0xB  }
0x389: {  	s25 =	spop (v2sf)  }
0x38a: {  	(v2sf) =	vpush v53, $0x0;
	s26 =	smulhi.u32 $0x2AAAAAAB, s25;
	s1 =	sshra.s32 s25, $0x1F  }
0x38b: {  	s28 =	spop (v2sf);
	(v2sf) =	vpush v53, $0x1;
	s1 =	smul.u32 $0x2AAAAAAB, s1  }
0x38c: {  	s6 =	smulhi.u32 $0x2AAAAAAB, s28;
	s4 =	sshra.s32 s28, $0x1F;
	(v2sf) =	vpush v53, $0x2  }
0x38d: {  	s7 =	spop (v2sf);
	s4 =	smul.u32 $0x2AAAAAAB, s4;
	(v2sf) =	vpush v53, $0x3  }
0x38e: {  	s8 =	smulhi.u32 $0x2AAAAAAB, s7;
	s7 =	sshra.s32 s7, $0x1F;
	(v2sf) =	vpush v53, $0x4  }
0x38f: {  	s9 =	spop (v2sf);
	s7 =	smul.u32 $0x2AAAAAAB, s7;
	(v2sf) =	vpush v53, $0x5  }
0x390: {  	s16 =	smulhi.u32 $0x2AAAAAAB, s9;
	s29 =	sshra.s32 s9, $0x1F;
	(v2sf) =	vpush v53, $0x6  }
0x391: {  	s1 =	sadd.s32 s1, s26;
	s30 =	spop (v2sf);
	s9 =	smul.u32 $0x2AAAAAAB, s29;
	(v2sf) =	vpush v53, $0x7  }
0x392: {  	s22 =	sshrl.u32 s1, $0x1F;
	s31 =	smulhi.u32 $0x2AAAAAAB, s30;
	s2 =	sshra.s32 s30, $0x1F  }
0x393: {  	s14 =	sadd.s32 s4, s6;
	s0 =	spop (v2sf);
	s21 =	smul.u32 $0x2AAAAAAB, s2  }
0x394: {  	s15 =	sshrl.u32 s14, $0x1F;
	s3 =	smulhi.u32 $0x2AAAAAAB, s0;
	s4 =	sshra.s32 s0, $0x1F  }
0x395: {  	s2 =	sadd.s32 s7, s8;
	s23 =	spop (v2sf);
	s5 =	smul.u32 $0x2AAAAAAB, s4  }
0x396: {  	s24 =	sshrl.u32 s2, $0x1F;
	s17 =	smulhi.u32 $0x2AAAAAAB, s23;
	s12 =	sshra.s32 s23, $0x1F  }
0x397: {  	s4 =	sadd.s32 s9, s16;
	s13 =	spop (v2sf);
	s28 =	smul.u32 $0x2AAAAAAB, s12  }
0x398: {  	s9 =	sshrl.u32 s4, $0x1F;
	s6 =	smulhi.u32 $0x2AAAAAAB, s13;
	s20 =	sshra.s32 s13, $0x1F  }
0x399: {  	s16 =	sadd.s32 s21, s31;
	s29 =	smul.u32 $0x2AAAAAAB, s20;
	s25 =	spop (v2sf)  }
0x39a: {  	s11 =	smulhi.u32 $0x2AAAAAAB, s25;
	s21 =	sshra.s32 s25, $0x1F;
	s12 =	spop (v2sf)  }
0x39b: {  	s8 =	sadd.s32 s5, s3;
	s26 =	smul.u32 $0x2AAAAAAB, s21;
	s20 =	spop (v2sf)  }
0x39c: {  	s13 =	smulhi.u32 $0x2AAAAAAB, s12;
	s12 =	sshra.s32 s12, $0x1F;
	s3 =	spop (v2sf)  }
0x39d: {  	s23 =	sshrl.u32 s16, $0x1F;
	s12 =	smul.u32 $0x2AAAAAAB, s12;
	s31 =	spop (v2sf)  }
0x39e: {  	s0 =	smulhi.u32 $0x2AAAAAAB, s20;
	s20 =	sshra.s32 s20, $0x1F;
	s5 =	spop (v2sf)  }
0x39f: {  	s21 =	sadd.s32 s28, s17;
	s17 =	smul.u32 $0x2AAAAAAB, s20;
	s20 =	spop (v2sf)  }
0x3a0: {  	s6 =	sadd.s32 s29, s6;
	s28 =	smulhi.u32 $0x2AAAAAAB, s3;
	s25 =	spop (v2sf)  }
0x3a1: {  	s11 =	sadd.s32 s26, s11;
	s26 =	smulhi.u32 $0x2AAAAAAB, s25;
	s29 =	sshra.s32 s25, $0x1F  }
0x3a2: {  	s30 =	sshrl.u32 s8, $0x1F;
	s3 =	sshra.s32 s3, $0x1F;
	s25 =	smul.u32 $0x2AAAAAAB, s29  }
0x3a3: {  	vm11 =	vcmask $0x704;
	vm12 =	vcmask $0xF0C;
	s8 =	sshra.s32 s8, $0x6;
	s12 =	sadd.s32 s12, s13;
	s3 =	smul.u32 $0x2AAAAAAB, s3  }
0x3a4: {  	vm13 =	vcmask $0x1714;
	vm5 =	vcmask $0x2320;
	vm6 =	vcmask $0x2B28;
	s13 =	sshrl.u32 s11, $0x1F;
	s0 =	sadd.s32 s17, s0;
	s7 =	sadd.s32 s25, s26  }
0x3a5: {  	vm14 =	vcmask $0x1F1C;
	v55 =	vmov s15;
	s17 =	sshrl.u32 s6, $0x1F;
	v56 =	vmov s13;
	s13 =	smulhi.u32 $0x2AAAAAAB, s5;
	s25 =	sshra.s32 s7, $0x1F  }
0x3a6: {  	vm7 =	vcmask $0x3330;
	v41 =	vsel vm8, s22, v55;
	s3 =	sadd.s32 s3, s28;
	s28 =	smulhi.u32 $0x2AAAAAAB, s31;
	s26 =	sshra.s32 s11, $0x6;
	v54 =	vmov s25  }
0x3a7: {  	vm15 =	vcmask $0x2724;
	v41 =	vsel vm2, s24, v41;
	s5 =	sshra.s32 s5, $0x1F;
	s24 =	smulhi.u32 $0x2AAAAAAB, s20;
	s11 =	sshra.s32 s11, $0x1F;
	v40 =	vsel vm0, s26, v54  }
0x3a8: {  	v41 =	vsel vm3, s9, v41;
	v57 =	vmov s30;
	s29 =	sshrl.u32 s21, $0x1F;
	s25 =	sshra.s32 s31, $0x1F;
	s26 =	sshra.s32 s12, $0x6;
	v40 =	vsel vm11, s11, v40  }
0x3a9: {  	v59 =	vmov s8;
	v42 =	vnsel vm0, $0x0, v56;
	s31 =	sshrl.u32 s12, $0x1F;
	s15 =	smul.u32 $0x2AAAAAAB, s25;
	s12 =	sshra.s32 s12, $0x1F;
	v40 =	vsel vm8, s26, v40  }
0x3aa: {  	v43 =	vsel vm8, s23, v57;
	s25 =	sshrl.u32 s0, $0x1F;
	v42 =	vsel vm8, s31, v42;
	s31 =	sshra.s32 s0, $0x6;
	s26 =	sshra.s32 s20, $0x1F;
	v40 =	vsel vm12, s12, v40  }
0x3ab: {  	s22 =	sshrl.u32 s3, $0x1F;
	v43 =	vsel vm2, s29, v43;
	s0 =	sshra.s32 s0, $0x1F;
	v42 =	vsel vm2, s25, v42;
	s12 =	smul.u32 $0x2AAAAAAB, s26;
	v40 =	vsel vm2, s31, v40  }
0x3ac: {  	s30 =	sshra.s32 s16, $0x6;
	s5 =	smul.u32 $0x2AAAAAAB, s5;
	v43 =	vsel vm3, s17, v43;
	v42 =	vsel vm3, s22, v42;
	s22 =	sshra.s32 s3, $0x6;
	v40 =	vsel vm13, s0, v40  }
0x3ad: {  	v44 =	vsel vm8, s30, v59;
	v41 =	vcombine.low v43, v41;
	s15 =	sadd.s32 s15, s28;
	s9 =	sadd.s32 s12, s24;
	s24 =	sshra.s32 s3, $0x1F;
	v40 =	vsel vm3, s22, v40  }
0x3ae: {  	s1 =	sshra.s32 s1, $0x6;
	vm0 =	vcmask $0x3B38;
	vm11 =	vcmask $0x2F2C;
	s28 =	sshra.s32 s14, $0x6;
	s26 =	sshra.s32 s15, $0x6;
	v40 =	vsel vm14, s24, v40  }
0x3af: {  	s5 =	sadd.s32 s5, s13;
	s20 =	sshrl.u32 s15, $0x1F;
	s29 =	sshra.s32 s15, $0x1F;
	v58 =	vmov s28;
	vm12 =	vcmask $0x3734;
	v40 =	vsel vm5, s26, v40  }
0x3b0: {  	s2 =	sshra.s32 s2, $0x6;
	s23 =	sshrl.u32 s5, $0x1F;
	v42 =	vsel vm5, s20, v42;
	s31 =	sshra.s32 s5, $0x6;
	v43 =	vsel vm8, s1, v58;
	v40 =	vsel vm15, s29, v40  }
0x3b1: {  	s8 =	sshra.s32 s5, $0x1F;
	s11 =	sshra.s32 s4, $0x6;
	v42 =	vsel vm6, s23, v42;
	s3 =	sshra.s32 s21, $0x6;
	v43 =	vsel vm2, s2, v43;
	v40 =	vsel vm6, s31, v40  }
0x3b2: {  	v61 =	vld [tilespmem:$0x1FFF0];
	s12 =	sshra.s32 s6, $0x6;
	s25 =	sshrl.u32 s9, $0x1F;
	v44 =	vsel vm2, s3, v44;
	s13 =	sshra.s32 s9, $0x6;
	v43 =	vsel vm3, s11, v43;
	v40 =	vsel vm11, s8, v40  }
0x3b3: {  	s14 =	sshrl.u32 s7, $0x1F;
	s15 =	sshra.s32 s9, $0x1F;
	v42 =	vsel vm7, s25, v42;
	v44 =	vsel vm3, s12, v44;
	v40 =	vsel vm7, s13, v40  }
0x3b4: {  	s16 =	sshra.s32 s7, $0x6;
	v42 =	vsel vm0, s14, v42;
	v43 =	vcombine.low v44, v43;
	v40 =	vsel vm12, s15, v40  }
0x3b5: {  	v41 =	vperm.xlane v41, v10;
	v42 =	vperm.xlane v42, v11;
	v40 =	vsel vm0, s16, v40  }
0x3b6: {  	v43 =	vperm.xlane v43, v10;
	v40 =	vperm.xlane v40, v11  }
0x3b7: {  	vm1 =	vnez.u8 v61  }
0x3b8: {  	v60 =	vand.u32 $0x7F, v53;
	v41 =	vsel vm1, v42, v41;
	v40 =	vsel vm1, v40, v43  }
0x3b9: {  	v62 =	vor.u32 v9, v60;
	v40 =	vadd.s32 v41, v40  }
0x3ba: {  	v41 =	vmul.u32 $0xFFFFFE80, v40;
	_ =	sdelay $0x1  }
0x3bb: {  	v41 =	vadd.s32 v53, v41  }
0x3bc: {  	vm9 =	vlt.s32 v53, $0x1;
	s17 =	simm.s32 $0x7300;
	vm10 =	vne.s32 v41, $0x0  }
0x3bd: {  	s18 =	simm.s32 $0xAB00;
	v63 =	vld.idx.msk [tilespmem:v62+s17+$0x0], $0xffff;
	vm9 =	vmand vm9, vm10  }
0x3be: {  	v48 =	vld.idx.msk [tilespmem:v62+s18+$0x0], $0xffff;
	v49 =	vsel vm9, $0xFFFFFFFF, v4  }
0x3bf: {  	v50 =	vadd.s32 $0x180, v41;
	vm9 =	vlt.s32 v41, $0x0;
	v40 =	vadd.s32 v49, v40  }
0x3c0: {  	s20 =	simm.s32 $0xE300;
	v41 =	vsel vm9, v50, v41;
	v40 =	vcvt.s32.f32 v40  }
0x3c1: {  	v42 =	vld.idx.msk [tilespmem:v62+s20+$0x0], $0xffff;
	v41 =	vcvt.s32.f32 v41  }
0x3c2: {  	v39 =	vadd.f32 v40, v63  }
0x3c3: {  	s18 =	simm.s32 $0x11B00;
	v51 =	vadd.f32 v41, v48  }
0x3c4: {  	[tilespmem:v12+s18+$0x0] =	vst.idx.msk $0xffff, v39  }
0x3c5: {  	[tilespmem:v13+s18+$0x0] =	vst.idx.msk $0xffff, v51  }
0x3c6: {  	[tilespmem:v14+s18+$0x0] =	vst.idx.msk $0xffff, v42  }
0x3c7: {  	v39 =	vld [tilespmem:$0x7210];
	_ =	sdelay $0x4  }
0x3c8: {  	(v2sf) =	vpush v39, $0xD;
	_ =	sdelay $0x1  }
0x3c9: {  	(v2sf) =	vpush v39, $0xC;
	_ =	sdelay $0x1  }
0x3ca: {  	(v2sf) =	vpush v39, $0xE;
	_ =	sdelay $0x1  }
0x3cb: {  	(v2sf) =	vpush v39, $0xF;
	_ =	sdelay $0x1  }
0x3cc: {  	(v2sf) =	vpush v39, $0x9;
	_ =	sdelay $0x1  }
0x3cd: {  	(v2sf) =	vpush v39, $0x8;
	_ =	sdelay $0x1  }
0x3ce: {  	(v2sf) =	vpush v39, $0xA;
	_ =	sdelay $0x1  }
0x3cf: {  	(v2sf) =	vpush v39, $0xB  }
0x3d0: {  	s21 =	spop (v2sf)  }
0x3d1: {  	(v2sf) =	vpush v39, $0x0;
	s22 =	smulhi.u32 $0x2AAAAAAB, s21;
	s0 =	sshra.s32 s21, $0x1F  }
0x3d2: {  	(v2sf) =	vpush v39, $0x1;
	s23 =	spop (v2sf);
	s0 =	smul.u32 $0x2AAAAAAB, s0  }
0x3d3: {  	(v2sf) =	vpush v39, $0x2;
	s24 =	smulhi.u32 $0x2AAAAAAB, s23;
	s2 =	sshra.s32 s23, $0x1F  }
0x3d4: {  	s25 =	spop (v2sf);
	(v2sf) =	vpush v39, $0x3;
	s2 =	smul.u32 $0x2AAAAAAB, s2  }
0x3d5: {  	s26 =	smulhi.u32 $0x2AAAAAAB, s25;
	s4 =	sshra.s32 s25, $0x1F;
	(v2sf) =	vpush v39, $0x4  }
0x3d6: {  	s28 =	spop (v2sf);
	s4 =	smul.u32 $0x2AAAAAAB, s4;
	(v2sf) =	vpush v39, $0x5  }
0x3d7: {  	s29 =	smulhi.u32 $0x2AAAAAAB, s28;
	s6 =	sshra.s32 s28, $0x1F;
	(v2sf) =	vpush v39, $0x6  }
0x3d8: {  	s1 =	sadd.s32 s0, s22;
	s30 =	spop (v2sf);
	s6 =	smul.u32 $0x2AAAAAAB, s6;
	(v2sf) =	vpush v39, $0x7  }
0x3d9: {  	s22 =	sshrl.u32 s1, $0x1F;
	s14 =	sadd.s32 s2, s24;
	s31 =	smulhi.u32 $0x2AAAAAAB, s30  }
0x3da: {  	s12 =	sshra.s32 s30, $0x1F;
	s13 =	spop (v2sf);
	s1 =	sshra.s32 s1, $0x6  }
0x3db: {  	s11 =	sshrl.u32 s14, $0x1F;
	s7 =	smul.u32 $0x2AAAAAAB, s12;
	s2 =	sadd.s32 s4, s26  }
0x3dc: {  	s15 =	smulhi.u32 $0x2AAAAAAB, s13;
	s17 =	sshra.s32 s13, $0x1F;
	s20 =	spop (v2sf)  }
0x3dd: {  	s9 =	sshrl.u32 s2, $0x1F;
	s8 =	smul.u32 $0x2AAAAAAB, s17;
	s4 =	sadd.s32 s6, s29  }
0x3de: {  	s21 =	smulhi.u32 $0x2AAAAAAB, s20;
	s25 =	sshra.s32 s20, $0x1F;
	s26 =	spop (v2sf)  }
0x3df: {  	s24 =	sshrl.u32 s4, $0x1F;
	s6 =	smul.u32 $0x2AAAAAAB, s25;
	s16 =	sadd.s32 s7, s31  }
0x3e0: {  	s3 =	smulhi.u32 $0x2AAAAAAB, s26;
	s28 =	sshra.s32 s26, $0x1F;
	s29 =	spop (v2sf)  }
0x3e1: {  	s23 =	sshrl.u32 s16, $0x1F;
	s7 =	smul.u32 $0x2AAAAAAB, s28;
	s30 =	spop (v2sf)  }
0x3e2: {  	s13 =	smulhi.u32 $0x2AAAAAAB, s29;
	s12 =	sshra.s32 s29, $0x1F;
	s29 =	spop (v2sf)  }
0x3e3: {  	s8 =	sadd.s32 s8, s15;
	s31 =	smul.u32 $0x2AAAAAAB, s12;
	s20 =	spop (v2sf)  }
0x3e4: {  	s17 =	smulhi.u32 $0x2AAAAAAB, s30;
	s15 =	sshra.s32 s30, $0x1F;
	s26 =	spop (v2sf)  }
0x3e5: {  	s28 =	smulhi.u32 $0x2AAAAAAB, s29;
	s12 =	sshra.s32 s29, $0x1F;
	s29 =	spop (v2sf)  }
0x3e6: {  	s21 =	sadd.s32 s6, s21;
	s0 =	smul.u32 $0x2AAAAAAB, s12;
	s12 =	spop (v2sf)  }
0x3e7: {  	s15 =	smul.u32 $0x2AAAAAAB, s15;
	s6 =	sadd.s32 s7, s3;
	s30 =	spop (v2sf)  }
0x3e8: {  	s5 =	sadd.s32 s31, s13;
	s31 =	smulhi.u32 $0x2AAAAAAB, s30;
	s7 =	sshra.s32 s30, $0x1F  }
0x3e9: {  	s25 =	sshrl.u32 s8, $0x1F;
	s15 =	sadd.s32 s15, s17;
	s7 =	smul.u32 $0x2AAAAAAB, s7  }
0x3ea: {  	s13 =	sshrl.u32 s5, $0x1F;
	s3 =	smulhi.u32 $0x2AAAAAAB, s20;
	s0 =	sadd.s32 s0, s28  }
0x3eb: {  	v53 =	vmov s11;
	v54 =	vmov s13;
	s13 =	smulhi.u32 $0x2AAAAAAB, s29;
	s29 =	sshra.s32 s29, $0x1F;
	s7 =	sadd.s32 s7, s31  }
0x3ec: {  	v41 =	vsel vm8, s22, v53;
	s28 =	sshrl.u32 s6, $0x1F;
	s22 =	smul.u32 $0x2AAAAAAB, s29;
	s31 =	sshra.s32 s7, $0x1F  }
0x3ed: {  	vm9 =	vcmask $0x300;
	s29 =	sshra.s32 s15, $0x1F;
	s30 =	sshra.s32 s20, $0x1F;
	v52 =	vmov s31;
	s31 =	sshra.s32 s5, $0x6  }
0x3ee: {  	vm0 =	vcmask $0x704;
	v55 =	vmov s25;
	s20 =	sshrl.u32 s21, $0x1F;
	s17 =	smul.u32 $0x2AAAAAAB, s30;
	s5 =	sshra.s32 s5, $0x1F;
	v40 =	vsel vm9, s31, v52  }
0x3ef: {  	vm4 =	vcmask $0xF0C;
	v43 =	vsel vm8, s23, v55;
	s30 =	sshrl.u32 s15, $0x1F;
	s13 =	sadd.s32 s22, s13;
	s31 =	sshra.s32 s15, $0x6;
	v40 =	vsel vm0, s5, v40  }
0x3f0: {  	v41 =	vsel vm2, s9, v41;
	v43 =	vsel vm2, s20, v43;
	s3 =	sadd.s32 s17, s3;
	s17 =	smulhi.u32 $0x2AAAAAAB, s26;
	s26 =	sshra.s32 s26, $0x1F;
	v40 =	vsel vm8, s31, v40  }
0x3f1: {  	v43 =	vsel vm3, s28, v43;
	s28 =	sshra.s32 s8, $0x6;
	s11 =	smul.u32 $0x2AAAAAAB, s26;
	vm9 =	vcmask $0x300;
	s31 =	sshra.s32 s0, $0x6;
	v40 =	vsel vm4, s29, v40  }
0x3f2: {  	v41 =	vsel vm3, s24, v41;
	s26 =	sshrl.u32 s0, $0x1F;
	s9 =	sshrl.u32 s3, $0x1F;
	v42 =	vnsel vm9, $0x0, v54;
	s0 =	sshra.s32 s0, $0x1F;
	v40 =	vsel vm2, s31, v40  }
0x3f3: {  	v41 =	vcombine.low v43, v41;
	s23 =	sshra.s32 s3, $0x1F;
	s11 =	sadd.s32 s11, s17;
	s17 =	sshra.s32 s3, $0x6;
	v42 =	vsel vm8, s30, v42;
	v40 =	vsel vm13, s0, v40  }
0x3f4: {  	v57 =	vmov s28;
	s25 =	sshra.s32 s11, $0x6;
	s30 =	smulhi.u32 $0x2AAAAAAB, s12;
	s12 =	sshra.s32 s12, $0x1F;
	v42 =	vsel vm2, s26, v42;
	v40 =	vsel vm3, s17, v40  }
0x3f5: {  	vm9 =	vcmask $0x3B38;
	s12 =	smul.u32 $0x2AAAAAAB, s12;
	s26 =	sshra.s32 s14, $0x6;
	v42 =	vsel vm3, s9, v42;
	s9 =	sshrl.u32 s11, $0x1F;
	v40 =	vsel vm14, s23, v40  }
0x3f6: {  	s22 =	sshrl.u32 s13, $0x1F;
	s5 =	sshra.s32 s2, $0x6;
	s29 =	sshra.s32 s11, $0x1F;
	v56 =	vmov s26;
	v42 =	vsel vm5, s9, v42;
	v40 =	vsel vm5, s25, v40  }
0x3f7: {  	s31 =	sshra.s32 s13, $0x6;
	s12 =	sadd.s32 s12, s30;
	s30 =	sshra.s32 s16, $0x6;
	v43 =	vsel vm8, s1, v56;
	v42 =	vsel vm6, s22, v42;
	v40 =	vsel vm15, s29, v40  }
0x3f8: {  	s8 =	sshra.s32 s21, $0x6;
	s9 =	sshra.s32 s13, $0x1F;
	s24 =	sshrl.u32 s12, $0x1F;
	v44 =	vsel vm8, s30, v57;
	v43 =	vsel vm2, s5, v43;
	v40 =	vsel vm6, s31, v40  }
0x3f9: {  	s11 =	sshra.s32 s4, $0x6;
	s13 =	sshra.s32 s6, $0x6;
	s14 =	sshra.s32 s12, $0x6;
	v42 =	vsel vm7, s24, v42;
	v44 =	vsel vm2, s8, v44;
	v40 =	vsel vm11, s9, v40  }
0x3fa: {  	s15 =	sshrl.u32 s7, $0x1F;
	s16 =	sshra.s32 s12, $0x1F;
	v43 =	vsel vm3, s11, v43;
	v44 =	vsel vm3, s13, v44;
	v40 =	vsel vm7, s14, v40  }
0x3fb: {  	s17 =	sshra.s32 s7, $0x6;
	v42 =	vsel vm9, s15, v42;
	v43 =	vcombine.low v44, v43;
	v40 =	vsel vm12, s16, v40  }
0x3fc: {  	v41 =	vperm.xlane v41, v10;
	v42 =	vperm.xlane v42, v11;
	v40 =	vsel vm9, s17, v40  }
0x3fd: {  	v43 =	vperm.xlane v43, v10;
	v40 =	vperm.xlane v40, v11;
	_ =	sdelay $0x1  }
0x3fe: {  	v58 =	vand.u32 $0x7F, v39;
	v41 =	vsel vm1, v42, v41;
	v40 =	vsel vm1, v40, v43  }
0x3ff: {  	v59 =	vor.u32 v15, v58;
	v40 =	vadd.s32 v41, v40  }
0x400: {  	v41 =	vmul.u32 $0xFFFFFE80, v40;
	_ =	sdelay $0x1  }
0x401: {  	v41 =	vadd.s32 v39, v41  }
0x402: {  	s20 =	simm.s32 $0x7300;
	vm12 =	vmmov vm9;
	vm9 =	vlt.s32 v39, $0x1;
	vm10 =	vne.s32 v41, $0x0  }
0x403: {  	v60 =	vld.idx.msk [tilespmem:v59+s20+$0x0], $0xffff;
	s21 =	simm.s32 $0xAB00;
	vm9 =	vmand vm9, vm10  }
0x404: {  	v61 =	vld.idx.msk [tilespmem:v59+s21+$0x0], $0xffff;
	v62 =	vsel vm9, $0xFFFFFFFF, v4  }
0x405: {  	v63 =	vadd.s32 $0x180, v41;
	vm9 =	vlt.s32 v41, $0x0;
	v40 =	vadd.s32 v62, v40  }
0x406: {  	s22 =	simm.s32 $0xE300;
	v41 =	vsel vm9, v63, v41;
	v40 =	vcvt.s32.f32 v40  }
0x407: {  	v42 =	vld.idx.msk [tilespmem:v59+s22+$0x0], $0xffff;
	v41 =	vcvt.s32.f32 v41  }
0x408: {  	v39 =	vadd.f32 v40, v60  }
0x409: {  	v45 =	vadd.f32 v41, v61  }
0x40a: {  	[tilespmem:v16+s18+$0x0] =	vst.idx.msk $0xffff, v39  }
0x40b: {  	[tilespmem:v17+s18+$0x0] =	vst.idx.msk $0xffff, v45  }
0x40c: {  	[tilespmem:v18+s18+$0x0] =	vst.idx.msk $0xffff, v42  }
0x40d: {  	v39 =	vld [tilespmem:$0x7220];
	_ =	sdelay $0x4  }
0x40e: {  	(v2sf) =	vpush v39, $0xD;
	_ =	sdelay $0x1  }
0x40f: {  	(v2sf) =	vpush v39, $0xC;
	_ =	sdelay $0x1  }
0x410: {  	(v2sf) =	vpush v39, $0xE;
	_ =	sdelay $0x1  }
0x411: {  	(v2sf) =	vpush v39, $0xF;
	_ =	sdelay $0x1  }
0x412: {  	(v2sf) =	vpush v39, $0x9;
	_ =	sdelay $0x1  }
0x413: {  	(v2sf) =	vpush v39, $0x8;
	_ =	sdelay $0x1  }
0x414: {  	(v2sf) =	vpush v39, $0xA;
	_ =	sdelay $0x1  }
0x415: {  	(v2sf) =	vpush v39, $0xB  }
0x416: {  	s23 =	spop (v2sf)  }
0x417: {  	(v2sf) =	vpush v39, $0x0;
	s24 =	smulhi.u32 $0x2AAAAAAB, s23;
	s0 =	sshra.s32 s23, $0x1F  }
0x418: {  	(v2sf) =	vpush v39, $0x1;
	s25 =	spop (v2sf);
	s0 =	smul.u32 $0x2AAAAAAB, s0  }
0x419: {  	(v2sf) =	vpush v39, $0x2;
	s26 =	smulhi.u32 $0x2AAAAAAB, s25;
	s2 =	sshra.s32 s25, $0x1F  }
0x41a: {  	s28 =	spop (v2sf);
	(v2sf) =	vpush v39, $0x3;
	s2 =	smul.u32 $0x2AAAAAAB, s2  }
0x41b: {  	s29 =	smulhi.u32 $0x2AAAAAAB, s28;
	s4 =	sshra.s32 s28, $0x1F;
	(v2sf) =	vpush v39, $0x4  }
0x41c: {  	s30 =	spop (v2sf);
	s4 =	smul.u32 $0x2AAAAAAB, s4;
	(v2sf) =	vpush v39, $0x5  }
0x41d: {  	s1 =	sadd.s32 s0, s24;
	s31 =	smulhi.u32 $0x2AAAAAAB, s30;
	s6 =	sshra.s32 s30, $0x1F;
	(v2sf) =	vpush v39, $0x6  }
0x41e: {  	s12 =	spop (v2sf);
	s22 =	sshrl.u32 s1, $0x1F;
	s6 =	smul.u32 $0x2AAAAAAB, s6;
	(v2sf) =	vpush v39, $0x7  }
0x41f: {  	s14 =	sadd.s32 s2, s26;
	s13 =	smulhi.u32 $0x2AAAAAAB, s12;
	s15 =	sshra.s32 s12, $0x1F  }
0x420: {  	s16 =	spop (v2sf);
	s11 =	sshrl.u32 s14, $0x1F;
	s7 =	smul.u32 $0x2AAAAAAB, s15  }
0x421: {  	s2 =	sadd.s32 s4, s29;
	s17 =	smulhi.u32 $0x2AAAAAAB, s16;
	s18 =	sshra.s32 s16, $0x1F  }
0x422: {  	s20 =	spop (v2sf);
	s9 =	sshrl.u32 s2, $0x1F;
	s8 =	smul.u32 $0x2AAAAAAB, s18  }
0x423: {  	s4 =	sadd.s32 s6, s31;
	s21 =	smulhi.u32 $0x2AAAAAAB, s20;
	s26 =	sshra.s32 s20, $0x1F  }
0x424: {  	s28 =	spop (v2sf);
	s24 =	sshrl.u32 s4, $0x1F;
	s6 =	smul.u32 $0x2AAAAAAB, s26  }
0x425: {  	s16 =	sadd.s32 s7, s13;
	s3 =	smulhi.u32 $0x2AAAAAAB, s28;
	s29 =	sshra.s32 s28, $0x1F  }
0x426: {  	s30 =	spop (v2sf);
	s23 =	sshrl.u32 s16, $0x1F;
	s7 =	smul.u32 $0x2AAAAAAB, s29  }
0x427: {  	s13 =	smulhi.u32 $0x2AAAAAAB, s30;
	s12 =	sshra.s32 s30, $0x1F;
	s31 =	spop (v2sf)  }
0x428: {  	s8 =	sadd.s32 s8, s17;
	s17 =	smul.u32 $0x2AAAAAAB, s12;
	s18 =	spop (v2sf)  }
0x429: {  	s20 =	smulhi.u32 $0x2AAAAAAB, s31;
	s15 =	sshra.s32 s31, $0x1F;
	s30 =	spop (v2sf)  }
0x42a: {  	s25 =	sshrl.u32 s8, $0x1F;
	s15 =	smul.u32 $0x2AAAAAAB, s15;
	s26 =	spop (v2sf)  }
0x42b: {  	s28 =	smulhi.u32 $0x2AAAAAAB, s18;
	s12 =	sshra.s32 s18, $0x1F;
	s29 =	spop (v2sf)  }
0x42c: {  	s21 =	sadd.s32 s6, s21;
	s0 =	smul.u32 $0x2AAAAAAB, s12;
	s12 =	spop (v2sf)  }
0x42d: {  	s6 =	sadd.s32 s7, s3;
	s3 =	smulhi.u32 $0x2AAAAAAB, s30;
	s31 =	spop (v2sf)  }
0x42e: {  	s5 =	sadd.s32 s17, s13;
	s18 =	smulhi.u32 $0x2AAAAAAB, s31;
	s7 =	sshra.s32 s31, $0x1F  }
0x42f: {  	s15 =	sadd.s32 s15, s20;
	s30 =	sshra.s32 s30, $0x1F;
	s7 =	smul.u32 $0x2AAAAAAB, s7  }
0x430: {  	s20 =	sshrl.u32 s21, $0x1F;
	s13 =	sshrl.u32 s5, $0x1F;
	s17 =	smul.u32 $0x2AAAAAAB, s30  }
0x431: {  	s30 =	sshrl.u32 s15, $0x1F;
	s0 =	sadd.s32 s0, s28;
	s7 =	sadd.s32 s7, s18  }
0x432: {  	vm9 =	vcmask $0x300;
	v47 =	vmov s11;
	v48 =	vmov s13;
	s13 =	smulhi.u32 $0x2AAAAAAB, s29;
	s29 =	sshra.s32 s29, $0x1F;
	s31 =	sshra.s32 s7, $0x1F  }
0x433: {  	v41 =	vsel vm8, s22, v47;
	v49 =	vmov s25;
	s3 =	sadd.s32 s17, s3;
	s17 =	smulhi.u32 $0x2AAAAAAB, s26;
	s18 =	sshra.s32 s5, $0x6;
	v46 =	vmov s31  }
0x434: {  	v41 =	vsel vm2, s9, v41;
	v43 =	vsel vm8, s23, v49;
	s26 =	sshra.s32 s26, $0x1F;
	s22 =	smul.u32 $0x2AAAAAAB, s29;
	s5 =	sshra.s32 s5, $0x1F;
	v40 =	vsel vm9, s18, v46  }
0x435: {  	v43 =	vsel vm2, s20, v43;
	s28 =	sshrl.u32 s6, $0x1F;
	s11 =	smul.u32 $0x2AAAAAAB, s26;
	s31 =	sshra.s32 s15, $0x6;
	vm9 =	vcmask $0x300;
	v40 =	vsel vm0, s5, v40  }
0x436: {  	s29 =	sshra.s32 s15, $0x1F;
	v43 =	vsel vm3, s28, v43;
	s28 =	sshra.s32 s8, $0x6;
	s26 =	sshrl.u32 s0, $0x1F;
	v42 =	vnsel vm9, $0x0, v48;
	v40 =	vsel vm8, s31, v40  }
0x437: {  	v41 =	vsel vm3, s24, v41;
	s23 =	sshra.s32 s3, $0x1F;
	s11 =	sadd.s32 s11, s17;
	v42 =	vsel vm8, s30, v42;
	s31 =	sshra.s32 s0, $0x6;
	v40 =	vsel vm4, s29, v40  }
0x438: {  	v41 =	vcombine.low v43, v41;
	s18 =	sshrl.u32 s3, $0x1F;
	s30 =	smulhi.u32 $0x2AAAAAAB, s12;
	s0 =	sshra.s32 s0, $0x1F;
	v42 =	vsel vm2, s26, v42;
	v40 =	vsel vm2, s31, v40  }
0x439: {  	v51 =	vmov s28;
	s12 =	sshra.s32 s12, $0x1F;
	s26 =	sshra.s32 s14, $0x6;
	v42 =	vsel vm3, s18, v42;
	s18 =	sshra.s32 s3, $0x6;
	v40 =	vsel vm13, s0, v40  }
0x43a: {  	s17 =	sadd.s32 s22, s13;
	s9 =	sshrl.u32 s11, $0x1F;
	vm9 =	vmmov vm5;
	s12 =	smul.u32 $0x2AAAAAAB, s12;
	v50 =	vmov s26;
	v40 =	vsel vm3, s18, v40  }
0x43b: {  	s1 =	sshra.s32 s1, $0x6;
	s22 =	sshrl.u32 s17, $0x1F;
	s25 =	sshra.s32 s11, $0x6;
	v42 =	vsel vm5, s9, v42;
	vm5 =	vmmov vm6;
	v40 =	vsel vm14, s23, v40  }
0x43c: {  	s29 =	sshra.s32 s11, $0x1F;
	s12 =	sadd.s32 s12, s30;
	s30 =	sshra.s32 s16, $0x6;
	v43 =	vsel vm8, s1, v50;
	v42 =	vsel vm6, s22, v42;
	v40 =	vsel vm9, s25, v40  }
0x43d: {  	s2 =	sshra.s32 s2, $0x6;
	s31 =	sshra.s32 s17, $0x6;
	s24 =	sshrl.u32 s12, $0x1F;
	vm6 =	vmmov vm7;
	v44 =	vsel vm8, s30, v51;
	v40 =	vsel vm15, s29, v40  }
0x43e: {  	s8 =	sshra.s32 s4, $0x6;
	s5 =	sshra.s32 s17, $0x1F;
	s3 =	sshra.s32 s21, $0x6;
	v43 =	vsel vm2, s2, v43;
	v42 =	vsel vm7, s24, v42;
	v40 =	vsel vm5, s31, v40  }
0x43f: {  	s9 =	sshra.s32 s6, $0x6;
	s11 =	sshra.s32 s12, $0x6;
	v44 =	vsel vm2, s3, v44;
	v43 =	vsel vm3, s8, v43;
	v40 =	vsel vm11, s5, v40  }
0x440: {  	s13 =	sshrl.u32 s7, $0x1F;
	s14 =	sshra.s32 s12, $0x1F;
	v44 =	vsel vm3, s9, v44;
	vm5 =	vcmask $0x3734;
	v40 =	vsel vm6, s11, v40  }
0x441: {  	s15 =	sshra.s32 s7, $0x6;
	v42 =	vsel vm12, s13, v42;
	v43 =	vcombine.low v44, v43;
	v40 =	vsel vm5, s14, v40  }
0x442: {  	v41 =	vperm.xlane v41, v10;
	v42 =	vperm.xlane v42, v11;
	v40 =	vsel vm12, s15, v40  }
0x443: {  	v43 =	vperm.xlane v43, v10;
	v40 =	vperm.xlane v40, v11;
	_ =	sdelay $0x1  }
0x444: {  	v52 =	vand.u32 $0x7F, v39;
	v41 =	vsel vm1, v42, v41;
	v40 =	vsel vm1, v40, v43  }
0x445: {  	v53 =	vor.u32 v19, v52;
	v40 =	vadd.s32 v41, v40  }
0x446: {  	v41 =	vmul.u32 $0xFFFFFE80, v40;
	_ =	sdelay $0x1  }
0x447: {  	v41 =	vadd.s32 v39, v41  }
0x448: {  	s16 =	simm.s32 $0x7300;
	vm7 =	vmmov vm9;
	vm9 =	vlt.s32 v39, $0x1;
	vm10 =	vne.s32 v41, $0x0  }
0x449: {  	s17 =	simm.s32 $0xAB00;
	v54 =	vld.idx.msk [tilespmem:v53+s16+$0x0], $0xffff;
	vm9 =	vmand vm9, vm10  }
0x44a: {  	v55 =	vld.idx.msk [tilespmem:v53+s17+$0x0], $0xffff;
	v56 =	vsel vm9, $0xFFFFFFFF, v4  }
0x44b: {  	v57 =	vadd.s32 $0x180, v41;
	vm9 =	vlt.s32 v41, $0x0;
	v40 =	vadd.s32 v56, v40  }
0x44c: {  	s18 =	simm.s32 $0xE300;
	v41 =	vsel vm9, v57, v41;
	v40 =	vcvt.s32.f32 v40  }
0x44d: {  	v42 =	vld.idx.msk [tilespmem:v53+s18+$0x0], $0xffff;
	v41 =	vcvt.s32.f32 v41  }
0x44e: {  	v39 =	vadd.f32 v40, v54  }
0x44f: {  	s20 =	simm.s32 $0x11B00;
	v58 =	vadd.f32 v41, v55  }
0x450: {  	[tilespmem:v20+s20+$0x0] =	vst.idx.msk $0xffff, v39  }
0x451: {  	[tilespmem:v21+s20+$0x0] =	vst.idx.msk $0xffff, v58  }
0x452: {  	[tilespmem:v22+s20+$0x0] =	vst.idx.msk $0xffff, v42  }
0x453: {  	v39 =	vld [tilespmem:$0x7230];
	_ =	sdelay $0x4  }
0x454: {  	(v2sf) =	vpush v39, $0xD;
	_ =	sdelay $0x1  }
0x455: {  	(v2sf) =	vpush v39, $0xC;
	_ =	sdelay $0x1  }
0x456: {  	(v2sf) =	vpush v39, $0xE;
	_ =	sdelay $0x1  }
0x457: {  	(v2sf) =	vpush v39, $0xF;
	_ =	sdelay $0x1  }
0x458: {  	(v2sf) =	vpush v39, $0x9;
	_ =	sdelay $0x1  }
0x459: {  	(v2sf) =	vpush v39, $0x8;
	_ =	sdelay $0x1  }
0x45a: {  	(v2sf) =	vpush v39, $0xA;
	_ =	sdelay $0x1  }
0x45b: {  	(v2sf) =	vpush v39, $0xB  }
0x45c: {  	s21 =	spop (v2sf)  }
0x45d: {  	(v2sf) =	vpush v39, $0x0;
	s22 =	smulhi.u32 $0x2AAAAAAB, s21;
	s0 =	sshra.s32 s21, $0x1F  }
0x45e: {  	(v2sf) =	vpush v39, $0x1;
	s23 =	spop (v2sf);
	s0 =	smul.u32 $0x2AAAAAAB, s0  }
0x45f: {  	(v2sf) =	vpush v39, $0x2;
	s24 =	smulhi.u32 $0x2AAAAAAB, s23;
	s2 =	sshra.s32 s23, $0x1F  }
0x460: {  	s25 =	spop (v2sf);
	(v2sf) =	vpush v39, $0x3;
	s2 =	smul.u32 $0x2AAAAAAB, s2  }
0x461: {  	s26 =	smulhi.u32 $0x2AAAAAAB, s25;
	s4 =	sshra.s32 s25, $0x1F;
	(v2sf) =	vpush v39, $0x4  }
0x462: {  	s28 =	spop (v2sf);
	s4 =	smul.u32 $0x2AAAAAAB, s4;
	(v2sf) =	vpush v39, $0x5  }
0x463: {  	s1 =	sadd.s32 s0, s22;
	s29 =	smulhi.u32 $0x2AAAAAAB, s28;
	s6 =	sshra.s32 s28, $0x1F;
	(v2sf) =	vpush v39, $0x6  }
0x464: {  	s30 =	spop (v2sf);
	s22 =	sshrl.u32 s1, $0x1F;
	s6 =	smul.u32 $0x2AAAAAAB, s6;
	(v2sf) =	vpush v39, $0x7  }
0x465: {  	s14 =	sadd.s32 s2, s24;
	s31 =	smulhi.u32 $0x2AAAAAAB, s30;
	s12 =	sshra.s32 s30, $0x1F  }
0x466: {  	s13 =	spop (v2sf);
	s1 =	sshra.s32 s1, $0x6;
	s7 =	smul.u32 $0x2AAAAAAB, s12  }
0x467: {  	s11 =	sshrl.u32 s14, $0x1F;
	s15 =	smulhi.u32 $0x2AAAAAAB, s13;
	s17 =	sshra.s32 s13, $0x1F  }
0x468: {  	s2 =	sadd.s32 s4, s26;
	s20 =	spop (v2sf);
	s8 =	smul.u32 $0x2AAAAAAB, s17  }
0x469: {  	s9 =	sshrl.u32 s2, $0x1F;
	s21 =	smulhi.u32 $0x2AAAAAAB, s20;
	s25 =	sshra.s32 s20, $0x1F  }
0x46a: {  	s4 =	sadd.s32 s6, s29;
	s26 =	spop (v2sf);
	s6 =	smul.u32 $0x2AAAAAAB, s25  }
0x46b: {  	s24 =	sshrl.u32 s4, $0x1F;
	s3 =	smulhi.u32 $0x2AAAAAAB, s26;
	s28 =	sshra.s32 s26, $0x1F  }
0x46c: {  	s16 =	sadd.s32 s7, s31;
	s29 =	spop (v2sf);
	s7 =	smul.u32 $0x2AAAAAAB, s28  }
0x46d: {  	s13 =	smulhi.u32 $0x2AAAAAAB, s29;
	s12 =	sshra.s32 s29, $0x1F;
	s30 =	spop (v2sf)  }
0x46e: {  	s23 =	sshrl.u32 s16, $0x1F;
	s31 =	smul.u32 $0x2AAAAAAB, s12;
	s29 =	spop (v2sf)  }
0x46f: {  	s8 =	sadd.s32 s8, s15;
	s17 =	smulhi.u32 $0x2AAAAAAB, s30;
	s20 =	spop (v2sf)  }
0x470: {  	s15 =	sshra.s32 s30, $0x1F;
	s25 =	sshrl.u32 s8, $0x1F;
	s26 =	spop (v2sf)  }
0x471: {  	s28 =	smulhi.u32 $0x2AAAAAAB, s29;
	s12 =	sshra.s32 s29, $0x1F;
	s29 =	spop (v2sf)  }
0x472: {  	s21 =	sadd.s32 s6, s21;
	s0 =	smul.u32 $0x2AAAAAAB, s12;
	s12 =	spop (v2sf)  }
0x473: {  	s15 =	smul.u32 $0x2AAAAAAB, s15;
	s6 =	sadd.s32 s7, s3;
	s30 =	spop (v2sf)  }
0x474: {  	s5 =	sadd.s32 s31, s13;
	s31 =	smulhi.u32 $0x2AAAAAAB, s30;
	s7 =	sshra.s32 s30, $0x1F  }
0x475: {  	s15 =	sadd.s32 s15, s17;
	s13 =	sshrl.u32 s5, $0x1F;
	s7 =	smul.u32 $0x2AAAAAAB, s7  }
0x476: {  	s3 =	smulhi.u32 $0x2AAAAAAB, s20;
	s0 =	sadd.s32 s0, s28;
	s28 =	sshrl.u32 s6, $0x1F  }
0x477: {  	v61 =	vmov s13;
	s13 =	smulhi.u32 $0x2AAAAAAB, s29;
	s30 =	sshra.s32 s20, $0x1F;
	s7 =	sadd.s32 s7, s31  }
0x478: {  	v60 =	vmov s11;
	s29 =	sshra.s32 s29, $0x1F;
	s17 =	smul.u32 $0x2AAAAAAB, s30;
	s31 =	sshra.s32 s7, $0x1F  }
0x479: {  	vm9 =	vcmask $0x300;
	v41 =	vsel vm8, s22, v60;
	s22 =	smul.u32 $0x2AAAAAAB, s29;
	s29 =	sshra.s32 s15, $0x1F;
	v59 =	vmov s31;
	s31 =	sshra.s32 s5, $0x6  }
0x47a: {  	vm5 =	vmmov vm0;
	v62 =	vmov s25;
	s20 =	sshrl.u32 s21, $0x1F;
	s3 =	sadd.s32 s17, s3;
	s5 =	sshra.s32 s5, $0x1F;
	v40 =	vsel vm9, s31, v59  }
0x47b: {  	v41 =	vsel vm2, s9, v41;
	v43 =	vsel vm8, s23, v62;
	s17 =	smulhi.u32 $0x2AAAAAAB, s26;
	s26 =	sshra.s32 s26, $0x1F;
	s31 =	sshra.s32 s15, $0x6;
	v40 =	vsel vm0, s5, v40  }
0x47c: {  	v41 =	vsel vm3, s24, v41;
	s30 =	sshrl.u32 s15, $0x1F;
	s13 =	sadd.s32 s22, s13;
	v43 =	vsel vm2, s20, v43;
	s11 =	smul.u32 $0x2AAAAAAB, s26;
	v40 =	vsel vm8, s31, v40  }
0x47d: {  	v43 =	vsel vm3, s28, v43;
	s28 =	sshra.s32 s8, $0x6;
	s26 =	sshrl.u32 s0, $0x1F;
	vm9 =	vcmask $0x300;
	s31 =	sshra.s32 s0, $0x6;
	v40 =	vsel vm4, s29, v40  }
0x47e: {  	v41 =	vcombine.low v43, v41;
	s9 =	sshrl.u32 s3, $0x1F;
	s11 =	sadd.s32 s11, s17;
	v42 =	vnsel vm9, $0x0, v61;
	s0 =	sshra.s32 s0, $0x1F;
	v40 =	vsel vm2, s31, v40  }
0x47f: {  	v48 =	vmov s28;
	s17 =	sshra.s32 s3, $0x6;
	v42 =	vsel vm8, s30, v42;
	s30 =	smulhi.u32 $0x2AAAAAAB, s12;
	s12 =	sshra.s32 s12, $0x1F;
	v40 =	vsel vm13, s0, v40  }
0x480: {  	s23 =	sshra.s32 s3, $0x1F;
	vm0 =	vcmask $0x2B28;
	v42 =	vsel vm2, s26, v42;
	s12 =	smul.u32 $0x2AAAAAAB, s12;
	s26 =	sshra.s32 s14, $0x6;
	v40 =	vsel vm3, s17, v40  }
0x481: {  	s22 =	sshrl.u32 s13, $0x1F;
	s25 =	sshra.s32 s11, $0x6;
	v42 =	vsel vm3, s9, v42;
	s9 =	sshrl.u32 s11, $0x1F;
	v63 =	vmov s26;
	v40 =	vsel vm14, s23, v40  }
0x482: {  	s29 =	sshra.s32 s11, $0x1F;
	v42 =	vsel vm7, s9, v42;
	s12 =	sadd.s32 s12, s30;
	s30 =	sshra.s32 s16, $0x6;
	v43 =	vsel vm8, s1, v63;
	v40 =	vsel vm7, s25, v40  }
0x483: {  	s5 =	sshra.s32 s2, $0x6;
	s31 =	sshra.s32 s13, $0x6;
	v42 =	vsel vm0, s22, v42;
	s24 =	sshrl.u32 s12, $0x1F;
	v44 =	vsel vm8, s30, v48;
	v40 =	vsel vm15, s29, v40  }
0x484: {  	s8 =	sshra.s32 s21, $0x6;
	s11 =	sshra.s32 s4, $0x6;
	s9 =	sshra.s32 s13, $0x1F;
	v43 =	vsel vm2, s5, v43;
	v42 =	vsel vm6, s24, v42;
	v40 =	vsel vm0, s31, v40  }
0x485: {  	s13 =	sshra.s32 s6, $0x6;
	s14 =	sshra.s32 s12, $0x6;
	v44 =	vsel vm2, s8, v44;
	v43 =	vsel vm3, s11, v43;
	v40 =	vsel vm11, s9, v40  }
0x486: {  	s15 =	sshrl.u32 s7, $0x1F;
	s16 =	sshra.s32 s12, $0x1F;
	v44 =	vsel vm3, s13, v44;
	vm0 =	vcmask $0x3734;
	v40 =	vsel vm6, s14, v40  }
0x487: {  	s17 =	sshra.s32 s7, $0x6;
	v42 =	vsel vm12, s15, v42;
	v43 =	vcombine.low v44, v43;
	v40 =	vsel vm0, s16, v40  }
0x488: {  	v41 =	vperm.xlane v41, v10;
	v42 =	vperm.xlane v42, v11;
	v40 =	vsel vm12, s17, v40  }
0x489: {  	v43 =	vperm.xlane v43, v10;
	v40 =	vperm.xlane v40, v11;
	_ =	sdelay $0x1  }
0x48a: {  	v49 =	vand.u32 $0x7F, v39;
	v41 =	vsel vm1, v42, v41;
	v40 =	vsel vm1, v40, v43  }
0x48b: {  	v50 =	vor.u32 v23, v49;
	v40 =	vadd.s32 v41, v40  }
0x48c: {  	v41 =	vmul.u32 $0xFFFFFE80, v40;
	_ =	sdelay $0x1  }
0x48d: {  	v41 =	vadd.s32 v39, v41  }
0x48e: {  	s20 =	simm.s32 $0x7300;
	vm9 =	vlt.s32 v39, $0x1;
	vm10 =	vne.s32 v41, $0x0  }
0x48f: {  	v51 =	vld.idx.msk [tilespmem:v50+s20+$0x0], $0xffff;
	s21 =	simm.s32 $0xAB00;
	vm9 =	vmand vm9, vm10  }
0x490: {  	v52 =	vld.idx.msk [tilespmem:v50+s21+$0x0], $0xffff;
	v53 =	vsel vm9, $0xFFFFFFFF, v4  }
0x491: {  	v54 =	vadd.s32 $0x180, v41;
	vm9 =	vlt.s32 v41, $0x0;
	v40 =	vadd.s32 v53, v40  }
0x492: {  	s22 =	simm.s32 $0xE300;
	v41 =	vsel vm9, v54, v41;
	v40 =	vcvt.s32.f32 v40  }
0x493: {  	v42 =	vld.idx.msk [tilespmem:v50+s22+$0x0], $0xffff;
	v41 =	vcvt.s32.f32 v41  }
0x494: {  	v39 =	vadd.f32 v40, v51  }
0x495: {  	s18 =	simm.s32 $0x11B00;
	v55 =	vadd.f32 v41, v52  }
0x496: {  	[tilespmem:v24+s18+$0x0] =	vst.idx.msk $0xffff, v39  }
0x497: {  	[tilespmem:v25+s18+$0x0] =	vst.idx.msk $0xffff, v55  }
0x498: {  	[tilespmem:v26+s18+$0x0] =	vst.idx.msk $0xffff, v42  }
0x499: {  	v39 =	vld [tilespmem:$0x7240];
	_ =	sdelay $0x4  }
0x49a: {  	(v2sf) =	vpush v39, $0xD;
	_ =	sdelay $0x1  }
0x49b: {  	(v2sf) =	vpush v39, $0xC;
	_ =	sdelay $0x1  }
0x49c: {  	(v2sf) =	vpush v39, $0xE;
	_ =	sdelay $0x1  }
0x49d: {  	(v2sf) =	vpush v39, $0xF;
	_ =	sdelay $0x1  }
0x49e: {  	(v2sf) =	vpush v39, $0x9;
	_ =	sdelay $0x1  }
0x49f: {  	(v2sf) =	vpush v39, $0x8;
	_ =	sdelay $0x1  }
0x4a0: {  	(v2sf) =	vpush v39, $0xA;
	_ =	sdelay $0x1  }
0x4a1: {  	(v2sf) =	vpush v39, $0xB  }
0x4a2: {  	s23 =	spop (v2sf)  }
0x4a3: {  	(v2sf) =	vpush v39, $0x0;
	s24 =	smulhi.u32 $0x2AAAAAAB, s23;
	s0 =	sshra.s32 s23, $0x1F  }
0x4a4: {  	(v2sf) =	vpush v39, $0x1;
	s25 =	spop (v2sf);
	s0 =	smul.u32 $0x2AAAAAAB, s0  }
0x4a5: {  	(v2sf) =	vpush v39, $0x2;
	s26 =	smulhi.u32 $0x2AAAAAAB, s25;
	s2 =	sshra.s32 s25, $0x1F  }
0x4a6: {  	s28 =	spop (v2sf);
	(v2sf) =	vpush v39, $0x3;
	s2 =	smul.u32 $0x2AAAAAAB, s2  }
0x4a7: {  	s29 =	smulhi.u32 $0x2AAAAAAB, s28;
	s4 =	sshra.s32 s28, $0x1F;
	(v2sf) =	vpush v39, $0x4  }
0x4a8: {  	s30 =	spop (v2sf);
	s4 =	smul.u32 $0x2AAAAAAB, s4;
	(v2sf) =	vpush v39, $0x5  }
0x4a9: {  	s31 =	smulhi.u32 $0x2AAAAAAB, s30;
	s6 =	sshra.s32 s30, $0x1F;
	(v2sf) =	vpush v39, $0x6  }
0x4aa: {  	s1 =	sadd.s32 s0, s24;
	s12 =	spop (v2sf);
	s6 =	smul.u32 $0x2AAAAAAB, s6;
	(v2sf) =	vpush v39, $0x7  }
0x4ab: {  	s22 =	sshrl.u32 s1, $0x1F;
	s14 =	sadd.s32 s2, s26;
	s13 =	smulhi.u32 $0x2AAAAAAB, s12  }
0x4ac: {  	s15 =	sshra.s32 s12, $0x1F;
	s16 =	spop (v2sf);
	s1 =	sshra.s32 s1, $0x6  }
0x4ad: {  	s11 =	sshrl.u32 s14, $0x1F;
	s7 =	smul.u32 $0x2AAAAAAB, s15;
	s2 =	sadd.s32 s4, s29  }
0x4ae: {  	s17 =	smulhi.u32 $0x2AAAAAAB, s16;
	s18 =	sshra.s32 s16, $0x1F;
	s20 =	spop (v2sf)  }
0x4af: {  	s9 =	sshrl.u32 s2, $0x1F;
	s8 =	smul.u32 $0x2AAAAAAB, s18;
	s4 =	sadd.s32 s6, s31  }
0x4b0: {  	s21 =	smulhi.u32 $0x2AAAAAAB, s20;
	s26 =	sshra.s32 s20, $0x1F;
	s28 =	spop (v2sf)  }
0x4b1: {  	s24 =	sshrl.u32 s4, $0x1F;
	s6 =	smul.u32 $0x2AAAAAAB, s26;
	s16 =	sadd.s32 s7, s13  }
0x4b2: {  	s3 =	smulhi.u32 $0x2AAAAAAB, s28;
	s29 =	sshra.s32 s28, $0x1F;
	s30 =	spop (v2sf)  }
0x4b3: {  	s23 =	sshrl.u32 s16, $0x1F;
	s7 =	smul.u32 $0x2AAAAAAB, s29;
	s31 =	spop (v2sf)  }
0x4b4: {  	s13 =	smulhi.u32 $0x2AAAAAAB, s30;
	s12 =	sshra.s32 s30, $0x1F;
	s18 =	spop (v2sf)  }
0x4b5: {  	s8 =	sadd.s32 s8, s17;
	s17 =	smul.u32 $0x2AAAAAAB, s12;
	s30 =	spop (v2sf)  }
0x4b6: {  	s20 =	smulhi.u32 $0x2AAAAAAB, s31;
	s15 =	sshra.s32 s31, $0x1F;
	s26 =	spop (v2sf)  }
0x4b7: {  	s15 =	smul.u32 $0x2AAAAAAB, s15;
	s12 =	sshra.s32 s18, $0x1F;
	s29 =	spop (v2sf)  }
0x4b8: {  	s25 =	sshrl.u32 s8, $0x1F;
	s0 =	smul.u32 $0x2AAAAAAB, s12;
	s12 =	spop (v2sf)  }
0x4b9: {  	s21 =	sadd.s32 s6, s21;
	s28 =	smulhi.u32 $0x2AAAAAAB, s18;
	s31 =	spop (v2sf)  }
0x4ba: {  	s6 =	sadd.s32 s7, s3;
	s18 =	smulhi.u32 $0x2AAAAAAB, s31;
	s7 =	sshra.s32 s31, $0x1F  }
0x4bb: {  	s5 =	sadd.s32 s17, s13;
	s15 =	sadd.s32 s15, s20;
	s7 =	smul.u32 $0x2AAAAAAB, s7  }
0x4bc: {  	s20 =	sshrl.u32 s21, $0x1F;
	s3 =	smulhi.u32 $0x2AAAAAAB, s30;
	s30 =	sshra.s32 s30, $0x1F  }
0x4bd: {  	s13 =	sshrl.u32 s5, $0x1F;
	s17 =	smul.u32 $0x2AAAAAAB, s30;
	s7 =	sadd.s32 s7, s18  }
0x4be: {  	vm9 =	vcmask $0x300;
	v57 =	vmov s11;
	s30 =	sshrl.u32 s15, $0x1F;
	s0 =	sadd.s32 s0, s28;
	s31 =	sshra.s32 s7, $0x1F  }
0x4bf: {  	v59 =	vmov s25;
	v58 =	vmov s13;
	s28 =	sshrl.u32 s6, $0x1F;
	s13 =	smulhi.u32 $0x2AAAAAAB, s29;
	s18 =	sshra.s32 s5, $0x6;
	v56 =	vmov s31  }
0x4c0: {  	v41 =	vsel vm8, s22, v57;
	v43 =	vsel vm8, s23, v59;
	s29 =	sshra.s32 s29, $0x1F;
	s3 =	sadd.s32 s17, s3;
	s5 =	sshra.s32 s5, $0x1F;
	v40 =	vsel vm9, s18, v56  }
0x4c1: {  	v43 =	vsel vm2, s20, v43;
	s17 =	smulhi.u32 $0x2AAAAAAB, s26;
	s26 =	sshra.s32 s26, $0x1F;
	s31 =	sshra.s32 s15, $0x6;
	vm9 =	vcmask $0x300;
	v40 =	vsel vm5, s5, v40  }
0x4c2: {  	s22 =	smul.u32 $0x2AAAAAAB, s29;
	s29 =	sshra.s32 s15, $0x1F;
	v43 =	vsel vm3, s28, v43;
	s28 =	sshra.s32 s8, $0x6;
	v42 =	vnsel vm9, $0x0, v58;
	v40 =	vsel vm8, s31, v40  }
0x4c3: {  	vm6 =	vmmov vm5;
	s11 =	smul.u32 $0x2AAAAAAB, s26;
	s26 =	sshrl.u32 s0, $0x1F;
	v42 =	vsel vm8, s30, v42;
	s31 =	sshra.s32 s0, $0x6;
	v40 =	vsel vm4, s29, v40  }
0x4c4: {  	v41 =	vsel vm2, s9, v41;
	s23 =	sshra.s32 s3, $0x1F;
	s18 =	sshrl.u32 s3, $0x1F;
	s0 =	sshra.s32 s0, $0x1F;
	v42 =	vsel vm2, s26, v42;
	v40 =	vsel vm2, s31, v40  }
0x4c5: {  	v41 =	vsel vm3, s24, v41;
	s11 =	sadd.s32 s11, s17;
	s17 =	sadd.s32 s22, s13;
	v42 =	vsel vm3, s18, v42;
	s18 =	sshra.s32 s3, $0x6;
	v40 =	vsel vm13, s0, v40  }
0x4c6: {  	v41 =	vcombine.low v43, v41;
	v61 =	vmov s28;
	s9 =	sshrl.u32 s11, $0x1F;
	s30 =	smulhi.u32 $0x2AAAAAAB, s12;
	s12 =	sshra.s32 s12, $0x1F;
	v40 =	vsel vm3, s18, v40  }
0x4c7: {  	s25 =	sshra.s32 s11, $0x6;
	vm5 =	vcmask $0x2B28;
	s12 =	smul.u32 $0x2AAAAAAB, s12;
	vm4 =	vcmask $0x3330;
	s26 =	sshra.s32 s14, $0x6;
	v40 =	vsel vm14, s23, v40  }
0x4c8: {  	s2 =	sshra.s32 s2, $0x6;
	s22 =	sshrl.u32 s17, $0x1F;
	s29 =	sshra.s32 s11, $0x1F;
	v60 =	vmov s26;
	v42 =	vsel vm7, s9, v42;
	v40 =	vsel vm7, s25, v40  }
0x4c9: {  	s31 =	sshra.s32 s17, $0x6;
	s12 =	sadd.s32 s12, s30;
	s30 =	sshra.s32 s16, $0x6;
	v43 =	vsel vm8, s1, v60;
	v42 =	vsel vm5, s22, v42;
	v40 =	vsel vm15, s29, v40  }
0x4ca: {  	s5 =	sshra.s32 s17, $0x1F;
	s3 =	sshra.s32 s21, $0x6;
	s24 =	sshrl.u32 s12, $0x1F;
	v44 =	vsel vm8, s30, v61;
	v43 =	vsel vm2, s2, v43;
	v40 =	vsel vm5, s31, v40  }
0x4cb: {  	s8 =	sshra.s32 s4, $0x6;
	s9 =	sshra.s32 s6, $0x6;
	s11 =	sshra.s32 s12, $0x6;
	v42 =	vsel vm4, s24, v42;
	v44 =	vsel vm2, s3, v44;
	v40 =	vsel vm11, s5, v40  }
0x4cc: {  	s13 =	sshrl.u32 s7, $0x1F;
	s14 =	sshra.s32 s12, $0x1F;
	v43 =	vsel vm3, s8, v43;
	v44 =	vsel vm3, s9, v44;
	v40 =	vsel vm4, s11, v40  }
0x4cd: {  	s15 =	sshra.s32 s7, $0x6;
	v42 =	vsel vm12, s13, v42;
	v43 =	vcombine.low v44, v43;
	v40 =	vsel vm0, s14, v40  }
0x4ce: {  	v41 =	vperm.xlane v41, v10;
	v42 =	vperm.xlane v42, v11;
	v40 =	vsel vm12, s15, v40  }
0x4cf: {  	v43 =	vperm.xlane v43, v10;
	v40 =	vperm.xlane v40, v11;
	_ =	sdelay $0x1  }
0x4d0: {  	v62 =	vand.u32 $0x7F, v39;
	v41 =	vsel vm1, v42, v41;
	v40 =	vsel vm1, v40, v43  }
0x4d1: {  	v63 =	vor.u32 v27, v62;
	v40 =	vadd.s32 v41, v40  }
0x4d2: {  	v41 =	vmul.u32 $0xFFFFFE80, v40;
	_ =	sdelay $0x1  }
0x4d3: {  	v41 =	vadd.s32 v39, v41  }
0x4d4: {  	vm9 =	vlt.s32 v39, $0x1;
	s16 =	simm.s32 $0x7300;
	vm10 =	vne.s32 v41, $0x0  }
0x4d5: {  	s17 =	simm.s32 $0xAB00;
	v48 =	vld.idx.msk [tilespmem:v63+s16+$0x0], $0xffff;
	vm9 =	vmand vm9, vm10  }
0x4d6: {  	v49 =	vld.idx.msk [tilespmem:v63+s17+$0x0], $0xffff;
	v50 =	vsel vm9, $0xFFFFFFFF, v4  }
0x4d7: {  	v51 =	vadd.s32 $0x180, v41;
	vm9 =	vlt.s32 v41, $0x0;
	v40 =	vadd.s32 v50, v40  }
0x4d8: {  	s18 =	simm.s32 $0xE300;
	v41 =	vsel vm9, v51, v41;
	v40 =	vcvt.s32.f32 v40  }
0x4d9: {  	v42 =	vld.idx.msk [tilespmem:v63+s18+$0x0], $0xffff;
	v41 =	vcvt.s32.f32 v41  }
0x4da: {  	v39 =	vadd.f32 v40, v48  }
0x4db: {  	s20 =	simm.s32 $0x11B00;
	v52 =	vadd.f32 v41, v49  }
0x4dc: {  	[tilespmem:v28+s20+$0x0] =	vst.idx.msk $0xffff, v39  }
0x4dd: {  	[tilespmem:v29+s20+$0x0] =	vst.idx.msk $0xffff, v52  }
0x4de: {  	[tilespmem:v30+s20+$0x0] =	vst.idx.msk $0xffff, v42  }
0x4df: {  	v39 =	vld [tilespmem:$0x7250];
	_ =	sdelay $0x4  }
0x4e0: {  	(v2sf) =	vpush v39, $0xD;
	_ =	sdelay $0x1  }
0x4e1: {  	(v2sf) =	vpush v39, $0xC;
	_ =	sdelay $0x1  }
0x4e2: {  	(v2sf) =	vpush v39, $0xE;
	_ =	sdelay $0x1  }
0x4e3: {  	(v2sf) =	vpush v39, $0xF;
	_ =	sdelay $0x1  }
0x4e4: {  	(v2sf) =	vpush v39, $0x9;
	_ =	sdelay $0x1  }
0x4e5: {  	(v2sf) =	vpush v39, $0x8;
	_ =	sdelay $0x1  }
0x4e6: {  	(v2sf) =	vpush v39, $0xA;
	_ =	sdelay $0x1  }
0x4e7: {  	(v2sf) =	vpush v39, $0xB  }
0x4e8: {  	s21 =	spop (v2sf)  }
0x4e9: {  	(v2sf) =	vpush v39, $0x0;
	s22 =	smulhi.u32 $0x2AAAAAAB, s21;
	s0 =	sshra.s32 s21, $0x1F  }
0x4ea: {  	s23 =	spop (v2sf);
	s0 =	smul.u32 $0x2AAAAAAB, s0  }
0x4eb: {  	(v2sf) =	vpush v39, $0x1;
	s24 =	smulhi.u32 $0x2AAAAAAB, s23;
	s2 =	sshra.s32 s23, $0x1F  }
0x4ec: {  	(v2sf) =	vpush v39, $0x2;
	s25 =	spop (v2sf);
	s2 =	smul.u32 $0x2AAAAAAB, s2  }
0x4ed: {  	(v2sf) =	vpush v39, $0x3;
	s26 =	smulhi.u32 $0x2AAAAAAB, s25;
	s4 =	sshra.s32 s25, $0x1F  }
0x4ee: {  	(v2sf) =	vpush v39, $0x4;
	s28 =	spop (v2sf);
	s4 =	smul.u32 $0x2AAAAAAB, s4  }
0x4ef: {  	(v2sf) =	vpush v39, $0x5;
	s29 =	smulhi.u32 $0x2AAAAAAB, s28;
	s6 =	sshra.s32 s28, $0x1F  }
0x4f0: {  	s1 =	sadd.s32 s0, s22;
	s30 =	spop (v2sf);
	(v2sf) =	vpush v39, $0x6;
	s6 =	smul.u32 $0x2AAAAAAB, s6  }
0x4f1: {  	s22 =	sshrl.u32 s1, $0x1F;
	s31 =	smulhi.u32 $0x2AAAAAAB, s30;
	s12 =	sshra.s32 s30, $0x1F;
	(v2sf) =	vpush v39, $0x7  }
0x4f2: {  	s14 =	sadd.s32 s2, s24;
	s13 =	spop (v2sf);
	s7 =	smul.u32 $0x2AAAAAAB, s12  }
0x4f3: {  	s11 =	sshrl.u32 s14, $0x1F;
	s15 =	smulhi.u32 $0x2AAAAAAB, s13;
	s17 =	sshra.s32 s13, $0x1F  }
0x4f4: {  	s2 =	sadd.s32 s4, s26;
	s20 =	spop (v2sf);
	s8 =	smul.u32 $0x2AAAAAAB, s17  }
0x4f5: {  	s9 =	sshrl.u32 s2, $0x1F;
	s21 =	smulhi.u32 $0x2AAAAAAB, s20;
	s25 =	sshra.s32 s20, $0x1F  }
0x4f6: {  	s4 =	sadd.s32 s6, s29;
	s26 =	spop (v2sf);
	s6 =	smul.u32 $0x2AAAAAAB, s25  }
0x4f7: {  	s24 =	sshrl.u32 s4, $0x1F;
	s3 =	smulhi.u32 $0x2AAAAAAB, s26;
	s28 =	sshra.s32 s26, $0x1F  }
0x4f8: {  	s16 =	sadd.s32 s7, s31;
	s29 =	spop (v2sf);
	s7 =	smul.u32 $0x2AAAAAAB, s28  }
0x4f9: {  	s23 =	sshrl.u32 s16, $0x1F;
	s13 =	smulhi.u32 $0x2AAAAAAB, s29;
	s12 =	sshra.s32 s29, $0x1F  }
0x4fa: {  	v54 =	vmov s11;
	s30 =	spop (v2sf);
	s8 =	sadd.s32 s8, s15;
	s31 =	smul.u32 $0x2AAAAAAB, s12  }
0x4fb: {  	v41 =	vsel vm8, s22, v54;
	s17 =	smulhi.u32 $0x2AAAAAAB, s30;
	s15 =	sshra.s32 s30, $0x1F;
	s29 =	spop (v2sf)  }
0x4fc: {  	v41 =	vsel vm2, s9, v41;
	s25 =	sshrl.u32 s8, $0x1F;
	s21 =	sadd.s32 s6, s21;
	s20 =	spop (v2sf)  }
0x4fd: {  	v41 =	vsel vm3, s24, v41;
	s24 =	sshra.s32 s14, $0x6;
	s15 =	smul.u32 $0x2AAAAAAB, s15;
	s26 =	spop (v2sf)  }
0x4fe: {  	s28 =	smulhi.u32 $0x2AAAAAAB, s29;
	s12 =	sshra.s32 s29, $0x1F;
	s29 =	spop (v2sf)  }
0x4ff: {  	s6 =	sadd.s32 s7, s3;
	s0 =	smul.u32 $0x2AAAAAAB, s12;
	s12 =	spop (v2sf)  }
0x500: {  	v56 =	vmov s25;
	s25 =	sshra.s32 s8, $0x6;
	s3 =	smulhi.u32 $0x2AAAAAAB, s20;
	s30 =	spop (v2sf)  }
0x501: {  	s5 =	sadd.s32 s31, s13;
	s31 =	smulhi.u32 $0x2AAAAAAB, s30;
	s7 =	sshra.s32 s30, $0x1F  }
0x502: {  	s15 =	sadd.s32 s15, s17;
	s13 =	sshrl.u32 s5, $0x1F;
	s7 =	smul.u32 $0x2AAAAAAB, s7  }
0x503: {  	v55 =	vmov s13;
	s0 =	sadd.s32 s0, s28;
	s13 =	smulhi.u32 $0x2AAAAAAB, s29;
	s29 =	sshra.s32 s29, $0x1F  }
0x504: {  	s22 =	smul.u32 $0x2AAAAAAB, s29;
	s30 =	sshra.s32 s20, $0x1F;
	s7 =	sadd.s32 s7, s31  }
0x505: {  	s28 =	sshrl.u32 s6, $0x1F;
	s17 =	smul.u32 $0x2AAAAAAB, s30;
	s31 =	sshra.s32 s7, $0x1F  }
0x506: {  	vm9 =	vcmask $0x300;
	s29 =	smulhi.u32 $0x2AAAAAAB, s12;
	s12 =	sshra.s32 s12, $0x1F;
	v53 =	vmov s31;
	s31 =	sshra.s32 s5, $0x6  }
0x507: {  	vm15 =	vmmov vm4;
	s20 =	sshrl.u32 s21, $0x1F;
	s3 =	sadd.s32 s17, s3;
	s5 =	sshra.s32 s5, $0x1F;
	v40 =	vsel vm9, s31, v53  }
0x508: {  	vm4 =	vcmask $0xF0C;
	s17 =	smulhi.u32 $0x2AAAAAAB, s26;
	s26 =	sshra.s32 s26, $0x1F;
	s31 =	sshra.s32 s15, $0x6;
	vm9 =	vcmask $0x300;
	v40 =	vsel vm6, s5, v40  }
0x509: {  	vm0 =	vmmov vm15;
	s30 =	sshrl.u32 s15, $0x1F;
	s11 =	smul.u32 $0x2AAAAAAB, s26;
	s15 =	sshra.s32 s15, $0x1F;
	v42 =	vnsel vm9, $0x0, v55;
	v40 =	vsel vm8, s31, v40  }
0x50a: {  	v57 =	vmov s24;
	s12 =	smul.u32 $0x2AAAAAAB, s12;
	s26 =	sshrl.u32 s0, $0x1F;
	v42 =	vsel vm8, s30, v42;
	s30 =	sshra.s32 s0, $0x6;
	v40 =	vsel vm4, s15, v40  }
0x50b: {  	v43 =	vsel vm8, s23, v56;
	s9 =	sshrl.u32 s3, $0x1F;
	s11 =	sadd.s32 s11, s17;
	s0 =	sshra.s32 s0, $0x1F;
	v42 =	vsel vm2, s26, v42;
	v40 =	vsel vm2, s30, v40  }
0x50c: {  	v58 =	vmov s25;
	s31 =	sshrl.u32 s11, $0x1F;
	s15 =	sshra.s32 s3, $0x6;
	v42 =	vsel vm3, s9, v42;
	s9 =	sadd.s32 s22, s13;
	v40 =	vsel vm13, s0, v40  }
0x50d: {  	v43 =	vsel vm2, s20, v43;
	s12 =	sadd.s32 s12, s29;
	s20 =	sshra.s32 s3, $0x1F;
	v42 =	vsel vm7, s31, v42;
	s17 =	sshrl.u32 s9, $0x1F;
	v40 =	vsel vm3, s15, v40  }
0x50e: {  	v43 =	vsel vm3, s28, v43;
	s23 =	sshra.s32 s11, $0x6;
	s22 =	sshrl.u32 s12, $0x1F;
	v42 =	vsel vm5, s17, v42;
	v40 =	vsel vm14, s20, v40  }
0x50f: {  	s1 =	sshra.s32 s1, $0x6;
	s26 =	sshra.s32 s11, $0x1F;
	v42 =	vsel vm15, s22, v42;
	vm15 =	vcmask $0x2724;
	v40 =	vsel vm7, s23, v40  }
0x510: {  	s28 =	sshra.s32 s16, $0x6;
	v41 =	vcombine.low v43, v41;
	v43 =	vsel vm8, s1, v57;
	s30 =	sshra.s32 s2, $0x6;
	s29 =	sshra.s32 s9, $0x6;
	v40 =	vsel vm15, s26, v40  }
0x511: {  	v44 =	vsel vm8, s28, v58;
	s31 =	sshra.s32 s21, $0x6;
	s3 =	sshra.s32 s9, $0x1F;
	v43 =	vsel vm2, s30, v43;
	v40 =	vsel vm5, s29, v40  }
0x512: {  	s8 =	sshra.s32 s6, $0x6;
	s5 =	sshra.s32 s4, $0x6;
	s9 =	sshra.s32 s12, $0x6;
	vm13 =	vcmask $0x3734;
	v44 =	vsel vm2, s31, v44;
	v40 =	vsel vm11, s3, v40  }
0x513: {  	s11 =	sshrl.u32 s7, $0x1F;
	s13 =	sshra.s32 s12, $0x1F;
	v43 =	vsel vm3, s5, v43;
	v44 =	vsel vm3, s8, v44;
	v40 =	vsel vm0, s9, v40  }
0x514: {  	s14 =	sshra.s32 s7, $0x6;
	v42 =	vsel vm12, s11, v42;
	v43 =	vcombine.low v44, v43;
	v40 =	vsel vm13, s13, v40  }
0x515: {  	v41 =	vperm.xlane v41, v10;
	v42 =	vperm.xlane v42, v11;
	v40 =	vsel vm12, s14, v40  }
0x516: {  	v43 =	vperm.xlane v43, v10;
	v40 =	vperm.xlane v40, v11;
	_ =	sdelay $0x1  }
0x517: {  	v59 =	vand.u32 $0x7F, v39;
	v41 =	vsel vm1, v42, v41;
	v40 =	vsel vm1, v40, v43  }
0x518: {  	v60 =	vor.u32 v31, v59;
	v40 =	vadd.s32 v41, v40  }
0x519: {  	v41 =	vmul.u32 $0xFFFFFE80, v40;
	_ =	sdelay $0x1  }
0x51a: {  	v41 =	vadd.s32 v39, v41  }
0x51b: {  	vm9 =	vlt.s32 v39, $0x1;
	s29 =	simm.s32 $0x7300;
	vm10 =	vne.s32 v41, $0x0  }
0x51c: {  	s31 =	simm.s32 $0xAB00;
	v61 =	vld.idx.msk [tilespmem:v60+s29+$0x0], $0xffff;
	vm9 =	vmand vm9, vm10  }
0x51d: {  	v62 =	vld.idx.msk [tilespmem:v60+s31+$0x0], $0xffff;
	v63 =	vsel vm9, $0xFFFFFFFF, v4  }
0x51e: {  	v48 =	vadd.s32 $0x180, v41;
	vm9 =	vlt.s32 v41, $0x0;
	v40 =	vadd.s32 v63, v40  }
0x51f: {  	s30 =	simm.s32 $0xE300;
	v41 =	vsel vm9, v48, v41;
	v40 =	vcvt.s32.f32 v40  }
0x520: {  	v42 =	vld.idx.msk [tilespmem:v60+s30+$0x0], $0xffff;
	v41 =	vcvt.s32.f32 v41  }
0x521: {  	v39 =	vadd.f32 v40, v61  }
0x522: {  	s18 =	simm.s32 $0x11B00;
	v49 =	vadd.f32 v41, v62  }
0x523: {  	[tilespmem:v32+s18+$0x0] =	vst.idx.msk $0xffff, v39  }
0x524: {  	[tilespmem:v33+s18+$0x0] =	vst.idx.msk $0xffff, v49  }
0x525: {  	[tilespmem:v34+s18+$0x0] =	vst.idx.msk $0xffff, v42  }
0x526: {  	v39 =	vld [tilespmem:$0x7260];
	_ =	sdelay $0x4  }
0x527: {  	(v2sf) =	vpush v39, $0xD;
	_ =	sdelay $0x1  }
0x528: {  	(v2sf) =	vpush v39, $0xC;
	_ =	sdelay $0x1  }
0x529: {  	(v2sf) =	vpush v39, $0xE;
	_ =	sdelay $0x1  }
0x52a: {  	(v2sf) =	vpush v39, $0xF;
	_ =	sdelay $0x1  }
0x52b: {  	(v2sf) =	vpush v39, $0x9;
	_ =	sdelay $0x1  }
0x52c: {  	(v2sf) =	vpush v39, $0x8;
	_ =	sdelay $0x1  }
0x52d: {  	(v2sf) =	vpush v39, $0xA;
	_ =	sdelay $0x1  }
0x52e: {  	(v2sf) =	vpush v39, $0xB  }
0x52f: {  	s15 =	spop (v2sf)  }
0x530: {  	(v2sf) =	vpush v39, $0x0;
	s1 =	smulhi.u32 $0x2AAAAAAB, s15;
	s0 =	sshra.s32 s15, $0x1F  }
0x531: {  	s16 =	spop (v2sf);
	s0 =	smul.u32 $0x2AAAAAAB, s0  }
0x532: {  	(v2sf) =	vpush v39, $0x1;
	s3 =	smulhi.u32 $0x2AAAAAAB, s16;
	s2 =	sshra.s32 s16, $0x1F  }
0x533: {  	s17 =	spop (v2sf);
	s4 =	smul.u32 $0x2AAAAAAB, s2  }
0x534: {  	(v2sf) =	vpush v39, $0x2;
	s5 =	smulhi.u32 $0x2AAAAAAB, s17;
	s2 =	sshra.s32 s17, $0x1F  }
0x535: {  	(v2sf) =	vpush v39, $0x3;
	s20 =	spop (v2sf);
	s6 =	smul.u32 $0x2AAAAAAB, s2  }
0x536: {  	(v2sf) =	vpush v39, $0x4;
	s7 =	smulhi.u32 $0x2AAAAAAB, s20;
	s2 =	sshra.s32 s20, $0x1F  }
0x537: {  	s21 =	spop (v2sf);
	s9 =	smul.u32 $0x2AAAAAAB, s2  }
0x538: {  	(v2sf) =	vpush v39, $0x5;
	s11 =	smulhi.u32 $0x2AAAAAAB, s21;
	s22 =	sshra.s32 s21, $0x1F  }
0x539: {  	(v2sf) =	vpush v39, $0x6;
	s23 =	spop (v2sf);
	s8 =	smul.u32 $0x2AAAAAAB, s22  }
0x53a: {  	(v2sf) =	vpush v39, $0x7;
	s12 =	smulhi.u32 $0x2AAAAAAB, s23;
	s2 =	sshra.s32 s23, $0x1F  }
0x53b: {  	s24 =	spop (v2sf);
	s14 =	smul.u32 $0x2AAAAAAB, s2  }
0x53c: {  	s15 =	smulhi.u32 $0x2AAAAAAB, s24;
	s13 =	sshra.s32 s24, $0x1F  }
0x53d: {  	s25 =	spop (v2sf);
	s13 =	smul.u32 $0x2AAAAAAB, s13  }
0x53e: {  	s20 =	smulhi.u32 $0x2AAAAAAB, s25;
	s2 =	sshra.s32 s25, $0x1F  }
0x53f: {  	s16 =	sadd.s32 s4, s3;
	s26 =	spop (v2sf);
	s22 =	smul.u32 $0x2AAAAAAB, s2  }
0x540: {  	s4 =	sadd.s32 s6, s5;
	s24 =	smulhi.u32 $0x2AAAAAAB, s26;
	s26 =	sshra.s32 s26, $0x1F  }
0x541: {  	s28 =	spop (v2sf);
	s2 =	sadd.s32 s0, s1;
	s26 =	smul.u32 $0x2AAAAAAB, s26  }
0x542: {  	s1 =	sadd.s32 s9, s7;
	s0 =	smulhi.u32 $0x2AAAAAAB, s28;
	s28 =	sshra.s32 s28, $0x1F  }
0x543: {  	s7 =	sadd.s32 s8, s11;
	s3 =	smul.u32 $0x2AAAAAAB, s28;
	s21 =	spop (v2sf)  }
0x544: {  	s23 =	spop (v2sf);
	s5 =	smulhi.u32 $0x2AAAAAAB, s21;
	s21 =	sshra.s32 s21, $0x1F  }
0x545: {  	s11 =	sshrl.u32 s2, $0x1F;
	s25 =	spop (v2sf);
	s9 =	smul.u32 $0x2AAAAAAB, s21  }
0x546: {  	s8 =	smulhi.u32 $0x2AAAAAAB, s23;
	s23 =	sshra.s32 s23, $0x1F;
	s21 =	sadd.s32 s14, s12  }
0x547: {  	s14 =	sadd.s32 s13, s15;
	s17 =	spop (v2sf);
	s12 =	smul.u32 $0x2AAAAAAB, s23  }
0x548: {  	s13 =	smulhi.u32 $0x2AAAAAAB, s25;
	s23 =	sshra.s32 s25, $0x1F;
	s28 =	spop (v2sf)  }
0x549: {  	s6 =	sadd.s32 s22, s20;
	s15 =	smul.u32 $0x2AAAAAAB, s23;
	s25 =	spop (v2sf)  }
0x54a: {  	s22 =	sadd.s32 s26, s24;
	s23 =	smulhi.u32 $0x2AAAAAAB, s25;
	s20 =	sshra.s32 s25, $0x1F  }
0x54b: {  	s24 =	sshrl.u32 s16, $0x1F;
	s0 =	sadd.s32 s3, s0;
	s25 =	smul.u32 $0x2AAAAAAB, s20  }
0x54c: {  	v51 =	vmov s24;
	s24 =	sshrl.u32 s21, $0x1F;
	s5 =	sadd.s32 s9, s5;
	s9 =	sshrl.u32 s1, $0x1F  }
0x54d: {  	s3 =	smulhi.u32 $0x2AAAAAAB, s17;
	s12 =	sadd.s32 s12, s8;
	s8 =	sadd.s32 s25, s23  }
0x54e: {  	s17 =	sshra.s32 s17, $0x1F;
	s13 =	sadd.s32 s15, s13;
	s25 =	sshra.s32 s8, $0x1F  }
0x54f: {  	vm9 =	vcmask $0x300;
	s15 =	smul.u32 $0x2AAAAAAB, s17;
	s17 =	sshrl.u32 s0, $0x1F;
	v50 =	vmov s25;
	s25 =	sshra.s32 s22, $0x6  }
0x550: {  	v41 =	vsel vm8, s11, v51;
	v53 =	vmov s24;
	s20 =	sshrl.u32 s4, $0x1F;
	v40 =	vsel vm9, s25, v50;
	s25 =	sshrl.u32 s22, $0x1F;
	s22 =	sshra.s32 s22, $0x1F  }
0x551: {  	s3 =	sadd.s32 s15, s3;
	v41 =	vsel vm2, s20, v41;
	s15 =	smulhi.u32 $0x2AAAAAAB, s28;
	v52 =	vmov s25;
	v40 =	vsel vm6, s22, v40;
	s25 =	sshra.s32 s0, $0x6  }
0x552: {  	s28 =	sshra.s32 s28, $0x1F;
	s23 =	sshrl.u32 s7, $0x1F;
	v41 =	vsel vm3, s9, v41;
	vm9 =	vcmask $0x300;
	s0 =	sshra.s32 s0, $0x1F;
	v40 =	vsel vm8, s25, v40  }
0x553: {  	s11 =	sshrl.u32 s5, $0x1F;
	s20 =	smul.u32 $0x2AAAAAAB, s28;
	v43 =	vsel vm8, s23, v53;
	s22 =	sshra.s32 s5, $0x6;
	v42 =	vnsel vm9, $0x0, v52;
	v40 =	vsel vm4, s0, v40  }
0x554: {  	s28 =	sshrl.u32 s12, $0x1F;
	s5 =	sshra.s32 s5, $0x1F;
	s25 =	sshrl.u32 s14, $0x1F;
	v42 =	vsel vm8, s17, v42;
	vm4 =	vcmask $0x1714;
	v40 =	vsel vm2, s22, v40  }
0x555: {  	s0 =	sadd.s32 s20, s15;
	s20 =	sshra.s32 s12, $0x6;
	v43 =	vsel vm2, s25, v43;
	s15 =	sshra.s32 s21, $0x6;
	v42 =	vsel vm2, s11, v42;
	v40 =	vsel vm4, s5, v40  }
0x556: {  	s24 =	sshra.s32 s12, $0x1F;
	s17 =	sshrl.u32 s13, $0x1F;
	s22 =	sshrl.u32 s6, $0x1F;
	v55 =	vmov s15;
	v42 =	vsel vm3, s28, v42;
	v40 =	vsel vm3, s20, v40  }
0x557: {  	s12 =	sshra.s32 s13, $0x6;
	v43 =	vsel vm3, s22, v43;
	s28 =	sshra.s32 s16, $0x6;
	v42 =	vsel vm7, s17, v42;
	v40 =	vsel vm14, s24, v40  }
0x558: {  	s2 =	sshra.s32 s2, $0x6;
	s23 =	sshrl.u32 s3, $0x1F;
	s16 =	sshra.s32 s13, $0x1F;
	v54 =	vmov s28;
	v41 =	vcombine.low v43, v41;
	v40 =	vsel vm7, s12, v40  }
0x559: {  	s21 =	sshra.s32 s3, $0x6;
	s25 =	sshrl.u32 s0, $0x1F;
	s20 =	sshra.s32 s7, $0x6;
	v42 =	vsel vm5, s23, v42;
	v44 =	vsel vm8, s2, v54;
	v40 =	vsel vm15, s16, v40  }
0x55a: {  	s3 =	sshra.s32 s3, $0x1F;
	s22 =	sshra.s32 s14, $0x6;
	s17 =	sshra.s32 s4, $0x6;
	v45 =	vsel vm8, s20, v55;
	v42 =	vsel vm0, s25, v42;
	v40 =	vsel vm5, s21, v40  }
0x55b: {  	s1 =	sshra.s32 s1, $0x6;
	s23 =	sshra.s32 s6, $0x6;
	s24 =	sshra.s32 s0, $0x6;
	v44 =	vsel vm2, s17, v44;
	v45 =	vsel vm2, s22, v45;
	v40 =	vsel vm11, s3, v40  }
0x55c: {  	s0 =	sshra.s32 s0, $0x1F;
	s25 =	sshrl.u32 s8, $0x1F;
	v44 =	vsel vm3, s1, v44;
	v45 =	vsel vm3, s23, v45;
	v40 =	vsel vm0, s24, v40  }
0x55d: {  	s28 =	sshra.s32 s8, $0x6;
	v42 =	vsel vm12, s25, v42;
	v56 =	vcombine.low v45, v44;
	v40 =	vsel vm13, s0, v40  }
0x55e: {  	v41 =	vperm.xlane v41, v10;
	v42 =	vperm.xlane v42, v11;
	v40 =	vsel vm12, s28, v40  }
0x55f: {  	v43 =	vperm.xlane v56, v10;
	v40 =	vperm.xlane v40, v11;
	_ =	sdelay $0x1  }
0x560: {  	v57 =	vand.u32 $0x7F, v39;
	v41 =	vsel vm1, v42, v41;
	v40 =	vsel vm1, v40, v43  }
0x561: {  	v58 =	vor.u32 v35, v57;
	v40 =	vadd.s32 v41, v40  }
0x562: {  	v41 =	vmul.u32 $0xFFFFFE80, v40;
	_ =	sdelay $0x1  }
0x563: {  	v41 =	vadd.s32 v39, v41  }
0x564: {  	vm9 =	vlt.s32 v39, $0x1;
	vm10 =	vne.s32 v41, $0x0  }
0x565: {  	v59 =	vld.idx.msk [tilespmem:v58+s29+$0x0], $0xffff;
	vm9 =	vmand vm9, vm10  }
0x566: {  	v60 =	vld.idx.msk [tilespmem:v58+s31+$0x0], $0xffff;
	v61 =	vsel vm9, $0xFFFFFFFF, v4  }
0x567: {  	v62 =	vadd.s32 $0x180, v41;
	vm9 =	vlt.s32 v41, $0x0;
	v40 =	vadd.s32 v61, v40  }
0x568: {  	v41 =	vsel vm9, v62, v41;
	v40 =	vcvt.s32.f32 v40  }
0x569: {  	v42 =	vld.idx.msk [tilespmem:v58+s30+$0x0], $0xffff;
	v41 =	vcvt.s32.f32 v41  }
0x56a: {  	v39 =	vadd.f32 v40, v59  }
0x56b: {  	v63 =	vadd.f32 v41, v60  }
0x56c: {  	[tilespmem:v36+s18+$0x0] =	vst.idx.msk $0xffff, v39  }
0x56d: {  	[tilespmem:v37+s18+$0x0] =	vst.idx.msk $0xffff, v63  }
0x56e: {  	s29 =	rddreg [dreg:$0xe];
	s31 =	simm.s32 $0x200;
	s30 =	simm.s32 $0x80;
	[tilespmem:v38+s18+$0x0] =	vst.idx.msk $0xffff, v42  }
0x56f: {  	[hbm4b:s29+s30] =	stream.strided.scatter [tilespmem:s18], [sflag:$0x2], $0x200, s31, s30, $0x38;
	[tilespmem:$0x12080] =	vst v63  }
0x570: {  	s18 =	simm.s32 $0x2  }
0x571: {  	_ =	swait.ge [sflag:s18], $0x200  }
0x572: {  	s15 =	rddreg [dreg:$0x6]  }
0x573: {  	s26 =	simm.s32 $0x7200;
	s11 =	rddreg [dreg:$0xb]  }
0x574: {  	s20 =	simm.s32 $0x4400;
	[sflag:s18] =	ssyncset.done $0x0;
	s17 =	rddreg [dreg:$0xc]  }
0x575: {  	s23 =	simm.s32 $0x4480;
	s13 =	rddreg [dreg:$0xd];
	[sflag:s18] =	ssyncadd.s32 $0xFFFFFE00  }
0x576: {  	s25 =	simm.s32 $0x4880;
	vm0 =	vcmask $0x300;
	s24 =	simm.s32 $0x4680;
	s12 =	rddreg [dreg:$0x3]  }
.LBB2_25:
0x577: {  	[bflag:$0x0] =	sbarrier.arrive $0xFFFF;
	s1 =	simm.s32 $0x40;
	s2 =	simm.s32 $0x0  }
.LBB2_26:
0x578: {  	p1 =	sne.s32 s1, $0x7FC0;
	[tilespmem:s2+$0x2400] =	vst v4;
	s0 =	smov.u32 s1;
	s1 =	sadd.s32 $0x40, s1  }
.Ltmp19:
0x579: {  	(pc) =	sbr.rel @p1 .LBB2_26-.Ltmp19, $2  }
0x57a: {  	_ =	sdelay $0x2  }
0x57b: {  	s2 =	sshra.s32 s0, $0x2  }
0x57c: {  	[tilespmem:s2+$0x2400] =	vst v4;
	s0 =	simm.s32 @!p0 $0x2400  }
0x57d: {  	[spmem:s12] =	stream.linear.scatter @!p0 [tilespmem:s0], [sflag:$0x2], $0x2000, $0x38;
	[tilespmem:$0x12080] =	vst v63  }
0x57e: {  	s0 =	simm.s32 @!p0 $0x2  }
0x57f: {  	_ =	swait.ge @!p0 [sflag:s0], $0x2000  }
0x580: {  	[sflag:s0] =	ssyncset.done @!p0 $0x0  }
0x581: {  	s29 =	simm.s32 $0x0;
	s1 =	rddreg [dreg:$0xf];
	[sflag:s0] =	ssyncadd.s32 @!p0 $0xFFFFE000  }
0x582: {  	[tilespmem:s29], [sflag:$0x2] =	stream.linear.gather [hbm4b:s1+s29], $0x2400, $0x38;
	[tilespmem:$0x12080] =	vst v63  }
0x583: {  	_ =	swait.ge [sflag:s18], $0x2400  }
0x584: {  	s30 =	sand.u32 $0xFE00, s29;
	[sflag:s18] =	ssyncset.done $0x0  }
0x585: {  	s0 =	sand.u32 $0x70, s29;
	s1 =	sshrl.u32 s30, $0x2;
	[sflag:s18] =	ssyncadd.s32 $0xFFFFDC00  }
0x586: {  	s0 =	sor.u32 s0, s1;
	[bflag:$0x0] =	sbarrier.arrive $0xFFFF  }
0x587: {  	v39 =	vld [tilespmem:s0+$0x0];
	_ =	sdelay $0x4  }
0x588: {  	v39 =	vshrl.u32 v39, $0x13;
	_ =	sdelay $0x1  }
0x589: {  	s31 =	simm.s32 $0x40  }
0x58a: {  	s2 =	simm.s32 $0x80;
	s4 =	sand.u32 $0xFE00, s31;
	s1 =	simm.s32 $0x10  }
.LBB2_28:
0x58b: {  	p1 =	sne.s32 s2, $0x8FC0;
	s0 =	sand.u32 $0x70, s1;
	s3 =	sshrl.u32 s4, $0x2  }
0x58c: {  	s0 =	sor.u32 s0, s3;
	[tilespmem:v39+s19+$0x0] =	vst.idx.add.s32.msk $0xffff, v5  }
0x58d: {  	v39 =	vld [tilespmem:s0+$0x0];
	_ =	sdelay $0x3  }
.Ltmp20:
0x58e: {  	(pc) =	sbr.rel @p1 .LBB2_28-.Ltmp20, $2  }
0x58f: {  	v39 =	vshrl.u32 v39, $0x13;
	_ =	sdelay $0x2  }
0x590: {  	s4 =	sand.u32 $0xFE00, s2;
	s2 =	sadd.s32 $0x40, s2;
	s1 =	sadd.s32 $0x10, s1  }
0x591: {  	_ =	sdelay $0x2  }
0x592: {  	s0 =	sand.u32 $0x70, s1;
	s29 =	sshrl.u32 s4, $0x2  }
0x593: {  	[tilespmem:v39+s19+$0x0] =	vst.idx.add.s32.msk $0xffff, v5;
	s0 =	sor.u32 s0, s29  }
0x594: {  	v39 =	vld [tilespmem:s0+$0x0];
	_ =	sdelay $0x4  }
0x595: {  	v39 =	vshrl.u32 v39, $0x13;
	_ =	sdelay $0x4  }
0x596: {  	s30 =	simm.s32 $0x1;
	[tilespmem:v39+s19+$0x0] =	vst.idx.add.s32.msk $0xffff, v5  }
0x597: {  	[spmem:s12] =	stream.indirect.scatter.add.s32 [tilespmem:s19], [sflag:$0x2], $0x2000, s20, s30, $0xb8;
	[tilespmem:$0x12080] =	vst v63  }
0x598: {  	_ =	swait.ge [sflag:s18], $0x2000  }
0x599: {  	[sflag:s18] =	ssyncset.done $0x0  }
0x59a: {  	[sflag:s18] =	ssyncadd.s32 $0xFFFFE000  }
0x59b: {  	[bflag:$0x0] =	sbarrier.arrive $0xFFFF  }
0x59c: {  	[tilespmem:s19], [sflag:$0x2] =	stream.linear.gather [spmem:s12], $0x2000, $0x38;
	[tilespmem:$0x12080] =	vst v63  }
0x59d: {  	_ =	swait.ge [sflag:s18], $0x2000  }
0x59e: {  	[sflag:s18] =	ssyncset.done $0x0  }
0x59f: {  	s31 =	simm.s32 $0x43F0;
	[sflag:s18] =	ssyncadd.s32 $0xFFFFE000  }
0x5a0: {  	v57 =	vld [tilespmem:s31+$0x0]  }
0x5a1: {  	s1 =	simm.s32 $0x43E0  }
0x5a2: {  	v40 =	vld [tilespmem:s1+$0x0];
	_ =	sdelay $0x2  }
0x5a3: {  	v39 =	vperm.xlane v57, v6;
	_ =	sdelay $0x1  }
0x5a4: {  	v58 =	vperm.xlane v40, v6;
	(xrf0) =	vadd.scan.msk.s32 $0xffff, v39;
	_ =	sdelay $0x1  }
0x5a5: {  	(xrf0) =	vadd.scan.msk.s32 $0xffff, v58;
	_ =	sdelay $0x2  }
0x5a6: {  	s2 =	simm.s32 $0x43D0  }
0x5a7: {  	s3 =	simm.s32 $0x43C0;
	v41 =	vld [tilespmem:s2+$0x0];
	v61, _, _ =	vpop (xrf0)  }
0x5a8: {  	v60 =	vld [tilespmem:s3+$0x0];
	(v2sf) =	vpush v61, $0xF  }
0x5a9: {  	v62, _, _ =	vpop (xrf0)  }
0x5aa: {  	(v2sf) =	vpush v62, $0xF;
	_ =	sdelay $0x1  }
0x5ab: {  	v59 =	vperm.xlane v41, v6  }
0x5ac: {  	v40 =	vperm.xlane v60, v6  }
0x5ad: {  	(xrf0) =	vadd.scan.msk.s32 $0xffff, v59  }
0x5ae: {  	(xrf0) =	vadd.scan.msk.s32 $0xffff, v40;
	v39 =	vperm.xlane v61, v6  }
0x5af: {  	s4 =	simm.s32 $0x0  }
0x5b0: {  	s5 =	simm.s32 $0x1FF0;
	v39 =	vadd.s32 s4, v39  }
0x5b1: {  	v42 =	vor.u32 s5, v7;
	vm9 =	vgt.s32 v39, $0x63  }
0x5b2: {  	s6 =	simm.s32 $0x43B0;
	v39 =	vnsel vm9, $0x7FFFFFFF, v42  }
0x5b3: {  	s7 =	simm.s32 $0x43A0;
	v49 =	vld [tilespmem:s6+$0x0];
	v63, _, _ =	vpop (xrf0);
	(xrf0) =	vmax.scan.msk.u32 $0xffff, v39  }
0x5b4: {  	v50 =	vld [tilespmem:s7+$0x0];
	(v2sf) =	vpush v63, $0xF;
	v48, _, _ =	vpop (xrf0)  }
0x5b5: {  	(v2sf) =	vpush v48, $0xF  }
0x5b6: {  	v41 =	vperm.xlane v62, v6;
	s8 =	spop (v2sf)  }
0x5b7: {  	s0 =	sadd.s32 $0x0, s8  }
0x5b8: {  	s14 =	simm.s32 $0x1FE0;
	v40 =	vperm.xlane v63, v6;
	v42 =	vperm.xlane v49, v6;
	s2 =	spop (v2sf);
	v41 =	vadd.s32 s0, v41  }
0x5b9: {  	v51 =	vor.u32 s14, v7;
	v52 =	vperm.xlane v50, v6;
	v43, _, _ =	vpop (xrf0);
	s0 =	sadd.s32 s0, s2;
	vm9 =	vgt.s32 v41, $0x63  }
0x5ba: {  	s9 =	simm.s32 $0x4390;
	s16 =	simm.s32 $0x1FD0;
	(xrf0) =	vadd.scan.msk.s32 $0xffff, v42;
	(v2sf) =	vpush v43, $0xF;
	v40 =	vadd.s32 s0, v40;
	v41 =	vnsel vm9, $0x7FFFFFFF, v51  }
0x5bb: {  	v53 =	vor.u32 s16, v7;
	v44 =	vld [tilespmem:s9+$0x0];
	vm9 =	vgt.s32 v40, $0x63;
	(xrf0) =	vmax.scan.msk.u32 $0xffff, v41  }
0x5bc: {  	v40 =	vnsel vm9, $0x7FFFFFFF, v53;
	(xrf0) =	vadd.scan.msk.s32 $0xffff, v52  }
0x5bd: {  	(xrf0) =	vmax.scan.msk.u32 $0xffff, v40;
	_ =	sdelay $0x2  }
0x5be: {  	v54 =	vperm.xlane v44, v6;
	v57, _, _ =	vpop (xrf0)  }
0x5bf: {  	(v2sf) =	vpush v57, $0xF;
	v59, _, _ =	vpop (xrf0)  }
0x5c0: {  	(xrf0) =	vadd.scan.msk.s32 $0xffff, v54;
	v60, _, _ =	vpop (xrf0);
	(v2sf) =	vpush v59, $0xF  }
0x5c1: {  	s21 =	spop (v2sf);
	(v2sf) =	vpush v60, $0xF;
	v61, _, _ =	vpop (xrf0)  }
0x5c2: {  	s29 =	spop (v2sf);
	(v2sf) =	vpush v61, $0xF  }
0x5c3: {  	v39 =	vperm.xlane v48, v6  }
0x5c4: {  	s0 =	sadd.s32 s0, s21  }
0x5c5: {  	s22 =	simm.s32 $0x1FC0;
	s28 =	simm.s32 $0x4380;
	v39 =	vadd.s32 s0, v39  }
0x5c6: {  	v56 =	vor.u32 s22, v7;
	v55 =	vld [tilespmem:s28+$0x0];
	vm9 =	vgt.s32 v39, $0x63;
	v63, _, _ =	vpop (xrf0)  }
0x5c7: {  	v39 =	vnsel vm9, $0x7FFFFFFF, v56;
	s31 =	spop (v2sf);
	(v2sf) =	vpush v63, $0xF  }
0x5c8: {  	(xrf0) =	vmax.scan.msk.u32 $0xffff, v39  }
0x5c9: {  	v58 =	vperm.xlane v57, v6  }
0x5ca: {  	s8 =	sadd.s32 s0, s29  }
0x5cb: {  	s30 =	simm.s32 $0x1FB0;
	s9 =	simm.s32 $0x4370;
	v40 =	vperm.xlane v55, v6;
	v39 =	vadd.s32 s8, v58  }
0x5cc: {  	s14 =	simm.s32 $0x1FA0;
	s16 =	simm.s32 $0x1F60;
	v62 =	vor.u32 s30, v7;
	v41 =	vld [tilespmem:s9+$0x0];
	vm9 =	vgt.s32 v39, $0x63  }
0x5cd: {  	s1 =	simm.s32 $0xFFFFFFFF;
	s6 =	simm.s32 $0x1F80;
	(xrf0) =	vadd.scan.msk.s32 $0xffff, v40;
	v43 =	vnsel vm9, $0x7FFFFFFF, v62;
	s7 =	sxor.u32 $0x80000000, s31  }
0x5ce: {  	s4 =	simm.s32 $0x1F90;
	s2 =	simm.s32 $0x1F70;
	(xrf0) =	vmax.scan.msk.u32 $0xffff, v43;
	v40 =	vperm.xlane v60, v6;
	p1 =	slt.s32 s7, $0xFFFFFFFF;
	v39 =	vperm.xlane v63, v6;
	v42, _, _ =	vpop (xrf0)  }
.LBB2_30:
0x5cf: {  	s0 =	smov.u32 s1  }
0x5d0: {  	s9 =	sadd.s32 $0xFFFFFFF0, s9;
	s1 =	smov.u32 s7;
	p2 =	sne.s32 s16, $0x0  }
0x5d1: {  	v43 =	vperm.xlane v41, v6;
	s3 =	spop (v2sf);
	(v2sf) =	vpush v42, $0xF;
	s1 =	smov.u32 @p1 s0;
	s0 =	smov.u32 s16  }
.Ltmp21:
0x5d2: {  	s5 =	sadd.s32 $0xFFFFFFF0, s16;
	v41 =	vld [tilespmem:s9+$0x0];
	s8 =	sadd.s32 s8, s3;
	(pc) =	sbr.rel @p2 .LBB2_30-.Ltmp21, $4  }
0x5d3: {  	v44 =	vor.u32 s14, v7;
	s14 =	smov.u32 s4;
	s4 =	smov.u32 s6;
	(xrf0) =	vadd.scan.msk.s32 $0xffff, v43;
	v42, _, _ =	vpop (xrf0);
	v43 =	vadd.s32 s8, v40;
	v40 =	vmov v39  }
0x5d4: {  	s6 =	smov.u32 s2;
	s2 =	smov.u32 s0;
	v39 =	vperm.xlane v42, v6;
	(v2sf) =	vpush v42, $0xF;
	vm9 =	vgt.s32 v43, $0x63;
	s3 =	spop (v2sf)  }
0x5d5: {  	v43 =	vnsel vm9, $0x7FFFFFFF, v44;
	s7 =	sxor.u32 $0x80000000, s3  }
0x5d6: {  	s16 =	smov.u32 s5;
	(xrf0) =	vmax.scan.msk.u32 $0xffff, v43;
	v42, _, _ =	vpop (xrf0);
	p1 =	sgt.s32 s1, s7  }
0x5d7: {  	_ =	sdelay $0x1  }
0x5d8: {  	(v2sf) =	vpush v42, $0xF;
	v48, _, _ =	vpop (xrf0)  }
0x5d9: {  	(v2sf) =	vpush v48, $0xF;
	_ =	sdelay $0x5  }
0x5da: {  	v41 =	vperm.xlane v41, v6;
	_ =	sdelay $0x1  }
0x5db: {  	s0 =	spop (v2sf);
	(xrf0) =	vadd.scan.msk.s32 $0xffff, v41  }
0x5dc: {  	s0 =	sadd.s32 s8, s0  }
0x5dd: {  	s3 =	spop (v2sf);
	v40 =	vadd.s32 s0, v40  }
0x5de: {  	v49 =	vor.u32 s14, v7;
	s5 =	spop (v2sf);
	vm9 =	vgt.s32 v40, $0x63  }
0x5df: {  	s0 =	sadd.s32 s0, s5;
	v40 =	vnsel vm9, $0x7FFFFFFF, v49;
	s28 =	spop (v2sf)  }
0x5e0: {  	v50 =	vperm.xlane v48, v6;
	v39 =	vadd.s32 s0, v39;
	(xrf0) =	vmax.scan.msk.u32 $0xffff, v40;
	v51, _, _ =	vpop (xrf0);
	s29 =	spop (v2sf)  }
0x5e1: {  	v52 =	vor.u32 s4, v7;
	vm9 =	vgt.s32 v39, $0x63;
	v53, _, _ =	vpop (xrf0);
	s0 =	sadd.s32 s0, s29;
	s30 =	spop (v2sf)  }
0x5e2: {  	v42 =	vnsel vm9, $0x7FFFFFFF, v52;
	v43 =	vperm.xlane v53, v6;
	v41 =	vadd.s32 s0, v50;
	s31 =	spop (v2sf)  }
0x5e3: {  	v54 =	vor.u32 s6, v7;
	(xrf0) =	vmax.scan.msk.u32 $0xffff, v42;
	vm9 =	vgt.s32 v41, $0x63;
	s0 =	sadd.s32 s0, s31  }
0x5e4: {  	v41 =	vnsel vm9, $0x7FFFFFFF, v54;
	v55 =	vadd.s32 s0, v43  }
0x5e5: {  	v56 =	vor.u32 s2, v7;
	(v2sf) =	vpush v51, $0xF;
	(xrf0) =	vmax.scan.msk.u32 $0xffff, v41;
	vm9 =	vgt.s32 v55, $0x63  }
0x5e6: {  	(v2sf) =	vpush v53, $0xF;
	v57, _, _ =	vpop (xrf0);
	v40 =	vnsel vm9, $0x7FFFFFFF, v56  }
0x5e7: {  	(v2sf) =	vpush v57, $0xF;
	(xrf0) =	vmax.scan.msk.u32 $0xffff, v40;
	_ =	sdelay $0x1  }
0x5e8: {  	v58, _, _ =	vpop (xrf0)  }
0x5e9: {  	(v2sf) =	vpush v58, $0xF  }
0x5ea: {  	v59, _, _ =	vpop (xrf0)  }
0x5eb: {  	(v2sf) =	vpush v59, $0xF  }
0x5ec: {  	v60, _, _ =	vpop (xrf0)  }
0x5ed: {  	(v2sf) =	vpush v60, $0xF  }
0x5ee: {  	s7 =	smov.u32 @p1 s1;
	s0 =	sxor.u32 $0x80000000, s3  }
0x5ef: {  	p1 =	sgt.s32 s7, s0  }
0x5f0: {  	s1 =	sxor.u32 $0x80000000, s28;
	s0 =	smov.u32 @p1 s7  }
0x5f1: {  	p1 =	sgt.s32 s0, s1  }
0x5f2: {  	s1 =	smov.u32 @p1 s0;
	s0 =	sxor.u32 $0x80000000, s30  }
0x5f3: {  	s9 =	spop (v2sf);
	p1 =	sgt.s32 s1, s0  }
0x5f4: {  	s14 =	spop (v2sf);
	s0 =	smov.u32 @p1 s1;
	s1 =	sxor.u32 $0x80000000, s9  }
0x5f5: {  	p1 =	sgt.s32 s0, s1;
	s2 =	spop (v2sf)  }
0x5f6: {  	s1 =	smov.u32 @p1 s0;
	s0 =	sxor.u32 $0x80000000, s2  }
0x5f7: {  	p1 =	sgt.s32 s1, s0  }
0x5f8: {  	s16 =	spop (v2sf);
	s0 =	smov.u32 @p1 s1;
	s1 =	simm.s32 $0x0  }
0x5f9: {  	s2 =	sxor.u32 $0x80000000, s16;
	s22 =	sand.u32 $0xFE00, s1  }
0x5fa: {  	s28 =	sand.u32 $0x70, s1;
	p1 =	sgt.s32 s0, s2;
	s21 =	spop (v2sf)  }
0x5fb: {  	s3 =	sshrl.u32 s22, $0x2;
	s2 =	smov.u32 @p1 s0;
	s0 =	sxor.u32 $0x80000000, s21  }
0x5fc: {  	s3 =	sor.u32 s28, s3;
	p1 =	sgt.s32 s2, s0;
	s29 =	spop (v2sf)  }
0x5fd: {  	v61 =	vld [tilespmem:s3+$0x0];
	s0 =	smov.u32 @p1 s2;
	s2 =	sxor.u32 $0x80000000, s29  }
0x5fe: {  	p1 =	sgt.s32 s0, s2  }
0x5ff: {  	s2 =	smov.u32 @p1 s0  }
0x600: {  	s0 =	sshll.u32 s2, $0x13  }
0x601: {  	v39 =	vmov s0  }
0x602: {  	vm9 =	vle.s32 v39, v61  }
0x603: {  	v62 =	vmpcnt.ones.xlane vm9;
	_ =	sdelay $0x1  }
0x604: {  	(v2sf) =	vpush v62, $0x0;
	_ =	sdelay $0x2  }
0x605: {  	s30 =	sadd.s32 $0x0, s10  }
0x606: {  	s31 =	simm.s32 $0x40;
	v63 =	vor.u32 s30, v0;
	[tilespmem:s1+$0x4480] =	vst.msk vm9, v61  }
0x607: {  	s4 =	simm.s32 $0x80;
	s6 =	sand.u32 $0xFE00, s31;
	s2 =	simm.s32 $0x10;
	[tilespmem:s1+$0x4680] =	vst.msk vm9, v63  }
.LBB2_32:
0x608: {  	p1 =	sne.s32 s4, $0x8FC0;
	s0 =	sand.u32 $0x70, s2;
	s3 =	sshrl.u32 s6, $0x2  }
0x609: {  	s0 =	sor.u32 s0, s3  }
0x60a: {  	v40 =	vld [tilespmem:s0+$0x0];
	_ =	sdelay $0x4  }
0x60b: {  	vm9 =	vle.s32 v39, v40  }
0x60c: {  	v41 =	vmpcnt.ones.xlane vm9  }
0x60d: {  	s0 =	spop (v2sf)  }
0x60e: {  	(v2sf) =	vpush v41, $0x0;
	s1 =	sadd.s32 s1, s0  }
.Ltmp22:
0x60f: {  	p2 =	slt.s32 s1, $0x1F0;
	(pc) =	sbr.rel @p1 .LBB2_32-.Ltmp22, $4  }
0x610: {  	s0 =	sadd.s32 s2, s10;
	s1 =	simm.s32 @!p2 $0x1F0  }
0x611: {  	[tilespmem:s1+$0x4480] =	vst.msk vm9, v40;
	v40 =	vor.u32 s0, v0  }
0x612: {  	[tilespmem:s1+$0x4680] =	vst.msk vm9, v40  }
0x613: {  	s6 =	sand.u32 $0xFE00, s4;
	s4 =	sadd.s32 $0x40, s4;
	s2 =	sadd.s32 $0x10, s2  }
0x614: {  	s0 =	sand.u32 $0x70, s2;
	s3 =	sshrl.u32 s6, $0x2  }
0x615: {  	s0 =	sor.u32 s0, s3  }
0x616: {  	v40 =	vld [tilespmem:s0+$0x0];
	_ =	sdelay $0x4  }
0x617: {  	vm9 =	vle.s32 v39, v40  }
0x618: {  	v39 =	vmpcnt.ones.xlane vm9;
	_ =	sdelay $0x1  }
0x619: {  	(v2sf) =	vpush v39, $0x0;
	_ =	sdelay $0xb  }
0x61a: {  	s29 =	spop (v2sf)  }
0x61b: {  	s0 =	sadd.s32 s1, s29  }
0x61c: {  	p1 =	slt.s32 s0, $0x1F0  }
0x61d: {  	s0 =	simm.s32 @!p1 $0x1F0;
	s30 =	spop (v2sf)  }
0x61e: {  	s1 =	sadd.s32 s0, s30  }
0x61f: {  	p1 =	slt.s32 s1, $0x80  }
0x620: {  	s31 =	sadd.s32 s2, s10;
	s1 =	simm.s32 @!p1 $0x80  }
0x621: {  	v61 =	vor.u32 s31, v0;
	[tilespmem:s0+$0x4480] =	vst.msk vm9, v40;
	v62 =	vmov s1  }
0x622: {  	[tilespmem:s0+$0x4680] =	vst.msk vm9, v61;
	v63 =	vnsel vm0, $0x0, v62  }
0x623: {  	[tilespmem:$0x4880] =	vst v63  }
0x624: {  	[spmem:s11] =	stream.linear.scatter [tilespmem:s23], [sflag:$0x2], $0x80, $0x38;
	[tilespmem:$0x12080] =	vst v63  }
0x625: {  	_ =	swait.ge [sflag:s18], $0x80  }
0x626: {  	[sflag:s18] =	ssyncset.done $0x0  }
0x627: {  	[sflag:s18] =	ssyncadd.s32 $0xFFFFFF80  }
0x628: {  	[spmem:s17] =	stream.linear.scatter [tilespmem:s24], [sflag:$0x2], $0x80, $0x38;
	[tilespmem:$0x12080] =	vst v63  }
0x629: {  	_ =	swait.ge [sflag:s18], $0x80  }
0x62a: {  	[sflag:s18] =	ssyncset.done $0x0  }
0x62b: {  	[sflag:s18] =	ssyncadd.s32 $0xFFFFFF80  }
0x62c: {  	[spmem:s13] =	stream.linear.scatter [tilespmem:s25], [sflag:$0x2], $0x10, $0x38;
	[tilespmem:$0x12080] =	vst v63  }
.Ltmp23:
0x62d: {  	_ =	swait.ge [sflag:s18], $0x10;
	(pc) =	sbr.rel @p0 .LBB2_49-.Ltmp23, $3  }
0x62e: {  	[sflag:s18] =	ssyncset.done $0x0  }
0x62f: {  	[sflag:s18] =	ssyncadd.s32 $0xFFFFFFF0  }
0x630: {  	[bflag:$0x0] =	sbarrier.arrive $0xFFFF;
	_ =	sdelay $0x1  }
0x631: {  	s1 =	simm.s32 $0x4900;
	s0 =	rddreg [dreg:$0x1]  }
0x632: {  	[tilespmem:s1], [sflag:$0x2] =	stream.linear.gather [spmem:s0], $0x800, $0x38;
	[tilespmem:$0x12080] =	vst v63  }
0x633: {  	_ =	swait.ge [sflag:s18], $0x800  }
0x634: {  	[sflag:s18] =	ssyncset.done $0x0  }
0x635: {  	[sflag:s18] =	ssyncadd.s32 $0xFFFFF800  }
0x636: {  	s2 =	simm.s32 $0x5100;
	s30 =	rddreg [dreg:$0x2]  }
0x637: {  	[tilespmem:s2], [sflag:$0x2] =	stream.linear.gather [spmem:s30], $0x800, $0x38;
	[tilespmem:$0x12080] =	vst v63  }
0x638: {  	_ =	swait.ge [sflag:s18], $0x800  }
0x639: {  	[sflag:s18] =	ssyncset.done $0x0  }
0x63a: {  	[sflag:s18] =	ssyncadd.s32 $0xFFFFF800  }
0x63b: {  	s3 =	simm.s32 $0x5900;
	s31 =	rddreg [dreg:$0x4]  }
0x63c: {  	[tilespmem:s3], [sflag:$0x2] =	stream.linear.gather [spmem:s31], $0x800, $0x38;
	[tilespmem:$0x12080] =	vst v63  }
0x63d: {  	_ =	swait.ge [sflag:s18], $0x800  }
0x63e: {  	s4 =	simm.s32 $0x0;
	[sflag:s18] =	ssyncset.done $0x0  }
0x63f: {  	s6 =	simm.s32 $0x0;
	s14 =	simm.s32 $0x0;
	[sflag:s18] =	ssyncadd.s32 $0xFFFFF800  }
.LBB2_35:
0x640: {  	s0 =	sshll.u32 s14, $0x7  }
0x641: {  	v39 =	vld.msk [tilespmem:s0+$0x5900 ss:$0x0], $0xffff;
	_ =	sdelay $0x3  }
0x642: {  	v42 =	vor.u32 s4, v0  }
0x643: {  	vm9 =	vlt.s32 v42, v39  }
0x644: {  	v43 =	vmpcnt.ones.xlane vm9  }
0x645: {  	s30 =	simm.s32 $0x10  }
0x646: {  	v62 =	vor.u32 s30, v0;
	(v2sf) =	vpush v43, $0x0  }
0x647: {  	vm10 =	vlt.s32 v62, v39  }
0x648: {  	v42 =	vmpcnt.ones.xlane vm10;
	_ =	sdelay $0x1  }
0x649: {  	(v2sf) =	vpush v42, $0x0  }
0x64a: {  	v40 =	vld [tilespmem:s1+$0x0]  }
0x64b: {  	v41 =	vld [tilespmem:s2+$0x0];
	_ =	sdelay $0x2  }
0x64c: {  	s31 =	simm.s32 $0x20;
	vm11 =	vmmov vm9  }
0x64d: {  	v63 =	vor.u32 s31, v0;
	[tilespmem:s6+$0x6100] =	vst.msk vm11, v40  }
0x64e: {  	s7 =	sadd.s32 $0x10, s1;
	vm9 =	vlt.s32 v63, v39;
	[tilespmem:s6+$0x6980] =	vst.msk vm11, v41  }
0x64f: {  	s9 =	simm.s32 $0x30;
	s16 =	simm.s32 $0x40;
	s8 =	sadd.s32 $0x10, s2;
	vm10 =	vmmov vm10;
	v41 =	vmpcnt.ones.xlane vm9;
	v40 =	vld [tilespmem:s7+$0x0]  }
.LBB2_36:
0x650: {  	p1 =	sne.s32 s16, $0x70;
	v42 =	vld [tilespmem:s8+$0x0]  }
0x651: {  	(v2sf) =	vpush v41, $0x0  }
.Ltmp24:
0x652: {  	s0 =	spop (v2sf);
	(pc) =	sbr.rel @p1 .LBB2_36-.Ltmp24, $4  }
0x653: {  	s6 =	sadd.s32 s6, s0  }
0x654: {  	v41 =	vor.u32 s9, v0;
	s9 =	smov.u32 s16;
	[tilespmem:s6+$0x6100] =	vst.msk vm10, v40  }
0x655: {  	s7 =	sadd.s32 $0x10, s7;
	[tilespmem:s6+$0x6980] =	vst.msk vm10, v42;
	vm10 =	vmmov vm9;
	vm9 =	vlt.s32 v41, v39  }
0x656: {  	s8 =	sadd.s32 $0x10, s8;
	s16 =	sadd.s32 $0x10, s16;
	v41 =	vmpcnt.ones.xlane vm9;
	v40 =	vld [tilespmem:s7+$0x0]  }
0x657: {  	v42 =	vor.u32 s9, v0  }
0x658: {  	v62 =	vld [tilespmem:s8+$0x0];
	vm11 =	vlt.s32 v42, v39  }
0x659: {  	(v2sf) =	vpush v41, $0x0;
	v63 =	vmpcnt.ones.xlane vm11  }
0x65a: {  	s0 =	spop (v2sf)  }
0x65b: {  	s0 =	sadd.s32 s6, s0;
	(v2sf) =	vpush v63, $0x0  }
0x65c: {  	[tilespmem:s0+$0x6100] =	vst.msk vm10, v40  }
0x65d: {  	s3 =	sadd.s32 $0x10, s7;
	[tilespmem:s0+$0x6980] =	vst.msk vm10, v62  }
0x65e: {  	s5 =	sadd.s32 $0x10, s8;
	v39 =	vld [tilespmem:s3+$0x0]  }
0x65f: {  	v40 =	vld [tilespmem:s5+$0x0];
	_ =	sdelay $0x1  }
0x660: {  	s28 =	spop (v2sf)  }
0x661: {  	vm9 =	vmmov vm9;
	s0 =	sadd.s32 s0, s28  }
0x662: {  	[tilespmem:s0+$0x6100] =	vst.msk vm9, v39  }
0x663: {  	s3 =	sadd.s32 $0x10, s3;
	[tilespmem:s0+$0x6980] =	vst.msk vm9, v40  }
0x664: {  	s14 =	sadd.s32 $0x1, s14;
	s29 =	sadd.s32 $0x10, s5;
	v39 =	vld [tilespmem:s3+$0x0]  }
0x665: {  	p1 =	sne.s32 s14, $0x10;
	v40 =	vld [tilespmem:s29+$0x0]  }
.Ltmp25:
0x666: {  	_ = 	snop;
	(pc) =	sbr.rel @p1 .LBB2_35-.Ltmp25, $4  }
0x667: {  	s30 =	spop (v2sf)  }
0x668: {  	vm9 =	vmmov vm11;
	s0 =	sadd.s32 s0, s30  }
0x669: {  	[tilespmem:s0+$0x6100] =	vst.msk vm9, v39;
	s31 =	spop (v2sf)  }
0x66a: {  	s1 =	sadd.s32 $0x80, s1;
	s2 =	sadd.s32 $0x80, s2;
	[tilespmem:s0+$0x6980] =	vst.msk vm9, v40;
	s6 =	sadd.s32 s0, s31  }
0x66b: {  	[tilespmem:s6+$0x6100] =	vst v8;
	s0 =	sadd.s32 $0xF, s6  }
0x66c: {  	[tilespmem:$0x7200] =	vst v4;
	s1 =	sand.u32 $0xF, s0  }
0x66d: {  	[tilespmem:$0x7210] =	vst v4;
	s31 =	sshra.s32 s0, $0x1F;
	p2 =	slt.s32 s0, $0x1;
	p1 =	sne.s32 s1, $0x0  }
.Ltmp26:
0x66e: {  	[tilespmem:$0x7220] =	vst v4;
	s1 =	sshrl.u32 s31, $0x1C;
	p1 =	por !p2, !p1;
	(pc) =	sbr.rel .LBB2_39-.Ltmp26, $4  }
0x66f: {  	[tilespmem:$0x7230] =	vst v4;
	s0 =	sadd.s32 s1, s0;
	s1 =	simm.s32 $0x1;
	p1 =	por !p1, !p1  }
0x670: {  	[tilespmem:$0x7240] =	vst v4;
	s0 =	sshra.s32 s0, $0x4;
	s1 =	simm.s32 @!p1 $0x0  }
0x671: {  	[tilespmem:$0x7250] =	vst v4;
	s1 =	ssub.s32 s0, s1  }
0x672: {  	[dreg:$0x6] =	wrdreg s15;
	s2 =	simm.s32 $0x0;
	[tilespmem:$0x7260] =	vst v4;
	p1 =	slt.s32 s1, $0x1  }
.LBB2_46:
0x673: {  	vm9 =	veq.f32 v41, v39;
	vm10 =	veq.s32 v42, v40  }
0x674: {  	vm9 =	vmand vm9, vm10  }
0x675: {  	v63 =	vsel vm9, $0xBF800000, v41  }
0x676: {  	[tilespmem:s6+$0x0] =	vst v63  }
.LBB2_47:
0x677: {  	v39 =	vmov s2;
	s2 =	sadd.s32 $0x1, s2  }
0x678: {  	p2 =	sne.s32 s2, $0x64  }
.Ltmp27:
0x679: {  	_ = 	snop;
	(pc) =	sbr.rel @!p2 .LBB2_48-.Ltmp27, $2  }
0x67a: {  	_ =	sdelay $0x2  }
0x67b: {  	[tilespmem:v39+s26+$0x0] =	vst.idx.msk $0x1, v40  }
.LBB2_39:
.Ltmp28:
0x67c: {  	(pc) =	sbr.rel @p1 .LBB2_47-.Ltmp28, $2  }
0x67d: {  	_ =	sdelay $0x2  }
0x67e: {  	v40 =	vmov v3  }
0x67f: {  	p2 =	sne.s32 s1, $0x1  }
.Ltmp29:
0x680: {  	_ = 	snop;
	(pc) =	sbr.rel @!p2 .LBB2_42-.Ltmp29, $3  }
0x681: {  	_ =	sdelay $0x1  }
0x682: {  	s4 =	simm.s32 $0x6100  }
0x683: {  	v39 =	vimm.f32 $-2.000000000e+00;
	s6 =	sadd.s32 $0xFFFFFFFF, s1;
	s7 =	simm.s32 $0x6100;
	v40 =	vld [tilespmem:s4+$0x0]  }
.LBB2_41:
0x684: {  	p3 =	sne.s32 s6, $0x1  }
.Ltmp30:
0x685: {  	_ = 	snop;
	(pc) =	sbr.rel @p3 .LBB2_41-.Ltmp30, $3  }
0x686: {  	_ =	sdelay $0x1  }
0x687: {  	s6 =	sadd.s32 $0xFFFFFFFF, s6;
	s7 =	sadd.s32 $0x10, s7;
	v39 =	vmax.f32 v39, v40  }
0x688: {  	v40 =	vld [tilespmem:s7+$0x0]  }
.LBB2_42:
0x689: {  	_ =	sdelay $0x3  }
0x68a: {  	v39 =	vmax.f32 v39, v40  }
0x68b: {  	(xrf0) =	vmax.scan.msk.f32 $0xffff, v39;
	_ =	sdelay $0x3  }
0x68c: {  	v42 =	vld [tilespmem:s4+$0x0];
	s4 =	simm.s32 $0x6980  }
.Ltmp31:
0x68d: {  	v41 =	vld [tilespmem:s4+$0x0];
	(pc) =	sbr.rel @!p2 .LBB2_44-.Ltmp31, $3  }
0x68e: {  	v39, _, _ =	vpop (xrf0)  }
0x68f: {  	v39 =	vbroadcast v39, $0xF;
	_ =	sdelay $0x1  }
0x690: {  	s6 =	sadd.s32 $0xFFFFFFFF, s1;
	s7 =	simm.s32 $0x6110;
	s8 =	simm.s32 $0x6980;
	v40 =	vimm.s32 $0x40000000;
	vm9 =	veq.f32 v42, v39  }
.LBB2_43:
0x691: {  	v42 =	vld [tilespmem:s7+$0x0];
	p3 =	sne.s32 s6, $0x1;
	s6 =	sadd.s32 $0xFFFFFFFF, s6;
	v43 =	vnsel vm9, $0x40000000, v41;
	s8 =	sadd.s32 $0x10, s8  }
.Ltmp32:
0x692: {  	v41 =	vld [tilespmem:s8+$0x0];
	vm9 =	vlt.s32 v40, v43;
	(pc) =	sbr.rel @p3 .LBB2_43-.Ltmp32, $2  }
0x693: {  	v40 =	vsel vm9, v40, v43;
	_ =	sdelay $0x2  }
0x694: {  	s7 =	sadd.s32 $0x10, s7;
	vm9 =	veq.f32 v42, v39  }
.LBB2_44:
0x695: {  	v41 =	vnsel vm9, $0x40000000, v41  }
0x696: {  	vm9 =	vlt.s32 v40, v41  }
0x697: {  	v40 =	vsel vm9, v40, v41  }
0x698: {  	v40 =	vxor.u32 $0x80000000, v40  }
0x699: {  	(xrf0) =	vmin.scan.msk.u32 $0xffff, v40;
	_ =	sdelay $0x5  }
0x69a: {  	v40, _, _ =	vpop (xrf0)  }
0x69b: {  	(v2sf) =	vpush v40, $0xF;
	_ =	sdelay $0xb  }
0x69c: {  	s6 =	simm.s32 $0x6100;
	v42 =	vld [tilespmem:s4+$0x0]  }
.Ltmp33:
0x69d: {  	v41 =	vld [tilespmem:s6+$0x0];
	(pc) =	sbr.rel @!p2 .LBB2_46-.Ltmp33, $4  }
0x69e: {  	_ = 	snop  }
0x69f: {  	s0 =	spop (v2sf)  }
0x6a0: {  	s0 =	sxor.u32 $0x80000000, s0  }
0x6a1: {  	s7 =	sadd.s32 $0xFFFFFFFF, s1;
	v40 =	vmov s0  }
.LBB2_45:
0x6a2: {  	p2 =	sne.s32 s7, $0x1;
	_ =	sdelay $0x3  }
0x6a3: {  	vm9 =	veq.f32 v41, v39;
	vm10 =	veq.s32 v42, v40  }
.Ltmp34:
0x6a4: {  	vm9 =	vmand vm9, vm10;
	(pc) =	sbr.rel @p2 .LBB2_45-.Ltmp34, $4  }
0x6a5: {  	v41 =	vsel vm9, $0xBF800000, v41  }
0x6a6: {  	[tilespmem:s6+$0x0] =	vst v41;
	s6 =	sadd.s32 $0x10, s6  }
0x6a7: {  	s4 =	sadd.s32 $0x10, s4;
	v41 =	vld [tilespmem:s6+$0x0]  }
0x6a8: {  	s7 =	sadd.s32 $0xFFFFFFFF, s7;
	v42 =	vld [tilespmem:s4+$0x0]  }
.Ltmp35:
0x6a9: {  	_ = 	snop;
	(pc) =	sbr.rel .LBB2_46-.Ltmp35, $1  }
0x6aa: {  	_ =	sdelay $0x3  }
.LBB2_50:
0x6ab: {  	_ =	sfence.sel $0x180000  }
0x6ac: {  	[bflag:$0x0] =	sbarrier.arrive $0xFFFF  }
0x6ad: {  	_ =	strace $0x90000047  }
0x6ae: {  	[bflag:$0x2] =	sbarrier.arrive $0xFFFF  }
0x6af: {  	s0 =	rddreg [dreg:$0x5]  }
0x6b0: {  	s0 =	sadd.s32 @!p0 $0x100000, s0  }
0x6b1: {  	[sflag:s0] =	ssyncadd.tile.s32 @!p0 $0x1;
	_ =	shalt  }
.Lfunc_end2:
_tile_overlayer_lowered:
.L_overlay_start_2:
0x6b2: {  	(tag) =	ssettag $0x2  }
0x6b3: {  	s0 =	rddreg [dreg:$0x0];
	s2 =	stileid.u32  }
0x6b4: {  	s1 =	rddreg [dreg:$0x1];
	p0 =	sne.s32 s2, $0x0  }
0x6b5: {  	s3 =	rddreg [dreg:$0x2];
	[bflag:$0x3] =	sbarrier.arrive $0xFFFF;
	s2 =	simm.s32 @!p0 $0x1C02  }
0x6b6: {  	[timem:s3], [sflag:s2] =	dma.local @!p0 [hbm:s0], s1  }
0x6b7: {  	s0 =	simm.s32 @!p0 $0x2  }
0x6b8: {  	_ =	swait.ge @!p0 [sflag:s0], s1  }
0x6b9: {  	s1 =	ssub.s32 @!p0 $0x0, s1;
	[sflag:s0] =	ssyncset.done @!p0 $0x0  }
0x6ba: {  	[sflag:s0] =	ssyncadd.s32 @!p0 s1  }
0x6bb: {  	[bflag:$0x3] =	sbarrier.arrive $0xFFFF  }
0x6bc: {  	_ =	shalt  }

</sc_bundles>
